<compile_context>
chip_gen: v7x
topology: tpu7x:2x2x1
jax: 0.10.2.dev20260603
libtpu: 0.0.44.dev20260713+nightly
codegen_flags: <defaults>
</compile_context>

<pallas_src>
import functools

import jax
import jax.numpy as jnp
from jax import lax
from jax.experimental import pallas as pl
from jax.experimental.pallas import tpu as pltpu
from jax.experimental.pallas import tpu_sc as plsc

NC = 2
NS = 16
NW = NC * NS



def _deg_body(n, nblk, blk, ch, col_hbm, zn_hbm, out_hbm, call, obuf, deg_sh,
              sem):
    c = lax.axis_index("c")
    s = lax.axis_index("s")
    wid = c * NS + s
    for i in range(ch // 16):
        obuf[pl.ds(i * 16, 16)] = jnp.ones((16,), jnp.float32)

    @pl.when(s == 0)
    def _():
        pltpu.sync_copy(zn_hbm, deg_sh)

    plsc.subcore_barrier()

    def block(b, carry):
        pltpu.sync_copy(col_hbm.at[wid * nblk + b], call)

        def chunk(k, carry2):
            pltpu.sync_copy(obuf, deg_sh.at[call.at[k]], add=True)
            return carry2

        lax.fori_loop(0, blk, chunk, 0)
        return carry

    lax.fori_loop(0, nblk, block, 0)
    plsc.subcore_barrier()

    @pl.when(s == 0)
    def _():
        pltpu.sync_copy(deg_sh, out_hbm.at[c])


def _make_deg_kernel(n, e, nblk, blk, ch):
    mesh = plsc.VectorSubcoreMesh(core_axis_name="c", subcore_axis_name="s")
    return pl.kernel(
        functools.partial(_deg_body, n, nblk, blk, ch),
        mesh=mesh,
        out_type=jax.ShapeDtypeStruct((NC, n), jnp.float32),
        scratch_types=[
            pltpu.VMEM((blk, ch), jnp.int32),
            pltpu.VMEM((ch,), jnp.float32),
            pltpu.VMEM_SHARED((n,), jnp.float32),
            pltpu.SemaphoreType.DMA,
        ],
    )


def _prop_body(hp, nblk, blk, ch, rps, row_hbm, col_hbm, g_hbm, zg_hbm,
               out_hbm, rall, call, gbuf0, gbuf1, gbuf2, gbuf3, acc_sh,
               sem0, sem1, sem2, sem3):
    c = lax.axis_index("c")
    s = lax.axis_index("s")
    wid = c * NS + s
    pltpu.sync_copy(zg_hbm.at[pl.ds(s * rps, rps)], acc_sh.at[pl.ds(s * rps, rps)])
    plsc.subcore_barrier()

    def block(b, carry):
        pltpu.sync_copy(row_hbm.at[wid * nblk + b], rall)
        pltpu.sync_copy(col_hbm.at[wid * nblk + b], call)
        gb = (gbuf0, gbuf1, gbuf2, gbuf3)
        gs = (sem0, sem1, sem2, sem3)
        for j in range(4):
            pltpu.async_copy(g_hbm.at[rall.at[j]], gb[j], gs[j])

        def one(k, j):
            pltpu.make_async_copy(g_hbm.at[pl.ds(0, ch)], gb[j], gs[j]).wait()
            pltpu.sync_copy(gb[j], acc_sh.at[call.at[k]], add=True)

            @pl.when(k + 4 < blk)
            def _():
                pltpu.async_copy(g_hbm.at[rall.at[k + 4]], gb[j], gs[j])

        def quad(i, carry2):
            k0 = i * 4
            for j in range(4):
                one(k0 + j, j)
            return carry2

        lax.fori_loop(0, blk // 4, quad, 0)
        for t in range(blk - blk % 4, blk):
            one(t, t % 4)
        return carry

    lax.fori_loop(0, nblk, block, 0)
    plsc.subcore_barrier()
    pltpu.sync_copy(acc_sh.at[pl.ds(s * rps, rps)],
                    out_hbm.at[c, pl.ds(s * rps, rps)])


def _make_prop_kernel(npad, hp, e, nblk, blk, ch):
    rps = npad // NS
    assert npad % NS == 0 and rps % 8 == 0
    mesh = plsc.VectorSubcoreMesh(core_axis_name="c", subcore_axis_name="s")
    return pl.kernel(
        functools.partial(_prop_body, hp, nblk, blk, ch, rps),
        mesh=mesh,
        out_type=jax.ShapeDtypeStruct((NC, npad, hp), jnp.float32),
        scratch_types=[
            pltpu.VMEM((blk, ch), jnp.int32),
            pltpu.VMEM((blk, ch), jnp.int32),
            pltpu.VMEM((ch, hp), jnp.float32),
            pltpu.VMEM((ch, hp), jnp.float32),
            pltpu.VMEM((ch, hp), jnp.float32),
            pltpu.VMEM((ch, hp), jnp.float32),
            pltpu.VMEM_SHARED((npad, hp), jnp.float32),
            pltpu.SemaphoreType.DMA,
            pltpu.SemaphoreType.DMA,
            pltpu.SemaphoreType.DMA,
            pltpu.SemaphoreType.DMA,
        ],
    )



def _dinv(degT_ref):
    d = degT_ref[:, 0:1] + degT_ref[:, 1:2] + 1.0
    return lax.rsqrt(d)


def _elu(z):
    return jnp.where(z > 0, z, jnp.exp(z) - 1.0)


def _pad128(g):
    r, hh = g.shape
    return jnp.concatenate([g, jnp.zeros((r, 128 - hh), jnp.float32)], axis=1)


def _k1_body(x_ref, w_ref, degT_ref, p_ref, g_ref):
    dinv = _dinv(degT_ref)
    p = jnp.dot(x_ref[...], w_ref[...], preferred_element_type=jnp.float32)
    p_ref[...] = p
    g_ref[...] = _pad128(p * dinv)


def _k2_body(accp_ref, p_ref, degT_ref, b_ref, w_ref, pn_ref, gn_ref, *, act):
    dinv = _dinv(degT_ref)
    hh64 = p_ref.shape[1]
    acc = (accp_ref[0] + accp_ref[1])[:, :hh64]
    z = dinv * acc + (dinv * dinv) * p_ref[...] + b_ref[...]
    hh = jnp.maximum(z, 0.0) if act == "relu" else _elu(z)
    pn = jnp.dot(hh, w_ref[...], preferred_element_type=jnp.float32)
    pn_ref[...] = pn
    gn_ref[...] = _pad128(pn * dinv)


def _k3_body(accp_ref, p_ref, degT_ref, b_ref, wm_ref, bm_ref, h_ref, s_ref):
    dinv = _dinv(degT_ref)
    hh64 = p_ref.shape[1]
    acc = (accp_ref[0] + accp_ref[1])[:, :hh64]
    z = dinv * acc + (dinv * dinv) * p_ref[...] + b_ref[...]
    hh = _elu(z)
    h_ref[...] = hh
    s_ref[...] = _elu(jnp.dot(hh, wm_ref[...],
                              preferred_element_type=jnp.float32) + bm_ref[...])


def kernel(x, edge_index, dropout, W1, b1, W2, b2, W3, b3, Wm, bm):
    n, d = x.shape
    e = edge_index.shape[1]
    h = W1.shape[1]
    c = Wm.shape[1]
    epw = e // NW
    ch3 = 80
    nch = epw // ch3
    blk = 25
    nblk = nch // blk
    assert e % NW == 0 and epw % ch3 == 0 and nch % blk == 0
    row = edge_index[0].reshape(NW * nblk, blk, ch3)
    col = edge_index[1].reshape(NW * nblk, blk, ch3)

    npad = -(-n // (8 * NS)) * (8 * NS)
    hp = 128
    zn = jnp.zeros((npad,), jnp.float32)
    zg = jnp.zeros((npad, hp), jnp.float32)

    degp = _make_deg_kernel(npad, e, nblk, blk, ch3)(col, zn)
    degT = degp.T

    prop = _make_prop_kernel(npad, hp, e, nblk, blk, ch3)

    R = 2000
    grid = (n // R,)

    def rows(i):
        return (i, 0)

    p1, g1 = pl.pallas_call(
        _k1_body,
        grid=grid,
        in_specs=[
            pl.BlockSpec((R, d), rows),
            pl.BlockSpec((d, h), lambda i: (0, 0)),
            pl.BlockSpec((R, NC), rows),
        ],
        out_specs=[pl.BlockSpec((R, h), rows), pl.BlockSpec((R, hp), rows)],
        out_shape=[jax.ShapeDtypeStruct((n, h), jnp.float32),
                   jax.ShapeDtypeStruct((n, hp), jnp.float32)],
    )(x, W1, degT)

    accp1 = prop(row, col, g1, zg)

    def k2(accp, p, b, w, act):
        return pl.pallas_call(
            functools.partial(_k2_body, act=act),
            grid=grid,
            in_specs=[
                pl.BlockSpec((NC, R, hp), lambda i: (0, i, 0)),
                pl.BlockSpec((R, h), rows),
                pl.BlockSpec((R, NC), rows),
                pl.BlockSpec((1, h), lambda i: (0, 0)),
                pl.BlockSpec((h, h), lambda i: (0, 0)),
            ],
            out_specs=[pl.BlockSpec((R, h), rows), pl.BlockSpec((R, hp), rows)],
            out_shape=[jax.ShapeDtypeStruct((n, h), jnp.float32),
                       jax.ShapeDtypeStruct((n, hp), jnp.float32)],
        )(accp, p, degT, b.reshape(1, h), w)

    p2, g2 = k2(accp1, p1, b1, W2, "relu")
    accp2 = prop(row, col, g2, zg)
    p3, g3 = k2(accp2, p2, b2, W3, "elu")
    accp3 = prop(row, col, g3, zg)

    cp = 128
    wm_pad = jnp.pad(Wm, ((0, 0), (0, cp - c)))
    bm_pad = jnp.pad(bm, (0, cp - c)).reshape(1, cp)

    h3, s_full = pl.pallas_call(
        _k3_body,
        grid=grid,
        in_specs=[
            pl.BlockSpec((NC, R, hp), lambda i: (0, i, 0)),
            pl.BlockSpec((R, h), rows),
            pl.BlockSpec((R, NC), rows),
            pl.BlockSpec((1, h), lambda i: (0, 0)),
            pl.BlockSpec((h, cp), lambda i: (0, 0)),
            pl.BlockSpec((1, cp), lambda i: (0, 0)),
        ],
        out_specs=[pl.BlockSpec((R, h), rows), pl.BlockSpec((R, cp), rows)],
        out_shape=[jax.ShapeDtypeStruct((n, h), jnp.float32),
                   jax.ShapeDtypeStruct((n, cp), jnp.float32)],
    )(accp3, p3, degT, b3.reshape(1, h), wm_pad, bm_pad)

    return (h3, s_full[:, :c])

# --- scband reference (transcript-rebuilt; emitter-appended) ---
"""Pipeline reference for scband-graph-clus-net-25804163514381 (READ-ONLY COPY).

The authoritative reference and input builder live on the scoring server;
editing this copy changes nothing except your own understanding.
"""

import jax, jax.numpy as jnp
import numpy as np

N = 10000
D = 128
H = 64
C = 2
E = 320000


def _gcn(x, row, col, W, b, n):
    # GCNConv: add-self-loop symmetric normalization D^-1/2 A D^-1/2, linear, scatter-add, bias
    ones = jnp.ones(row.shape, x.dtype)
    deg = jnp.zeros((n,), x.dtype).at[col].add(ones)
    dinv = deg ** -0.5  # deg >= 1 because self-loops are included
    norm = dinv[row] * dinv[col]
    h = x @ W
    msg = h[row] * norm[:, None]
    out = jnp.zeros((n, W.shape[1]), x.dtype).at[col].add(msg)
    return out + b


def _glorot(k, fan_in, fan_out):
    lim = float(np.sqrt(6.0 / (fan_in + fan_out)))
    return jax.random.uniform(k, (fan_in, fan_out), jnp.float32, -lim, lim)


def setup_inputs(seed: int = 0) -> dict:
    key = jax.random.key(seed)
    ks = jax.random.split(key, 8)
    x = jax.random.normal(ks[0], (N, D), jnp.float32)
    edge_index = jax.random.randint(ks[1], (2, E), 0, N, dtype=jnp.int32)
    W1 = _glorot(ks[2], D, H)
    b1 = jnp.zeros((H,), jnp.float32)
    W2 = _glorot(ks[3], H, H)
    b2 = jnp.zeros((H,), jnp.float32)
    W3 = _glorot(ks[4], H, H)
    b3 = jnp.zeros((H,), jnp.float32)
    Wm = _glorot(ks[5], H, C)
    bm = jnp.zeros((C,), jnp.float32)
    return {"x": x, "edge_index": edge_index, "dropout": 0,
            "W1": W1, "b1": b1, "W2": W2, "b2": b2,
            "W3": W3, "b3": b3, "Wm": Wm, "bm": bm}


def reference(x, edge_index, dropout, W1, b1, W2, b2, W3, b3, Wm, bm):
    # dropout flag is 0 -> dropout disabled (deterministic)
    loop = jnp.arange(N, dtype=edge_index.dtype)
    row = jnp.concatenate([edge_index[0], loop])
    col = jnp.concatenate([edge_index[1], loop])
    h = jax.nn.relu(_gcn(x, row, col, W1, b1, N))
    h = jax.nn.elu(_gcn(h, row, col, W2, b2, N))
    h = jax.nn.elu(_gcn(h, row, col, W3, b3, N))
    s = jax.nn.elu(h @ Wm + bm)
    return (h, s)

if __name__ == "__main__":
    import jax
    _d = setup_inputs()
    print(jax.jit(kernel)(*tuple(_d.values())))

</pallas_src>

<mosaic_0001>
#map = affine_map<(d0, d1) -> (0, 0, 0)>
#map1 = affine_map<(d0, d1) -> (0, 0)>
module attributes {stable_mosaic.version = 14 : i64} {
  func.func @_prop_body(%arg0: i32, %arg1: i32, %arg2: memref<160x25x80xi32, #tpu.memory_space<hbm>>, %arg3: memref<160x25x80xi32, #tpu.memory_space<hbm>>, %arg4: memref<10000x128xf32, #tpu.memory_space<hbm>>, %arg5: memref<10112x128xf32, #tpu.memory_space<hbm>>, %arg6: memref<2x10112x128xf32, #tpu.memory_space<hbm>>, %arg7: memref<25x80xi32, #tpu.memory_space<vmem>>, %arg8: memref<25x80xi32, #tpu.memory_space<vmem>>, %arg9: memref<80x128xf32, #tpu.memory_space<vmem>>, %arg10: memref<80x128xf32, #tpu.memory_space<vmem>>, %arg11: memref<80x128xf32, #tpu.memory_space<vmem>>, %arg12: memref<80x128xf32, #tpu.memory_space<vmem>>, %arg13: memref<10112x128xf32, #tpu.memory_space<vmem_shared>>, %arg14: memref<!tpu.dma_semaphore, #tpu.memory_space<semaphore_mem>>, %arg15: memref<!tpu.dma_semaphore, #tpu.memory_space<semaphore_mem>>, %arg16: memref<!tpu.dma_semaphore, #tpu.memory_space<semaphore_mem>>, %arg17: memref<!tpu.dma_semaphore, #tpu.memory_space<semaphore_mem>>) attributes {dimension_semantics = [#tpu.dimension_semantics<core_parallel>, #tpu.dimension_semantics<subcore_parallel>], iteration_bounds = array<i64: 2, 16>, scalar_prefetch = 0 : i64, scratch_operands = 11 : i64, tpu.core_type = #tpu.core_type<sc_vector_subcore>, window_params = [{transform_indices = #map}, {transform_indices = #map}, {transform_indices = #map1}, {transform_indices = #map1}, {transform_indices = #map}]} {
    %mul3A = arith.constant 16 : i32
    %mul3A_0 = arith.muli %arg0, %mul3A : i32
    %add3A = arith.addi %mul3A_0, %arg1 : i32
    %mul3A_1 = arith.constant 632 : i32
    %mul3A_2 = arith.muli %arg1, %mul3A_1 : i32
    %mul3A_3 = arith.constant 632 : i32
    %mul3A_4 = arith.muli %arg1, %mul3A_3 : i32
    "tpu.region"() ({
      %run_scoped3A = tpu.sem_alloc : memref<!tpu.dma_semaphore, #tpu.memory_space<semaphore_mem>>
      %dma_start3A = arith.constant 0 : i32
      %dma_start3A_15 = tpu.memref_slice %arg13[%mul3A_4, %dma_start3A] : memref<10112x128xf32, #tpu.memory_space<vmem_shared>> -> memref<632x128xf32, #tpu.memory_space<vmem_shared>>
      %dma_start3A_16 = arith.constant 0 : i32
      %dma_start3A_17 = tpu.memref_slice %arg5[%mul3A_2, %dma_start3A_16] : memref<10112x128xf32, #tpu.memory_space<hbm>> -> memref<632x128xf32, #tpu.memory_space<hbm>>
      tpu.enqueue_dma source(%dma_start3A_17 : memref<632x128xf32, #tpu.memory_space<hbm>>) target(%dma_start3A_15 : memref<632x128xf32, #tpu.memory_space<vmem_shared>>) target_semaphore(%run_scoped3A : memref<!tpu.dma_semaphore, #tpu.memory_space<semaphore_mem>>)
      %dma_wait3A = arith.constant 0 : i32
      %dma_wait3A_18 = tpu.memref_slice %arg13[%mul3A_4, %dma_wait3A] : memref<10112x128xf32, #tpu.memory_space<vmem_shared>> -> memref<632x128xf32, #tpu.memory_space<vmem_shared>>
      %dma_wait3A_19 = arith.constant 0 : i32
      %dma_wait3A_20 = tpu.memref_slice %arg5[%mul3A_2, %dma_wait3A_19] : memref<10112x128xf32, #tpu.memory_space<hbm>> -> memref<632x128xf32, #tpu.memory_space<hbm>>
      tpu.wait_dma2 semaphore(%run_scoped3A : memref<!tpu.dma_semaphore, #tpu.memory_space<semaphore_mem>>) src(%dma_wait3A_20 : memref<632x128xf32, #tpu.memory_space<hbm>>) dst(%dma_wait3A_18 : memref<632x128xf32, #tpu.memory_space<vmem_shared>>)
      tpu.yield
    }) : () -> ()
    %barrier3A = arith.constant 0 : index
    tpu.barrier barrier_id(%barrier3A)
    %scan3A = arith.constant 0 : i32
    %scan3A_5 = arith.constant 0 : i32
    %scan3A_6 = arith.constant 5 : i32
    %scan3A_7 = arith.addi %scan3A_5, %scan3A_6 : i32
    %scan3A_8 = arith.constant 1 : i32
    scf.for %scan3A_15 = %scan3A_5 to %scan3A_7 step %scan3A_8  : i32 {
      %mul3A_16 = arith.constant 5 : i32
      %mul3A_17 = arith.muli %add3A, %mul3A_16 : i32
      %add3A_18 = arith.addi %mul3A_17, %scan3A_15 : i32
      "tpu.region"() ({
        %run_scoped3A_60 = tpu.sem_alloc : memref<!tpu.dma_semaphore, #tpu.memory_space<semaphore_mem>>
        %dma_start3A_61 = arith.constant 0 : i32
        %dma_start3A_62 = arith.constant 0 : i32
        %dma_start3A_63 = tpu.memref_slice %arg2[%add3A_18, %dma_start3A_61, %dma_start3A_62] : memref<160x25x80xi32, #tpu.memory_space<hbm>> -> memref<1x25x80xi32, #tpu.memory_space<hbm>>
        %dma_start3A_64 = tpu.memref_squeeze %dma_start3A_63 : memref<1x25x80xi32, #tpu.memory_space<hbm>> -> memref<25x80xi32, #tpu.memory_space<hbm>>
        %dma_start3A_65 = arith.constant 0 : i32
        %dma_start3A_66 = arith.constant 0 : i32
        %dma_start3A_67 = tpu.memref_slice %arg2[%add3A_18, %dma_start3A_65, %dma_start3A_66] : memref<160x25x80xi32, #tpu.memory_space<hbm>> -> memref<1x25x80xi32, #tpu.memory_space<hbm>>
        %dma_start3A_68 = tpu.memref_squeeze %dma_start3A_67 : memref<1x25x80xi32, #tpu.memory_space<hbm>> -> memref<25x80xi32, #tpu.memory_space<hbm>>
        tpu.enqueue_dma source(%dma_start3A_68 : memref<25x80xi32, #tpu.memory_space<hbm>>) target(%arg7 : memref<25x80xi32, #tpu.memory_space<vmem>>) target_semaphore(%run_scoped3A_60 : memref<!tpu.dma_semaphore, #tpu.memory_space<semaphore_mem>>)
        %dma_wait3A_69 = arith.constant 0 : i32
        %dma_wait3A_70 = arith.constant 0 : i32
        %dma_wait3A_71 = tpu.memref_slice %arg2[%add3A_18, %dma_wait3A_69, %dma_wait3A_70] : memref<160x25x80xi32, #tpu.memory_space<hbm>> -> memref<1x25x80xi32, #tpu.memory_space<hbm>>
        %dma_wait3A_72 = tpu.memref_squeeze %dma_wait3A_71 : memref<1x25x80xi32, #tpu.memory_space<hbm>> -> memref<25x80xi32, #tpu.memory_space<hbm>>
        %dma_wait3A_73 = arith.constant 0 : i32
        %dma_wait3A_74 = arith.constant 0 : i32
        %dma_wait3A_75 = tpu.memref_slice %arg2[%add3A_18, %dma_wait3A_73, %dma_wait3A_74] : memref<160x25x80xi32, #tpu.memory_space<hbm>> -> memref<1x25x80xi32, #tpu.memory_space<hbm>>
        %dma_wait3A_76 = tpu.memref_squeeze %dma_wait3A_75 : memref<1x25x80xi32, #tpu.memory_space<hbm>> -> memref<25x80xi32, #tpu.memory_space<hbm>>
        tpu.wait_dma2 semaphore(%run_scoped3A_60 : memref<!tpu.dma_semaphore, #tpu.memory_space<semaphore_mem>>) src(%dma_wait3A_76 : memref<25x80xi32, #tpu.memory_space<hbm>>) dst(%arg7 : memref<25x80xi32, #tpu.memory_space<vmem>>)
        tpu.yield
      }) : () -> ()
      %mul3A_19 = arith.constant 5 : i32
      %mul3A_20 = arith.muli %add3A, %mul3A_19 : i32
      %add3A_21 = arith.addi %mul3A_20, %scan3A_15 : i32
      "tpu.region"() ({
        %run_scoped3A_60 = tpu.sem_alloc : memref<!tpu.dma_semaphore, #tpu.memory_space<semaphore_mem>>
        %dma_start3A_61 = arith.constant 0 : i32
        %dma_start3A_62 = arith.constant 0 : i32
        %dma_start3A_63 = tpu.memref_slice %arg3[%add3A_21, %dma_start3A_61, %dma_start3A_62] : memref<160x25x80xi32, #tpu.memory_space<hbm>> -> memref<1x25x80xi32, #tpu.memory_space<hbm>>
        %dma_start3A_64 = tpu.memref_squeeze %dma_start3A_63 : memref<1x25x80xi32, #tpu.memory_space<hbm>> -> memref<25x80xi32, #tpu.memory_space<hbm>>
        %dma_start3A_65 = arith.constant 0 : i32
        %dma_start3A_66 = arith.constant 0 : i32
        %dma_start3A_67 = tpu.memref_slice %arg3[%add3A_21, %dma_start3A_65, %dma_start3A_66] : memref<160x25x80xi32, #tpu.memory_space<hbm>> -> memref<1x25x80xi32, #tpu.memory_space<hbm>>
        %dma_start3A_68 = tpu.memref_squeeze %dma_start3A_67 : memref<1x25x80xi32, #tpu.memory_space<hbm>> -> memref<25x80xi32, #tpu.memory_space<hbm>>
        tpu.enqueue_dma source(%dma_start3A_68 : memref<25x80xi32, #tpu.memory_space<hbm>>) target(%arg8 : memref<25x80xi32, #tpu.memory_space<vmem>>) target_semaphore(%run_scoped3A_60 : memref<!tpu.dma_semaphore, #tpu.memory_space<semaphore_mem>>)
        %dma_wait3A_69 = arith.constant 0 : i32
        %dma_wait3A_70 = arith.constant 0 : i32
        %dma_wait3A_71 = tpu.memref_slice %arg3[%add3A_21, %dma_wait3A_69, %dma_wait3A_70] : memref<160x25x80xi32, #tpu.memory_space<hbm>> -> memref<1x25x80xi32, #tpu.memory_space<hbm>>
        %dma_wait3A_72 = tpu.memref_squeeze %dma_wait3A_71 : memref<1x25x80xi32, #tpu.memory_space<hbm>> -> memref<25x80xi32, #tpu.memory_space<hbm>>
        %dma_wait3A_73 = arith.constant 0 : i32
        %dma_wait3A_74 = arith.constant 0 : i32
        %dma_wait3A_75 = tpu.memref_slice %arg3[%add3A_21, %dma_wait3A_73, %dma_wait3A_74] : memref<160x25x80xi32, #tpu.memory_space<hbm>> -> memref<1x25x80xi32, #tpu.memory_space<hbm>>
        %dma_wait3A_76 = tpu.memref_squeeze %dma_wait3A_75 : memref<1x25x80xi32, #tpu.memory_space<hbm>> -> memref<25x80xi32, #tpu.memory_space<hbm>>
        tpu.wait_dma2 semaphore(%run_scoped3A_60 : memref<!tpu.dma_semaphore, #tpu.memory_space<semaphore_mem>>) src(%dma_wait3A_76 : memref<25x80xi32, #tpu.memory_space<hbm>>) dst(%arg8 : memref<25x80xi32, #tpu.memory_space<vmem>>)
        tpu.yield
      }) : () -> ()
      %dma_start3A = arith.constant 0 : i32
      %dma_start3A_22 = arith.constant 0 : i32
      %dma_start3A_23 = tpu.memref_slice %arg7[%dma_start3A, %dma_start3A_22] : memref<25x80xi32, #tpu.memory_space<vmem>> -> memref<1x80xi32, #tpu.memory_space<vmem>>
      %dma_start3A_24 = tpu.memref_squeeze %dma_start3A_23 : memref<1x80xi32, #tpu.memory_space<vmem>> -> memref<80xi32, #tpu.memory_space<vmem>>
      %dma_start3A_25 = arith.constant 0 : i32
      %dma_start3A_26 = arith.constant 0 : i32
      %dma_start3A_27 = tpu.memref_slice %arg4[%dma_start3A_25, %dma_start3A_26] : memref<10000x128xf32, #tpu.memory_space<hbm>> -> memref<10000x128xf32, #tpu.memory_space<hbm>>
      tpu.enqueue_indirect_dma source(%dma_start3A_27 : memref<10000x128xf32, #tpu.memory_space<hbm>>) target(%arg9 : memref<80x128xf32, #tpu.memory_space<vmem>>) offsets(%dma_start3A_24 : memref<80xi32, #tpu.memory_space<vmem>>) semaphore(%arg14 : memref<!tpu.dma_semaphore, #tpu.memory_space<semaphore_mem>>)
      %dma_start3A_28 = arith.constant 1 : i32
      %dma_start3A_29 = arith.constant 0 : i32
      %dma_start3A_30 = tpu.memref_slice %arg7[%dma_start3A_28, %dma_start3A_29] : memref<25x80xi32, #tpu.memory_space<vmem>> -> memref<1x80xi32, #tpu.memory_space<vmem>>
      %dma_start3A_31 = tpu.memref_squeeze %dma_start3A_30 : memref<1x80xi32, #tpu.memory_space<vmem>> -> memref<80xi32, #tpu.memory_space<vmem>>
      %dma_start3A_32 = arith.constant 0 : i32
      %dma_start3A_33 = arith.constant 0 : i32
      %dma_start3A_34 = tpu.memref_slice %arg4[%dma_start3A_32, %dma_start3A_33] : memref<10000x128xf32, #tpu.memory_space<hbm>> -> memref<10000x128xf32, #tpu.memory_space<hbm>>
      tpu.enqueue_indirect_dma source(%dma_start3A_34 : memref<10000x128xf32, #tpu.memory_space<hbm>>) target(%arg10 : memref<80x128xf32, #tpu.memory_space<vmem>>) offsets(%dma_start3A_31 : memref<80xi32, #tpu.memory_space<vmem>>) semaphore(%arg15 : memref<!tpu.dma_semaphore, #tpu.memory_space<semaphore_mem>>)
      %dma_start3A_35 = arith.constant 2 : i32
      %dma_start3A_36 = arith.constant 0 : i32
      %dma_start3A_37 = tpu.memref_slice %arg7[%dma_start3A_35, %dma_start3A_36] : memref<25x80xi32, #tpu.memory_space<vmem>> -> memref<1x80xi32, #tpu.memory_space<vmem>>
      %dma_start3A_38 = tpu.memref_squeeze %dma_start3A_37 : memref<1x80xi32, #tpu.memory_space<vmem>> -> memref<80xi32, #tpu.memory_space<vmem>>
      %dma_start3A_39 = arith.constant 0 : i32
      %dma_start3A_40 = arith.constant 0 : i32
      %dma_start3A_41 = tpu.memref_slice %arg4[%dma_start3A_39, %dma_start3A_40] : memref<10000x128xf32, #tpu.memory_space<hbm>> -> memref<10000x128xf32, #tpu.memory_space<hbm>>
      tpu.enqueue_indirect_dma source(%dma_start3A_41 : memref<10000x128xf32, #tpu.memory_space<hbm>>) target(%arg11 : memref<80x128xf32, #tpu.memory_space<vmem>>) offsets(%dma_start3A_38 : memref<80xi32, #tpu.memory_space<vmem>>) semaphore(%arg16 : memref<!tpu.dma_semaphore, #tpu.memory_space<semaphore_mem>>)
      %dma_start3A_42 = arith.constant 3 : i32
      %dma_start3A_43 = arith.constant 0 : i32
      %dma_start3A_44 = tpu.memref_slice %arg7[%dma_start3A_42, %dma_start3A_43] : memref<25x80xi32, #tpu.memory_space<vmem>> -> memref<1x80xi32, #tpu.memory_space<vmem>>
      %dma_start3A_45 = tpu.memref_squeeze %dma_start3A_44 : memref<1x80xi32, #tpu.memory_space<vmem>> -> memref<80xi32, #tpu.memory_space<vmem>>
      %dma_start3A_46 = arith.constant 0 : i32
      %dma_start3A_47 = arith.constant 0 : i32
      %dma_start3A_48 = tpu.memref_slice %arg4[%dma_start3A_46, %dma_start3A_47] : memref<10000x128xf32, #tpu.memory_space<hbm>> -> memref<10000x128xf32, #tpu.memory_space<hbm>>
      tpu.enqueue_indirect_dma source(%dma_start3A_48 : memref<10000x128xf32, #tpu.memory_space<hbm>>) target(%arg12 : memref<80x128xf32, #tpu.memory_space<vmem>>) offsets(%dma_start3A_45 : memref<80xi32, #tpu.memory_space<vmem>>) semaphore(%arg17 : memref<!tpu.dma_semaphore, #tpu.memory_space<semaphore_mem>>)
      %scan3A_49 = arith.constant 0 : i32
      %scan3A_50 = arith.constant 0 : i32
      %scan3A_51 = arith.constant 6 : i32
      %scan3A_52 = arith.addi %scan3A_50, %scan3A_51 : i32
      %scan3A_53 = arith.constant 1 : i32
      scf.for %scan3A_60 = %scan3A_50 to %scan3A_52 step %scan3A_53  : i32 {
        %mul3A_61 = arith.constant 4 : i32
        %mul3A_62 = arith.muli %scan3A_60, %mul3A_61 : i32
        %add3A_63 = arith.constant 0 : i32
        %add3A_64 = arith.addi %mul3A_62, %add3A_63 : i32
        %dma_wait3A_65 = arith.constant 0 : i32
        %dma_wait3A_66 = arith.constant 0 : i32
        %dma_wait3A_67 = tpu.memref_slice %arg4[%dma_wait3A_65, %dma_wait3A_66] : memref<10000x128xf32, #tpu.memory_space<hbm>> -> memref<80x128xf32, #tpu.memory_space<hbm>>
        %dma_wait3A_68 = arith.constant 0 : i32
        %dma_wait3A_69 = arith.constant 0 : i32
        %dma_wait3A_70 = tpu.memref_slice %arg4[%dma_wait3A_68, %dma_wait3A_69] : memref<10000x128xf32, #tpu.memory_space<hbm>> -> memref<80x128xf32, #tpu.memory_space<hbm>>
        tpu.wait_dma2 semaphore(%arg14 : memref<!tpu.dma_semaphore, #tpu.memory_space<semaphore_mem>>) src(%dma_wait3A_70 : memref<80x128xf32, #tpu.memory_space<hbm>>) dst(%arg9 : memref<80x128xf32, #tpu.memory_space<vmem>>)
        "tpu.region"() ({
          %run_scoped3A_120 = tpu.sem_alloc : memref<!tpu.dma_semaphore, #tpu.memory_space<semaphore_mem>>
          %dma_start3A_121 = arith.constant 0 : i32
          %dma_start3A_122 = tpu.memref_slice %arg8[%add3A_64, %dma_start3A_121] : memref<25x80xi32, #tpu.memory_space<vmem>> -> memref<1x80xi32, #tpu.memory_space<vmem>>
          %dma_start3A_123 = tpu.memref_squeeze %dma_start3A_122 : memref<1x80xi32, #tpu.memory_space<vmem>> -> memref<80xi32, #tpu.memory_space<vmem>>
          %dma_start3A_124 = arith.constant 0 : i32
          %dma_start3A_125 = arith.constant 0 : i32
          %dma_start3A_126 = tpu.memref_slice %arg13[%dma_start3A_124, %dma_start3A_125] : memref<10112x128xf32, #tpu.memory_space<vmem_shared>> -> memref<10112x128xf32, #tpu.memory_space<vmem_shared>>
          tpu.enqueue_indirect_dma source(%arg9 : memref<80x128xf32, #tpu.memory_space<vmem>>) target(%dma_start3A_126 : memref<10112x128xf32, #tpu.memory_space<vmem_shared>>) offsets(%dma_start3A_123 : memref<80xi32, #tpu.memory_space<vmem>>) semaphore(%run_scoped3A_120 : memref<!tpu.dma_semaphore, #tpu.memory_space<semaphore_mem>>) {add = true}
          %dma_wait3A_127 = arith.constant 0 : i32
          %dma_wait3A_128 = tpu.memref_slice %arg8[%add3A_64, %dma_wait3A_127] : memref<25x80xi32, #tpu.memory_space<vmem>> -> memref<1x80xi32, #tpu.memory_space<vmem>>
          %dma_wait3A_129 = tpu.memref_squeeze %dma_wait3A_128 : memref<1x80xi32, #tpu.memory_space<vmem>> -> memref<80xi32, #tpu.memory_space<vmem>>
          %dma_wait3A_130 = arith.constant 0 : i32
          %dma_wait3A_131 = arith.constant 0 : i32
          %dma_wait3A_132 = tpu.memref_slice %arg13[%dma_wait3A_130, %dma_wait3A_131] : memref<10112x128xf32, #tpu.memory_space<vmem_shared>> -> memref<10112x128xf32, #tpu.memory_space<vmem_shared>>
          tpu.wait_indirect_dma semaphore(%run_scoped3A_120 : memref<!tpu.dma_semaphore, #tpu.memory_space<semaphore_mem>>) src(%arg9 : memref<80x128xf32, #tpu.memory_space<vmem>>) dst(%dma_wait3A_132 : memref<10112x128xf32, #tpu.memory_space<vmem_shared>>)
          tpu.yield
        }) : () -> ()
        %add3A_71 = arith.constant 4 : i32
        %add3A_72 = arith.addi %add3A_64, %add3A_71 : i32
        %lt3A = arith.constant 25 : i32
        %lt3A_73 = arith.cmpi slt, %add3A_72, %lt3A : i32
        %convert_element_type3A = arith.extui %lt3A_73 : i1 to i32
        %cond3A = arith.constant 0 : i32
        %cond3A_74 = arith.cmpi ne, %convert_element_type3A, %cond3A : i32
        scf.if %cond3A_74 {
          %add3A_120 = arith.constant 4 : i32
          %add3A_121 = arith.addi %add3A_64, %add3A_120 : i32
          %dma_start3A_122 = arith.constant 0 : i32
          %dma_start3A_123 = tpu.memref_slice %arg7[%add3A_121, %dma_start3A_122] : memref<25x80xi32, #tpu.memory_space<vmem>> -> memref<1x80xi32, #tpu.memory_space<vmem>>
          %dma_start3A_124 = tpu.memref_squeeze %dma_start3A_123 : memref<1x80xi32, #tpu.memory_space<vmem>> -> memref<80xi32, #tpu.memory_space<vmem>>
          %dma_start3A_125 = arith.constant 0 : i32
          %dma_start3A_126 = arith.constant 0 : i32
          %dma_start3A_127 = tpu.memref_slice %arg4[%dma_start3A_125, %dma_start3A_126] : memref<10000x128xf32, #tpu.memory_space<hbm>> -> memref<10000x128xf32, #tpu.memory_space<hbm>>
          tpu.enqueue_indirect_dma source(%dma_start3A_127 : memref<10000x128xf32, #tpu.memory_space<hbm>>) target(%arg9 : memref<80x128xf32, #tpu.memory_space<vmem>>) offsets(%dma_start3A_124 : memref<80xi32, #tpu.memory_space<vmem>>) semaphore(%arg14 : memref<!tpu.dma_semaphore, #tpu.memory_space<semaphore_mem>>)
        } else {
        }
        %add3A_75 = arith.constant 1 : i32
        %add3A_76 = arith.addi %mul3A_62, %add3A_75 : i32
        %dma_wait3A_77 = arith.constant 0 : i32
        %dma_wait3A_78 = arith.constant 0 : i32
        %dma_wait3A_79 = tpu.memref_slice %arg4[%dma_wait3A_77, %dma_wait3A_78] : memref<10000x128xf32, #tpu.memory_space<hbm>> -> memref<80x128xf32, #tpu.memory_space<hbm>>
        %dma_wait3A_80 = arith.constant 0 : i32
        %dma_wait3A_81 = arith.constant 0 : i32
        %dma_wait3A_82 = tpu.memref_slice %arg4[%dma_wait3A_80, %dma_wait3A_81] : memref<10000x128xf32, #tpu.memory_space<hbm>> -> memref<80x128xf32, #tpu.memory_space<hbm>>
        tpu.wait_dma2 semaphore(%arg15 : memref<!tpu.dma_semaphore, #tpu.memory_space<semaphore_mem>>) src(%dma_wait3A_82 : memref<80x128xf32, #tpu.memory_space<hbm>>) dst(%arg10 : memref<80x128xf32, #tpu.memory_space<vmem>>)
        "tpu.region"() ({
          %run_scoped3A_120 = tpu.sem_alloc : memref<!tpu.dma_semaphore, #tpu.memory_space<semaphore_mem>>
          %dma_start3A_121 = arith.constant 0 : i32
          %dma_start3A_122 = tpu.memref_slice %arg8[%add3A_76, %dma_start3A_121] : memref<25x80xi32, #tpu.memory_space<vmem>> -> memref<1x80xi32, #tpu.memory_space<vmem>>
          %dma_start3A_123 = tpu.memref_squeeze %dma_start3A_122 : memref<1x80xi32, #tpu.memory_space<vmem>> -> memref<80xi32, #tpu.memory_space<vmem>>
          %dma_start3A_124 = arith.constant 0 : i32
          %dma_start3A_125 = arith.constant 0 : i32
          %dma_start3A_126 = tpu.memref_slice %arg13[%dma_start3A_124, %dma_start3A_125] : memref<10112x128xf32, #tpu.memory_space<vmem_shared>> -> memref<10112x128xf32, #tpu.memory_space<vmem_shared>>
          tpu.enqueue_indirect_dma source(%arg10 : memref<80x128xf32, #tpu.memory_space<vmem>>) target(%dma_start3A_126 : memref<10112x128xf32, #tpu.memory_space<vmem_shared>>) offsets(%dma_start3A_123 : memref<80xi32, #tpu.memory_space<vmem>>) semaphore(%run_scoped3A_120 : memref<!tpu.dma_semaphore, #tpu.memory_space<semaphore_mem>>) {add = true}
          %dma_wait3A_127 = arith.constant 0 : i32
          %dma_wait3A_128 = tpu.memref_slice %arg8[%add3A_76, %dma_wait3A_127] : memref<25x80xi32, #tpu.memory_space<vmem>> -> memref<1x80xi32, #tpu.memory_space<vmem>>
          %dma_wait3A_129 = tpu.memref_squeeze %dma_wait3A_128 : memref<1x80xi32, #tpu.memory_space<vmem>> -> memref<80xi32, #tpu.memory_space<vmem>>
          %dma_wait3A_130 = arith.constant 0 : i32
          %dma_wait3A_131 = arith.constant 0 : i32
          %dma_wait3A_132 = tpu.memref_slice %arg13[%dma_wait3A_130, %dma_wait3A_131] : memref<10112x128xf32, #tpu.memory_space<vmem_shared>> -> memref<10112x128xf32, #tpu.memory_space<vmem_shared>>
          tpu.wait_indirect_dma semaphore(%run_scoped3A_120 : memref<!tpu.dma_semaphore, #tpu.memory_space<semaphore_mem>>) src(%arg10 : memref<80x128xf32, #tpu.memory_space<vmem>>) dst(%dma_wait3A_132 : memref<10112x128xf32, #tpu.memory_space<vmem_shared>>)
          tpu.yield
        }) : () -> ()
        %add3A_83 = arith.constant 4 : i32
        %add3A_84 = arith.addi %add3A_76, %add3A_83 : i32
        %lt3A_85 = arith.constant 25 : i32
        %lt3A_86 = arith.cmpi slt, %add3A_84, %lt3A_85 : i32
        %convert_element_type3A_87 = arith.extui %lt3A_86 : i1 to i32
        %cond3A_88 = arith.constant 0 : i32
        %cond3A_89 = arith.cmpi ne, %convert_element_type3A_87, %cond3A_88 : i32
        scf.if %cond3A_89 {
          %add3A_120 = arith.constant 4 : i32
          %add3A_121 = arith.addi %add3A_76, %add3A_120 : i32
          %dma_start3A_122 = arith.constant 0 : i32
          %dma_start3A_123 = tpu.memref_slice %arg7[%add3A_121, %dma_start3A_122] : memref<25x80xi32, #tpu.memory_space<vmem>> -> memref<1x80xi32, #tpu.memory_space<vmem>>
          %dma_start3A_124 = tpu.memref_squeeze %dma_start3A_123 : memref<1x80xi32, #tpu.memory_space<vmem>> -> memref<80xi32, #tpu.memory_space<vmem>>
          %dma_start3A_125 = arith.constant 0 : i32
          %dma_start3A_126 = arith.constant 0 : i32
          %dma_start3A_127 = tpu.memref_slice %arg4[%dma_start3A_125, %dma_start3A_126] : memref<10000x128xf32, #tpu.memory_space<hbm>> -> memref<10000x128xf32, #tpu.memory_space<hbm>>
          tpu.enqueue_indirect_dma source(%dma_start3A_127 : memref<10000x128xf32, #tpu.memory_space<hbm>>) target(%arg10 : memref<80x128xf32, #tpu.memory_space<vmem>>) offsets(%dma_start3A_124 : memref<80xi32, #tpu.memory_space<vmem>>) semaphore(%arg15 : memref<!tpu.dma_semaphore, #tpu.memory_space<semaphore_mem>>)
        } else {
        }
        %add3A_90 = arith.constant 2 : i32
        %add3A_91 = arith.addi %mul3A_62, %add3A_90 : i32
        %dma_wait3A_92 = arith.constant 0 : i32
        %dma_wait3A_93 = arith.constant 0 : i32
        %dma_wait3A_94 = tpu.memref_slice %arg4[%dma_wait3A_92, %dma_wait3A_93] : memref<10000x128xf32, #tpu.memory_space<hbm>> -> memref<80x128xf32, #tpu.memory_space<hbm>>
        %dma_wait3A_95 = arith.constant 0 : i32
        %dma_wait3A_96 = arith.constant 0 : i32
        %dma_wait3A_97 = tpu.memref_slice %arg4[%dma_wait3A_95, %dma_wait3A_96] : memref<10000x128xf32, #tpu.memory_space<hbm>> -> memref<80x128xf32, #tpu.memory_space<hbm>>
        tpu.wait_dma2 semaphore(%arg16 : memref<!tpu.dma_semaphore, #tpu.memory_space<semaphore_mem>>) src(%dma_wait3A_97 : memref<80x128xf32, #tpu.memory_space<hbm>>) dst(%arg11 : memref<80x128xf32, #tpu.memory_space<vmem>>)
        "tpu.region"() ({
          %run_scoped3A_120 = tpu.sem_alloc : memref<!tpu.dma_semaphore, #tpu.memory_space<semaphore_mem>>
          %dma_start3A_121 = arith.constant 0 : i32
          %dma_start3A_122 = tpu.memref_slice %arg8[%add3A_91, %dma_start3A_121] : memref<25x80xi32, #tpu.memory_space<vmem>> -> memref<1x80xi32, #tpu.memory_space<vmem>>
          %dma_start3A_123 = tpu.memref_squeeze %dma_start3A_122 : memref<1x80xi32, #tpu.memory_space<vmem>> -> memref<80xi32, #tpu.memory_space<vmem>>
          %dma_start3A_124 = arith.constant 0 : i32
          %dma_start3A_125 = arith.constant 0 : i32
          %dma_start3A_126 = tpu.memref_slice %arg13[%dma_start3A_124, %dma_start3A_125] : memref<10112x128xf32, #tpu.memory_space<vmem_shared>> -> memref<10112x128xf32, #tpu.memory_space<vmem_shared>>
          tpu.enqueue_indirect_dma source(%arg11 : memref<80x128xf32, #tpu.memory_space<vmem>>) target(%dma_start3A_126 : memref<10112x128xf32, #tpu.memory_space<vmem_shared>>) offsets(%dma_start3A_123 : memref<80xi32, #tpu.memory_space<vmem>>) semaphore(%run_scoped3A_120 : memref<!tpu.dma_semaphore, #tpu.memory_space<semaphore_mem>>) {add = true}
          %dma_wait3A_127 = arith.constant 0 : i32
          %dma_wait3A_128 = tpu.memref_slice %arg8[%add3A_91, %dma_wait3A_127] : memref<25x80xi32, #tpu.memory_space<vmem>> -> memref<1x80xi32, #tpu.memory_space<vmem>>
          %dma_wait3A_129 = tpu.memref_squeeze %dma_wait3A_128 : memref<1x80xi32, #tpu.memory_space<vmem>> -> memref<80xi32, #tpu.memory_space<vmem>>
          %dma_wait3A_130 = arith.constant 0 : i32
          %dma_wait3A_131 = arith.constant 0 : i32
          %dma_wait3A_132 = tpu.memref_slice %arg13[%dma_wait3A_130, %dma_wait3A_131] : memref<10112x128xf32, #tpu.memory_space<vmem_shared>> -> memref<10112x128xf32, #tpu.memory_space<vmem_shared>>
          tpu.wait_indirect_dma semaphore(%run_scoped3A_120 : memref<!tpu.dma_semaphore, #tpu.memory_space<semaphore_mem>>) src(%arg11 : memref<80x128xf32, #tpu.memory_space<vmem>>) dst(%dma_wait3A_132 : memref<10112x128xf32, #tpu.memory_space<vmem_shared>>)
          tpu.yield
        }) : () -> ()
        %add3A_98 = arith.constant 4 : i32
        %add3A_99 = arith.addi %add3A_91, %add3A_98 : i32
        %lt3A_100 = arith.constant 25 : i32
        %lt3A_101 = arith.cmpi slt, %add3A_99, %lt3A_100 : i32
        %convert_element_type3A_102 = arith.extui %lt3A_101 : i1 to i32
        %cond3A_103 = arith.constant 0 : i32
        %cond3A_104 = arith.cmpi ne, %convert_element_type3A_102, %cond3A_103 : i32
        scf.if %cond3A_104 {
          %add3A_120 = arith.constant 4 : i32
          %add3A_121 = arith.addi %add3A_91, %add3A_120 : i32
          %dma_start3A_122 = arith.constant 0 : i32
          %dma_start3A_123 = tpu.memref_slice %arg7[%add3A_121, %dma_start3A_122] : memref<25x80xi32, #tpu.memory_space<vmem>> -> memref<1x80xi32, #tpu.memory_space<vmem>>
          %dma_start3A_124 = tpu.memref_squeeze %dma_start3A_123 : memref<1x80xi32, #tpu.memory_space<vmem>> -> memref<80xi32, #tpu.memory_space<vmem>>
          %dma_start3A_125 = arith.constant 0 : i32
          %dma_start3A_126 = arith.constant 0 : i32
          %dma_start3A_127 = tpu.memref_slice %arg4[%dma_start3A_125, %dma_start3A_126] : memref<10000x128xf32, #tpu.memory_space<hbm>> -> memref<10000x128xf32, #tpu.memory_space<hbm>>
          tpu.enqueue_indirect_dma source(%dma_start3A_127 : memref<10000x128xf32, #tpu.memory_space<hbm>>) target(%arg11 : memref<80x128xf32, #tpu.memory_space<vmem>>) offsets(%dma_start3A_124 : memref<80xi32, #tpu.memory_space<vmem>>) semaphore(%arg16 : memref<!tpu.dma_semaphore, #tpu.memory_space<semaphore_mem>>)
        } else {
        }
        %add3A_105 = arith.constant 3 : i32
        %add3A_106 = arith.addi %mul3A_62, %add3A_105 : i32
        %dma_wait3A_107 = arith.constant 0 : i32
        %dma_wait3A_108 = arith.constant 0 : i32
        %dma_wait3A_109 = tpu.memref_slice %arg4[%dma_wait3A_107, %dma_wait3A_108] : memref<10000x128xf32, #tpu.memory_space<hbm>> -> memref<80x128xf32, #tpu.memory_space<hbm>>
        %dma_wait3A_110 = arith.constant 0 : i32
        %dma_wait3A_111 = arith.constant 0 : i32
        %dma_wait3A_112 = tpu.memref_slice %arg4[%dma_wait3A_110, %dma_wait3A_111] : memref<10000x128xf32, #tpu.memory_space<hbm>> -> memref<80x128xf32, #tpu.memory_space<hbm>>
        tpu.wait_dma2 semaphore(%arg17 : memref<!tpu.dma_semaphore, #tpu.memory_space<semaphore_mem>>) src(%dma_wait3A_112 : memref<80x128xf32, #tpu.memory_space<hbm>>) dst(%arg12 : memref<80x128xf32, #tpu.memory_space<vmem>>)
        "tpu.region"() ({
          %run_scoped3A_120 = tpu.sem_alloc : memref<!tpu.dma_semaphore, #tpu.memory_space<semaphore_mem>>
          %dma_start3A_121 = arith.constant 0 : i32
          %dma_start3A_122 = tpu.memref_slice %arg8[%add3A_106, %dma_start3A_121] : memref<25x80xi32, #tpu.memory_space<vmem>> -> memref<1x80xi32, #tpu.memory_space<vmem>>
          %dma_start3A_123 = tpu.memref_squeeze %dma_start3A_122 : memref<1x80xi32, #tpu.memory_space<vmem>> -> memref<80xi32, #tpu.memory_space<vmem>>
          %dma_start3A_124 = arith.constant 0 : i32
          %dma_start3A_125 = arith.constant 0 : i32
          %dma_start3A_126 = tpu.memref_slice %arg13[%dma_start3A_124, %dma_start3A_125] : memref<10112x128xf32, #tpu.memory_space<vmem_shared>> -> memref<10112x128xf32, #tpu.memory_space<vmem_shared>>
          tpu.enqueue_indirect_dma source(%arg12 : memref<80x128xf32, #tpu.memory_space<vmem>>) target(%dma_start3A_126 : memref<10112x128xf32, #tpu.memory_space<vmem_shared>>) offsets(%dma_start3A_123 : memref<80xi32, #tpu.memory_space<vmem>>) semaphore(%run_scoped3A_120 : memref<!tpu.dma_semaphore, #tpu.memory_space<semaphore_mem>>) {add = true}
          %dma_wait3A_127 = arith.constant 0 : i32
          %dma_wait3A_128 = tpu.memref_slice %arg8[%add3A_106, %dma_wait3A_127] : memref<25x80xi32, #tpu.memory_space<vmem>> -> memref<1x80xi32, #tpu.memory_space<vmem>>
          %dma_wait3A_129 = tpu.memref_squeeze %dma_wait3A_128 : memref<1x80xi32, #tpu.memory_space<vmem>> -> memref<80xi32, #tpu.memory_space<vmem>>
          %dma_wait3A_130 = arith.constant 0 : i32
          %dma_wait3A_131 = arith.constant 0 : i32
          %dma_wait3A_132 = tpu.memref_slice %arg13[%dma_wait3A_130, %dma_wait3A_131] : memref<10112x128xf32, #tpu.memory_space<vmem_shared>> -> memref<10112x128xf32, #tpu.memory_space<vmem_shared>>
          tpu.wait_indirect_dma semaphore(%run_scoped3A_120 : memref<!tpu.dma_semaphore, #tpu.memory_space<semaphore_mem>>) src(%arg12 : memref<80x128xf32, #tpu.memory_space<vmem>>) dst(%dma_wait3A_132 : memref<10112x128xf32, #tpu.memory_space<vmem_shared>>)
          tpu.yield
        }) : () -> ()
        %add3A_113 = arith.constant 4 : i32
        %add3A_114 = arith.addi %add3A_106, %add3A_113 : i32
        %lt3A_115 = arith.constant 25 : i32
        %lt3A_116 = arith.cmpi slt, %add3A_114, %lt3A_115 : i32
        %convert_element_type3A_117 = arith.extui %lt3A_116 : i1 to i32
        %cond3A_118 = arith.constant 0 : i32
        %cond3A_119 = arith.cmpi ne, %convert_element_type3A_117, %cond3A_118 : i32
        scf.if %cond3A_119 {
          %add3A_120 = arith.constant 4 : i32
          %add3A_121 = arith.addi %add3A_106, %add3A_120 : i32
          %dma_start3A_122 = arith.constant 0 : i32
          %dma_start3A_123 = tpu.memref_slice %arg7[%add3A_121, %dma_start3A_122] : memref<25x80xi32, #tpu.memory_space<vmem>> -> memref<1x80xi32, #tpu.memory_space<vmem>>
          %dma_start3A_124 = tpu.memref_squeeze %dma_start3A_123 : memref<1x80xi32, #tpu.memory_space<vmem>> -> memref<80xi32, #tpu.memory_space<vmem>>
          %dma_start3A_125 = arith.constant 0 : i32
          %dma_start3A_126 = arith.constant 0 : i32
          %dma_start3A_127 = tpu.memref_slice %arg4[%dma_start3A_125, %dma_start3A_126] : memref<10000x128xf32, #tpu.memory_space<hbm>> -> memref<10000x128xf32, #tpu.memory_space<hbm>>
          tpu.enqueue_indirect_dma source(%dma_start3A_127 : memref<10000x128xf32, #tpu.memory_space<hbm>>) target(%arg12 : memref<80x128xf32, #tpu.memory_space<vmem>>) offsets(%dma_start3A_124 : memref<80xi32, #tpu.memory_space<vmem>>) semaphore(%arg17 : memref<!tpu.dma_semaphore, #tpu.memory_space<semaphore_mem>>)
        } else {
        }
      }
      %scan3A_54 = arith.constant 6 : i32
      %dma_wait3A = arith.constant 0 : i32
      %dma_wait3A_55 = arith.constant 0 : i32
      %dma_wait3A_56 = tpu.memref_slice %arg4[%dma_wait3A, %dma_wait3A_55] : memref<10000x128xf32, #tpu.memory_space<hbm>> -> memref<80x128xf32, #tpu.memory_space<hbm>>
      %dma_wait3A_57 = arith.constant 0 : i32
      %dma_wait3A_58 = arith.constant 0 : i32
      %dma_wait3A_59 = tpu.memref_slice %arg4[%dma_wait3A_57, %dma_wait3A_58] : memref<10000x128xf32, #tpu.memory_space<hbm>> -> memref<80x128xf32, #tpu.memory_space<hbm>>
      tpu.wait_dma2 semaphore(%arg14 : memref<!tpu.dma_semaphore, #tpu.memory_space<semaphore_mem>>) src(%dma_wait3A_59 : memref<80x128xf32, #tpu.memory_space<hbm>>) dst(%arg9 : memref<80x128xf32, #tpu.memory_space<vmem>>)
      %run_scoped3A = arith.constant 24 : i32
      "tpu.region"() ({
        %run_scoped3A_60 = tpu.sem_alloc : memref<!tpu.dma_semaphore, #tpu.memory_space<semaphore_mem>>
        %dma_start3A_61 = arith.constant 0 : i32
        %dma_start3A_62 = tpu.memref_slice %arg8[%run_scoped3A, %dma_start3A_61] : memref<25x80xi32, #tpu.memory_space<vmem>> -> memref<1x80xi32, #tpu.memory_space<vmem>>
        %dma_start3A_63 = tpu.memref_squeeze %dma_start3A_62 : memref<1x80xi32, #tpu.memory_space<vmem>> -> memref<80xi32, #tpu.memory_space<vmem>>
        %dma_start3A_64 = arith.constant 0 : i32
        %dma_start3A_65 = arith.constant 0 : i32
        %dma_start3A_66 = tpu.memref_slice %arg13[%dma_start3A_64, %dma_start3A_65] : memref<10112x128xf32, #tpu.memory_space<vmem_shared>> -> memref<10112x128xf32, #tpu.memory_space<vmem_shared>>
        tpu.enqueue_indirect_dma source(%arg9 : memref<80x128xf32, #tpu.memory_space<vmem>>) target(%dma_start3A_66 : memref<10112x128xf32, #tpu.memory_space<vmem_shared>>) offsets(%dma_start3A_63 : memref<80xi32, #tpu.memory_space<vmem>>) semaphore(%run_scoped3A_60 : memref<!tpu.dma_semaphore, #tpu.memory_space<semaphore_mem>>) {add = true}
        %dma_wait3A_67 = arith.constant 0 : i32
        %dma_wait3A_68 = tpu.memref_slice %arg8[%run_scoped3A, %dma_wait3A_67] : memref<25x80xi32, #tpu.memory_space<vmem>> -> memref<1x80xi32, #tpu.memory_space<vmem>>
        %dma_wait3A_69 = tpu.memref_squeeze %dma_wait3A_68 : memref<1x80xi32, #tpu.memory_space<vmem>> -> memref<80xi32, #tpu.memory_space<vmem>>
        %dma_wait3A_70 = arith.constant 0 : i32
        %dma_wait3A_71 = arith.constant 0 : i32
        %dma_wait3A_72 = tpu.memref_slice %arg13[%dma_wait3A_70, %dma_wait3A_71] : memref<10112x128xf32, #tpu.memory_space<vmem_shared>> -> memref<10112x128xf32, #tpu.memory_space<vmem_shared>>
        tpu.wait_indirect_dma semaphore(%run_scoped3A_60 : memref<!tpu.dma_semaphore, #tpu.memory_space<semaphore_mem>>) src(%arg9 : memref<80x128xf32, #tpu.memory_space<vmem>>) dst(%dma_wait3A_72 : memref<10112x128xf32, #tpu.memory_space<vmem_shared>>)
        tpu.yield
      }) : () -> ()
    }
    %scan3A_9 = arith.constant 5 : i32
    %barrier3A_10 = arith.constant 0 : index
    tpu.barrier barrier_id(%barrier3A_10)
    %mul3A_11 = arith.constant 632 : i32
    %mul3A_12 = arith.muli %arg1, %mul3A_11 : i32
    %mul3A_13 = arith.constant 632 : i32
    %mul3A_14 = arith.muli %arg1, %mul3A_13 : i32
    "tpu.region"() ({
      %run_scoped3A = tpu.sem_alloc : memref<!tpu.dma_semaphore, #tpu.memory_space<semaphore_mem>>
      %dma_start3A = arith.constant 0 : i32
      %dma_start3A_15 = tpu.memref_slice %arg6[%arg0, %mul3A_14, %dma_start3A] : memref<2x10112x128xf32, #tpu.memory_space<hbm>> -> memref<1x632x128xf32, #tpu.memory_space<hbm>>
      %dma_start3A_16 = tpu.memref_squeeze %dma_start3A_15 : memref<1x632x128xf32, #tpu.memory_space<hbm>> -> memref<632x128xf32, #tpu.memory_space<hbm>>
      %dma_start3A_17 = arith.constant 0 : i32
      %dma_start3A_18 = tpu.memref_slice %arg13[%mul3A_12, %dma_start3A_17] : memref<10112x128xf32, #tpu.memory_space<vmem_shared>> -> memref<632x128xf32, #tpu.memory_space<vmem_shared>>
      tpu.enqueue_dma source(%dma_start3A_18 : memref<632x128xf32, #tpu.memory_space<vmem_shared>>) target(%dma_start3A_16 : memref<632x128xf32, #tpu.memory_space<hbm>>) target_semaphore(%run_scoped3A : memref<!tpu.dma_semaphore, #tpu.memory_space<semaphore_mem>>)
      %dma_wait3A = arith.constant 0 : i32
      %dma_wait3A_19 = tpu.memref_slice %arg6[%arg0, %mul3A_14, %dma_wait3A] : memref<2x10112x128xf32, #tpu.memory_space<hbm>> -> memref<1x632x128xf32, #tpu.memory_space<hbm>>
      %dma_wait3A_20 = tpu.memref_squeeze %dma_wait3A_19 : memref<1x632x128xf32, #tpu.memory_space<hbm>> -> memref<632x128xf32, #tpu.memory_space<hbm>>
      %dma_wait3A_21 = arith.constant 0 : i32
      %dma_wait3A_22 = tpu.memref_slice %arg13[%mul3A_12, %dma_wait3A_21] : memref<10112x128xf32, #tpu.memory_space<vmem_shared>> -> memref<632x128xf32, #tpu.memory_space<vmem_shared>>
      tpu.wait_dma2 semaphore(%run_scoped3A : memref<!tpu.dma_semaphore, #tpu.memory_space<semaphore_mem>>) src(%dma_wait3A_22 : memref<632x128xf32, #tpu.memory_space<vmem_shared>>) dst(%dma_wait3A_20 : memref<632x128xf32, #tpu.memory_space<hbm>>)
      tpu.yield
    }) : () -> ()
    return
  }
}

#map = affine_map<(d0, d1) -> (0, 0, 0)>
#map1 = affine_map<(d0, d1) -> (0)>
#map2 = affine_map<(d0, d1) -> (0, 0)>
module attributes {stable_mosaic.version = 14 : i64} {
  func.func @_deg_body(%arg0: i32, %arg1: i32, %arg2: memref<160x25x80xi32, #tpu.memory_space<hbm>>, %arg3: memref<10112xf32, #tpu.memory_space<hbm>>, %arg4: memref<2x10112xf32, #tpu.memory_space<hbm>>, %arg5: memref<25x80xi32, #tpu.memory_space<vmem>>, %arg6: memref<80xf32, #tpu.memory_space<vmem>>, %arg7: memref<10112xf32, #tpu.memory_space<vmem_shared>>, %arg8: memref<!tpu.dma_semaphore, #tpu.memory_space<semaphore_mem>>) attributes {dimension_semantics = [#tpu.dimension_semantics<core_parallel>, #tpu.dimension_semantics<subcore_parallel>], iteration_bounds = array<i64: 2, 16>, scalar_prefetch = 0 : i64, scratch_operands = 4 : i64, tpu.core_type = #tpu.core_type<sc_vector_subcore>, window_params = [{transform_indices = #map}, {transform_indices = #map1}, {transform_indices = #map2}]} {
    %mul3A = arith.constant 16 : i32
    %mul3A_0 = arith.muli %arg0, %mul3A : i32
    %add3A = arith.addi %mul3A_0, %arg1 : i32
    %broadcast_in_dim3A = arith.constant 1.000000e+00 : f32
    %broadcast_in_dim3A_1 = vector.broadcast %broadcast_in_dim3A : f32 to vector<16xf32>
    %swap3A = arith.constant 0 : index
    %swap3A_2 = tpu.vector_load %arg6[%swap3A] {strides = array<i32>} : memref<80xf32, #tpu.memory_space<vmem>>, vector<16xf32>,
    %swap3A_3 = vector.shape_cast %swap3A_2 : vector<16xf32> to vector<16xf32>
    %swap3A_4 = vector.shape_cast %broadcast_in_dim3A_1 : vector<16xf32> to vector<16xf32>
    tpu.vector_store %arg6[%swap3A], %swap3A_4 {strides = array<i32>} : memref<80xf32, #tpu.memory_space<vmem>>, vector<16xf32>,
    %broadcast_in_dim3A_5 = arith.constant 1.000000e+00 : f32
    %broadcast_in_dim3A_6 = vector.broadcast %broadcast_in_dim3A_5 : f32 to vector<16xf32>
    %swap3A_7 = arith.constant 16 : index
    %swap3A_8 = tpu.vector_load %arg6[%swap3A_7] {strides = array<i32>} : memref<80xf32, #tpu.memory_space<vmem>>, vector<16xf32>,
    %swap3A_9 = vector.shape_cast %swap3A_8 : vector<16xf32> to vector<16xf32>
    %swap3A_10 = vector.shape_cast %broadcast_in_dim3A_6 : vector<16xf32> to vector<16xf32>
    tpu.vector_store %arg6[%swap3A_7], %swap3A_10 {strides = array<i32>} : memref<80xf32, #tpu.memory_space<vmem>>, vector<16xf32>,
    %broadcast_in_dim3A_11 = arith.constant 1.000000e+00 : f32
    %broadcast_in_dim3A_12 = vector.broadcast %broadcast_in_dim3A_11 : f32 to vector<16xf32>
    %swap3A_13 = arith.constant 32 : index
    %swap3A_14 = tpu.vector_load %arg6[%swap3A_13] {strides = array<i32>} : memref<80xf32, #tpu.memory_space<vmem>>, vector<16xf32>,
    %swap3A_15 = vector.shape_cast %swap3A_14 : vector<16xf32> to vector<16xf32>
    %swap3A_16 = vector.shape_cast %broadcast_in_dim3A_12 : vector<16xf32> to vector<16xf32>
    tpu.vector_store %arg6[%swap3A_13], %swap3A_16 {strides = array<i32>} : memref<80xf32, #tpu.memory_space<vmem>>, vector<16xf32>,
    %broadcast_in_dim3A_17 = arith.constant 1.000000e+00 : f32
    %broadcast_in_dim3A_18 = vector.broadcast %broadcast_in_dim3A_17 : f32 to vector<16xf32>
    %swap3A_19 = arith.constant 48 : index
    %swap3A_20 = tpu.vector_load %arg6[%swap3A_19] {strides = array<i32>} : memref<80xf32, #tpu.memory_space<vmem>>, vector<16xf32>,
    %swap3A_21 = vector.shape_cast %swap3A_20 : vector<16xf32> to vector<16xf32>
    %swap3A_22 = vector.shape_cast %broadcast_in_dim3A_18 : vector<16xf32> to vector<16xf32>
    tpu.vector_store %arg6[%swap3A_19], %swap3A_22 {strides = array<i32>} : memref<80xf32, #tpu.memory_space<vmem>>, vector<16xf32>,
    %broadcast_in_dim3A_23 = arith.constant 1.000000e+00 : f32
    %broadcast_in_dim3A_24 = vector.broadcast %broadcast_in_dim3A_23 : f32 to vector<16xf32>
    %swap3A_25 = arith.constant 64 : index
    %swap3A_26 = tpu.vector_load %arg6[%swap3A_25] {strides = array<i32>} : memref<80xf32, #tpu.memory_space<vmem>>, vector<16xf32>,
    %swap3A_27 = vector.shape_cast %swap3A_26 : vector<16xf32> to vector<16xf32>
    %swap3A_28 = vector.shape_cast %broadcast_in_dim3A_24 : vector<16xf32> to vector<16xf32>
    tpu.vector_store %arg6[%swap3A_25], %swap3A_28 {strides = array<i32>} : memref<80xf32, #tpu.memory_space<vmem>>, vector<16xf32>,
    %eq3A = arith.constant 0 : i32
    %eq3A_29 = arith.cmpi eq, %arg1, %eq3A : i32
    %convert_element_type3A = arith.extui %eq3A_29 : i1 to i32
    %cond3A = arith.constant 0 : i32
    %cond3A_30 = arith.cmpi ne, %convert_element_type3A, %cond3A : i32
    scf.if %cond3A_30 {
      "tpu.region"() ({
        %run_scoped3A = tpu.sem_alloc : memref<!tpu.dma_semaphore, #tpu.memory_space<semaphore_mem>>
        tpu.enqueue_dma source(%arg3 : memref<10112xf32, #tpu.memory_space<hbm>>) target(%arg7 : memref<10112xf32, #tpu.memory_space<vmem_shared>>) target_semaphore(%run_scoped3A : memref<!tpu.dma_semaphore, #tpu.memory_space<semaphore_mem>>)
        tpu.wait_dma2 semaphore(%run_scoped3A : memref<!tpu.dma_semaphore, #tpu.memory_space<semaphore_mem>>) src(%arg3 : memref<10112xf32, #tpu.memory_space<hbm>>) dst(%arg7 : memref<10112xf32, #tpu.memory_space<vmem_shared>>)
        tpu.yield
      }) : () -> ()
    } else {
    }
    %barrier3A = arith.constant 0 : index
    tpu.barrier barrier_id(%barrier3A)
    %scan3A = arith.constant 0 : i32
    %scan3A_31 = arith.constant 0 : i32
    %scan3A_32 = arith.constant 5 : i32
    %scan3A_33 = arith.addi %scan3A_31, %scan3A_32 : i32
    %scan3A_34 = arith.constant 1 : i32
    scf.for %scan3A_42 = %scan3A_31 to %scan3A_33 step %scan3A_34  : i32 {
      %mul3A_43 = arith.constant 5 : i32
      %mul3A_44 = arith.muli %add3A, %mul3A_43 : i32
      %add3A_45 = arith.addi %mul3A_44, %scan3A_42 : i32
      "tpu.region"() ({
        %run_scoped3A = tpu.sem_alloc : memref<!tpu.dma_semaphore, #tpu.memory_space<semaphore_mem>>
        %dma_start3A = arith.constant 0 : i32
        %dma_start3A_52 = arith.constant 0 : i32
        %dma_start3A_53 = tpu.memref_slice %arg2[%add3A_45, %dma_start3A, %dma_start3A_52] : memref<160x25x80xi32, #tpu.memory_space<hbm>> -> memref<1x25x80xi32, #tpu.memory_space<hbm>>
        %dma_start3A_54 = tpu.memref_squeeze %dma_start3A_53 : memref<1x25x80xi32, #tpu.memory_space<hbm>> -> memref<25x80xi32, #tpu.memory_space<hbm>>
        %dma_start3A_55 = arith.constant 0 : i32
        %dma_start3A_56 = arith.constant 0 : i32
        %dma_start3A_57 = tpu.memref_slice %arg2[%add3A_45, %dma_start3A_55, %dma_start3A_56] : memref<160x25x80xi32, #tpu.memory_space<hbm>> -> memref<1x25x80xi32, #tpu.memory_space<hbm>>
        %dma_start3A_58 = tpu.memref_squeeze %dma_start3A_57 : memref<1x25x80xi32, #tpu.memory_space<hbm>> -> memref<25x80xi32, #tpu.memory_space<hbm>>
        tpu.enqueue_dma source(%dma_start3A_58 : memref<25x80xi32, #tpu.memory_space<hbm>>) target(%arg5 : memref<25x80xi32, #tpu.memory_space<vmem>>) target_semaphore(%run_scoped3A : memref<!tpu.dma_semaphore, #tpu.memory_space<semaphore_mem>>)
        %dma_wait3A = arith.constant 0 : i32
        %dma_wait3A_59 = arith.constant 0 : i32
        %dma_wait3A_60 = tpu.memref_slice %arg2[%add3A_45, %dma_wait3A, %dma_wait3A_59] : memref<160x25x80xi32, #tpu.memory_space<hbm>> -> memref<1x25x80xi32, #tpu.memory_space<hbm>>
        %dma_wait3A_61 = tpu.memref_squeeze %dma_wait3A_60 : memref<1x25x80xi32, #tpu.memory_space<hbm>> -> memref<25x80xi32, #tpu.memory_space<hbm>>
        %dma_wait3A_62 = arith.constant 0 : i32
        %dma_wait3A_63 = arith.constant 0 : i32
        %dma_wait3A_64 = tpu.memref_slice %arg2[%add3A_45, %dma_wait3A_62, %dma_wait3A_63] : memref<160x25x80xi32, #tpu.memory_space<hbm>> -> memref<1x25x80xi32, #tpu.memory_space<hbm>>
        %dma_wait3A_65 = tpu.memref_squeeze %dma_wait3A_64 : memref<1x25x80xi32, #tpu.memory_space<hbm>> -> memref<25x80xi32, #tpu.memory_space<hbm>>
        tpu.wait_dma2 semaphore(%run_scoped3A : memref<!tpu.dma_semaphore, #tpu.memory_space<semaphore_mem>>) src(%dma_wait3A_65 : memref<25x80xi32, #tpu.memory_space<hbm>>) dst(%arg5 : memref<25x80xi32, #tpu.memory_space<vmem>>)
        tpu.yield
      }) : () -> ()
      %scan3A_46 = arith.constant 0 : i32
      %scan3A_47 = arith.constant 0 : i32
      %scan3A_48 = arith.constant 25 : i32
      %scan3A_49 = arith.addi %scan3A_47, %scan3A_48 : i32
      %scan3A_50 = arith.constant 1 : i32
      scf.for %scan3A_52 = %scan3A_47 to %scan3A_49 step %scan3A_50  : i32 {
        "tpu.region"() ({
          %run_scoped3A = tpu.sem_alloc : memref<!tpu.dma_semaphore, #tpu.memory_space<semaphore_mem>>
          %dma_start3A = arith.constant 0 : i32
          %dma_start3A_53 = tpu.memref_slice %arg5[%scan3A_52, %dma_start3A] : memref<25x80xi32, #tpu.memory_space<vmem>> -> memref<1x80xi32, #tpu.memory_space<vmem>>
          %dma_start3A_54 = tpu.memref_squeeze %dma_start3A_53 : memref<1x80xi32, #tpu.memory_space<vmem>> -> memref<80xi32, #tpu.memory_space<vmem>>
          %dma_start3A_55 = arith.constant 0 : i32
          %dma_start3A_56 = tpu.memref_slice %arg7[%dma_start3A_55] : memref<10112xf32, #tpu.memory_space<vmem_shared>> -> memref<10112xf32, #tpu.memory_space<vmem_shared>>
          tpu.enqueue_indirect_dma source(%arg6 : memref<80xf32, #tpu.memory_space<vmem>>) target(%dma_start3A_56 : memref<10112xf32, #tpu.memory_space<vmem_shared>>) offsets(%dma_start3A_54 : memref<80xi32, #tpu.memory_space<vmem>>) semaphore(%run_scoped3A : memref<!tpu.dma_semaphore, #tpu.memory_space<semaphore_mem>>) {add = true}
          %dma_wait3A = arith.constant 0 : i32
          %dma_wait3A_57 = tpu.memref_slice %arg5[%scan3A_52, %dma_wait3A] : memref<25x80xi32, #tpu.memory_space<vmem>> -> memref<1x80xi32, #tpu.memory_space<vmem>>
          %dma_wait3A_58 = tpu.memref_squeeze %dma_wait3A_57 : memref<1x80xi32, #tpu.memory_space<vmem>> -> memref<80xi32, #tpu.memory_space<vmem>>
          %dma_wait3A_59 = arith.constant 0 : i32
          %dma_wait3A_60 = tpu.memref_slice %arg7[%dma_wait3A_59] : memref<10112xf32, #tpu.memory_space<vmem_shared>> -> memref<10112xf32, #tpu.memory_space<vmem_shared>>
          tpu.wait_indirect_dma semaphore(%run_scoped3A : memref<!tpu.dma_semaphore, #tpu.memory_space<semaphore_mem>>) src(%arg6 : memref<80xf32, #tpu.memory_space<vmem>>) dst(%dma_wait3A_60 : memref<10112xf32, #tpu.memory_space<vmem_shared>>)
          tpu.yield
        }) : () -> ()
      }
      %scan3A_51 = arith.constant 25 : i32
    }
    %scan3A_35 = arith.constant 5 : i32
    %barrier3A_36 = arith.constant 0 : index
    tpu.barrier barrier_id(%barrier3A_36)
    %eq3A_37 = arith.constant 0 : i32
    %eq3A_38 = arith.cmpi eq, %arg1, %eq3A_37 : i32
    %convert_element_type3A_39 = arith.extui %eq3A_38 : i1 to i32
    %cond3A_40 = arith.constant 0 : i32
    %cond3A_41 = arith.cmpi ne, %convert_element_type3A_39, %cond3A_40 : i32
    scf.if %cond3A_41 {
      "tpu.region"() ({
        %run_scoped3A = tpu.sem_alloc : memref<!tpu.dma_semaphore, #tpu.memory_space<semaphore_mem>>
        %dma_start3A = arith.constant 0 : i32
        %dma_start3A_42 = tpu.memref_slice %arg4[%arg0, %dma_start3A] : memref<2x10112xf32, #tpu.memory_space<hbm>> -> memref<1x10112xf32, #tpu.memory_space<hbm>>
        %dma_start3A_43 = tpu.memref_squeeze %dma_start3A_42 : memref<1x10112xf32, #tpu.memory_space<hbm>> -> memref<10112xf32, #tpu.memory_space<hbm>>
        tpu.enqueue_dma source(%arg7 : memref<10112xf32, #tpu.memory_space<vmem_shared>>) target(%dma_start3A_43 : memref<10112xf32, #tpu.memory_space<hbm>>) target_semaphore(%run_scoped3A : memref<!tpu.dma_semaphore, #tpu.memory_space<semaphore_mem>>)
        %dma_wait3A = arith.constant 0 : i32
        %dma_wait3A_44 = tpu.memref_slice %arg4[%arg0, %dma_wait3A] : memref<2x10112xf32, #tpu.memory_space<hbm>> -> memref<1x10112xf32, #tpu.memory_space<hbm>>
        %dma_wait3A_45 = tpu.memref_squeeze %dma_wait3A_44 : memref<1x10112xf32, #tpu.memory_space<hbm>> -> memref<10112xf32, #tpu.memory_space<hbm>>
        tpu.wait_dma2 semaphore(%run_scoped3A : memref<!tpu.dma_semaphore, #tpu.memory_space<semaphore_mem>>) src(%arg7 : memref<10112xf32, #tpu.memory_space<vmem_shared>>) dst(%dma_wait3A_45 : memref<10112xf32, #tpu.memory_space<hbm>>)
        tpu.yield
      }) : () -> ()
    } else {
    }
    return
  }
}

#map = affine_map<(d0, d1) -> (0, 0, 0)>
#map1 = affine_map<(d0, d1) -> (0, 0)>
module attributes {stable_mosaic.version = 14 : i64} {
  func.func @_prop_body(%arg0: i32, %arg1: i32, %arg2: memref<160x25x80xi32, #tpu.memory_space<hbm>>, %arg3: memref<160x25x80xi32, #tpu.memory_space<hbm>>, %arg4: memref<10000x128xf32, #tpu.memory_space<hbm>>, %arg5: memref<10112x128xf32, #tpu.memory_space<hbm>>, %arg6: memref<2x10112x128xf32, #tpu.memory_space<hbm>>, %arg7: memref<25x80xi32, #tpu.memory_space<vmem>>, %arg8: memref<25x80xi32, #tpu.memory_space<vmem>>, %arg9: memref<80x128xf32, #tpu.memory_space<vmem>>, %arg10: memref<80x128xf32, #tpu.memory_space<vmem>>, %arg11: memref<80x128xf32, #tpu.memory_space<vmem>>, %arg12: memref<80x128xf32, #tpu.memory_space<vmem>>, %arg13: memref<10112x128xf32, #tpu.memory_space<vmem_shared>>, %arg14: memref<!tpu.dma_semaphore, #tpu.memory_space<semaphore_mem>>, %arg15: memref<!tpu.dma_semaphore, #tpu.memory_space<semaphore_mem>>, %arg16: memref<!tpu.dma_semaphore, #tpu.memory_space<semaphore_mem>>, %arg17: memref<!tpu.dma_semaphore, #tpu.memory_space<semaphore_mem>>) attributes {dimension_semantics = [#tpu.dimension_semantics<core_parallel>, #tpu.dimension_semantics<subcore_parallel>], iteration_bounds = array<i64: 2, 16>, scalar_prefetch = 0 : i64, scratch_operands = 11 : i64, tpu.core_type = #tpu.core_type<sc_vector_subcore>, window_params = [{transform_indices = #map}, {transform_indices = #map}, {transform_indices = #map1}, {transform_indices = #map1}, {transform_indices = #map}]} {
    %mul3A = arith.constant 16 : i32
    %mul3A_0 = arith.muli %arg0, %mul3A : i32
    %add3A = arith.addi %mul3A_0, %arg1 : i32
    %mul3A_1 = arith.constant 632 : i32
    %mul3A_2 = arith.muli %arg1, %mul3A_1 : i32
    %mul3A_3 = arith.constant 632 : i32
    %mul3A_4 = arith.muli %arg1, %mul3A_3 : i32
    "tpu.region"() ({
      %run_scoped3A = tpu.sem_alloc : memref<!tpu.dma_semaphore, #tpu.memory_space<semaphore_mem>>
      %dma_start3A = arith.constant 0 : i32
      %dma_start3A_15 = tpu.memref_slice %arg13[%mul3A_4, %dma_start3A] : memref<10112x128xf32, #tpu.memory_space<vmem_shared>> -> memref<632x128xf32, #tpu.memory_space<vmem_shared>>
      %dma_start3A_16 = arith.constant 0 : i32
      %dma_start3A_17 = tpu.memref_slice %arg5[%mul3A_2, %dma_start3A_16] : memref<10112x128xf32, #tpu.memory_space<hbm>> -> memref<632x128xf32, #tpu.memory_space<hbm>>
      tpu.enqueue_dma source(%dma_start3A_17 : memref<632x128xf32, #tpu.memory_space<hbm>>) target(%dma_start3A_15 : memref<632x128xf32, #tpu.memory_space<vmem_shared>>) target_semaphore(%run_scoped3A : memref<!tpu.dma_semaphore, #tpu.memory_space<semaphore_mem>>)
      %dma_wait3A = arith.constant 0 : i32
      %dma_wait3A_18 = tpu.memref_slice %arg13[%mul3A_4, %dma_wait3A] : memref<10112x128xf32, #tpu.memory_space<vmem_shared>> -> memref<632x128xf32, #tpu.memory_space<vmem_shared>>
      %dma_wait3A_19 = arith.constant 0 : i32
      %dma_wait3A_20 = tpu.memref_slice %arg5[%mul3A_2, %dma_wait3A_19] : memref<10112x128xf32, #tpu.memory_space<hbm>> -> memref<632x128xf32, #tpu.memory_space<hbm>>
      tpu.wait_dma2 semaphore(%run_scoped3A : memref<!tpu.dma_semaphore, #tpu.memory_space<semaphore_mem>>) src(%dma_wait3A_20 : memref<632x128xf32, #tpu.memory_space<hbm>>) dst(%dma_wait3A_18 : memref<632x128xf32, #tpu.memory_space<vmem_shared>>)
      tpu.yield
    }) : () -> ()
    %barrier3A = arith.constant 0 : index
    tpu.barrier barrier_id(%barrier3A)
    %scan3A = arith.constant 0 : i32
    %scan3A_5 = arith.constant 0 : i32
    %scan3A_6 = arith.constant 5 : i32
    %scan3A_7 = arith.addi %scan3A_5, %scan3A_6 : i32
    %scan3A_8 = arith.constant 1 : i32
    scf.for %scan3A_15 = %scan3A_5 to %scan3A_7 step %scan3A_8  : i32 {
      %mul3A_16 = arith.constant 5 : i32
      %mul3A_17 = arith.muli %add3A, %mul3A_16 : i32
      %add3A_18 = arith.addi %mul3A_17, %scan3A_15 : i32
      "tpu.region"() ({
        %run_scoped3A_60 = tpu.sem_alloc : memref<!tpu.dma_semaphore, #tpu.memory_space<semaphore_mem>>
        %dma_start3A_61 = arith.constant 0 : i32
        %dma_start3A_62 = arith.constant 0 : i32
        %dma_start3A_63 = tpu.memref_slice %arg2[%add3A_18, %dma_start3A_61, %dma_start3A_62] : memref<160x25x80xi32, #tpu.memory_space<hbm>> -> memref<1x25x80xi32, #tpu.memory_space<hbm>>
        %dma_start3A_64 = tpu.memref_squeeze %dma_start3A_63 : memref<1x25x80xi32, #tpu.memory_space<hbm>> -> memref<25x80xi32, #tpu.memory_space<hbm>>
        %dma_start3A_65 = arith.constant 0 : i32
        %dma_start3A_66 = arith.constant 0 : i32
        %dma_start3A_67 = tpu.memref_slice %arg2[%add3A_18, %dma_start3A_65, %dma_start3A_66] : memref<160x25x80xi32, #tpu.memory_space<hbm>> -> memref<1x25x80xi32, #tpu.memory_space<hbm>>
        %dma_start3A_68 = tpu.memref_squeeze %dma_start3A_67 : memref<1x25x80xi32, #tpu.memory_space<hbm>> -> memref<25x80xi32, #tpu.memory_space<hbm>>
        tpu.enqueue_dma source(%dma_start3A_68 : memref<25x80xi32, #tpu.memory_space<hbm>>) target(%arg7 : memref<25x80xi32, #tpu.memory_space<vmem>>) target_semaphore(%run_scoped3A_60 : memref<!tpu.dma_semaphore, #tpu.memory_space<semaphore_mem>>)
        %dma_wait3A_69 = arith.constant 0 : i32
        %dma_wait3A_70 = arith.constant 0 : i32
        %dma_wait3A_71 = tpu.memref_slice %arg2[%add3A_18, %dma_wait3A_69, %dma_wait3A_70] : memref<160x25x80xi32, #tpu.memory_space<hbm>> -> memref<1x25x80xi32, #tpu.memory_space<hbm>>
        %dma_wait3A_72 = tpu.memref_squeeze %dma_wait3A_71 : memref<1x25x80xi32, #tpu.memory_space<hbm>> -> memref<25x80xi32, #tpu.memory_space<hbm>>
        %dma_wait3A_73 = arith.constant 0 : i32
        %dma_wait3A_74 = arith.constant 0 : i32
        %dma_wait3A_75 = tpu.memref_slice %arg2[%add3A_18, %dma_wait3A_73, %dma_wait3A_74] : memref<160x25x80xi32, #tpu.memory_space<hbm>> -> memref<1x25x80xi32, #tpu.memory_space<hbm>>
        %dma_wait3A_76 = tpu.memref_squeeze %dma_wait3A_75 : memref<1x25x80xi32, #tpu.memory_space<hbm>> -> memref<25x80xi32, #tpu.memory_space<hbm>>
        tpu.wait_dma2 semaphore(%run_scoped3A_60 : memref<!tpu.dma_semaphore, #tpu.memory_space<semaphore_mem>>) src(%dma_wait3A_76 : memref<25x80xi32, #tpu.memory_space<hbm>>) dst(%arg7 : memref<25x80xi32, #tpu.memory_space<vmem>>)
        tpu.yield
      }) : () -> ()
      %mul3A_19 = arith.constant 5 : i32
      %mul3A_20 = arith.muli %add3A, %mul3A_19 : i32
      %add3A_21 = arith.addi %mul3A_20, %scan3A_15 : i32
      "tpu.region"() ({
        %run_scoped3A_60 = tpu.sem_alloc : memref<!tpu.dma_semaphore, #tpu.memory_space<semaphore_mem>>
        %dma_start3A_61 = arith.constant 0 : i32
        %dma_start3A_62 = arith.constant 0 : i32
        %dma_start3A_63 = tpu.memref_slice %arg3[%add3A_21, %dma_start3A_61, %dma_start3A_62] : memref<160x25x80xi32, #tpu.memory_space<hbm>> -> memref<1x25x80xi32, #tpu.memory_space<hbm>>
        %dma_start3A_64 = tpu.memref_squeeze %dma_start3A_63 : memref<1x25x80xi32, #tpu.memory_space<hbm>> -> memref<25x80xi32, #tpu.memory_space<hbm>>
        %dma_start3A_65 = arith.constant 0 : i32
        %dma_start3A_66 = arith.constant 0 : i32
        %dma_start3A_67 = tpu.memref_slice %arg3[%add3A_21, %dma_start3A_65, %dma_start3A_66] : memref<160x25x80xi32, #tpu.memory_space<hbm>> -> memref<1x25x80xi32, #tpu.memory_space<hbm>>
        %dma_start3A_68 = tpu.memref_squeeze %dma_start3A_67 : memref<1x25x80xi32, #tpu.memory_space<hbm>> -> memref<25x80xi32, #tpu.memory_space<hbm>>
        tpu.enqueue_dma source(%dma_start3A_68 : memref<25x80xi32, #tpu.memory_space<hbm>>) target(%arg8 : memref<25x80xi32, #tpu.memory_space<vmem>>) target_semaphore(%run_scoped3A_60 : memref<!tpu.dma_semaphore, #tpu.memory_space<semaphore_mem>>)
        %dma_wait3A_69 = arith.constant 0 : i32
        %dma_wait3A_70 = arith.constant 0 : i32
        %dma_wait3A_71 = tpu.memref_slice %arg3[%add3A_21, %dma_wait3A_69, %dma_wait3A_70] : memref<160x25x80xi32, #tpu.memory_space<hbm>> -> memref<1x25x80xi32, #tpu.memory_space<hbm>>
        %dma_wait3A_72 = tpu.memref_squeeze %dma_wait3A_71 : memref<1x25x80xi32, #tpu.memory_space<hbm>> -> memref<25x80xi32, #tpu.memory_space<hbm>>
        %dma_wait3A_73 = arith.constant 0 : i32
        %dma_wait3A_74 = arith.constant 0 : i32
        %dma_wait3A_75 = tpu.memref_slice %arg3[%add3A_21, %dma_wait3A_73, %dma_wait3A_74] : memref<160x25x80xi32, #tpu.memory_space<hbm>> -> memref<1x25x80xi32, #tpu.memory_space<hbm>>
        %dma_wait3A_76 = tpu.memref_squeeze %dma_wait3A_75 : memref<1x25x80xi32, #tpu.memory_space<hbm>> -> memref<25x80xi32, #tpu.memory_space<hbm>>
        tpu.wait_dma2 semaphore(%run_scoped3A_60 : memref<!tpu.dma_semaphore, #tpu.memory_space<semaphore_mem>>) src(%dma_wait3A_76 : memref<25x80xi32, #tpu.memory_space<hbm>>) dst(%arg8 : memref<25x80xi32, #tpu.memory_space<vmem>>)
        tpu.yield
      }) : () -> ()
      %dma_start3A = arith.constant 0 : i32
      %dma_start3A_22 = arith.constant 0 : i32
      %dma_start3A_23 = tpu.memref_slice %arg7[%dma_start3A, %dma_start3A_22] : memref<25x80xi32, #tpu.memory_space<vmem>> -> memref<1x80xi32, #tpu.memory_space<vmem>>
      %dma_start3A_24 = tpu.memref_squeeze %dma_start3A_23 : memref<1x80xi32, #tpu.memory_space<vmem>> -> memref<80xi32, #tpu.memory_space<vmem>>
      %dma_start3A_25 = arith.constant 0 : i32
      %dma_start3A_26 = arith.constant 0 : i32
      %dma_start3A_27 = tpu.memref_slice %arg4[%dma_start3A_25, %dma_start3A_26] : memref<10000x128xf32, #tpu.memory_space<hbm>> -> memref<10000x128xf32, #tpu.memory_space<hbm>>
      tpu.enqueue_indirect_dma source(%dma_start3A_27 : memref<10000x128xf32, #tpu.memory_space<hbm>>) target(%arg9 : memref<80x128xf32, #tpu.memory_space<vmem>>) offsets(%dma_start3A_24 : memref<80xi32, #tpu.memory_space<vmem>>) semaphore(%arg14 : memref<!tpu.dma_semaphore, #tpu.memory_space<semaphore_mem>>)
      %dma_start3A_28 = arith.constant 1 : i32
      %dma_start3A_29 = arith.constant 0 : i32
      %dma_start3A_30 = tpu.memref_slice %arg7[%dma_start3A_28, %dma_start3A_29] : memref<25x80xi32, #tpu.memory_space<vmem>> -> memref<1x80xi32, #tpu.memory_space<vmem>>
      %dma_start3A_31 = tpu.memref_squeeze %dma_start3A_30 : memref<1x80xi32, #tpu.memory_space<vmem>> -> memref<80xi32, #tpu.memory_space<vmem>>
      %dma_start3A_32 = arith.constant 0 : i32
      %dma_start3A_33 = arith.constant 0 : i32
      %dma_start3A_34 = tpu.memref_slice %arg4[%dma_start3A_32, %dma_start3A_33] : memref<10000x128xf32, #tpu.memory_space<hbm>> -> memref<10000x128xf32, #tpu.memory_space<hbm>>
      tpu.enqueue_indirect_dma source(%dma_start3A_34 : memref<10000x128xf32, #tpu.memory_space<hbm>>) target(%arg10 : memref<80x128xf32, #tpu.memory_space<vmem>>) offsets(%dma_start3A_31 : memref<80xi32, #tpu.memory_space<vmem>>) semaphore(%arg15 : memref<!tpu.dma_semaphore, #tpu.memory_space<semaphore_mem>>)
      %dma_start3A_35 = arith.constant 2 : i32
      %dma_start3A_36 = arith.constant 0 : i32
      %dma_start3A_37 = tpu.memref_slice %arg7[%dma_start3A_35, %dma_start3A_36] : memref<25x80xi32, #tpu.memory_space<vmem>> -> memref<1x80xi32, #tpu.memory_space<vmem>>
      %dma_start3A_38 = tpu.memref_squeeze %dma_start3A_37 : memref<1x80xi32, #tpu.memory_space<vmem>> -> memref<80xi32, #tpu.memory_space<vmem>>
      %dma_start3A_39 = arith.constant 0 : i32
      %dma_start3A_40 = arith.constant 0 : i32
      %dma_start3A_41 = tpu.memref_slice %arg4[%dma_start3A_39, %dma_start3A_40] : memref<10000x128xf32, #tpu.memory_space<hbm>> -> memref<10000x128xf32, #tpu.memory_space<hbm>>
      tpu.enqueue_indirect_dma source(%dma_start3A_41 : memref<10000x128xf32, #tpu.memory_space<hbm>>) target(%arg11 : memref<80x128xf32, #tpu.memory_space<vmem>>) offsets(%dma_start3A_38 : memref<80xi32, #tpu.memory_space<vmem>>) semaphore(%arg16 : memref<!tpu.dma_semaphore, #tpu.memory_space<semaphore_mem>>)
      %dma_start3A_42 = arith.constant 3 : i32
      %dma_start3A_43 = arith.constant 0 : i32
      %dma_start3A_44 = tpu.memref_slice %arg7[%dma_start3A_42, %dma_start3A_43] : memref<25x80xi32, #tpu.memory_space<vmem>> -> memref<1x80xi32, #tpu.memory_space<vmem>>
      %dma_start3A_45 = tpu.memref_squeeze %dma_start3A_44 : memref<1x80xi32, #tpu.memory_space<vmem>> -> memref<80xi32, #tpu.memory_space<vmem>>
      %dma_start3A_46 = arith.constant 0 : i32
      %dma_start3A_47 = arith.constant 0 : i32
      %dma_start3A_48 = tpu.memref_slice %arg4[%dma_start3A_46, %dma_start3A_47] : memref<10000x128xf32, #tpu.memory_space<hbm>> -> memref<10000x128xf32, #tpu.memory_space<hbm>>
      tpu.enqueue_indirect_dma source(%dma_start3A_48 : memref<10000x128xf32, #tpu.memory_space<hbm>>) target(%arg12 : memref<80x128xf32, #tpu.memory_space<vmem>>) offsets(%dma_start3A_45 : memref<80xi32, #tpu.memory_space<vmem>>) semaphore(%arg17 : memref<!tpu.dma_semaphore, #tpu.memory_space<semaphore_mem>>)
      %scan3A_49 = arith.constant 0 : i32
      %scan3A_50 = arith.constant 0 : i32
      %scan3A_51 = arith.constant 6 : i32
      %scan3A_52 = arith.addi %scan3A_50, %scan3A_51 : i32
      %scan3A_53 = arith.constant 1 : i32
      scf.for %scan3A_60 = %scan3A_50 to %scan3A_52 step %scan3A_53  : i32 {
        %mul3A_61 = arith.constant 4 : i32
        %mul3A_62 = arith.muli %scan3A_60, %mul3A_61 : i32
        %add3A_63 = arith.constant 0 : i32
        %add3A_64 = arith.addi %mul3A_62, %add3A_63 : i32
        %dma_wait3A_65 = arith.constant 0 : i32
        %dma_wait3A_66 = arith.constant 0 : i32
        %dma_wait3A_67 = tpu.memref_slice %arg4[%dma_wait3A_65, %dma_wait3A_66] : memref<10000x128xf32, #tpu.memory_space<hbm>> -> memref<80x128xf32, #tpu.memory_space<hbm>>
        %dma_wait3A_68 = arith.constant 0 : i32
        %dma_wait3A_69 = arith.constant 0 : i32
        %dma_wait3A_70 = tpu.memref_slice %arg4[%dma_wait3A_68, %dma_wait3A_69] : memref<10000x128xf32, #tpu.memory_space<hbm>> -> memref<80x128xf32, #tpu.memory_space<hbm>>
        tpu.wait_dma2 semaphore(%arg14 : memref<!tpu.dma_semaphore, #tpu.memory_space<semaphore_mem>>) src(%dma_wait3A_70 : memref<80x128xf32, #tpu.memory_space<hbm>>) dst(%arg9 : memref<80x128xf32, #tpu.memory_space<vmem>>)
        "tpu.region"() ({
          %run_scoped3A_120 = tpu.sem_alloc : memref<!tpu.dma_semaphore, #tpu.memory_space<semaphore_mem>>
          %dma_start3A_121 = arith.constant 0 : i32
          %dma_start3A_122 = tpu.memref_slice %arg8[%add3A_64, %dma_start3A_121] : memref<25x80xi32, #tpu.memory_space<vmem>> -> memref<1x80xi32, #tpu.memory_space<vmem>>
          %dma_start3A_123 = tpu.memref_squeeze %dma_start3A_122 : memref<1x80xi32, #tpu.memory_space<vmem>> -> memref<80xi32, #tpu.memory_space<vmem>>
          %dma_start3A_124 = arith.constant 0 : i32
          %dma_start3A_125 = arith.constant 0 : i32
          %dma_start3A_126 = tpu.memref_slice %arg13[%dma_start3A_124, %dma_start3A_125] : memref<10112x128xf32, #tpu.memory_space<vmem_shared>> -> memref<10112x128xf32, #tpu.memory_space<vmem_shared>>
          tpu.enqueue_indirect_dma source(%arg9 : memref<80x128xf32, #tpu.memory_space<vmem>>) target(%dma_start3A_126 : memref<10112x128xf32, #tpu.memory_space<vmem_shared>>) offsets(%dma_start3A_123 : memref<80xi32, #tpu.memory_space<vmem>>) semaphore(%run_scoped3A_120 : memref<!tpu.dma_semaphore, #tpu.memory_space<semaphore_mem>>) {add = true}
          %dma_wait3A_127 = arith.constant 0 : i32
          %dma_wait3A_128 = tpu.memref_slice %arg8[%add3A_64, %dma_wait3A_127] : memref<25x80xi32, #tpu.memory_space<vmem>> -> memref<1x80xi32, #tpu.memory_space<vmem>>
          %dma_wait3A_129 = tpu.memref_squeeze %dma_wait3A_128 : memref<1x80xi32, #tpu.memory_space<vmem>> -> memref<80xi32, #tpu.memory_space<vmem>>
          %dma_wait3A_130 = arith.constant 0 : i32
          %dma_wait3A_131 = arith.constant 0 : i32
          %dma_wait3A_132 = tpu.memref_slice %arg13[%dma_wait3A_130, %dma_wait3A_131] : memref<10112x128xf32, #tpu.memory_space<vmem_shared>> -> memref<10112x128xf32, #tpu.memory_space<vmem_shared>>
          tpu.wait_indirect_dma semaphore(%run_scoped3A_120 : memref<!tpu.dma_semaphore, #tpu.memory_space<semaphore_mem>>) src(%arg9 : memref<80x128xf32, #tpu.memory_space<vmem>>) dst(%dma_wait3A_132 : memref<10112x128xf32, #tpu.memory_space<vmem_shared>>)
          tpu.yield
        }) : () -> ()
        %add3A_71 = arith.constant 4 : i32
        %add3A_72 = arith.addi %add3A_64, %add3A_71 : i32
        %lt3A = arith.constant 25 : i32
        %lt3A_73 = arith.cmpi slt, %add3A_72, %lt3A : i32
        %convert_element_type3A = arith.extui %lt3A_73 : i1 to i32
        %cond3A = arith.constant 0 : i32
        %cond3A_74 = arith.cmpi ne, %convert_element_type3A, %cond3A : i32
        scf.if %cond3A_74 {
          %add3A_120 = arith.constant 4 : i32
          %add3A_121 = arith.addi %add3A_64, %add3A_120 : i32
          %dma_start3A_122 = arith.constant 0 : i32
          %dma_start3A_123 = tpu.memref_slice %arg7[%add3A_121, %dma_start3A_122] : memref<25x80xi32, #tpu.memory_space<vmem>> -> memref<1x80xi32, #tpu.memory_space<vmem>>
          %dma_start3A_124 = tpu.memref_squeeze %dma_start3A_123 : memref<1x80xi32, #tpu.memory_space<vmem>> -> memref<80xi32, #tpu.memory_space<vmem>>
          %dma_start3A_125 = arith.constant 0 : i32
          %dma_start3A_126 = arith.constant 0 : i32
          %dma_start3A_127 = tpu.memref_slice %arg4[%dma_start3A_125, %dma_start3A_126] : memref<10000x128xf32, #tpu.memory_space<hbm>> -> memref<10000x128xf32, #tpu.memory_space<hbm>>
          tpu.enqueue_indirect_dma source(%dma_start3A_127 : memref<10000x128xf32, #tpu.memory_space<hbm>>) target(%arg9 : memref<80x128xf32, #tpu.memory_space<vmem>>) offsets(%dma_start3A_124 : memref<80xi32, #tpu.memory_space<vmem>>) semaphore(%arg14 : memref<!tpu.dma_semaphore, #tpu.memory_space<semaphore_mem>>)
        } else {
        }
        %add3A_75 = arith.constant 1 : i32
        %add3A_76 = arith.addi %mul3A_62, %add3A_75 : i32
        %dma_wait3A_77 = arith.constant 0 : i32
        %dma_wait3A_78 = arith.constant 0 : i32
        %dma_wait3A_79 = tpu.memref_slice %arg4[%dma_wait3A_77, %dma_wait3A_78] : memref<10000x128xf32, #tpu.memory_space<hbm>> -> memref<80x128xf32, #tpu.memory_space<hbm>>
        %dma_wait3A_80 = arith.constant 0 : i32
        %dma_wait3A_81 = arith.constant 0 : i32
        %dma_wait3A_82 = tpu.memref_slice %arg4[%dma_wait3A_80, %dma_wait3A_81] : memref<10000x128xf32, #tpu.memory_space<hbm>> -> memref<80x128xf32, #tpu.memory_space<hbm>>
        tpu.wait_dma2 semaphore(%arg15 : memref<!tpu.dma_semaphore, #tpu.memory_space<semaphore_mem>>) src(%dma_wait3A_82 : memref<80x128xf32, #tpu.memory_space<hbm>>) dst(%arg10 : memref<80x128xf32, #tpu.memory_space<vmem>>)
        "tpu.region"() ({
          %run_scoped3A_120 = tpu.sem_alloc : memref<!tpu.dma_semaphore, #tpu.memory_space<semaphore_mem>>
          %dma_start3A_121 = arith.constant 0 : i32
          %dma_start3A_122 = tpu.memref_slice %arg8[%add3A_76, %dma_start3A_121] : memref<25x80xi32, #tpu.memory_space<vmem>> -> memref<1x80xi32, #tpu.memory_space<vmem>>
          %dma_start3A_123 = tpu.memref_squeeze %dma_start3A_122 : memref<1x80xi32, #tpu.memory_space<vmem>> -> memref<80xi32, #tpu.memory_space<vmem>>
          %dma_start3A_124 = arith.constant 0 : i32
          %dma_start3A_125 = arith.constant 0 : i32
          %dma_start3A_126 = tpu.memref_slice %arg13[%dma_start3A_124, %dma_start3A_125] : memref<10112x128xf32, #tpu.memory_space<vmem_shared>> -> memref<10112x128xf32, #tpu.memory_space<vmem_shared>>
          tpu.enqueue_indirect_dma source(%arg10 : memref<80x128xf32, #tpu.memory_space<vmem>>) target(%dma_start3A_126 : memref<10112x128xf32, #tpu.memory_space<vmem_shared>>) offsets(%dma_start3A_123 : memref<80xi32, #tpu.memory_space<vmem>>) semaphore(%run_scoped3A_120 : memref<!tpu.dma_semaphore, #tpu.memory_space<semaphore_mem>>) {add = true}
          %dma_wait3A_127 = arith.constant 0 : i32
          %dma_wait3A_128 = tpu.memref_slice %arg8[%add3A_76, %dma_wait3A_127] : memref<25x80xi32, #tpu.memory_space<vmem>> -> memref<1x80xi32, #tpu.memory_space<vmem>>
          %dma_wait3A_129 = tpu.memref_squeeze %dma_wait3A_128 : memref<1x80xi32, #tpu.memory_space<vmem>> -> memref<80xi32, #tpu.memory_space<vmem>>
          %dma_wait3A_130 = arith.constant 0 : i32
          %dma_wait3A_131 = arith.constant 0 : i32
          %dma_wait3A_132 = tpu.memref_slice %arg13[%dma_wait3A_130, %dma_wait3A_131] : memref<10112x128xf32, #tpu.memory_space<vmem_shared>> -> memref<10112x128xf32, #tpu.memory_space<vmem_shared>>
          tpu.wait_indirect_dma semaphore(%run_scoped3A_120 : memref<!tpu.dma_semaphore, #tpu.memory_space<semaphore_mem>>) src(%arg10 : memref<80x128xf32, #tpu.memory_space<vmem>>) dst(%dma_wait3A_132 : memref<10112x128xf32, #tpu.memory_space<vmem_shared>>)
          tpu.yield
        }) : () -> ()
        %add3A_83 = arith.constant 4 : i32
        %add3A_84 = arith.addi %add3A_76, %add3A_83 : i32
        %lt3A_85 = arith.constant 25 : i32
        %lt3A_86 = arith.cmpi slt, %add3A_84, %lt3A_85 : i32
        %convert_element_type3A_87 = arith.extui %lt3A_86 : i1 to i32
        %cond3A_88 = arith.constant 0 : i32
        %cond3A_89 = arith.cmpi ne, %convert_element_type3A_87, %cond3A_88 : i32
        scf.if %cond3A_89 {
          %add3A_120 = arith.constant 4 : i32
          %add3A_121 = arith.addi %add3A_76, %add3A_120 : i32
          %dma_start3A_122 = arith.constant 0 : i32
          %dma_start3A_123 = tpu.memref_slice %arg7[%add3A_121, %dma_start3A_122] : memref<25x80xi32, #tpu.memory_space<vmem>> -> memref<1x80xi32, #tpu.memory_space<vmem>>
          %dma_start3A_124 = tpu.memref_squeeze %dma_start3A_123 : memref<1x80xi32, #tpu.memory_space<vmem>> -> memref<80xi32, #tpu.memory_space<vmem>>
          %dma_start3A_125 = arith.constant 0 : i32
          %dma_start3A_126 = arith.constant 0 : i32
          %dma_start3A_127 = tpu.memref_slice %arg4[%dma_start3A_125, %dma_start3A_126] : memref<10000x128xf32, #tpu.memory_space<hbm>> -> memref<10000x128xf32, #tpu.memory_space<hbm>>
          tpu.enqueue_indirect_dma source(%dma_start3A_127 : memref<10000x128xf32, #tpu.memory_space<hbm>>) target(%arg10 : memref<80x128xf32, #tpu.memory_space<vmem>>) offsets(%dma_start3A_124 : memref<80xi32, #tpu.memory_space<vmem>>) semaphore(%arg15 : memref<!tpu.dma_semaphore, #tpu.memory_space<semaphore_mem>>)
        } else {
        }
        %add3A_90 = arith.constant 2 : i32
        %add3A_91 = arith.addi %mul3A_62, %add3A_90 : i32
        %dma_wait3A_92 = arith.constant 0 : i32
        %dma_wait3A_93 = arith.constant 0 : i32
        %dma_wait3A_94 = tpu.memref_slice %arg4[%dma_wait3A_92, %dma_wait3A_93] : memref<10000x128xf32, #tpu.memory_space<hbm>> -> memref<80x128xf32, #tpu.memory_space<hbm>>
        %dma_wait3A_95 = arith.constant 0 : i32
        %dma_wait3A_96 = arith.constant 0 : i32
        %dma_wait3A_97 = tpu.memref_slice %arg4[%dma_wait3A_95, %dma_wait3A_96] : memref<10000x128xf32, #tpu.memory_space<hbm>> -> memref<80x128xf32, #tpu.memory_space<hbm>>
        tpu.wait_dma2 semaphore(%arg16 : memref<!tpu.dma_semaphore, #tpu.memory_space<semaphore_mem>>) src(%dma_wait3A_97 : memref<80x128xf32, #tpu.memory_space<hbm>>) dst(%arg11 : memref<80x128xf32, #tpu.memory_space<vmem>>)
        "tpu.region"() ({
          %run_scoped3A_120 = tpu.sem_alloc : memref<!tpu.dma_semaphore, #tpu.memory_space<semaphore_mem>>
          %dma_start3A_121 = arith.constant 0 : i32
          %dma_start3A_122 = tpu.memref_slice %arg8[%add3A_91, %dma_start3A_121] : memref<25x80xi32, #tpu.memory_space<vmem>> -> memref<1x80xi32, #tpu.memory_space<vmem>>
          %dma_start3A_123 = tpu.memref_squeeze %dma_start3A_122 : memref<1x80xi32, #tpu.memory_space<vmem>> -> memref<80xi32, #tpu.memory_space<vmem>>
          %dma_start3A_124 = arith.constant 0 : i32
          %dma_start3A_125 = arith.constant 0 : i32
          %dma_start3A_126 = tpu.memref_slice %arg13[%dma_start3A_124, %dma_start3A_125] : memref<10112x128xf32, #tpu.memory_space<vmem_shared>> -> memref<10112x128xf32, #tpu.memory_space<vmem_shared>>
          tpu.enqueue_indirect_dma source(%arg11 : memref<80x128xf32, #tpu.memory_space<vmem>>) target(%dma_start3A_126 : memref<10112x128xf32, #tpu.memory_space<vmem_shared>>) offsets(%dma_start3A_123 : memref<80xi32, #tpu.memory_space<vmem>>) semaphore(%run_scoped3A_120 : memref<!tpu.dma_semaphore, #tpu.memory_space<semaphore_mem>>) {add = true}
          %dma_wait3A_127 = arith.constant 0 : i32
          %dma_wait3A_128 = tpu.memref_slice %arg8[%add3A_91, %dma_wait3A_127] : memref<25x80xi32, #tpu.memory_space<vmem>> -> memref<1x80xi32, #tpu.memory_space<vmem>>
          %dma_wait3A_129 = tpu.memref_squeeze %dma_wait3A_128 : memref<1x80xi32, #tpu.memory_space<vmem>> -> memref<80xi32, #tpu.memory_space<vmem>>
          %dma_wait3A_130 = arith.constant 0 : i32
          %dma_wait3A_131 = arith.constant 0 : i32
          %dma_wait3A_132 = tpu.memref_slice %arg13[%dma_wait3A_130, %dma_wait3A_131] : memref<10112x128xf32, #tpu.memory_space<vmem_shared>> -> memref<10112x128xf32, #tpu.memory_space<vmem_shared>>
          tpu.wait_indirect_dma semaphore(%run_scoped3A_120 : memref<!tpu.dma_semaphore, #tpu.memory_space<semaphore_mem>>) src(%arg11 : memref<80x128xf32, #tpu.memory_space<vmem>>) dst(%dma_wait3A_132 : memref<10112x128xf32, #tpu.memory_space<vmem_shared>>)
          tpu.yield
        }) : () -> ()
        %add3A_98 = arith.constant 4 : i32
        %add3A_99 = arith.addi %add3A_91, %add3A_98 : i32
        %lt3A_100 = arith.constant 25 : i32
        %lt3A_101 = arith.cmpi slt, %add3A_99, %lt3A_100 : i32
        %convert_element_type3A_102 = arith.extui %lt3A_101 : i1 to i32
        %cond3A_103 = arith.constant 0 : i32
        %cond3A_104 = arith.cmpi ne, %convert_element_type3A_102, %cond3A_103 : i32
        scf.if %cond3A_104 {
          %add3A_120 = arith.constant 4 : i32
          %add3A_121 = arith.addi %add3A_91, %add3A_120 : i32
          %dma_start3A_122 = arith.constant 0 : i32
          %dma_start3A_123 = tpu.memref_slice %arg7[%add3A_121, %dma_start3A_122] : memref<25x80xi32, #tpu.memory_space<vmem>> -> memref<1x80xi32, #tpu.memory_space<vmem>>
          %dma_start3A_124 = tpu.memref_squeeze %dma_start3A_123 : memref<1x80xi32, #tpu.memory_space<vmem>> -> memref<80xi32, #tpu.memory_space<vmem>>
          %dma_start3A_125 = arith.constant 0 : i32
          %dma_start3A_126 = arith.constant 0 : i32
          %dma_start3A_127 = tpu.memref_slice %arg4[%dma_start3A_125, %dma_start3A_126] : memref<10000x128xf32, #tpu.memory_space<hbm>> -> memref<10000x128xf32, #tpu.memory_space<hbm>>
          tpu.enqueue_indirect_dma source(%dma_start3A_127 : memref<10000x128xf32, #tpu.memory_space<hbm>>) target(%arg11 : memref<80x128xf32, #tpu.memory_space<vmem>>) offsets(%dma_start3A_124 : memref<80xi32, #tpu.memory_space<vmem>>) semaphore(%arg16 : memref<!tpu.dma_semaphore, #tpu.memory_space<semaphore_mem>>)
        } else {
        }
        %add3A_105 = arith.constant 3 : i32
        %add3A_106 = arith.addi %mul3A_62, %add3A_105 : i32
        %dma_wait3A_107 = arith.constant 0 : i32
        %dma_wait3A_108 = arith.constant 0 : i32
        %dma_wait3A_109 = tpu.memref_slice %arg4[%dma_wait3A_107, %dma_wait3A_108] : memref<10000x128xf32, #tpu.memory_space<hbm>> -> memref<80x128xf32, #tpu.memory_space<hbm>>
        %dma_wait3A_110 = arith.constant 0 : i32
        %dma_wait3A_111 = arith.constant 0 : i32
        %dma_wait3A_112 = tpu.memref_slice %arg4[%dma_wait3A_110, %dma_wait3A_111] : memref<10000x128xf32, #tpu.memory_space<hbm>> -> memref<80x128xf32, #tpu.memory_space<hbm>>
        tpu.wait_dma2 semaphore(%arg17 : memref<!tpu.dma_semaphore, #tpu.memory_space<semaphore_mem>>) src(%dma_wait3A_112 : memref<80x128xf32, #tpu.memory_space<hbm>>) dst(%arg12 : memref<80x128xf32, #tpu.memory_space<vmem>>)
        "tpu.region"() ({
          %run_scoped3A_120 = tpu.sem_alloc : memref<!tpu.dma_semaphore, #tpu.memory_space<semaphore_mem>>
          %dma_start3A_121 = arith.constant 0 : i32
          %dma_start3A_122 = tpu.memref_slice %arg8[%add3A_106, %dma_start3A_121] : memref<25x80xi32, #tpu.memory_space<vmem>> -> memref<1x80xi32, #tpu.memory_space<vmem>>
          %dma_start3A_123 = tpu.memref_squeeze %dma_start3A_122 : memref<1x80xi32, #tpu.memory_space<vmem>> -> memref<80xi32, #tpu.memory_space<vmem>>
          %dma_start3A_124 = arith.constant 0 : i32
          %dma_start3A_125 = arith.constant 0 : i32
          %dma_start3A_126 = tpu.memref_slice %arg13[%dma_start3A_124, %dma_start3A_125] : memref<10112x128xf32, #tpu.memory_space<vmem_shared>> -> memref<10112x128xf32, #tpu.memory_space<vmem_shared>>
          tpu.enqueue_indirect_dma source(%arg12 : memref<80x128xf32, #tpu.memory_space<vmem>>) target(%dma_start3A_126 : memref<10112x128xf32, #tpu.memory_space<vmem_shared>>) offsets(%dma_start3A_123 : memref<80xi32, #tpu.memory_space<vmem>>) semaphore(%run_scoped3A_120 : memref<!tpu.dma_semaphore, #tpu.memory_space<semaphore_mem>>) {add = true}
          %dma_wait3A_127 = arith.constant 0 : i32
          %dma_wait3A_128 = tpu.memref_slice %arg8[%add3A_106, %dma_wait3A_127] : memref<25x80xi32, #tpu.memory_space<vmem>> -> memref<1x80xi32, #tpu.memory_space<vmem>>
          %dma_wait3A_129 = tpu.memref_squeeze %dma_wait3A_128 : memref<1x80xi32, #tpu.memory_space<vmem>> -> memref<80xi32, #tpu.memory_space<vmem>>
          %dma_wait3A_130 = arith.constant 0 : i32
          %dma_wait3A_131 = arith.constant 0 : i32
          %dma_wait3A_132 = tpu.memref_slice %arg13[%dma_wait3A_130, %dma_wait3A_131] : memref<10112x128xf32, #tpu.memory_space<vmem_shared>> -> memref<10112x128xf32, #tpu.memory_space<vmem_shared>>
          tpu.wait_indirect_dma semaphore(%run_scoped3A_120 : memref<!tpu.dma_semaphore, #tpu.memory_space<semaphore_mem>>) src(%arg12 : memref<80x128xf32, #tpu.memory_space<vmem>>) dst(%dma_wait3A_132 : memref<10112x128xf32, #tpu.memory_space<vmem_shared>>)
          tpu.yield
        }) : () -> ()
        %add3A_113 = arith.constant 4 : i32
        %add3A_114 = arith.addi %add3A_106, %add3A_113 : i32
        %lt3A_115 = arith.constant 25 : i32
        %lt3A_116 = arith.cmpi slt, %add3A_114, %lt3A_115 : i32
        %convert_element_type3A_117 = arith.extui %lt3A_116 : i1 to i32
        %cond3A_118 = arith.constant 0 : i32
        %cond3A_119 = arith.cmpi ne, %convert_element_type3A_117, %cond3A_118 : i32
        scf.if %cond3A_119 {
          %add3A_120 = arith.constant 4 : i32
          %add3A_121 = arith.addi %add3A_106, %add3A_120 : i32
          %dma_start3A_122 = arith.constant 0 : i32
          %dma_start3A_123 = tpu.memref_slice %arg7[%add3A_121, %dma_start3A_122] : memref<25x80xi32, #tpu.memory_space<vmem>> -> memref<1x80xi32, #tpu.memory_space<vmem>>
          %dma_start3A_124 = tpu.memref_squeeze %dma_start3A_123 : memref<1x80xi32, #tpu.memory_space<vmem>> -> memref<80xi32, #tpu.memory_space<vmem>>
          %dma_start3A_125 = arith.constant 0 : i32
          %dma_start3A_126 = arith.constant 0 : i32
          %dma_start3A_127 = tpu.memref_slice %arg4[%dma_start3A_125, %dma_start3A_126] : memref<10000x128xf32, #tpu.memory_space<hbm>> -> memref<10000x128xf32, #tpu.memory_space<hbm>>
          tpu.enqueue_indirect_dma source(%dma_start3A_127 : memref<10000x128xf32, #tpu.memory_space<hbm>>) target(%arg12 : memref<80x128xf32, #tpu.memory_space<vmem>>) offsets(%dma_start3A_124 : memref<80xi32, #tpu.memory_space<vmem>>) semaphore(%arg17 : memref<!tpu.dma_semaphore, #tpu.memory_space<semaphore_mem>>)
        } else {
        }
      }
      %scan3A_54 = arith.constant 6 : i32
      %dma_wait3A = arith.constant 0 : i32
      %dma_wait3A_55 = arith.constant 0 : i32
      %dma_wait3A_56 = tpu.memref_slice %arg4[%dma_wait3A, %dma_wait3A_55] : memref<10000x128xf32, #tpu.memory_space<hbm>> -> memref<80x128xf32, #tpu.memory_space<hbm>>
      %dma_wait3A_57 = arith.constant 0 : i32
      %dma_wait3A_58 = arith.constant 0 : i32
      %dma_wait3A_59 = tpu.memref_slice %arg4[%dma_wait3A_57, %dma_wait3A_58] : memref<10000x128xf32, #tpu.memory_space<hbm>> -> memref<80x128xf32, #tpu.memory_space<hbm>>
      tpu.wait_dma2 semaphore(%arg14 : memref<!tpu.dma_semaphore, #tpu.memory_space<semaphore_mem>>) src(%dma_wait3A_59 : memref<80x128xf32, #tpu.memory_space<hbm>>) dst(%arg9 : memref<80x128xf32, #tpu.memory_space<vmem>>)
      %run_scoped3A = arith.constant 24 : i32
      "tpu.region"() ({
        %run_scoped3A_60 = tpu.sem_alloc : memref<!tpu.dma_semaphore, #tpu.memory_space<semaphore_mem>>
        %dma_start3A_61 = arith.constant 0 : i32
        %dma_start3A_62 = tpu.memref_slice %arg8[%run_scoped3A, %dma_start3A_61] : memref<25x80xi32, #tpu.memory_space<vmem>> -> memref<1x80xi32, #tpu.memory_space<vmem>>
        %dma_start3A_63 = tpu.memref_squeeze %dma_start3A_62 : memref<1x80xi32, #tpu.memory_space<vmem>> -> memref<80xi32, #tpu.memory_space<vmem>>
        %dma_start3A_64 = arith.constant 0 : i32
        %dma_start3A_65 = arith.constant 0 : i32
        %dma_start3A_66 = tpu.memref_slice %arg13[%dma_start3A_64, %dma_start3A_65] : memref<10112x128xf32, #tpu.memory_space<vmem_shared>> -> memref<10112x128xf32, #tpu.memory_space<vmem_shared>>
        tpu.enqueue_indirect_dma source(%arg9 : memref<80x128xf32, #tpu.memory_space<vmem>>) target(%dma_start3A_66 : memref<10112x128xf32, #tpu.memory_space<vmem_shared>>) offsets(%dma_start3A_63 : memref<80xi32, #tpu.memory_space<vmem>>) semaphore(%run_scoped3A_60 : memref<!tpu.dma_semaphore, #tpu.memory_space<semaphore_mem>>) {add = true}
        %dma_wait3A_67 = arith.constant 0 : i32
        %dma_wait3A_68 = tpu.memref_slice %arg8[%run_scoped3A, %dma_wait3A_67] : memref<25x80xi32, #tpu.memory_space<vmem>> -> memref<1x80xi32, #tpu.memory_space<vmem>>
        %dma_wait3A_69 = tpu.memref_squeeze %dma_wait3A_68 : memref<1x80xi32, #tpu.memory_space<vmem>> -> memref<80xi32, #tpu.memory_space<vmem>>
        %dma_wait3A_70 = arith.constant 0 : i32
        %dma_wait3A_71 = arith.constant 0 : i32
        %dma_wait3A_72 = tpu.memref_slice %arg13[%dma_wait3A_70, %dma_wait3A_71] : memref<10112x128xf32, #tpu.memory_space<vmem_shared>> -> memref<10112x128xf32, #tpu.memory_space<vmem_shared>>
        tpu.wait_indirect_dma semaphore(%run_scoped3A_60 : memref<!tpu.dma_semaphore, #tpu.memory_space<semaphore_mem>>) src(%arg9 : memref<80x128xf32, #tpu.memory_space<vmem>>) dst(%dma_wait3A_72 : memref<10112x128xf32, #tpu.memory_space<vmem_shared>>)
        tpu.yield
      }) : () -> ()
    }
    %scan3A_9 = arith.constant 5 : i32
    %barrier3A_10 = arith.constant 0 : index
    tpu.barrier barrier_id(%barrier3A_10)
    %mul3A_11 = arith.constant 632 : i32
    %mul3A_12 = arith.muli %arg1, %mul3A_11 : i32
    %mul3A_13 = arith.constant 632 : i32
    %mul3A_14 = arith.muli %arg1, %mul3A_13 : i32
    "tpu.region"() ({
      %run_scoped3A = tpu.sem_alloc : memref<!tpu.dma_semaphore, #tpu.memory_space<semaphore_mem>>
      %dma_start3A = arith.constant 0 : i32
      %dma_start3A_15 = tpu.memref_slice %arg6[%arg0, %mul3A_14, %dma_start3A] : memref<2x10112x128xf32, #tpu.memory_space<hbm>> -> memref<1x632x128xf32, #tpu.memory_space<hbm>>
      %dma_start3A_16 = tpu.memref_squeeze %dma_start3A_15 : memref<1x632x128xf32, #tpu.memory_space<hbm>> -> memref<632x128xf32, #tpu.memory_space<hbm>>
      %dma_start3A_17 = arith.constant 0 : i32
      %dma_start3A_18 = tpu.memref_slice %arg13[%mul3A_12, %dma_start3A_17] : memref<10112x128xf32, #tpu.memory_space<vmem_shared>> -> memref<632x128xf32, #tpu.memory_space<vmem_shared>>
      tpu.enqueue_dma source(%dma_start3A_18 : memref<632x128xf32, #tpu.memory_space<vmem_shared>>) target(%dma_start3A_16 : memref<632x128xf32, #tpu.memory_space<hbm>>) target_semaphore(%run_scoped3A : memref<!tpu.dma_semaphore, #tpu.memory_space<semaphore_mem>>)
      %dma_wait3A = arith.constant 0 : i32
      %dma_wait3A_19 = tpu.memref_slice %arg6[%arg0, %mul3A_14, %dma_wait3A] : memref<2x10112x128xf32, #tpu.memory_space<hbm>> -> memref<1x632x128xf32, #tpu.memory_space<hbm>>
      %dma_wait3A_20 = tpu.memref_squeeze %dma_wait3A_19 : memref<1x632x128xf32, #tpu.memory_space<hbm>> -> memref<632x128xf32, #tpu.memory_space<hbm>>
      %dma_wait3A_21 = arith.constant 0 : i32
      %dma_wait3A_22 = tpu.memref_slice %arg13[%mul3A_12, %dma_wait3A_21] : memref<10112x128xf32, #tpu.memory_space<vmem_shared>> -> memref<632x128xf32, #tpu.memory_space<vmem_shared>>
      tpu.wait_dma2 semaphore(%run_scoped3A : memref<!tpu.dma_semaphore, #tpu.memory_space<semaphore_mem>>) src(%dma_wait3A_22 : memref<632x128xf32, #tpu.memory_space<vmem_shared>>) dst(%dma_wait3A_20 : memref<632x128xf32, #tpu.memory_space<hbm>>)
      tpu.yield
    }) : () -> ()
    return
  }
}

#map = affine_map<(d0, d1) -> (0, 0, 0)>
#map1 = affine_map<(d0, d1) -> (0, 0)>
module attributes {stable_mosaic.version = 14 : i64} {
  func.func @_prop_body(%arg0: i32, %arg1: i32, %arg2: memref<160x25x80xi32, #tpu.memory_space<hbm>>, %arg3: memref<160x25x80xi32, #tpu.memory_space<hbm>>, %arg4: memref<10000x128xf32, #tpu.memory_space<hbm>>, %arg5: memref<10112x128xf32, #tpu.memory_space<hbm>>, %arg6: memref<2x10112x128xf32, #tpu.memory_space<hbm>>, %arg7: memref<25x80xi32, #tpu.memory_space<vmem>>, %arg8: memref<25x80xi32, #tpu.memory_space<vmem>>, %arg9: memref<80x128xf32, #tpu.memory_space<vmem>>, %arg10: memref<80x128xf32, #tpu.memory_space<vmem>>, %arg11: memref<80x128xf32, #tpu.memory_space<vmem>>, %arg12: memref<80x128xf32, #tpu.memory_space<vmem>>, %arg13: memref<10112x128xf32, #tpu.memory_space<vmem_shared>>, %arg14: memref<!tpu.dma_semaphore, #tpu.memory_space<semaphore_mem>>, %arg15: memref<!tpu.dma_semaphore, #tpu.memory_space<semaphore_mem>>, %arg16: memref<!tpu.dma_semaphore, #tpu.memory_space<semaphore_mem>>, %arg17: memref<!tpu.dma_semaphore, #tpu.memory_space<semaphore_mem>>) attributes {dimension_semantics = [#tpu.dimension_semantics<core_parallel>, #tpu.dimension_semantics<subcore_parallel>], iteration_bounds = array<i64: 2, 16>, scalar_prefetch = 0 : i64, scratch_operands = 11 : i64, tpu.core_type = #tpu.core_type<sc_vector_subcore>, window_params = [{transform_indices = #map}, {transform_indices = #map}, {transform_indices = #map1}, {transform_indices = #map1}, {transform_indices = #map}]} {
    %mul3A = arith.constant 16 : i32
    %mul3A_0 = arith.muli %arg0, %mul3A : i32
    %add3A = arith.addi %mul3A_0, %arg1 : i32
    %mul3A_1 = arith.constant 632 : i32
    %mul3A_2 = arith.muli %arg1, %mul3A_1 : i32
    %mul3A_3 = arith.constant 632 : i32
    %mul3A_4 = arith.muli %arg1, %mul3A_3 : i32
    "tpu.region"() ({
      %run_scoped3A = tpu.sem_alloc : memref<!tpu.dma_semaphore, #tpu.memory_space<semaphore_mem>>
      %dma_start3A = arith.constant 0 : i32
      %dma_start3A_15 = tpu.memref_slice %arg13[%mul3A_4, %dma_start3A] : memref<10112x128xf32, #tpu.memory_space<vmem_shared>> -> memref<632x128xf32, #tpu.memory_space<vmem_shared>>
      %dma_start3A_16 = arith.constant 0 : i32
      %dma_start3A_17 = tpu.memref_slice %arg5[%mul3A_2, %dma_start3A_16] : memref<10112x128xf32, #tpu.memory_space<hbm>> -> memref<632x128xf32, #tpu.memory_space<hbm>>
      tpu.enqueue_dma source(%dma_start3A_17 : memref<632x128xf32, #tpu.memory_space<hbm>>) target(%dma_start3A_15 : memref<632x128xf32, #tpu.memory_space<vmem_shared>>) target_semaphore(%run_scoped3A : memref<!tpu.dma_semaphore, #tpu.memory_space<semaphore_mem>>)
      %dma_wait3A = arith.constant 0 : i32
      %dma_wait3A_18 = tpu.memref_slice %arg13[%mul3A_4, %dma_wait3A] : memref<10112x128xf32, #tpu.memory_space<vmem_shared>> -> memref<632x128xf32, #tpu.memory_space<vmem_shared>>
      %dma_wait3A_19 = arith.constant 0 : i32
      %dma_wait3A_20 = tpu.memref_slice %arg5[%mul3A_2, %dma_wait3A_19] : memref<10112x128xf32, #tpu.memory_space<hbm>> -> memref<632x128xf32, #tpu.memory_space<hbm>>
      tpu.wait_dma2 semaphore(%run_scoped3A : memref<!tpu.dma_semaphore, #tpu.memory_space<semaphore_mem>>) src(%dma_wait3A_20 : memref<632x128xf32, #tpu.memory_space<hbm>>) dst(%dma_wait3A_18 : memref<632x128xf32, #tpu.memory_space<vmem_shared>>)
      tpu.yield
    }) : () -> ()
    %barrier3A = arith.constant 0 : index
    tpu.barrier barrier_id(%barrier3A)
    %scan3A = arith.constant 0 : i32
    %scan3A_5 = arith.constant 0 : i32
    %scan3A_6 = arith.constant 5 : i32
    %scan3A_7 = arith.addi %scan3A_5, %scan3A_6 : i32
    %scan3A_8 = arith.constant 1 : i32
    scf.for %scan3A_15 = %scan3A_5 to %scan3A_7 step %scan3A_8  : i32 {
      %mul3A_16 = arith.constant 5 : i32
      %mul3A_17 = arith.muli %add3A, %mul3A_16 : i32
      %add3A_18 = arith.addi %mul3A_17, %scan3A_15 : i32
      "tpu.region"() ({
        %run_scoped3A_60 = tpu.sem_alloc : memref<!tpu.dma_semaphore, #tpu.memory_space<semaphore_mem>>
        %dma_start3A_61 = arith.constant 0 : i32
        %dma_start3A_62 = arith.constant 0 : i32
        %dma_start3A_63 = tpu.memref_slice %arg2[%add3A_18, %dma_start3A_61, %dma_start3A_62] : memref<160x25x80xi32, #tpu.memory_space<hbm>> -> memref<1x25x80xi32, #tpu.memory_space<hbm>>
        %dma_start3A_64 = tpu.memref_squeeze %dma_start3A_63 : memref<1x25x80xi32, #tpu.memory_space<hbm>> -> memref<25x80xi32, #tpu.memory_space<hbm>>
        %dma_start3A_65 = arith.constant 0 : i32
        %dma_start3A_66 = arith.constant 0 : i32
        %dma_start3A_67 = tpu.memref_slice %arg2[%add3A_18, %dma_start3A_65, %dma_start3A_66] : memref<160x25x80xi32, #tpu.memory_space<hbm>> -> memref<1x25x80xi32, #tpu.memory_space<hbm>>
        %dma_start3A_68 = tpu.memref_squeeze %dma_start3A_67 : memref<1x25x80xi32, #tpu.memory_space<hbm>> -> memref<25x80xi32, #tpu.memory_space<hbm>>
        tpu.enqueue_dma source(%dma_start3A_68 : memref<25x80xi32, #tpu.memory_space<hbm>>) target(%arg7 : memref<25x80xi32, #tpu.memory_space<vmem>>) target_semaphore(%run_scoped3A_60 : memref<!tpu.dma_semaphore, #tpu.memory_space<semaphore_mem>>)
        %dma_wait3A_69 = arith.constant 0 : i32
        %dma_wait3A_70 = arith.constant 0 : i32
        %dma_wait3A_71 = tpu.memref_slice %arg2[%add3A_18, %dma_wait3A_69, %dma_wait3A_70] : memref<160x25x80xi32, #tpu.memory_space<hbm>> -> memref<1x25x80xi32, #tpu.memory_space<hbm>>
        %dma_wait3A_72 = tpu.memref_squeeze %dma_wait3A_71 : memref<1x25x80xi32, #tpu.memory_space<hbm>> -> memref<25x80xi32, #tpu.memory_space<hbm>>
        %dma_wait3A_73 = arith.constant 0 : i32
        %dma_wait3A_74 = arith.constant 0 : i32
        %dma_wait3A_75 = tpu.memref_slice %arg2[%add3A_18, %dma_wait3A_73, %dma_wait3A_74] : memref<160x25x80xi32, #tpu.memory_space<hbm>> -> memref<1x25x80xi32, #tpu.memory_space<hbm>>
        %dma_wait3A_76 = tpu.memref_squeeze %dma_wait3A_75 : memref<1x25x80xi32, #tpu.memory_space<hbm>> -> memref<25x80xi32, #tpu.memory_space<hbm>>
        tpu.wait_dma2 semaphore(%run_scoped3A_60 : memref<!tpu.dma_semaphore, #tpu.memory_space<semaphore_mem>>) src(%dma_wait3A_76 : memref<25x80xi32, #tpu.memory_space<hbm>>) dst(%arg7 : memref<25x80xi32, #tpu.memory_space<vmem>>)
        tpu.yield
      }) : () -> ()
      %mul3A_19 = arith.constant 5 : i32
      %mul3A_20 = arith.muli %add3A, %mul3A_19 : i32
      %add3A_21 = arith.addi %mul3A_20, %scan3A_15 : i32
      "tpu.region"() ({
        %run_scoped3A_60 = tpu.sem_alloc : memref<!tpu.dma_semaphore, #tpu.memory_space<semaphore_mem>>
        %dma_start3A_61 = arith.constant 0 : i32
        %dma_start3A_62 = arith.constant 0 : i32
        %dma_start3A_63 = tpu.memref_slice %arg3[%add3A_21, %dma_start3A_61, %dma_start3A_62] : memref<160x25x80xi32, #tpu.memory_space<hbm>> -> memref<1x25x80xi32, #tpu.memory_space<hbm>>
        %dma_start3A_64 = tpu.memref_squeeze %dma_start3A_63 : memref<1x25x80xi32, #tpu.memory_space<hbm>> -> memref<25x80xi32, #tpu.memory_space<hbm>>
        %dma_start3A_65 = arith.constant 0 : i32
        %dma_start3A_66 = arith.constant 0 : i32
        %dma_start3A_67 = tpu.memref_slice %arg3[%add3A_21, %dma_start3A_65, %dma_start3A_66] : memref<160x25x80xi32, #tpu.memory_space<hbm>> -> memref<1x25x80xi32, #tpu.memory_space<hbm>>
        %dma_start3A_68 = tpu.memref_squeeze %dma_start3A_67 : memref<1x25x80xi32, #tpu.memory_space<hbm>> -> memref<25x80xi32, #tpu.memory_space<hbm>>
        tpu.enqueue_dma source(%dma_start3A_68 : memref<25x80xi32, #tpu.memory_space<hbm>>) target(%arg8 : memref<25x80xi32, #tpu.memory_space<vmem>>) target_semaphore(%run_scoped3A_60 : memref<!tpu.dma_semaphore, #tpu.memory_space<semaphore_mem>>)
        %dma_wait3A_69 = arith.constant 0 : i32
        %dma_wait3A_70 = arith.constant 0 : i32
        %dma_wait3A_71 = tpu.memref_slice %arg3[%add3A_21, %dma_wait3A_69, %dma_wait3A_70] : memref<160x25x80xi32, #tpu.memory_space<hbm>> -> memref<1x25x80xi32, #tpu.memory_space<hbm>>
        %dma_wait3A_72 = tpu.memref_squeeze %dma_wait3A_71 : memref<1x25x80xi32, #tpu.memory_space<hbm>> -> memref<25x80xi32, #tpu.memory_space<hbm>>
        %dma_wait3A_73 = arith.constant 0 : i32
        %dma_wait3A_74 = arith.constant 0 : i32
        %dma_wait3A_75 = tpu.memref_slice %arg3[%add3A_21, %dma_wait3A_73, %dma_wait3A_74] : memref<160x25x80xi32, #tpu.memory_space<hbm>> -> memref<1x25x80xi32, #tpu.memory_space<hbm>>
        %dma_wait3A_76 = tpu.memref_squeeze %dma_wait3A_75 : memref<1x25x80xi32, #tpu.memory_space<hbm>> -> memref<25x80xi32, #tpu.memory_space<hbm>>
        tpu.wait_dma2 semaphore(%run_scoped3A_60 : memref<!tpu.dma_semaphore, #tpu.memory_space<semaphore_mem>>) src(%dma_wait3A_76 : memref<25x80xi32, #tpu.memory_space<hbm>>) dst(%arg8 : memref<25x80xi32, #tpu.memory_space<vmem>>)
        tpu.yield
      }) : () -> ()
      %dma_start3A = arith.constant 0 : i32
      %dma_start3A_22 = arith.constant 0 : i32
      %dma_start3A_23 = tpu.memref_slice %arg7[%dma_start3A, %dma_start3A_22] : memref<25x80xi32, #tpu.memory_space<vmem>> -> memref<1x80xi32, #tpu.memory_space<vmem>>
      %dma_start3A_24 = tpu.memref_squeeze %dma_start3A_23 : memref<1x80xi32, #tpu.memory_space<vmem>> -> memref<80xi32, #tpu.memory_space<vmem>>
      %dma_start3A_25 = arith.constant 0 : i32
      %dma_start3A_26 = arith.constant 0 : i32
      %dma_start3A_27 = tpu.memref_slice %arg4[%dma_start3A_25, %dma_start3A_26] : memref<10000x128xf32, #tpu.memory_space<hbm>> -> memref<10000x128xf32, #tpu.memory_space<hbm>>
      tpu.enqueue_indirect_dma source(%dma_start3A_27 : memref<10000x128xf32, #tpu.memory_space<hbm>>) target(%arg9 : memref<80x128xf32, #tpu.memory_space<vmem>>) offsets(%dma_start3A_24 : memref<80xi32, #tpu.memory_space<vmem>>) semaphore(%arg14 : memref<!tpu.dma_semaphore, #tpu.memory_space<semaphore_mem>>)
      %dma_start3A_28 = arith.constant 1 : i32
      %dma_start3A_29 = arith.constant 0 : i32
      %dma_start3A_30 = tpu.memref_slice %arg7[%dma_start3A_28, %dma_start3A_29] : memref<25x80xi32, #tpu.memory_space<vmem>> -> memref<1x80xi32, #tpu.memory_space<vmem>>
      %dma_start3A_31 = tpu.memref_squeeze %dma_start3A_30 : memref<1x80xi32, #tpu.memory_space<vmem>> -> memref<80xi32, #tpu.memory_space<vmem>>
      %dma_start3A_32 = arith.constant 0 : i32
      %dma_start3A_33 = arith.constant 0 : i32
      %dma_start3A_34 = tpu.memref_slice %arg4[%dma_start3A_32, %dma_start3A_33] : memref<10000x128xf32, #tpu.memory_space<hbm>> -> memref<10000x128xf32, #tpu.memory_space<hbm>>
      tpu.enqueue_indirect_dma source(%dma_start3A_34 : memref<10000x128xf32, #tpu.memory_space<hbm>>) target(%arg10 : memref<80x128xf32, #tpu.memory_space<vmem>>) offsets(%dma_start3A_31 : memref<80xi32, #tpu.memory_space<vmem>>) semaphore(%arg15 : memref<!tpu.dma_semaphore, #tpu.memory_space<semaphore_mem>>)
      %dma_start3A_35 = arith.constant 2 : i32
      %dma_start3A_36 = arith.constant 0 : i32
      %dma_start3A_37 = tpu.memref_slice %arg7[%dma_start3A_35, %dma_start3A_36] : memref<25x80xi32, #tpu.memory_space<vmem>> -> memref<1x80xi32, #tpu.memory_space<vmem>>
      %dma_start3A_38 = tpu.memref_squeeze %dma_start3A_37 : memref<1x80xi32, #tpu.memory_space<vmem>> -> memref<80xi32, #tpu.memory_space<vmem>>
      %dma_start3A_39 = arith.constant 0 : i32
      %dma_start3A_40 = arith.constant 0 : i32
      %dma_start3A_41 = tpu.memref_slice %arg4[%dma_start3A_39, %dma_start3A_40] : memref<10000x128xf32, #tpu.memory_space<hbm>> -> memref<10000x128xf32, #tpu.memory_space<hbm>>
      tpu.enqueue_indirect_dma source(%dma_start3A_41 : memref<10000x128xf32, #tpu.memory_space<hbm>>) target(%arg11 : memref<80x128xf32, #tpu.memory_space<vmem>>) offsets(%dma_start3A_38 : memref<80xi32, #tpu.memory_space<vmem>>) semaphore(%arg16 : memref<!tpu.dma_semaphore, #tpu.memory_space<semaphore_mem>>)
      %dma_start3A_42 = arith.constant 3 : i32
      %dma_start3A_43 = arith.constant 0 : i32
      %dma_start3A_44 = tpu.memref_slice %arg7[%dma_start3A_42, %dma_start3A_43] : memref<25x80xi32, #tpu.memory_space<vmem>> -> memref<1x80xi32, #tpu.memory_space<vmem>>
      %dma_start3A_45 = tpu.memref_squeeze %dma_start3A_44 : memref<1x80xi32, #tpu.memory_space<vmem>> -> memref<80xi32, #tpu.memory_space<vmem>>
      %dma_start3A_46 = arith.constant 0 : i32
      %dma_start3A_47 = arith.constant 0 : i32
      %dma_start3A_48 = tpu.memref_slice %arg4[%dma_start3A_46, %dma_start3A_47] : memref<10000x128xf32, #tpu.memory_space<hbm>> -> memref<10000x128xf32, #tpu.memory_space<hbm>>
      tpu.enqueue_indirect_dma source(%dma_start3A_48 : memref<10000x128xf32, #tpu.memory_space<hbm>>) target(%arg12 : memref<80x128xf32, #tpu.memory_space<vmem>>) offsets(%dma_start3A_45 : memref<80xi32, #tpu.memory_space<vmem>>) semaphore(%arg17 : memref<!tpu.dma_semaphore, #tpu.memory_space<semaphore_mem>>)
      %scan3A_49 = arith.constant 0 : i32
      %scan3A_50 = arith.constant 0 : i32
      %scan3A_51 = arith.constant 6 : i32
      %scan3A_52 = arith.addi %scan3A_50, %scan3A_51 : i32
      %scan3A_53 = arith.constant 1 : i32
      scf.for %scan3A_60 = %scan3A_50 to %scan3A_52 step %scan3A_53  : i32 {
        %mul3A_61 = arith.constant 4 : i32
        %mul3A_62 = arith.muli %scan3A_60, %mul3A_61 : i32
        %add3A_63 = arith.constant 0 : i32
        %add3A_64 = arith.addi %mul3A_62, %add3A_63 : i32
        %dma_wait3A_65 = arith.constant 0 : i32
        %dma_wait3A_66 = arith.constant 0 : i32
        %dma_wait3A_67 = tpu.memref_slice %arg4[%dma_wait3A_65, %dma_wait3A_66] : memref<10000x128xf32, #tpu.memory_space<hbm>> -> memref<80x128xf32, #tpu.memory_space<hbm>>
        %dma_wait3A_68 = arith.constant 0 : i32
        %dma_wait3A_69 = arith.constant 0 : i32
        %dma_wait3A_70 = tpu.memref_slice %arg4[%dma_wait3A_68, %dma_wait3A_69] : memref<10000x128xf32, #tpu.memory_space<hbm>> -> memref<80x128xf32, #tpu.memory_space<hbm>>
        tpu.wait_dma2 semaphore(%arg14 : memref<!tpu.dma_semaphore, #tpu.memory_space<semaphore_mem>>) src(%dma_wait3A_70 : memref<80x128xf32, #tpu.memory_space<hbm>>) dst(%arg9 : memref<80x128xf32, #tpu.memory_space<vmem>>)
        "tpu.region"() ({
          %run_scoped3A_120 = tpu.sem_alloc : memref<!tpu.dma_semaphore, #tpu.memory_space<semaphore_mem>>
          %dma_start3A_121 = arith.constant 0 : i32
          %dma_start3A_122 = tpu.memref_slice %arg8[%add3A_64, %dma_start3A_121] : memref<25x80xi32, #tpu.memory_space<vmem>> -> memref<1x80xi32, #tpu.memory_space<vmem>>
          %dma_start3A_123 = tpu.memref_squeeze %dma_start3A_122 : memref<1x80xi32, #tpu.memory_space<vmem>> -> memref<80xi32, #tpu.memory_space<vmem>>
          %dma_start3A_124 = arith.constant 0 : i32
          %dma_start3A_125 = arith.constant 0 : i32
          %dma_start3A_126 = tpu.memref_slice %arg13[%dma_start3A_124, %dma_start3A_125] : memref<10112x128xf32, #tpu.memory_space<vmem_shared>> -> memref<10112x128xf32, #tpu.memory_space<vmem_shared>>
          tpu.enqueue_indirect_dma source(%arg9 : memref<80x128xf32, #tpu.memory_space<vmem>>) target(%dma_start3A_126 : memref<10112x128xf32, #tpu.memory_space<vmem_shared>>) offsets(%dma_start3A_123 : memref<80xi32, #tpu.memory_space<vmem>>) semaphore(%run_scoped3A_120 : memref<!tpu.dma_semaphore, #tpu.memory_space<semaphore_mem>>) {add = true}
          %dma_wait3A_127 = arith.constant 0 : i32
          %dma_wait3A_128 = tpu.memref_slice %arg8[%add3A_64, %dma_wait3A_127] : memref<25x80xi32, #tpu.memory_space<vmem>> -> memref<1x80xi32, #tpu.memory_space<vmem>>
          %dma_wait3A_129 = tpu.memref_squeeze %dma_wait3A_128 : memref<1x80xi32, #tpu.memory_space<vmem>> -> memref<80xi32, #tpu.memory_space<vmem>>
          %dma_wait3A_130 = arith.constant 0 : i32
          %dma_wait3A_131 = arith.constant 0 : i32
          %dma_wait3A_132 = tpu.memref_slice %arg13[%dma_wait3A_130, %dma_wait3A_131] : memref<10112x128xf32, #tpu.memory_space<vmem_shared>> -> memref<10112x128xf32, #tpu.memory_space<vmem_shared>>
          tpu.wait_indirect_dma semaphore(%run_scoped3A_120 : memref<!tpu.dma_semaphore, #tpu.memory_space<semaphore_mem>>) src(%arg9 : memref<80x128xf32, #tpu.memory_space<vmem>>) dst(%dma_wait3A_132 : memref<10112x128xf32, #tpu.memory_space<vmem_shared>>)
          tpu.yield
        }) : () -> ()
        %add3A_71 = arith.constant 4 : i32
        %add3A_72 = arith.addi %add3A_64, %add3A_71 : i32
        %lt3A = arith.constant 25 : i32
        %lt3A_73 = arith.cmpi slt, %add3A_72, %lt3A : i32
        %convert_element_type3A = arith.extui %lt3A_73 : i1 to i32
        %cond3A = arith.constant 0 : i32
        %cond3A_74 = arith.cmpi ne, %convert_element_type3A, %cond3A : i32
        scf.if %cond3A_74 {
          %add3A_120 = arith.constant 4 : i32
          %add3A_121 = arith.addi %add3A_64, %add3A_120 : i32
          %dma_start3A_122 = arith.constant 0 : i32
          %dma_start3A_123 = tpu.memref_slice %arg7[%add3A_121, %dma_start3A_122] : memref<25x80xi32, #tpu.memory_space<vmem>> -> memref<1x80xi32, #tpu.memory_space<vmem>>
          %dma_start3A_124 = tpu.memref_squeeze %dma_start3A_123 : memref<1x80xi32, #tpu.memory_space<vmem>> -> memref<80xi32, #tpu.memory_space<vmem>>
          %dma_start3A_125 = arith.constant 0 : i32
          %dma_start3A_126 = arith.constant 0 : i32
          %dma_start3A_127 = tpu.memref_slice %arg4[%dma_start3A_125, %dma_start3A_126] : memref<10000x128xf32, #tpu.memory_space<hbm>> -> memref<10000x128xf32, #tpu.memory_space<hbm>>
          tpu.enqueue_indirect_dma source(%dma_start3A_127 : memref<10000x128xf32, #tpu.memory_space<hbm>>) target(%arg9 : memref<80x128xf32, #tpu.memory_space<vmem>>) offsets(%dma_start3A_124 : memref<80xi32, #tpu.memory_space<vmem>>) semaphore(%arg14 : memref<!tpu.dma_semaphore, #tpu.memory_space<semaphore_mem>>)
        } else {
        }
        %add3A_75 = arith.constant 1 : i32
        %add3A_76 = arith.addi %mul3A_62, %add3A_75 : i32
        %dma_wait3A_77 = arith.constant 0 : i32
        %dma_wait3A_78 = arith.constant 0 : i32
        %dma_wait3A_79 = tpu.memref_slice %arg4[%dma_wait3A_77, %dma_wait3A_78] : memref<10000x128xf32, #tpu.memory_space<hbm>> -> memref<80x128xf32, #tpu.memory_space<hbm>>
        %dma_wait3A_80 = arith.constant 0 : i32
        %dma_wait3A_81 = arith.constant 0 : i32
        %dma_wait3A_82 = tpu.memref_slice %arg4[%dma_wait3A_80, %dma_wait3A_81] : memref<10000x128xf32, #tpu.memory_space<hbm>> -> memref<80x128xf32, #tpu.memory_space<hbm>>
        tpu.wait_dma2 semaphore(%arg15 : memref<!tpu.dma_semaphore, #tpu.memory_space<semaphore_mem>>) src(%dma_wait3A_82 : memref<80x128xf32, #tpu.memory_space<hbm>>) dst(%arg10 : memref<80x128xf32, #tpu.memory_space<vmem>>)
        "tpu.region"() ({
          %run_scoped3A_120 = tpu.sem_alloc : memref<!tpu.dma_semaphore, #tpu.memory_space<semaphore_mem>>
          %dma_start3A_121 = arith.constant 0 : i32
          %dma_start3A_122 = tpu.memref_slice %arg8[%add3A_76, %dma_start3A_121] : memref<25x80xi32, #tpu.memory_space<vmem>> -> memref<1x80xi32, #tpu.memory_space<vmem>>
          %dma_start3A_123 = tpu.memref_squeeze %dma_start3A_122 : memref<1x80xi32, #tpu.memory_space<vmem>> -> memref<80xi32, #tpu.memory_space<vmem>>
          %dma_start3A_124 = arith.constant 0 : i32
          %dma_start3A_125 = arith.constant 0 : i32
          %dma_start3A_126 = tpu.memref_slice %arg13[%dma_start3A_124, %dma_start3A_125] : memref<10112x128xf32, #tpu.memory_space<vmem_shared>> -> memref<10112x128xf32, #tpu.memory_space<vmem_shared>>
          tpu.enqueue_indirect_dma source(%arg10 : memref<80x128xf32, #tpu.memory_space<vmem>>) target(%dma_start3A_126 : memref<10112x128xf32, #tpu.memory_space<vmem_shared>>) offsets(%dma_start3A_123 : memref<80xi32, #tpu.memory_space<vmem>>) semaphore(%run_scoped3A_120 : memref<!tpu.dma_semaphore, #tpu.memory_space<semaphore_mem>>) {add = true}
          %dma_wait3A_127 = arith.constant 0 : i32
          %dma_wait3A_128 = tpu.memref_slice %arg8[%add3A_76, %dma_wait3A_127] : memref<25x80xi32, #tpu.memory_space<vmem>> -> memref<1x80xi32, #tpu.memory_space<vmem>>
          %dma_wait3A_129 = tpu.memref_squeeze %dma_wait3A_128 : memref<1x80xi32, #tpu.memory_space<vmem>> -> memref<80xi32, #tpu.memory_space<vmem>>
          %dma_wait3A_130 = arith.constant 0 : i32
          %dma_wait3A_131 = arith.constant 0 : i32
          %dma_wait3A_132 = tpu.memref_slice %arg13[%dma_wait3A_130, %dma_wait3A_131] : memref<10112x128xf32, #tpu.memory_space<vmem_shared>> -> memref<10112x128xf32, #tpu.memory_space<vmem_shared>>
          tpu.wait_indirect_dma semaphore(%run_scoped3A_120 : memref<!tpu.dma_semaphore, #tpu.memory_space<semaphore_mem>>) src(%arg10 : memref<80x128xf32, #tpu.memory_space<vmem>>) dst(%dma_wait3A_132 : memref<10112x128xf32, #tpu.memory_space<vmem_shared>>)
          tpu.yield
        }) : () -> ()
        %add3A_83 = arith.constant 4 : i32
        %add3A_84 = arith.addi %add3A_76, %add3A_83 : i32
        %lt3A_85 = arith.constant 25 : i32
        %lt3A_86 = arith.cmpi slt, %add3A_84, %lt3A_85 : i32
        %convert_element_type3A_87 = arith.extui %lt3A_86 : i1 to i32
        %cond3A_88 = arith.constant 0 : i32
        %cond3A_89 = arith.cmpi ne, %convert_element_type3A_87, %cond3A_88 : i32
        scf.if %cond3A_89 {
          %add3A_120 = arith.constant 4 : i32
          %add3A_121 = arith.addi %add3A_76, %add3A_120 : i32
          %dma_start3A_122 = arith.constant 0 : i32
          %dma_start3A_123 = tpu.memref_slice %arg7[%add3A_121, %dma_start3A_122] : memref<25x80xi32, #tpu.memory_space<vmem>> -> memref<1x80xi32, #tpu.memory_space<vmem>>
          %dma_start3A_124 = tpu.memref_squeeze %dma_start3A_123 : memref<1x80xi32, #tpu.memory_space<vmem>> -> memref<80xi32, #tpu.memory_space<vmem>>
          %dma_start3A_125 = arith.constant 0 : i32
          %dma_start3A_126 = arith.constant 0 : i32
          %dma_start3A_127 = tpu.memref_slice %arg4[%dma_start3A_125, %dma_start3A_126] : memref<10000x128xf32, #tpu.memory_space<hbm>> -> memref<10000x128xf32, #tpu.memory_space<hbm>>
          tpu.enqueue_indirect_dma source(%dma_start3A_127 : memref<10000x128xf32, #tpu.memory_space<hbm>>) target(%arg10 : memref<80x128xf32, #tpu.memory_space<vmem>>) offsets(%dma_start3A_124 : memref<80xi32, #tpu.memory_space<vmem>>) semaphore(%arg15 : memref<!tpu.dma_semaphore, #tpu.memory_space<semaphore_mem>>)
        } else {
        }
        %add3A_90 = arith.constant 2 : i32
        %add3A_91 = arith.addi %mul3A_62, %add3A_90 : i32
        %dma_wait3A_92 = arith.constant 0 : i32
        %dma_wait3A_93 = arith.constant 0 : i32
        %dma_wait3A_94 = tpu.memref_slice %arg4[%dma_wait3A_92, %dma_wait3A_93] : memref<10000x128xf32, #tpu.memory_space<hbm>> -> memref<80x128xf32, #tpu.memory_space<hbm>>
        %dma_wait3A_95 = arith.constant 0 : i32
        %dma_wait3A_96 = arith.constant 0 : i32
        %dma_wait3A_97 = tpu.memref_slice %arg4[%dma_wait3A_95, %dma_wait3A_96] : memref<10000x128xf32, #tpu.memory_space<hbm>> -> memref<80x128xf32, #tpu.memory_space<hbm>>
        tpu.wait_dma2 semaphore(%arg16 : memref<!tpu.dma_semaphore, #tpu.memory_space<semaphore_mem>>) src(%dma_wait3A_97 : memref<80x128xf32, #tpu.memory_space<hbm>>) dst(%arg11 : memref<80x128xf32, #tpu.memory_space<vmem>>)
        "tpu.region"() ({
          %run_scoped3A_120 = tpu.sem_alloc : memref<!tpu.dma_semaphore, #tpu.memory_space<semaphore_mem>>
          %dma_start3A_121 = arith.constant 0 : i32
          %dma_start3A_122 = tpu.memref_slice %arg8[%add3A_91, %dma_start3A_121] : memref<25x80xi32, #tpu.memory_space<vmem>> -> memref<1x80xi32, #tpu.memory_space<vmem>>
          %dma_start3A_123 = tpu.memref_squeeze %dma_start3A_122 : memref<1x80xi32, #tpu.memory_space<vmem>> -> memref<80xi32, #tpu.memory_space<vmem>>
          %dma_start3A_124 = arith.constant 0 : i32
          %dma_start3A_125 = arith.constant 0 : i32
          %dma_start3A_126 = tpu.memref_slice %arg13[%dma_start3A_124, %dma_start3A_125] : memref<10112x128xf32, #tpu.memory_space<vmem_shared>> -> memref<10112x128xf32, #tpu.memory_space<vmem_shared>>
          tpu.enqueue_indirect_dma source(%arg11 : memref<80x128xf32, #tpu.memory_space<vmem>>) target(%dma_start3A_126 : memref<10112x128xf32, #tpu.memory_space<vmem_shared>>) offsets(%dma_start3A_123 : memref<80xi32, #tpu.memory_space<vmem>>) semaphore(%run_scoped3A_120 : memref<!tpu.dma_semaphore, #tpu.memory_space<semaphore_mem>>) {add = true}
          %dma_wait3A_127 = arith.constant 0 : i32
          %dma_wait3A_128 = tpu.memref_slice %arg8[%add3A_91, %dma_wait3A_127] : memref<25x80xi32, #tpu.memory_space<vmem>> -> memref<1x80xi32, #tpu.memory_space<vmem>>
          %dma_wait3A_129 = tpu.memref_squeeze %dma_wait3A_128 : memref<1x80xi32, #tpu.memory_space<vmem>> -> memref<80xi32, #tpu.memory_space<vmem>>
          %dma_wait3A_130 = arith.constant 0 : i32
          %dma_wait3A_131 = arith.constant 0 : i32
          %dma_wait3A_132 = tpu.memref_slice %arg13[%dma_wait3A_130, %dma_wait3A_131] : memref<10112x128xf32, #tpu.memory_space<vmem_shared>> -> memref<10112x128xf32, #tpu.memory_space<vmem_shared>>
          tpu.wait_indirect_dma semaphore(%run_scoped3A_120 : memref<!tpu.dma_semaphore, #tpu.memory_space<semaphore_mem>>) src(%arg11 : memref<80x128xf32, #tpu.memory_space<vmem>>) dst(%dma_wait3A_132 : memref<10112x128xf32, #tpu.memory_space<vmem_shared>>)
          tpu.yield
        }) : () -> ()
        %add3A_98 = arith.constant 4 : i32
        %add3A_99 = arith.addi %add3A_91, %add3A_98 : i32
        %lt3A_100 = arith.constant 25 : i32
        %lt3A_101 = arith.cmpi slt, %add3A_99, %lt3A_100 : i32
        %convert_element_type3A_102 = arith.extui %lt3A_101 : i1 to i32
        %cond3A_103 = arith.constant 0 : i32
        %cond3A_104 = arith.cmpi ne, %convert_element_type3A_102, %cond3A_103 : i32
        scf.if %cond3A_104 {
          %add3A_120 = arith.constant 4 : i32
          %add3A_121 = arith.addi %add3A_91, %add3A_120 : i32
          %dma_start3A_122 = arith.constant 0 : i32
          %dma_start3A_123 = tpu.memref_slice %arg7[%add3A_121, %dma_start3A_122] : memref<25x80xi32, #tpu.memory_space<vmem>> -> memref<1x80xi32, #tpu.memory_space<vmem>>
          %dma_start3A_124 = tpu.memref_squeeze %dma_start3A_123 : memref<1x80xi32, #tpu.memory_space<vmem>> -> memref<80xi32, #tpu.memory_space<vmem>>
          %dma_start3A_125 = arith.constant 0 : i32
          %dma_start3A_126 = arith.constant 0 : i32
          %dma_start3A_127 = tpu.memref_slice %arg4[%dma_start3A_125, %dma_start3A_126] : memref<10000x128xf32, #tpu.memory_space<hbm>> -> memref<10000x128xf32, #tpu.memory_space<hbm>>
          tpu.enqueue_indirect_dma source(%dma_start3A_127 : memref<10000x128xf32, #tpu.memory_space<hbm>>) target(%arg11 : memref<80x128xf32, #tpu.memory_space<vmem>>) offsets(%dma_start3A_124 : memref<80xi32, #tpu.memory_space<vmem>>) semaphore(%arg16 : memref<!tpu.dma_semaphore, #tpu.memory_space<semaphore_mem>>)
        } else {
        }
        %add3A_105 = arith.constant 3 : i32
        %add3A_106 = arith.addi %mul3A_62, %add3A_105 : i32
        %dma_wait3A_107 = arith.constant 0 : i32
        %dma_wait3A_108 = arith.constant 0 : i32
        %dma_wait3A_109 = tpu.memref_slice %arg4[%dma_wait3A_107, %dma_wait3A_108] : memref<10000x128xf32, #tpu.memory_space<hbm>> -> memref<80x128xf32, #tpu.memory_space<hbm>>
        %dma_wait3A_110 = arith.constant 0 : i32
        %dma_wait3A_111 = arith.constant 0 : i32
        %dma_wait3A_112 = tpu.memref_slice %arg4[%dma_wait3A_110, %dma_wait3A_111] : memref<10000x128xf32, #tpu.memory_space<hbm>> -> memref<80x128xf32, #tpu.memory_space<hbm>>
        tpu.wait_dma2 semaphore(%arg17 : memref<!tpu.dma_semaphore, #tpu.memory_space<semaphore_mem>>) src(%dma_wait3A_112 : memref<80x128xf32, #tpu.memory_space<hbm>>) dst(%arg12 : memref<80x128xf32, #tpu.memory_space<vmem>>)
        "tpu.region"() ({
          %run_scoped3A_120 = tpu.sem_alloc : memref<!tpu.dma_semaphore, #tpu.memory_space<semaphore_mem>>
          %dma_start3A_121 = arith.constant 0 : i32
          %dma_start3A_122 = tpu.memref_slice %arg8[%add3A_106, %dma_start3A_121] : memref<25x80xi32, #tpu.memory_space<vmem>> -> memref<1x80xi32, #tpu.memory_space<vmem>>
          %dma_start3A_123 = tpu.memref_squeeze %dma_start3A_122 : memref<1x80xi32, #tpu.memory_space<vmem>> -> memref<80xi32, #tpu.memory_space<vmem>>
          %dma_start3A_124 = arith.constant 0 : i32
          %dma_start3A_125 = arith.constant 0 : i32
          %dma_start3A_126 = tpu.memref_slice %arg13[%dma_start3A_124, %dma_start3A_125] : memref<10112x128xf32, #tpu.memory_space<vmem_shared>> -> memref<10112x128xf32, #tpu.memory_space<vmem_shared>>
          tpu.enqueue_indirect_dma source(%arg12 : memref<80x128xf32, #tpu.memory_space<vmem>>) target(%dma_start3A_126 : memref<10112x128xf32, #tpu.memory_space<vmem_shared>>) offsets(%dma_start3A_123 : memref<80xi32, #tpu.memory_space<vmem>>) semaphore(%run_scoped3A_120 : memref<!tpu.dma_semaphore, #tpu.memory_space<semaphore_mem>>) {add = true}
          %dma_wait3A_127 = arith.constant 0 : i32
          %dma_wait3A_128 = tpu.memref_slice %arg8[%add3A_106, %dma_wait3A_127] : memref<25x80xi32, #tpu.memory_space<vmem>> -> memref<1x80xi32, #tpu.memory_space<vmem>>
          %dma_wait3A_129 = tpu.memref_squeeze %dma_wait3A_128 : memref<1x80xi32, #tpu.memory_space<vmem>> -> memref<80xi32, #tpu.memory_space<vmem>>
          %dma_wait3A_130 = arith.constant 0 : i32
          %dma_wait3A_131 = arith.constant 0 : i32
          %dma_wait3A_132 = tpu.memref_slice %arg13[%dma_wait3A_130, %dma_wait3A_131] : memref<10112x128xf32, #tpu.memory_space<vmem_shared>> -> memref<10112x128xf32, #tpu.memory_space<vmem_shared>>
          tpu.wait_indirect_dma semaphore(%run_scoped3A_120 : memref<!tpu.dma_semaphore, #tpu.memory_space<semaphore_mem>>) src(%arg12 : memref<80x128xf32, #tpu.memory_space<vmem>>) dst(%dma_wait3A_132 : memref<10112x128xf32, #tpu.memory_space<vmem_shared>>)
          tpu.yield
        }) : () -> ()
        %add3A_113 = arith.constant 4 : i32
        %add3A_114 = arith.addi %add3A_106, %add3A_113 : i32
        %lt3A_115 = arith.constant 25 : i32
        %lt3A_116 = arith.cmpi slt, %add3A_114, %lt3A_115 : i32
        %convert_element_type3A_117 = arith.extui %lt3A_116 : i1 to i32
        %cond3A_118 = arith.constant 0 : i32
        %cond3A_119 = arith.cmpi ne, %convert_element_type3A_117, %cond3A_118 : i32
        scf.if %cond3A_119 {
          %add3A_120 = arith.constant 4 : i32
          %add3A_121 = arith.addi %add3A_106, %add3A_120 : i32
          %dma_start3A_122 = arith.constant 0 : i32
          %dma_start3A_123 = tpu.memref_slice %arg7[%add3A_121, %dma_start3A_122] : memref<25x80xi32, #tpu.memory_space<vmem>> -> memref<1x80xi32, #tpu.memory_space<vmem>>
          %dma_start3A_124 = tpu.memref_squeeze %dma_start3A_123 : memref<1x80xi32, #tpu.memory_space<vmem>> -> memref<80xi32, #tpu.memory_space<vmem>>
          %dma_start3A_125 = arith.constant 0 : i32
          %dma_start3A_126 = arith.constant 0 : i32
          %dma_start3A_127 = tpu.memref_slice %arg4[%dma_start3A_125, %dma_start3A_126] : memref<10000x128xf32, #tpu.memory_space<hbm>> -> memref<10000x128xf32, #tpu.memory_space<hbm>>
          tpu.enqueue_indirect_dma source(%dma_start3A_127 : memref<10000x128xf32, #tpu.memory_space<hbm>>) target(%arg12 : memref<80x128xf32, #tpu.memory_space<vmem>>) offsets(%dma_start3A_124 : memref<80xi32, #tpu.memory_space<vmem>>) semaphore(%arg17 : memref<!tpu.dma_semaphore, #tpu.memory_space<semaphore_mem>>)
        } else {
        }
      }
      %scan3A_54 = arith.constant 6 : i32
      %dma_wait3A = arith.constant 0 : i32
      %dma_wait3A_55 = arith.constant 0 : i32
      %dma_wait3A_56 = tpu.memref_slice %arg4[%dma_wait3A, %dma_wait3A_55] : memref<10000x128xf32, #tpu.memory_space<hbm>> -> memref<80x128xf32, #tpu.memory_space<hbm>>
      %dma_wait3A_57 = arith.constant 0 : i32
      %dma_wait3A_58 = arith.constant 0 : i32
      %dma_wait3A_59 = tpu.memref_slice %arg4[%dma_wait3A_57, %dma_wait3A_58] : memref<10000x128xf32, #tpu.memory_space<hbm>> -> memref<80x128xf32, #tpu.memory_space<hbm>>
      tpu.wait_dma2 semaphore(%arg14 : memref<!tpu.dma_semaphore, #tpu.memory_space<semaphore_mem>>) src(%dma_wait3A_59 : memref<80x128xf32, #tpu.memory_space<hbm>>) dst(%arg9 : memref<80x128xf32, #tpu.memory_space<vmem>>)
      %run_scoped3A = arith.constant 24 : i32
      "tpu.region"() ({
        %run_scoped3A_60 = tpu.sem_alloc : memref<!tpu.dma_semaphore, #tpu.memory_space<semaphore_mem>>
        %dma_start3A_61 = arith.constant 0 : i32
        %dma_start3A_62 = tpu.memref_slice %arg8[%run_scoped3A, %dma_start3A_61] : memref<25x80xi32, #tpu.memory_space<vmem>> -> memref<1x80xi32, #tpu.memory_space<vmem>>
        %dma_start3A_63 = tpu.memref_squeeze %dma_start3A_62 : memref<1x80xi32, #tpu.memory_space<vmem>> -> memref<80xi32, #tpu.memory_space<vmem>>
        %dma_start3A_64 = arith.constant 0 : i32
        %dma_start3A_65 = arith.constant 0 : i32
        %dma_start3A_66 = tpu.memref_slice %arg13[%dma_start3A_64, %dma_start3A_65] : memref<10112x128xf32, #tpu.memory_space<vmem_shared>> -> memref<10112x128xf32, #tpu.memory_space<vmem_shared>>
        tpu.enqueue_indirect_dma source(%arg9 : memref<80x128xf32, #tpu.memory_space<vmem>>) target(%dma_start3A_66 : memref<10112x128xf32, #tpu.memory_space<vmem_shared>>) offsets(%dma_start3A_63 : memref<80xi32, #tpu.memory_space<vmem>>) semaphore(%run_scoped3A_60 : memref<!tpu.dma_semaphore, #tpu.memory_space<semaphore_mem>>) {add = true}
        %dma_wait3A_67 = arith.constant 0 : i32
        %dma_wait3A_68 = tpu.memref_slice %arg8[%run_scoped3A, %dma_wait3A_67] : memref<25x80xi32, #tpu.memory_space<vmem>> -> memref<1x80xi32, #tpu.memory_space<vmem>>
        %dma_wait3A_69 = tpu.memref_squeeze %dma_wait3A_68 : memref<1x80xi32, #tpu.memory_space<vmem>> -> memref<80xi32, #tpu.memory_space<vmem>>
        %dma_wait3A_70 = arith.constant 0 : i32
        %dma_wait3A_71 = arith.constant 0 : i32
        %dma_wait3A_72 = tpu.memref_slice %arg13[%dma_wait3A_70, %dma_wait3A_71] : memref<10112x128xf32, #tpu.memory_space<vmem_shared>> -> memref<10112x128xf32, #tpu.memory_space<vmem_shared>>
        tpu.wait_indirect_dma semaphore(%run_scoped3A_60 : memref<!tpu.dma_semaphore, #tpu.memory_space<semaphore_mem>>) src(%arg9 : memref<80x128xf32, #tpu.memory_space<vmem>>) dst(%dma_wait3A_72 : memref<10112x128xf32, #tpu.memory_space<vmem_shared>>)
        tpu.yield
      }) : () -> ()
    }
    %scan3A_9 = arith.constant 5 : i32
    %barrier3A_10 = arith.constant 0 : index
    tpu.barrier barrier_id(%barrier3A_10)
    %mul3A_11 = arith.constant 632 : i32
    %mul3A_12 = arith.muli %arg1, %mul3A_11 : i32
    %mul3A_13 = arith.constant 632 : i32
    %mul3A_14 = arith.muli %arg1, %mul3A_13 : i32
    "tpu.region"() ({
      %run_scoped3A = tpu.sem_alloc : memref<!tpu.dma_semaphore, #tpu.memory_space<semaphore_mem>>
      %dma_start3A = arith.constant 0 : i32
      %dma_start3A_15 = tpu.memref_slice %arg6[%arg0, %mul3A_14, %dma_start3A] : memref<2x10112x128xf32, #tpu.memory_space<hbm>> -> memref<1x632x128xf32, #tpu.memory_space<hbm>>
      %dma_start3A_16 = tpu.memref_squeeze %dma_start3A_15 : memref<1x632x128xf32, #tpu.memory_space<hbm>> -> memref<632x128xf32, #tpu.memory_space<hbm>>
      %dma_start3A_17 = arith.constant 0 : i32
      %dma_start3A_18 = tpu.memref_slice %arg13[%mul3A_12, %dma_start3A_17] : memref<10112x128xf32, #tpu.memory_space<vmem_shared>> -> memref<632x128xf32, #tpu.memory_space<vmem_shared>>
      tpu.enqueue_dma source(%dma_start3A_18 : memref<632x128xf32, #tpu.memory_space<vmem_shared>>) target(%dma_start3A_16 : memref<632x128xf32, #tpu.memory_space<hbm>>) target_semaphore(%run_scoped3A : memref<!tpu.dma_semaphore, #tpu.memory_space<semaphore_mem>>)
      %dma_wait3A = arith.constant 0 : i32
      %dma_wait3A_19 = tpu.memref_slice %arg6[%arg0, %mul3A_14, %dma_wait3A] : memref<2x10112x128xf32, #tpu.memory_space<hbm>> -> memref<1x632x128xf32, #tpu.memory_space<hbm>>
      %dma_wait3A_20 = tpu.memref_squeeze %dma_wait3A_19 : memref<1x632x128xf32, #tpu.memory_space<hbm>> -> memref<632x128xf32, #tpu.memory_space<hbm>>
      %dma_wait3A_21 = arith.constant 0 : i32
      %dma_wait3A_22 = tpu.memref_slice %arg13[%mul3A_12, %dma_wait3A_21] : memref<10112x128xf32, #tpu.memory_space<vmem_shared>> -> memref<632x128xf32, #tpu.memory_space<vmem_shared>>
      tpu.wait_dma2 semaphore(%run_scoped3A : memref<!tpu.dma_semaphore, #tpu.memory_space<semaphore_mem>>) src(%dma_wait3A_22 : memref<632x128xf32, #tpu.memory_space<vmem_shared>>) dst(%dma_wait3A_20 : memref<632x128xf32, #tpu.memory_space<hbm>>)
      tpu.yield
    }) : () -> ()
    return
  }
}

module attributes {stable_mosaic.version = 14 : i64} {
  func.func @_k1_body(%arg0: i32, %arg1: memref<2000x128xf32, #tpu.memory_space<vmem>>, %arg2: memref<128x64xf32, #tpu.memory_space<vmem>>, %arg3: memref<2000x2xf32, #tpu.memory_space<vmem>>, %arg4: memref<2000x64xf32, #tpu.memory_space<vmem>>, %arg5: memref<2000x128xf32, #tpu.memory_space<vmem>>) attributes {dimension_semantics = [#tpu.dimension_semantics<arbitrary>], iteration_bounds = array<i64: 5>, scalar_prefetch = 0 : i64, scratch_operands = 0 : i64, tpu.core_type = #tpu.core_type<tc>, window_params = [{transform_indices = @transform_0, window_bounds = array<i64: 2000, 128>}, {pipeline_mode = #tpu.pipeline_mode<synchronous>, transform_indices = @transform_1, window_bounds = array<i64: 128, 64>}, {transform_indices = @transform_2, window_bounds = array<i64: 2000, 2>}, {transform_indices = @transform_3, window_bounds = array<i64: 2000, 64>}, {transform_indices = @transform_4, window_bounds = array<i64: 2000, 128>}]} {
    %get3A = arith.constant 0 : index
    %get3A_0 = arith.constant 0 : index
    %get3A_1 = vector.load %arg3[%get3A, %get3A_0] : memref<2000x2xf32, #tpu.memory_space<vmem>>, vector<2000x1xf32>
    %get3A_2 = arith.constant 0 : index
    %get3A_3 = arith.constant 1 : index
    %get3A_4 = vector.load %arg3[%get3A_2, %get3A_3] : memref<2000x2xf32, #tpu.memory_space<vmem>>, vector<2000x1xf32>
    %add3A = arith.addf %get3A_1, %get3A_4 : vector<2000x1xf32>
    %add3A_5 = arith.constant 1.000000e+00 : f32
    %add3A_6 = vector.broadcast %add3A_5 : f32 to vector<2000x1xf32>
    %add3A_7 = arith.addf %add3A, %add3A_6 : vector<2000x1xf32>
    %rsqrt3A = math.rsqrt %add3A_7 : vector<2000x1xf32>
    %get3A_8 = arith.constant 0 : index
    %get3A_9 = arith.constant 0 : index
    %get3A_10 = vector.load %arg1[%get3A_8, %get3A_9] : memref<2000x128xf32, #tpu.memory_space<vmem>>, vector<2000x128xf32>
    %get3A_11 = arith.constant 0 : index
    %get3A_12 = arith.constant 0 : index
    %get3A_13 = vector.load %arg2[%get3A_11, %get3A_12] : memref<128x64xf32, #tpu.memory_space<vmem>>, vector<128x64xf32>
    %dot_general3A = arith.constant dense<0.000000e+00> : vector<2000x64xf32>
    %dot_general3A_14 = tpu.matmul %get3A_10, %get3A_13, %dot_general3A {dimension_numbers = #tpu.dot_dimension_numbers<[1], [0], [0], [1], [0, 0, 1, 1], [], []>, transpose_lhs_hint = false} : vector<2000x128xf32>, vector<128x64xf32>, vector<2000x64xf32> -> vector<2000x64xf32>
    %swap3A = arith.constant 0 : index
    %swap3A_15 = arith.constant 0 : index
    %swap3A_16 = vector.load %arg4[%swap3A, %swap3A_15] : memref<2000x64xf32, #tpu.memory_space<vmem>>, vector<2000x64xf32>
    tpu.vector_store %arg4[%swap3A, %swap3A_15], %dot_general3A_14 {strides = array<i32>} : memref<2000x64xf32, #tpu.memory_space<vmem>>, vector<2000x64xf32>,
    %mul3A = vector.broadcast %rsqrt3A : vector<2000x1xf32> to vector<2000x64xf32>
    %mul3A_17 = arith.mulf %dot_general3A_14, %mul3A : vector<2000x64xf32>
    %broadcast_in_dim3A = arith.constant 0.000000e+00 : f32
    %broadcast_in_dim3A_18 = vector.broadcast %broadcast_in_dim3A : f32 to vector<2000x64xf32>
    %concatenate3A = tpu.concatenate %mul3A_17, %broadcast_in_dim3A_18 in 1 : vector<2000x64xf32>, vector<2000x64xf32> -> vector<2000x128xf32>
    %swap3A_19 = arith.constant 0 : index
    %swap3A_20 = arith.constant 0 : index
    %swap3A_21 = vector.load %arg5[%swap3A_19, %swap3A_20] : memref<2000x128xf32, #tpu.memory_space<vmem>>, vector<2000x128xf32>
    tpu.vector_store %arg5[%swap3A_19, %swap3A_20], %concatenate3A {strides = array<i32>} : memref<2000x128xf32, #tpu.memory_space<vmem>>, vector<2000x128xf32>,
    return
  }
  func.func @transform_0(%arg0: i32) -> (i32, i32) {
    %c0_i32 = arith.constant 0 : i32
    %c0_i32_0 = arith.constant 0 : i32
    return %arg0, %c0_i32 : i32, i32
  }
  func.func @transform_1(%arg0: i32) -> (i32, i32) {
    %c0_i32 = arith.constant 0 : i32
    %c0_i32_0 = arith.constant 0 : i32
    %c0_i32_1 = arith.constant 0 : i32
    return %c0_i32, %c0_i32_0 : i32, i32
  }
  func.func @transform_2(%arg0: i32) -> (i32, i32) {
    %c0_i32 = arith.constant 0 : i32
    %c0_i32_0 = arith.constant 0 : i32
    return %arg0, %c0_i32 : i32, i32
  }
  func.func @transform_3(%arg0: i32) -> (i32, i32) {
    %c0_i32 = arith.constant 0 : i32
    %c0_i32_0 = arith.constant 0 : i32
    return %arg0, %c0_i32 : i32, i32
  }
  func.func @transform_4(%arg0: i32) -> (i32, i32) {
    %c0_i32 = arith.constant 0 : i32
    %c0_i32_0 = arith.constant 0 : i32
    return %arg0, %c0_i32 : i32, i32
  }
}

module attributes {stable_mosaic.version = 14 : i64} {
  func.func @_k2_body(%arg0: i32, %arg1: memref<2x2000x128xf32, #tpu.memory_space<vmem>>, %arg2: memref<2000x64xf32, #tpu.memory_space<vmem>>, %arg3: memref<2000x2xf32, #tpu.memory_space<vmem>>, %arg4: memref<1x64xf32, #tpu.memory_space<vmem>>, %arg5: memref<64x64xf32, #tpu.memory_space<vmem>>, %arg6: memref<2000x64xf32, #tpu.memory_space<vmem>>, %arg7: memref<2000x128xf32, #tpu.memory_space<vmem>>) attributes {dimension_semantics = [#tpu.dimension_semantics<arbitrary>], iteration_bounds = array<i64: 5>, scalar_prefetch = 0 : i64, scratch_operands = 0 : i64, tpu.core_type = #tpu.core_type<tc>, window_params = [{transform_indices = @transform_0, window_bounds = array<i64: 2, 2000, 128>}, {transform_indices = @transform_1, window_bounds = array<i64: 2000, 64>}, {transform_indices = @transform_2, window_bounds = array<i64: 2000, 2>}, {pipeline_mode = #tpu.pipeline_mode<synchronous>, transform_indices = @transform_3, window_bounds = array<i64: 1, 64>}, {pipeline_mode = #tpu.pipeline_mode<synchronous>, transform_indices = @transform_4, window_bounds = array<i64: 64, 64>}, {transform_indices = @transform_5, window_bounds = array<i64: 2000, 64>}, {transform_indices = @transform_6, window_bounds = array<i64: 2000, 128>}]} {
    %get3A = arith.constant 0 : index
    %get3A_0 = arith.constant 0 : index
    %get3A_1 = vector.load %arg3[%get3A, %get3A_0] : memref<2000x2xf32, #tpu.memory_space<vmem>>, vector<2000x1xf32>
    %get3A_2 = arith.constant 0 : index
    %get3A_3 = arith.constant 1 : index
    %get3A_4 = vector.load %arg3[%get3A_2, %get3A_3] : memref<2000x2xf32, #tpu.memory_space<vmem>>, vector<2000x1xf32>
    %add3A = arith.addf %get3A_1, %get3A_4 : vector<2000x1xf32>
    %add3A_5 = arith.constant 1.000000e+00 : f32
    %add3A_6 = vector.broadcast %add3A_5 : f32 to vector<2000x1xf32>
    %add3A_7 = arith.addf %add3A, %add3A_6 : vector<2000x1xf32>
    %rsqrt3A = math.rsqrt %add3A_7 : vector<2000x1xf32>
    %get3A_8 = arith.constant 0 : index
    %get3A_9 = arith.constant 0 : index
    %get3A_10 = arith.constant 0 : index
    %get3A_11 = vector.load %arg1[%get3A_8, %get3A_9, %get3A_10] : memref<2x2000x128xf32, #tpu.memory_space<vmem>>, vector<1x2000x128xf32>
    %get3A_12 = vector.shape_cast %get3A_11 : vector<1x2000x128xf32> to vector<2000x128xf32>
    %get3A_13 = arith.constant 1 : index
    %get3A_14 = arith.constant 0 : index
    %get3A_15 = arith.constant 0 : index
    %get3A_16 = vector.load %arg1[%get3A_13, %get3A_14, %get3A_15] : memref<2x2000x128xf32, #tpu.memory_space<vmem>>, vector<1x2000x128xf32>
    %get3A_17 = vector.shape_cast %get3A_16 : vector<1x2000x128xf32> to vector<2000x128xf32>
    %add3A_18 = arith.addf %get3A_12, %get3A_17 : vector<2000x128xf32>
    %slice3A = vector.extract_strided_slice %add3A_18 {offsets = [0, 0], sizes = [2000, 64], strides = [1, 1]} : vector<2000x128xf32> to vector<2000x64xf32>
    %mul3A = vector.broadcast %rsqrt3A : vector<2000x1xf32> to vector<2000x64xf32>
    %mul3A_19 = arith.mulf %mul3A, %slice3A : vector<2000x64xf32>
    %mul3A_20 = arith.mulf %rsqrt3A, %rsqrt3A : vector<2000x1xf32>
    %get3A_21 = arith.constant 0 : index
    %get3A_22 = arith.constant 0 : index
    %get3A_23 = vector.load %arg2[%get3A_21, %get3A_22] : memref<2000x64xf32, #tpu.memory_space<vmem>>, vector<2000x64xf32>
    %mul3A_24 = vector.broadcast %mul3A_20 : vector<2000x1xf32> to vector<2000x64xf32>
    %mul3A_25 = arith.mulf %mul3A_24, %get3A_23 : vector<2000x64xf32>
    %add3A_26 = arith.addf %mul3A_19, %mul3A_25 : vector<2000x64xf32>
    %get3A_27 = arith.constant 0 : index
    %get3A_28 = arith.constant 0 : index
    %get3A_29 = vector.load %arg4[%get3A_27, %get3A_28] : memref<1x64xf32, #tpu.memory_space<vmem>>, vector<1x64xf32>
    %add3A_30 = vector.broadcast %get3A_29 : vector<1x64xf32> to vector<2000x64xf32>
    %add3A_31 = arith.addf %add3A_26, %add3A_30 : vector<2000x64xf32>
    %max3A = arith.constant 0.000000e+00 : f32
    %max3A_32 = vector.broadcast %max3A : f32 to vector<2000x64xf32>
    %max3A_33 = arith.maximumf %add3A_31, %max3A_32 : vector<2000x64xf32>
    %get3A_34 = arith.constant 0 : index
    %get3A_35 = arith.constant 0 : index
    %get3A_36 = vector.load %arg5[%get3A_34, %get3A_35] : memref<64x64xf32, #tpu.memory_space<vmem>>, vector<64x64xf32>
    %dot_general3A = arith.constant dense<0.000000e+00> : vector<2000x64xf32>
    %dot_general3A_37 = tpu.matmul %max3A_33, %get3A_36, %dot_general3A {dimension_numbers = #tpu.dot_dimension_numbers<[1], [0], [0], [1], [0, 0, 1, 1], [], []>, transpose_lhs_hint = false} : vector<2000x64xf32>, vector<64x64xf32>, vector<2000x64xf32> -> vector<2000x64xf32>
    %swap3A = arith.constant 0 : index
    %swap3A_38 = arith.constant 0 : index
    %swap3A_39 = vector.load %arg6[%swap3A, %swap3A_38] : memref<2000x64xf32, #tpu.memory_space<vmem>>, vector<2000x64xf32>
    tpu.vector_store %arg6[%swap3A, %swap3A_38], %dot_general3A_37 {strides = array<i32>} : memref<2000x64xf32, #tpu.memory_space<vmem>>, vector<2000x64xf32>,
    %mul3A_40 = vector.broadcast %rsqrt3A : vector<2000x1xf32> to vector<2000x64xf32>
    %mul3A_41 = arith.mulf %dot_general3A_37, %mul3A_40 : vector<2000x64xf32>
    %broadcast_in_dim3A = arith.constant 0.000000e+00 : f32
    %broadcast_in_dim3A_42 = vector.broadcast %broadcast_in_dim3A : f32 to vector<2000x64xf32>
    %concatenate3A = tpu.concatenate %mul3A_41, %broadcast_in_dim3A_42 in 1 : vector<2000x64xf32>, vector<2000x64xf32> -> vector<2000x128xf32>
    %swap3A_43 = arith.constant 0 : index
    %swap3A_44 = arith.constant 0 : index
    %swap3A_45 = vector.load %arg7[%swap3A_43, %swap3A_44] : memref<2000x128xf32, #tpu.memory_space<vmem>>, vector<2000x128xf32>
    tpu.vector_store %arg7[%swap3A_43, %swap3A_44], %concatenate3A {strides = array<i32>} : memref<2000x128xf32, #tpu.memory_space<vmem>>, vector<2000x128xf32>,
    return
  }
  func.func @transform_0(%arg0: i32) -> (i32, i32, i32) {
    %c0_i32 = arith.constant 0 : i32
    %c0_i32_0 = arith.constant 0 : i32
    %c0_i32_1 = arith.constant 0 : i32
    return %c0_i32, %arg0, %c0_i32_0 : i32, i32, i32
  }
  func.func @transform_1(%arg0: i32) -> (i32, i32) {
    %c0_i32 = arith.constant 0 : i32
    %c0_i32_0 = arith.constant 0 : i32
    return %arg0, %c0_i32 : i32, i32
  }
  func.func @transform_2(%arg0: i32) -> (i32, i32) {
    %c0_i32 = arith.constant 0 : i32
    %c0_i32_0 = arith.constant 0 : i32
    return %arg0, %c0_i32 : i32, i32
  }
  func.func @transform_3(%arg0: i32) -> (i32, i32) {
    %c0_i32 = arith.constant 0 : i32
    %c0_i32_0 = arith.constant 0 : i32
    %c0_i32_1 = arith.constant 0 : i32
    return %c0_i32, %c0_i32_0 : i32, i32
  }
  func.func @transform_4(%arg0: i32) -> (i32, i32) {
    %c0_i32 = arith.constant 0 : i32
    %c0_i32_0 = arith.constant 0 : i32
    %c0_i32_1 = arith.constant 0 : i32
    return %c0_i32, %c0_i32_0 : i32, i32
  }
  func.func @transform_5(%arg0: i32) -> (i32, i32) {
    %c0_i32 = arith.constant 0 : i32
    %c0_i32_0 = arith.constant 0 : i32
    return %arg0, %c0_i32 : i32, i32
  }
  func.func @transform_6(%arg0: i32) -> (i32, i32) {
    %c0_i32 = arith.constant 0 : i32
    %c0_i32_0 = arith.constant 0 : i32
    return %arg0, %c0_i32 : i32, i32
  }
}

module attributes {stable_mosaic.version = 14 : i64} {
  func.func @_k2_body(%arg0: i32, %arg1: memref<2x2000x128xf32, #tpu.memory_space<vmem>>, %arg2: memref<2000x64xf32, #tpu.memory_space<vmem>>, %arg3: memref<2000x2xf32, #tpu.memory_space<vmem>>, %arg4: memref<1x64xf32, #tpu.memory_space<vmem>>, %arg5: memref<64x64xf32, #tpu.memory_space<vmem>>, %arg6: memref<2000x64xf32, #tpu.memory_space<vmem>>, %arg7: memref<2000x128xf32, #tpu.memory_space<vmem>>) attributes {dimension_semantics = [#tpu.dimension_semantics<arbitrary>], iteration_bounds = array<i64: 5>, scalar_prefetch = 0 : i64, scratch_operands = 0 : i64, tpu.core_type = #tpu.core_type<tc>, window_params = [{transform_indices = @transform_0, window_bounds = array<i64: 2, 2000, 128>}, {transform_indices = @transform_1, window_bounds = array<i64: 2000, 64>}, {transform_indices = @transform_2, window_bounds = array<i64: 2000, 2>}, {pipeline_mode = #tpu.pipeline_mode<synchronous>, transform_indices = @transform_3, window_bounds = array<i64: 1, 64>}, {pipeline_mode = #tpu.pipeline_mode<synchronous>, transform_indices = @transform_4, window_bounds = array<i64: 64, 64>}, {transform_indices = @transform_5, window_bounds = array<i64: 2000, 64>}, {transform_indices = @transform_6, window_bounds = array<i64: 2000, 128>}]} {
    %get3A = arith.constant 0 : index
    %get3A_0 = arith.constant 0 : index
    %get3A_1 = vector.load %arg3[%get3A, %get3A_0] : memref<2000x2xf32, #tpu.memory_space<vmem>>, vector<2000x1xf32>
    %get3A_2 = arith.constant 0 : index
    %get3A_3 = arith.constant 1 : index
    %get3A_4 = vector.load %arg3[%get3A_2, %get3A_3] : memref<2000x2xf32, #tpu.memory_space<vmem>>, vector<2000x1xf32>
    %add3A = arith.addf %get3A_1, %get3A_4 : vector<2000x1xf32>
    %add3A_5 = arith.constant 1.000000e+00 : f32
    %add3A_6 = vector.broadcast %add3A_5 : f32 to vector<2000x1xf32>
    %add3A_7 = arith.addf %add3A, %add3A_6 : vector<2000x1xf32>
    %rsqrt3A = math.rsqrt %add3A_7 : vector<2000x1xf32>
    %get3A_8 = arith.constant 0 : index
    %get3A_9 = arith.constant 0 : index
    %get3A_10 = arith.constant 0 : index
    %get3A_11 = vector.load %arg1[%get3A_8, %get3A_9, %get3A_10] : memref<2x2000x128xf32, #tpu.memory_space<vmem>>, vector<1x2000x128xf32>
    %get3A_12 = vector.shape_cast %get3A_11 : vector<1x2000x128xf32> to vector<2000x128xf32>
    %get3A_13 = arith.constant 1 : index
    %get3A_14 = arith.constant 0 : index
    %get3A_15 = arith.constant 0 : index
    %get3A_16 = vector.load %arg1[%get3A_13, %get3A_14, %get3A_15] : memref<2x2000x128xf32, #tpu.memory_space<vmem>>, vector<1x2000x128xf32>
    %get3A_17 = vector.shape_cast %get3A_16 : vector<1x2000x128xf32> to vector<2000x128xf32>
    %add3A_18 = arith.addf %get3A_12, %get3A_17 : vector<2000x128xf32>
    %slice3A = vector.extract_strided_slice %add3A_18 {offsets = [0, 0], sizes = [2000, 64], strides = [1, 1]} : vector<2000x128xf32> to vector<2000x64xf32>
    %mul3A = vector.broadcast %rsqrt3A : vector<2000x1xf32> to vector<2000x64xf32>
    %mul3A_19 = arith.mulf %mul3A, %slice3A : vector<2000x64xf32>
    %mul3A_20 = arith.mulf %rsqrt3A, %rsqrt3A : vector<2000x1xf32>
    %get3A_21 = arith.constant 0 : index
    %get3A_22 = arith.constant 0 : index
    %get3A_23 = vector.load %arg2[%get3A_21, %get3A_22] : memref<2000x64xf32, #tpu.memory_space<vmem>>, vector<2000x64xf32>
    %mul3A_24 = vector.broadcast %mul3A_20 : vector<2000x1xf32> to vector<2000x64xf32>
    %mul3A_25 = arith.mulf %mul3A_24, %get3A_23 : vector<2000x64xf32>
    %add3A_26 = arith.addf %mul3A_19, %mul3A_25 : vector<2000x64xf32>
    %get3A_27 = arith.constant 0 : index
    %get3A_28 = arith.constant 0 : index
    %get3A_29 = vector.load %arg4[%get3A_27, %get3A_28] : memref<1x64xf32, #tpu.memory_space<vmem>>, vector<1x64xf32>
    %add3A_30 = vector.broadcast %get3A_29 : vector<1x64xf32> to vector<2000x64xf32>
    %add3A_31 = arith.addf %add3A_26, %add3A_30 : vector<2000x64xf32>
    %gt3A = arith.constant 0.000000e+00 : f32
    %gt3A_32 = vector.broadcast %gt3A : f32 to vector<2000x64xf32>
    %gt3A_33 = arith.cmpf ogt, %add3A_31, %gt3A_32 : vector<2000x64xf32>
    %exp3A = math.exp %add3A_31 : vector<2000x64xf32>
    %sub3A = arith.constant 1.000000e+00 : f32
    %sub3A_34 = vector.broadcast %sub3A : f32 to vector<2000x64xf32>
    %sub3A_35 = arith.subf %exp3A, %sub3A_34 : vector<2000x64xf32>
    %select_n3A = arith.select %gt3A_33, %add3A_31, %sub3A_35 : vector<2000x64xi1>, vector<2000x64xf32>
    %get3A_36 = arith.constant 0 : index
    %get3A_37 = arith.constant 0 : index
    %get3A_38 = vector.load %arg5[%get3A_36, %get3A_37] : memref<64x64xf32, #tpu.memory_space<vmem>>, vector<64x64xf32>
    %dot_general3A = arith.constant dense<0.000000e+00> : vector<2000x64xf32>
    %dot_general3A_39 = tpu.matmul %select_n3A, %get3A_38, %dot_general3A {dimension_numbers = #tpu.dot_dimension_numbers<[1], [0], [0], [1], [0, 0, 1, 1], [], []>, transpose_lhs_hint = false} : vector<2000x64xf32>, vector<64x64xf32>, vector<2000x64xf32> -> vector<2000x64xf32>
    %swap3A = arith.constant 0 : index
    %swap3A_40 = arith.constant 0 : index
    %swap3A_41 = vector.load %arg6[%swap3A, %swap3A_40] : memref<2000x64xf32, #tpu.memory_space<vmem>>, vector<2000x64xf32>
    tpu.vector_store %arg6[%swap3A, %swap3A_40], %dot_general3A_39 {strides = array<i32>} : memref<2000x64xf32, #tpu.memory_space<vmem>>, vector<2000x64xf32>,
    %mul3A_42 = vector.broadcast %rsqrt3A : vector<2000x1xf32> to vector<2000x64xf32>
    %mul3A_43 = arith.mulf %dot_general3A_39, %mul3A_42 : vector<2000x64xf32>
    %broadcast_in_dim3A = arith.constant 0.000000e+00 : f32
    %broadcast_in_dim3A_44 = vector.broadcast %broadcast_in_dim3A : f32 to vector<2000x64xf32>
    %concatenate3A = tpu.concatenate %mul3A_43, %broadcast_in_dim3A_44 in 1 : vector<2000x64xf32>, vector<2000x64xf32> -> vector<2000x128xf32>
    %swap3A_45 = arith.constant 0 : index
    %swap3A_46 = arith.constant 0 : index
    %swap3A_47 = vector.load %arg7[%swap3A_45, %swap3A_46] : memref<2000x128xf32, #tpu.memory_space<vmem>>, vector<2000x128xf32>
    tpu.vector_store %arg7[%swap3A_45, %swap3A_46], %concatenate3A {strides = array<i32>} : memref<2000x128xf32, #tpu.memory_space<vmem>>, vector<2000x128xf32>,
    return
  }
  func.func @transform_0(%arg0: i32) -> (i32, i32, i32) {
    %c0_i32 = arith.constant 0 : i32
    %c0_i32_0 = arith.constant 0 : i32
    %c0_i32_1 = arith.constant 0 : i32
    return %c0_i32, %arg0, %c0_i32_0 : i32, i32, i32
  }
  func.func @transform_1(%arg0: i32) -> (i32, i32) {
    %c0_i32 = arith.constant 0 : i32
    %c0_i32_0 = arith.constant 0 : i32
    return %arg0, %c0_i32 : i32, i32
  }
  func.func @transform_2(%arg0: i32) -> (i32, i32) {
    %c0_i32 = arith.constant 0 : i32
    %c0_i32_0 = arith.constant 0 : i32
    return %arg0, %c0_i32 : i32, i32
  }
  func.func @transform_3(%arg0: i32) -> (i32, i32) {
    %c0_i32 = arith.constant 0 : i32
    %c0_i32_0 = arith.constant 0 : i32
    %c0_i32_1 = arith.constant 0 : i32
    return %c0_i32, %c0_i32_0 : i32, i32
  }
  func.func @transform_4(%arg0: i32) -> (i32, i32) {
    %c0_i32 = arith.constant 0 : i32
    %c0_i32_0 = arith.constant 0 : i32
    %c0_i32_1 = arith.constant 0 : i32
    return %c0_i32, %c0_i32_0 : i32, i32
  }
  func.func @transform_5(%arg0: i32) -> (i32, i32) {
    %c0_i32 = arith.constant 0 : i32
    %c0_i32_0 = arith.constant 0 : i32
    return %arg0, %c0_i32 : i32, i32
  }
  func.func @transform_6(%arg0: i32) -> (i32, i32) {
    %c0_i32 = arith.constant 0 : i32
    %c0_i32_0 = arith.constant 0 : i32
    return %arg0, %c0_i32 : i32, i32
  }
}

module attributes {stable_mosaic.version = 14 : i64} {
  func.func @_k3_body(%arg0: i32, %arg1: memref<2x2000x128xf32, #tpu.memory_space<vmem>>, %arg2: memref<2000x64xf32, #tpu.memory_space<vmem>>, %arg3: memref<2000x2xf32, #tpu.memory_space<vmem>>, %arg4: memref<1x64xf32, #tpu.memory_space<vmem>>, %arg5: memref<64x128xf32, #tpu.memory_space<vmem>>, %arg6: memref<1x128xf32, #tpu.memory_space<vmem>>, %arg7: memref<2000x64xf32, #tpu.memory_space<vmem>>, %arg8: memref<2000x128xf32, #tpu.memory_space<vmem>>) attributes {dimension_semantics = [#tpu.dimension_semantics<arbitrary>], iteration_bounds = array<i64: 5>, scalar_prefetch = 0 : i64, scratch_operands = 0 : i64, tpu.core_type = #tpu.core_type<tc>, window_params = [{transform_indices = @transform_0, window_bounds = array<i64: 2, 2000, 128>}, {transform_indices = @transform_1, window_bounds = array<i64: 2000, 64>}, {transform_indices = @transform_2, window_bounds = array<i64: 2000, 2>}, {pipeline_mode = #tpu.pipeline_mode<synchronous>, transform_indices = @transform_3, window_bounds = array<i64: 1, 64>}, {pipeline_mode = #tpu.pipeline_mode<synchronous>, transform_indices = @transform_4, window_bounds = array<i64: 64, 128>}, {pipeline_mode = #tpu.pipeline_mode<synchronous>, transform_indices = @transform_5, window_bounds = array<i64: 1, 128>}, {transform_indices = @transform_6, window_bounds = array<i64: 2000, 64>}, {transform_indices = @transform_7, window_bounds = array<i64: 2000, 128>}]} {
    %get3A = arith.constant 0 : index
    %get3A_0 = arith.constant 0 : index
    %get3A_1 = vector.load %arg3[%get3A, %get3A_0] : memref<2000x2xf32, #tpu.memory_space<vmem>>, vector<2000x1xf32>
    %get3A_2 = arith.constant 0 : index
    %get3A_3 = arith.constant 1 : index
    %get3A_4 = vector.load %arg3[%get3A_2, %get3A_3] : memref<2000x2xf32, #tpu.memory_space<vmem>>, vector<2000x1xf32>
    %add3A = arith.addf %get3A_1, %get3A_4 : vector<2000x1xf32>
    %add3A_5 = arith.constant 1.000000e+00 : f32
    %add3A_6 = vector.broadcast %add3A_5 : f32 to vector<2000x1xf32>
    %add3A_7 = arith.addf %add3A, %add3A_6 : vector<2000x1xf32>
    %rsqrt3A = math.rsqrt %add3A_7 : vector<2000x1xf32>
    %get3A_8 = arith.constant 0 : index
    %get3A_9 = arith.constant 0 : index
    %get3A_10 = arith.constant 0 : index
    %get3A_11 = vector.load %arg1[%get3A_8, %get3A_9, %get3A_10] : memref<2x2000x128xf32, #tpu.memory_space<vmem>>, vector<1x2000x128xf32>
    %get3A_12 = vector.shape_cast %get3A_11 : vector<1x2000x128xf32> to vector<2000x128xf32>
    %get3A_13 = arith.constant 1 : index
    %get3A_14 = arith.constant 0 : index
    %get3A_15 = arith.constant 0 : index
    %get3A_16 = vector.load %arg1[%get3A_13, %get3A_14, %get3A_15] : memref<2x2000x128xf32, #tpu.memory_space<vmem>>, vector<1x2000x128xf32>
    %get3A_17 = vector.shape_cast %get3A_16 : vector<1x2000x128xf32> to vector<2000x128xf32>
    %add3A_18 = arith.addf %get3A_12, %get3A_17 : vector<2000x128xf32>
    %slice3A = vector.extract_strided_slice %add3A_18 {offsets = [0, 0], sizes = [2000, 64], strides = [1, 1]} : vector<2000x128xf32> to vector<2000x64xf32>
    %mul3A = vector.broadcast %rsqrt3A : vector<2000x1xf32> to vector<2000x64xf32>
    %mul3A_19 = arith.mulf %mul3A, %slice3A : vector<2000x64xf32>
    %mul3A_20 = arith.mulf %rsqrt3A, %rsqrt3A : vector<2000x1xf32>
    %get3A_21 = arith.constant 0 : index
    %get3A_22 = arith.constant 0 : index
    %get3A_23 = vector.load %arg2[%get3A_21, %get3A_22] : memref<2000x64xf32, #tpu.memory_space<vmem>>, vector<2000x64xf32>
    %mul3A_24 = vector.broadcast %mul3A_20 : vector<2000x1xf32> to vector<2000x64xf32>
    %mul3A_25 = arith.mulf %mul3A_24, %get3A_23 : vector<2000x64xf32>
    %add3A_26 = arith.addf %mul3A_19, %mul3A_25 : vector<2000x64xf32>
    %get3A_27 = arith.constant 0 : index
    %get3A_28 = arith.constant 0 : index
    %get3A_29 = vector.load %arg4[%get3A_27, %get3A_28] : memref<1x64xf32, #tpu.memory_space<vmem>>, vector<1x64xf32>
    %add3A_30 = vector.broadcast %get3A_29 : vector<1x64xf32> to vector<2000x64xf32>
    %add3A_31 = arith.addf %add3A_26, %add3A_30 : vector<2000x64xf32>
    %gt3A = arith.constant 0.000000e+00 : f32
    %gt3A_32 = vector.broadcast %gt3A : f32 to vector<2000x64xf32>
    %gt3A_33 = arith.cmpf ogt, %add3A_31, %gt3A_32 : vector<2000x64xf32>
    %exp3A = math.exp %add3A_31 : vector<2000x64xf32>
    %sub3A = arith.constant 1.000000e+00 : f32
    %sub3A_34 = vector.broadcast %sub3A : f32 to vector<2000x64xf32>
    %sub3A_35 = arith.subf %exp3A, %sub3A_34 : vector<2000x64xf32>
    %select_n3A = arith.select %gt3A_33, %add3A_31, %sub3A_35 : vector<2000x64xi1>, vector<2000x64xf32>
    %swap3A = arith.constant 0 : index
    %swap3A_36 = arith.constant 0 : index
    %swap3A_37 = vector.load %arg7[%swap3A, %swap3A_36] : memref<2000x64xf32, #tpu.memory_space<vmem>>, vector<2000x64xf32>
    tpu.vector_store %arg7[%swap3A, %swap3A_36], %select_n3A {strides = array<i32>} : memref<2000x64xf32, #tpu.memory_space<vmem>>, vector<2000x64xf32>,
    %get3A_38 = arith.constant 0 : index
    %get3A_39 = arith.constant 0 : index
    %get3A_40 = vector.load %arg5[%get3A_38, %get3A_39] : memref<64x128xf32, #tpu.memory_space<vmem>>, vector<64x128xf32>
    %dot_general3A = arith.constant dense<0.000000e+00> : vector<2000x128xf32>
    %dot_general3A_41 = tpu.matmul %select_n3A, %get3A_40, %dot_general3A {dimension_numbers = #tpu.dot_dimension_numbers<[1], [0], [0], [1], [0, 0, 1, 1], [], []>, transpose_lhs_hint = false} : vector<2000x64xf32>, vector<64x128xf32>, vector<2000x128xf32> -> vector<2000x128xf32>
    %get3A_42 = arith.constant 0 : index
    %get3A_43 = arith.constant 0 : index
    %get3A_44 = vector.load %arg6[%get3A_42, %get3A_43] : memref<1x128xf32, #tpu.memory_space<vmem>>, vector<1x128xf32>
    %add3A_45 = vector.broadcast %get3A_44 : vector<1x128xf32> to vector<2000x128xf32>
    %add3A_46 = arith.addf %dot_general3A_41, %add3A_45 : vector<2000x128xf32>
    %gt3A_47 = arith.constant 0.000000e+00 : f32
    %gt3A_48 = vector.broadcast %gt3A_47 : f32 to vector<2000x128xf32>
    %gt3A_49 = arith.cmpf ogt, %add3A_46, %gt3A_48 : vector<2000x128xf32>
    %exp3A_50 = math.exp %add3A_46 : vector<2000x128xf32>
    %sub3A_51 = arith.constant 1.000000e+00 : f32
    %sub3A_52 = vector.broadcast %sub3A_51 : f32 to vector<2000x128xf32>
    %sub3A_53 = arith.subf %exp3A_50, %sub3A_52 : vector<2000x128xf32>
    %select_n3A_54 = arith.select %gt3A_49, %add3A_46, %sub3A_53 : vector<2000x128xi1>, vector<2000x128xf32>
    %swap3A_55 = arith.constant 0 : index
    %swap3A_56 = arith.constant 0 : index
    %swap3A_57 = vector.load %arg8[%swap3A_55, %swap3A_56] : memref<2000x128xf32, #tpu.memory_space<vmem>>, vector<2000x128xf32>
    tpu.vector_store %arg8[%swap3A_55, %swap3A_56], %select_n3A_54 {strides = array<i32>} : memref<2000x128xf32, #tpu.memory_space<vmem>>, vector<2000x128xf32>,
    return
  }
  func.func @transform_0(%arg0: i32) -> (i32, i32, i32) {
    %c0_i32 = arith.constant 0 : i32
    %c0_i32_0 = arith.constant 0 : i32
    %c0_i32_1 = arith.constant 0 : i32
    return %c0_i32, %arg0, %c0_i32_0 : i32, i32, i32
  }
  func.func @transform_1(%arg0: i32) -> (i32, i32) {
    %c0_i32 = arith.constant 0 : i32
    %c0_i32_0 = arith.constant 0 : i32
    return %arg0, %c0_i32 : i32, i32
  }
  func.func @transform_2(%arg0: i32) -> (i32, i32) {
    %c0_i32 = arith.constant 0 : i32
    %c0_i32_0 = arith.constant 0 : i32
    return %arg0, %c0_i32 : i32, i32
  }
  func.func @transform_3(%arg0: i32) -> (i32, i32) {
    %c0_i32 = arith.constant 0 : i32
    %c0_i32_0 = arith.constant 0 : i32
    %c0_i32_1 = arith.constant 0 : i32
    return %c0_i32, %c0_i32_0 : i32, i32
  }
  func.func @transform_4(%arg0: i32) -> (i32, i32) {
    %c0_i32 = arith.constant 0 : i32
    %c0_i32_0 = arith.constant 0 : i32
    %c0_i32_1 = arith.constant 0 : i32
    return %c0_i32, %c0_i32_0 : i32, i32
  }
  func.func @transform_5(%arg0: i32) -> (i32, i32) {
    %c0_i32 = arith.constant 0 : i32
    %c0_i32_0 = arith.constant 0 : i32
    %c0_i32_1 = arith.constant 0 : i32
    return %c0_i32, %c0_i32_0 : i32, i32
  }
  func.func @transform_6(%arg0: i32) -> (i32, i32) {
    %c0_i32 = arith.constant 0 : i32
    %c0_i32_0 = arith.constant 0 : i32
    return %arg0, %c0_i32 : i32, i32
  }
  func.func @transform_7(%arg0: i32) -> (i32, i32) {
    %c0_i32 = arith.constant 0 : i32
    %c0_i32_0 = arith.constant 0 : i32
    return %arg0, %c0_i32 : i32, i32
  }
}

</mosaic_0001>

<sc_bundles>
// kernel: kernel.10.cloned.1.call-start
scs
__scs_entry_jumppad:
0x0: {  	(pc) =	sbr.rel $0x88, $3  }
0x1: {  	(tag) =	ssettag $0x0;
	lr =	simm.s32 $0x1  }
0x2: {  	[smem:$0x3F97] =	sst lr;
	_ =	strace $0xD0000000  }
0x3: {  	_ = 	snop  }
0x4: {  	_ = 	snop  }
0x5: {  	_ = 	snop  }
0x6: {  	_ = 	snop  }
0x7: {  	_ = 	snop  }
__scs_overlays_trampoline_lowered:
0x8: {  	[smem:$0x3FA6] =	sst s0  }
0x9: {  	[smem:$0x3FA7] =	sst s1  }
0xa: {  	[smem:$0x3FA8] =	sst s2  }
0xb: {  	[smem:$0x3FA9] =	sst s3  }
0xc: {  	[smem:$0x3FAA] =	sst s4  }
0xd: {  	[smem:$0x3FAB] =	sst s5  }
0xe: {  	[smem:$0x3FAC] =	sst s6  }
0xf: {  	[smem:$0x3FAD] =	sst s7  }
0x10: {  	[smem:$0x3FAE] =	sst s8  }
0x11: {  	[smem:$0x3FAF] =	sst s9;
	s0 =	simm.s32 @!p0 $0x0  }
0x12: {  	s1 =	sld [smem:$0x3F95];
	s0 =	simm.s32 @p0 $0x1  }
0x13: {  	[smem:$0x3FB0] =	sst s0;
	s0 =	simm.s32 @!p1 $0x0  }
0x14: {  	s2 =	sld [smem:$0x3F94];
	s0 =	simm.s32 @p1 $0x1  }
0x15: {  	[smem:$0x3FB1] =	sst s0;
	s0 =	simm.s32 @!p2 $0x0  }
0x16: {  	s3 =	sld [smem:$0x3FDB];
	s0 =	simm.s32 @p2 $0x1  }
0x17: {  	s4 =	simm.s32 $0x1BF5;
	[smem:$0x3FB3] =	sst s0  }
0x18: {  	s0 =	sld [smem:$0x3F96];
	_ =	swait.ge [sflag:s4], $0x0  }
0x19: {  	s7 =	sld [smem:$0x3F97]  }
0x1a: {  	s8 =	sadd.s32 $0xFFFFE003, lr  }
0x1b: {  	s9 =	sadd.s32 $0xFFFFFEF7, lr;
	s5 =	simm.s32 $0xFFFFFFFF;
	p2 =	slt.u32 s8, $0xFFFFF086  }
0x1c: {  	p1 =	slt.u32 s9, $0xF7A;
	s5 =	simm.s32 @!p2 $0x0  }
0x1d: {  	s5 =	simm.s32 @p1 $0x1;
	p0 =	seq.s32 s7, s2  }
0x1e: {  	s7 =	smul.u32 @!p0 $0xF7A, s2;
	p2 =	seq.s32 @!p0 s5, $0x0  }
0x1f: {  	s9 =	smul.u32 $0xF7A, s1;
	s8 =	simm.s32 @!p0 $0x1BF5;
	p2 =	por !p2, p0  }
0x20: {  	[sflag:s8] =	ssyncset.s32 @!p0 $0xFFFFF086;
	s6 =	sadd.s32 @!p0 s3, s7;
	s7 =	simm.s32 @!p0 $0x108  }
0x21: {  	s3 =	sadd.s32 s3, s9;
	s6 =	sadd.s32 @!p0 $0x88, s6;
	s7 =	simm.s32 @p2 $0x1082  }
0x22: {  	[simem:s7], [sflag:s8] =	dma.local @!p0 [hbm:s6], $0xF7A  }
0x23: {  	s9 =	sor.u32 $0xD0000000, s2;
	s6 =	simm.s32 $0x108;
	_ =	swait.ge @!p0 [sflag:s8], $0x0  }
0x24: {  	s3 =	sadd.s32 $0x88, s3;
	s6 =	simm.s32 @!p1 $0x1082;
	[sflag:s4] =	ssyncset.s32 $0xFFFFF086  }
0x25: {  	[simem:s6], [sflag:s4] =	dma.local [hbm:s3], $0xF7A  }
0x26: {  	[smem:$0x3F97] =	sst s1;
	(tag) =	ssettag s2;
	_ =	strace s9  }
0x27: {  	s1 =	sld [smem:$0x3FA7]  }
0x28: {  	s2 =	sld [smem:$0x3FA8]  }
0x29: {  	s4 =	sld [smem:$0x3FAA]  }
0x2a: {  	p0 =	seq.s32 s5, $0x0;
	s5 =	sld [smem:$0x3FAB]  }
0x2b: {  	s6 =	sld [smem:$0x3FAC]  }
0x2c: {  	s7 =	sld [smem:$0x3FAD]  }
0x2d: {  	s3 =	simm.s32 $0x108;
	s8 =	sld [smem:$0x3FAE]  }
0x2e: {  	s3 =	simm.s32 @!p0 $0x1082;
	s9 =	sld [smem:$0x3FAF]  }
0x2f: {  	lr =	sadd.s32 s0, s3;
	s0 =	sld [smem:$0x3FA6]  }
0x30: {  	s3 =	sld [smem:$0x3FA9]  }
0x31: {  	[smem:$0x3FB2] =	sst s10  }
0x32: {  	s10 =	sld [smem:$0x3FB0];
	_ =	sdelay $0x3  }
0x33: {  	p0 =	seq.s32 s10, $0x1;
	s10 =	sld [smem:$0x3FB2];
	_ =	sdelay $0x3  }
0x34: {  	[smem:$0x3FB2] =	sst s10  }
0x35: {  	s10 =	sld [smem:$0x3FB1];
	_ =	sdelay $0x3  }
0x36: {  	p1 =	seq.s32 s10, $0x1;
	s10 =	sld [smem:$0x3FB2];
	_ =	sdelay $0x3  }
0x37: {  	[smem:$0x3FB2] =	sst s10  }
0x38: {  	s10 =	sld [smem:$0x3FB3]  }
0x39: {  	_ = 	snop;
	(pc) =	sbr.ind lr, $3  }
0x3a: {  	_ = 	snop  }
0x3b: {  	_ = 	snop  }
0x3c: {  	p2 =	seq.s32 s10, $0x1;
	s10 =	sld [smem:$0x3FB2]  }
0x3d: {  	_ =	shalt  }
0x3e: {  	_ =	shalt  }
0x3f: {  	_ =	shalt  }
0x40: {  	_ =	shalt  }
0x41: {  	_ =	shalt  }
0x42: {  	_ =	shalt  }
0x43: {  	_ =	shalt  }
0x44: {  	_ =	shalt  }
0x45: {  	_ =	shalt  }
0x46: {  	_ =	shalt  }
0x47: {  	_ =	shalt  }
0x48: {  	_ =	shalt  }
0x49: {  	_ =	shalt  }
0x4a: {  	_ =	shalt  }
0x4b: {  	_ =	shalt  }
0x4c: {  	_ =	shalt  }
0x4d: {  	_ =	shalt  }
0x4e: {  	_ =	shalt  }
0x4f: {  	_ =	shalt  }
0x50: {  	_ =	shalt  }
0x51: {  	_ =	shalt  }
0x52: {  	_ =	shalt  }
0x53: {  	_ =	shalt  }
0x54: {  	_ =	shalt  }
0x55: {  	_ =	shalt  }
0x56: {  	_ =	shalt  }
0x57: {  	_ =	shalt  }
0x58: {  	_ =	shalt  }
0x59: {  	_ =	shalt  }
0x5a: {  	_ =	shalt  }
0x5b: {  	_ =	shalt  }
0x5c: {  	_ =	shalt  }
0x5d: {  	_ =	shalt  }
0x5e: {  	_ =	shalt  }
0x5f: {  	_ =	shalt  }
0x60: {  	_ =	shalt  }
0x61: {  	_ =	shalt  }
0x62: {  	_ =	shalt  }
0x63: {  	_ =	shalt  }
0x64: {  	_ =	shalt  }
0x65: {  	_ =	shalt  }
0x66: {  	_ =	shalt  }
0x67: {  	_ =	shalt  }
0x68: {  	_ =	shalt  }
0x69: {  	_ =	shalt  }
0x6a: {  	_ =	shalt  }
0x6b: {  	_ =	shalt  }
0x6c: {  	_ =	shalt  }
0x6d: {  	_ =	shalt  }
0x6e: {  	_ =	shalt  }
0x6f: {  	_ =	shalt  }
0x70: {  	_ =	shalt  }
0x71: {  	_ =	shalt  }
0x72: {  	_ =	shalt  }
0x73: {  	_ =	shalt  }
0x74: {  	_ =	shalt  }
0x75: {  	_ =	shalt  }
0x76: {  	_ =	shalt  }
0x77: {  	_ =	shalt  }
0x78: {  	_ =	shalt  }
0x79: {  	_ =	shalt  }
0x7a: {  	_ =	shalt  }
0x7b: {  	_ =	shalt  }
0x7c: {  	_ =	shalt  }
0x7d: {  	_ =	shalt  }
0x7e: {  	_ =	shalt  }
0x7f: {  	_ =	shalt  }
0x80: {  	_ =	shalt  }
0x81: {  	_ =	shalt  }
0x82: {  	_ =	shalt  }
0x83: {  	_ =	shalt  }
0x84: {  	_ =	shalt  }
0x85: {  	_ =	shalt  }
0x86: {  	_ =	shalt  }
0x87: {  	_ =	shalt  }
.Lfunc_end0:
.L_simem_size_0:
called_computation_lowered:
.L_overlay_start_0:
0x88: {  	s2 =	sld [smem:$0x3FD9]  }
0x89: {  	s3 =	sld [smem:$0x3FFE];
	_ =	sdelay $0x1  }
0x8a: {  	s1 =	srdreg.scid  }
0x8b: {  	s0 =	sand.u32 $0x1, s1  }
0x8c: {  	s14 =	sshll.u32 s0, $0xA;
	s2 =	sadd.s32 s3, s2  }
0x8d: {  	s2 =	sadd.s32 s2, s14  }
0x8e: {  	[smem:$0x3FBE] =	sst s2  }
0x8f: {  	_ = 	snop  }
0x90: {  	s2 =	sld [smem:$0x3FD0];
	_ =	sdelay $0x2  }
0x91: {  	s15 =	simm.s32 $0xA;
	s4 =	simm.s32 $0x10  }
0x92: {  	[smem:s4], [sflag:s15] =	dma.local [hbm:s2], $0x1  }
0x93: {  	_ =	swait.eq [sflag:s15], $0x1  }
0x94: {  	[sflag:s15] =	ssyncset.done $0x0  }
0x95: {  	s16 =	sld [smem:$0x10];
	[sflag:s15] =	ssyncadd.s32 $0xFFFFFFFF  }
0x96: {  	s17 =	sld [smem:$0x11];
	(tm) =	ssettm $0x1  }
0x97: {  	s18 =	sld [smem:$0x3FFB];
	_ =	sdelay $0x3  }
0x98: {  	_ =	strace s18  }
0x99: {  	s4 =	sld [smem:$0x3FFC];
	_ =	sdelay $0x3  }
0x9a: {  	_ =	strace s4  }
0x9b: {  	s4 =	sld [smem:$0x3FFD];
	_ =	sdelay $0x3  }
0x9c: {  	_ =	strace s4  }
0x9d: {  	_ =	strace $0x8FFFFFFF  }
0x9e: {  	s19 =	sld [smem:$0x3FDB];
	_ =	sdelay $0x1  }
0x9f: {  	s5 =	simm.s32 $_scs_section_size  }
0xa0: {  	s6 =	simm.s32 $_size__tile_overlayer_lowered;
	s7 =	simm.s32 $_tile_overlayer_lowered  }
0xa1: {  	s22 =	simm.s32 $0x1BFF;
	s21 =	sshll.u32 s7, $0x1;
	s4 =	sadd.s32 s5, s19  }
0xa2: {  	s8 =	simm.s32 $0x0;
	s20 =	sshll.u32 s6, $0x1;
	s6 =	sadd.s32 s21, s4  }
0xa3: {  	[timem:s8], [sflag:s22] =	dma.local [hbm:s6], s20  }
0xa4: {  	_ =	swait.ge [sflag:s22], s20  }
0xa5: {  	s5 =	ssub.s32 $0x0, s20;
	[sflag:s22] =	ssyncset.done $0x0  }
0xa6: {  	[sflag:s22] =	ssyncadd.s32 s5;
	_ =	sdelay $0x1  }
0xa7: {  	s23 =	simm.s32 $0x1B8B  }
0xa8: {  	_ =	swait.ge [sflag:s23], $0x1  }
0xa9: {  	[sflag:s23] =	ssyncset.done $0x0  }
0xaa: {  	s25 =	simm.s32 $0x1B8E;
	s24 =	sld [smem:$0x3FFE];
	[sflag:s23] =	ssyncadd.s32 $0xFFFFFFFF  }
0xab: {  	s26 =	simm.s32 $execute0_lowered;
	[smem:$0x3FD2] =	sst s25  }
0xac: {  	s6 =	sshll.u32 s26, $0x1;
	_ =	strace $0x80000046;
	[dreg:$0x1] =	wrdreg $0xFFFFFFFF  }
0xad: {  	s28 =	simm.s32 $_size_execute0_lowered;
	s4 =	sadd.s32 s4, s6;
	[dreg:$0x0] =	wrdreg $0x0  }
0xae: {  	s6 =	sshll.u32 s28, $0x1;
	[dreg:$0x2] =	wrdreg s4  }
0xaf: {  	[dreg:$0x3] =	wrdreg s6  }
0xb0: {  	[dreg:$0x4] =	wrdreg $0xC0  }
0xb1: {  	_ =	task [dreg:s8], $0x5FFFF  }
0xb2: {  	[dreg:$0x1] =	wrdreg $0xFFFFFFFF  }
0xb3: {  	[dreg:$0x0] =	wrdreg $0x60  }
0xb4: {  	[dreg:$0x2] =	wrdreg s24  }
0xb5: {  	[dreg:$0x3] =	wrdreg s16  }
0xb6: {  	[dreg:$0x4] =	wrdreg s17  }
0xb7: {  	[dreg:$0x5] =	wrdreg $0x10800  }
0xb8: {  	[dreg:$0x6] =	wrdreg $0x9  }
0xb9: {  	_ =	task.clear_ibuf [dreg:s8], $0x7FFFF;
	_ =	strace $0x90000046  }
0xba: {  	s29 =	simm.s32 $0x9;
	_ =	strace $0x80000048  }
0xbb: {  	_ =	swait.ge [sflag:s29], $0x1  }
0xbc: {  	[sflag:s29] =	ssyncadd.s32 $0xFFFFFFFF  }
0xbd: {  	_ =	strace $0x90000048  }
0xbe: {  	_ =	sfence  }
0xbf: {  	s30 =	sld [smem:$0x0];
	_ =	sdelay $0x2  }
0xc0: {  	s31 =	sshll.u32 s1, $0xD;
	s1 =	sshrl.u32 s1, $0x2  }
0xc1: {  	s3 =	sand.u32 $0x4000, s31;
	s1 =	sadd.s32 s1, s30  }
0xc2: {  	s0 =	sor.u32 s3, s0;
	s1 =	sshll.u32 s1, $0x11  }
0xc3: {  	s0 =	sor.u32 s1, s0  }
0xc4: {  	s0 =	sadd.s32 $0x8F2B, s0  }
0xc5: {  	[sflag:s0] =	ssyncadd.remote.s32 $0x1  }
0xc6: {  	_ =	sfence.sel $0xFFFF  }
0xc7: {  	[dreg:$0x0] =	wrdreg $0xFFFFFFFF;
	(pc) =	sbr.abs _section_cstart, $3  }
0xc8: {  	[dreg:$0x1] =	wrdreg $0xFFFFFFFF  }
0xc9: {  	_ =	task.clear_ibuf [dreg:s8], $0x2FFFF;
	_ =	strace $0x9FFFFFFF  }
0xca: {  	(tm) =	ssettm $0x7FFFFFFF  }
0xcb: {  	_ =	shalt  }
tec
execute0_lowered:
.L_overlay_start_1:
0x0: {  	(tag) =	ssettag $0x1  }
0x1: {  	s4 =	rddreg [dreg:$0x0]  }
0x2: {  	s0 =	rddreg [dreg:$0x1]  }
0x3: {  	s1 =	srdreg.scid;
	s5 =	rddreg [dreg:$0x2]  }
0x4: {  	s2 =	rddreg [dreg:$0x3];
	s10 =	stileid.u32;
	s3 =	simm.s32 $0x0  }
0x5: {  	s12 =	simm.s32 $0x1;
	s13 =	simm.s32 $0x50;
	s6 =	sand.u32 $0x1, s1  }
0x6: {  	s14 =	simm.s32 $0x1000;
	s15 =	simm.s32 $0x0;
	s7 =	sshll.u32 s6, $0x4  }
0x7: {  	s1 =	rddreg [dreg:$0x4];
	s6 =	ssub.s32 $0x2, s6;
	s8 =	sor.u32 s10, s7  }
0x8: {  	[smem:$0x7FF] =	sst s3;
	s9 =	sshrl.u32 s6, $0x1;
	s8 =	smul.u32 $0xA00, s8  }
0x9: {  	p0 =	sne.s32 s10, $0x0;
	_ =	strace $0x80000047;
	s6 =	ssub.s32 s6, s9  }
0xa: {  	s11 =	sadd.s32 s8, s4;
	s4 =	sadd.s32 s5, s7;
	s5 =	smax.u32 s6, $0x1  }
0xb: {  	s6 =	sadd.s32 $0x2E00, s11;
	s7 =	sadd.s32 $0x3000, s11;
	s8 =	sadd.s32 $0x3200, s11  }
0xc: {  	v0 =	vimm.f32 $1.000000000e+00;
	s9 =	sadd.s32 $0x3400, s11;
	s10 =	sadd.s32 $0x3600, s11;
	s11 =	sshrl.u32 @!p0 s2, $0x3  }
.LBB2_1:
0xd: {  	[tilespmem:$0x1000] =	vst v0  }
0xe: {  	[tilespmem:$0x1010] =	vst v0  }
0xf: {  	[tilespmem:$0x1020] =	vst v0  }
0x10: {  	[tilespmem:$0x1030] =	vst v0  }
0x11: {  	[tilespmem:$0x1040] =	vst v0;
	s16 =	simm.s32 @!p0 $0x1C01  }
0x12: {  	[spmem:s11], [sflag:s16] =	dma.local @!p0 [hbm:s0], $0x4F0  }
0x13: {  	s16 =	simm.s32 @!p0 $0x1  }
0x14: {  	_ =	swait.ge @!p0 [sflag:s16], $0x4F0  }
0x15: {  	[sflag:s16] =	ssyncset.done @!p0 $0x0  }
0x16: {  	[sflag:s16] =	ssyncadd.s32 @!p0 $0xFFFFFB10  }
0x17: {  	[bflag:$0x0] =	sbarrier.arrive $0xFFFF  }
0x18: {  	[tilespmem:s3], [sflag:$0x1] =	stream.linear.gather [hbm4b:s6+s3], $0xC80, $0x38;
	[tilespmem:$0x12F8] =	vst v63  }
0x19: {  	_ =	swait.ge [sflag:s12], $0xC80  }
0x1a: {  	[sflag:s12] =	ssyncset.done $0x0  }
0x1b: {  	s31 =	simm.s32 $0x0;
	[sflag:s12] =	ssyncadd.s32 $0xFFFFF380  }
0x1c: {  	[spmem:s2] =	stream.indirect.scatter.add.f32 [tilespmem:s14], [sflag:$0x1], $0x1, s31, s13, $0xb8;
	[tilespmem:$0x12F8] =	vst v63  }
0x1d: {  	_ =	swait.ge [sflag:s12], $0x50  }
0x1e: {  	s16 =	simm.s32 $0x200;
	[sflag:s12] =	ssyncset.done $0x0  }
.LBB2_2:
0x1f: {  	s17 =	sshra.s32 s16, $0x2;
	[sflag:s12] =	ssyncadd.s32 $0xFFFFFFB0;
	p1 =	sne.s32 s16, $0x3000  }
0x20: {  	[spmem:s2] =	stream.indirect.scatter.add.f32 [tilespmem:s14], [sflag:$0x1], $0x1, s17, s13, $0xb8;
	[tilespmem:$0x12F8] =	vst v63  }
.Ltmp0:
0x21: {  	_ = 	snop;
	(pc) =	sbr.rel @p1 .LBB2_2-.Ltmp0, $4  }
0x22: {  	_ = 	snop  }
0x23: {  	s16 =	sadd.s32 $0x200, s16  }
0x24: {  	_ =	swait.ge [sflag:s12], $0x50  }
0x25: {  	[sflag:s12] =	ssyncset.done $0x0  }
0x26: {  	[sflag:s12] =	ssyncadd.s32 $0xFFFFFFB0;
	s16 =	simm.s32 $0x0  }
0x27: {  	[tilespmem:s16], [sflag:$0x1] =	stream.linear.gather [hbm4b:s7+s16], $0xC80, $0x38;
	[tilespmem:$0x12F8] =	vst v63  }
0x28: {  	_ =	swait.ge [sflag:s12], $0xC80  }
0x29: {  	[sflag:s12] =	ssyncset.done $0x0  }
0x2a: {  	s31 =	simm.s32 $0x0;
	[sflag:s12] =	ssyncadd.s32 $0xFFFFF380  }
0x2b: {  	[spmem:s2] =	stream.indirect.scatter.add.f32 [tilespmem:s14], [sflag:$0x1], $0x1, s31, s13, $0xb8;
	[tilespmem:$0x12F8] =	vst v63  }
0x2c: {  	_ =	swait.ge [sflag:s12], $0x50  }
0x2d: {  	s16 =	simm.s32 $0x200;
	[sflag:s12] =	ssyncset.done $0x0  }
.LBB2_4:
0x2e: {  	s17 =	sshra.s32 s16, $0x2;
	[sflag:s12] =	ssyncadd.s32 $0xFFFFFFB0;
	p1 =	sne.s32 s16, $0x3000  }
0x2f: {  	[spmem:s2] =	stream.indirect.scatter.add.f32 [tilespmem:s14], [sflag:$0x1], $0x1, s17, s13, $0xb8;
	[tilespmem:$0x12F8] =	vst v63  }
.Ltmp1:
0x30: {  	_ = 	snop;
	(pc) =	sbr.rel @p1 .LBB2_4-.Ltmp1, $4  }
0x31: {  	_ = 	snop  }
0x32: {  	s16 =	sadd.s32 $0x200, s16  }
0x33: {  	_ =	swait.ge [sflag:s12], $0x50  }
0x34: {  	[sflag:s12] =	ssyncset.done $0x0  }
0x35: {  	[sflag:s12] =	ssyncadd.s32 $0xFFFFFFB0;
	s16 =	simm.s32 $0x0  }
0x36: {  	[tilespmem:s16], [sflag:$0x1] =	stream.linear.gather [hbm4b:s8+s16], $0xC80, $0x38;
	[tilespmem:$0x12F8] =	vst v63  }
0x37: {  	_ =	swait.ge [sflag:s12], $0xC80  }
0x38: {  	[sflag:s12] =	ssyncset.done $0x0  }
0x39: {  	s31 =	simm.s32 $0x0;
	[sflag:s12] =	ssyncadd.s32 $0xFFFFF380  }
0x3a: {  	[spmem:s2] =	stream.indirect.scatter.add.f32 [tilespmem:s14], [sflag:$0x1], $0x1, s31, s13, $0xb8;
	[tilespmem:$0x12F8] =	vst v63  }
0x3b: {  	_ =	swait.ge [sflag:s12], $0x50  }
0x3c: {  	s16 =	simm.s32 $0x200;
	[sflag:s12] =	ssyncset.done $0x0  }
.LBB2_6:
0x3d: {  	s17 =	sshra.s32 s16, $0x2;
	[sflag:s12] =	ssyncadd.s32 $0xFFFFFFB0;
	p1 =	sne.s32 s16, $0x3000  }
0x3e: {  	[spmem:s2] =	stream.indirect.scatter.add.f32 [tilespmem:s14], [sflag:$0x1], $0x1, s17, s13, $0xb8;
	[tilespmem:$0x12F8] =	vst v63  }
.Ltmp2:
0x3f: {  	_ = 	snop;
	(pc) =	sbr.rel @p1 .LBB2_6-.Ltmp2, $4  }
0x40: {  	_ = 	snop  }
0x41: {  	s16 =	sadd.s32 $0x200, s16  }
0x42: {  	_ =	swait.ge [sflag:s12], $0x50  }
0x43: {  	[sflag:s12] =	ssyncset.done $0x0  }
0x44: {  	[sflag:s12] =	ssyncadd.s32 $0xFFFFFFB0;
	s16 =	simm.s32 $0x0  }
0x45: {  	[tilespmem:s16], [sflag:$0x1] =	stream.linear.gather [hbm4b:s9+s16], $0xC80, $0x38;
	[tilespmem:$0x12F8] =	vst v63  }
0x46: {  	_ =	swait.ge [sflag:s12], $0xC80  }
0x47: {  	[sflag:s12] =	ssyncset.done $0x0  }
0x48: {  	s31 =	simm.s32 $0x0;
	[sflag:s12] =	ssyncadd.s32 $0xFFFFF380  }
0x49: {  	[spmem:s2] =	stream.indirect.scatter.add.f32 [tilespmem:s14], [sflag:$0x1], $0x1, s31, s13, $0xb8;
	[tilespmem:$0x12F8] =	vst v63  }
0x4a: {  	_ =	swait.ge [sflag:s12], $0x50  }
0x4b: {  	s16 =	simm.s32 $0x200;
	[sflag:s12] =	ssyncset.done $0x0  }
.LBB2_8:
0x4c: {  	s17 =	sshra.s32 s16, $0x2;
	[sflag:s12] =	ssyncadd.s32 $0xFFFFFFB0;
	p1 =	sne.s32 s16, $0x3000  }
0x4d: {  	[spmem:s2] =	stream.indirect.scatter.add.f32 [tilespmem:s14], [sflag:$0x1], $0x1, s17, s13, $0xb8;
	[tilespmem:$0x12F8] =	vst v63  }
.Ltmp3:
0x4e: {  	_ = 	snop;
	(pc) =	sbr.rel @p1 .LBB2_8-.Ltmp3, $4  }
0x4f: {  	_ = 	snop  }
0x50: {  	s16 =	sadd.s32 $0x200, s16  }
0x51: {  	_ =	swait.ge [sflag:s12], $0x50  }
0x52: {  	[sflag:s12] =	ssyncset.done $0x0  }
0x53: {  	[sflag:s12] =	ssyncadd.s32 $0xFFFFFFB0;
	s16 =	simm.s32 $0x0  }
0x54: {  	[tilespmem:s16], [sflag:$0x1] =	stream.linear.gather [hbm4b:s10+s16], $0xC80, $0x38;
	[tilespmem:$0x12F8] =	vst v63  }
0x55: {  	_ =	swait.ge [sflag:s12], $0xC80  }
0x56: {  	[sflag:s12] =	ssyncset.done $0x0  }
0x57: {  	s31 =	simm.s32 $0x0;
	[sflag:s12] =	ssyncadd.s32 $0xFFFFF380  }
0x58: {  	[spmem:s2] =	stream.indirect.scatter.add.f32 [tilespmem:s14], [sflag:$0x1], $0x1, s31, s13, $0xb8;
	[tilespmem:$0x12F8] =	vst v63  }
0x59: {  	_ =	swait.ge [sflag:s12], $0x50  }
0x5a: {  	s16 =	simm.s32 $0x200;
	[sflag:s12] =	ssyncset.done $0x0  }
.LBB2_10:
0x5b: {  	s17 =	sshra.s32 s16, $0x2;
	[sflag:s12] =	ssyncadd.s32 $0xFFFFFFB0;
	p1 =	sne.s32 s16, $0x3000  }
0x5c: {  	[spmem:s2] =	stream.indirect.scatter.add.f32 [tilespmem:s14], [sflag:$0x1], $0x1, s17, s13, $0xb8;
	[tilespmem:$0x12F8] =	vst v63  }
.Ltmp4:
0x5d: {  	_ = 	snop;
	(pc) =	sbr.rel @p1 .LBB2_10-.Ltmp4, $4  }
0x5e: {  	_ = 	snop  }
0x5f: {  	s16 =	sadd.s32 $0x200, s16  }
0x60: {  	_ =	swait.ge [sflag:s12], $0x50  }
0x61: {  	[sflag:s12] =	ssyncset.done $0x0  }
0x62: {  	[sflag:s12] =	ssyncadd.s32 $0xFFFFFFB0;
	s16 =	simm.s32 @!p0 $0x1;
	s15 =	sadd.s32 $0x1, s15  }
0x63: {  	s17 =	simm.s32 @!p0 $0x20;
	s18 =	simm.s32 @!p0 $0x10;
	p1 =	sne.s32 s15, s5  }
.Ltmp5:
0x64: {  	s19 =	simm.s32 @!p0 $0x1C01;
	[bflag:$0x0] =	sbarrier.arrive $0xFFFF;
	(pc) =	sbr.rel @p1 .LBB2_1-.Ltmp5, $4  }
0x65: {  	[hbm:s4@s17], [sflag:s19] =	dma.strided @!p0 [spmem:s11@s18], $0x4F0, s16, $0x10   }
0x66: {  	_ =	swait.ge @!p0 [sflag:s16], $0x4F0  }
0x67: {  	[sflag:s16] =	ssyncset.done @!p0 $0x0  }
0x68: {  	[sflag:s16] =	ssyncadd.s32 @!p0 $0xFFFFFB10  }
0x69: {  	_ =	sfence.sel $0x180000  }
0x6a: {  	[bflag:$0x0] =	sbarrier.arrive $0xFFFF  }
0x6b: {  	_ =	strace $0x90000047  }
0x6c: {  	s0 =	sadd.s32 @!p0 $0x100000, s1;
	[bflag:$0x2] =	sbarrier.arrive $0xFFFF  }
0x6d: {  	[sflag:s0] =	ssyncadd.tile.s32 @!p0 $0x1;
	_ =	shalt  }
.Lfunc_end2:
_tile_overlayer_lowered:
.L_overlay_start_2:
0x6e: {  	(tag) =	ssettag $0x2  }
0x6f: {  	s0 =	rddreg [dreg:$0x0];
	s2 =	stileid.u32  }
0x70: {  	s1 =	rddreg [dreg:$0x1];
	p0 =	sne.s32 s2, $0x0  }
0x71: {  	s3 =	rddreg [dreg:$0x2];
	[bflag:$0x3] =	sbarrier.arrive $0xFFFF;
	s2 =	simm.s32 @!p0 $0x1C01  }
0x72: {  	[timem:s3], [sflag:s2] =	dma.local @!p0 [hbm:s0], s1  }
0x73: {  	s0 =	simm.s32 @!p0 $0x1  }
0x74: {  	_ =	swait.ge @!p0 [sflag:s0], s1  }
0x75: {  	s1 =	ssub.s32 @!p0 $0x0, s1;
	[sflag:s0] =	ssyncset.done @!p0 $0x0  }
0x76: {  	[sflag:s0] =	ssyncadd.s32 @!p0 s1  }
0x77: {  	[bflag:$0x3] =	sbarrier.arrive $0xFFFF  }
0x78: {  	_ =	shalt  }

// kernel: kernel.13.cloned.1.call-start
scs
__scs_entry_jumppad:
0x0: {  	(pc) =	sbr.rel $0x88, $3  }
0x1: {  	(tag) =	ssettag $0x0;
	lr =	simm.s32 $0x1  }
0x2: {  	[smem:$0x3F97] =	sst lr;
	_ =	strace $0xD0000000  }
0x3: {  	_ = 	snop  }
0x4: {  	_ = 	snop  }
0x5: {  	_ = 	snop  }
0x6: {  	_ = 	snop  }
0x7: {  	_ = 	snop  }
__scs_overlays_trampoline_lowered:
0x8: {  	[smem:$0x3FA6] =	sst s0  }
0x9: {  	[smem:$0x3FA7] =	sst s1  }
0xa: {  	[smem:$0x3FA8] =	sst s2  }
0xb: {  	[smem:$0x3FA9] =	sst s3  }
0xc: {  	[smem:$0x3FAA] =	sst s4  }
0xd: {  	[smem:$0x3FAB] =	sst s5  }
0xe: {  	[smem:$0x3FAC] =	sst s6  }
0xf: {  	[smem:$0x3FAD] =	sst s7  }
0x10: {  	[smem:$0x3FAE] =	sst s8  }
0x11: {  	[smem:$0x3FAF] =	sst s9;
	s0 =	simm.s32 @!p0 $0x0  }
0x12: {  	s1 =	sld [smem:$0x3F95];
	s0 =	simm.s32 @p0 $0x1  }
0x13: {  	[smem:$0x3FB0] =	sst s0;
	s0 =	simm.s32 @!p1 $0x0  }
0x14: {  	s2 =	sld [smem:$0x3F94];
	s0 =	simm.s32 @p1 $0x1  }
0x15: {  	[smem:$0x3FB1] =	sst s0;
	s0 =	simm.s32 @!p2 $0x0  }
0x16: {  	s3 =	sld [smem:$0x3FDB];
	s0 =	simm.s32 @p2 $0x1  }
0x17: {  	s4 =	simm.s32 $0x1BF5;
	[smem:$0x3FB3] =	sst s0  }
0x18: {  	s0 =	sld [smem:$0x3F96];
	_ =	swait.ge [sflag:s4], $0x0  }
0x19: {  	s7 =	sld [smem:$0x3F97]  }
0x1a: {  	s8 =	sadd.s32 $0xFFFFE003, lr  }
0x1b: {  	s9 =	sadd.s32 $0xFFFFFEF7, lr;
	s5 =	simm.s32 $0xFFFFFFFF;
	p2 =	slt.u32 s8, $0xFFFFF086  }
0x1c: {  	p1 =	slt.u32 s9, $0xF7A;
	s5 =	simm.s32 @!p2 $0x0  }
0x1d: {  	s5 =	simm.s32 @p1 $0x1;
	p0 =	seq.s32 s7, s2  }
0x1e: {  	s7 =	smul.u32 @!p0 $0xF7A, s2;
	p2 =	seq.s32 @!p0 s5, $0x0  }
0x1f: {  	s9 =	smul.u32 $0xF7A, s1;
	s8 =	simm.s32 @!p0 $0x1BF5;
	p2 =	por !p2, p0  }
0x20: {  	[sflag:s8] =	ssyncset.s32 @!p0 $0xFFFFF086;
	s6 =	sadd.s32 @!p0 s3, s7;
	s7 =	simm.s32 @!p0 $0x108  }
0x21: {  	s3 =	sadd.s32 s3, s9;
	s6 =	sadd.s32 @!p0 $0x88, s6;
	s7 =	simm.s32 @p2 $0x1082  }
0x22: {  	[simem:s7], [sflag:s8] =	dma.local @!p0 [hbm:s6], $0xF7A  }
0x23: {  	s9 =	sor.u32 $0xD0000000, s2;
	s6 =	simm.s32 $0x108;
	_ =	swait.ge @!p0 [sflag:s8], $0x0  }
0x24: {  	s3 =	sadd.s32 $0x88, s3;
	s6 =	simm.s32 @!p1 $0x1082;
	[sflag:s4] =	ssyncset.s32 $0xFFFFF086  }
0x25: {  	[simem:s6], [sflag:s4] =	dma.local [hbm:s3], $0xF7A  }
0x26: {  	[smem:$0x3F97] =	sst s1;
	(tag) =	ssettag s2;
	_ =	strace s9  }
0x27: {  	s1 =	sld [smem:$0x3FA7]  }
0x28: {  	s2 =	sld [smem:$0x3FA8]  }
0x29: {  	s4 =	sld [smem:$0x3FAA]  }
0x2a: {  	p0 =	seq.s32 s5, $0x0;
	s5 =	sld [smem:$0x3FAB]  }
0x2b: {  	s6 =	sld [smem:$0x3FAC]  }
0x2c: {  	s7 =	sld [smem:$0x3FAD]  }
0x2d: {  	s3 =	simm.s32 $0x108;
	s8 =	sld [smem:$0x3FAE]  }
0x2e: {  	s3 =	simm.s32 @!p0 $0x1082;
	s9 =	sld [smem:$0x3FAF]  }
0x2f: {  	lr =	sadd.s32 s0, s3;
	s0 =	sld [smem:$0x3FA6]  }
0x30: {  	s3 =	sld [smem:$0x3FA9]  }
0x31: {  	[smem:$0x3FB2] =	sst s10  }
0x32: {  	s10 =	sld [smem:$0x3FB0];
	_ =	sdelay $0x3  }
0x33: {  	p0 =	seq.s32 s10, $0x1;
	s10 =	sld [smem:$0x3FB2];
	_ =	sdelay $0x3  }
0x34: {  	[smem:$0x3FB2] =	sst s10  }
0x35: {  	s10 =	sld [smem:$0x3FB1];
	_ =	sdelay $0x3  }
0x36: {  	p1 =	seq.s32 s10, $0x1;
	s10 =	sld [smem:$0x3FB2];
	_ =	sdelay $0x3  }
0x37: {  	[smem:$0x3FB2] =	sst s10  }
0x38: {  	s10 =	sld [smem:$0x3FB3]  }
0x39: {  	_ = 	snop;
	(pc) =	sbr.ind lr, $3  }
0x3a: {  	_ = 	snop  }
0x3b: {  	_ = 	snop  }
0x3c: {  	p2 =	seq.s32 s10, $0x1;
	s10 =	sld [smem:$0x3FB2]  }
0x3d: {  	_ =	shalt  }
0x3e: {  	_ =	shalt  }
0x3f: {  	_ =	shalt  }
0x40: {  	_ =	shalt  }
0x41: {  	_ =	shalt  }
0x42: {  	_ =	shalt  }
0x43: {  	_ =	shalt  }
0x44: {  	_ =	shalt  }
0x45: {  	_ =	shalt  }
0x46: {  	_ =	shalt  }
0x47: {  	_ =	shalt  }
0x48: {  	_ =	shalt  }
0x49: {  	_ =	shalt  }
0x4a: {  	_ =	shalt  }
0x4b: {  	_ =	shalt  }
0x4c: {  	_ =	shalt  }
0x4d: {  	_ =	shalt  }
0x4e: {  	_ =	shalt  }
0x4f: {  	_ =	shalt  }
0x50: {  	_ =	shalt  }
0x51: {  	_ =	shalt  }
0x52: {  	_ =	shalt  }
0x53: {  	_ =	shalt  }
0x54: {  	_ =	shalt  }
0x55: {  	_ =	shalt  }
0x56: {  	_ =	shalt  }
0x57: {  	_ =	shalt  }
0x58: {  	_ =	shalt  }
0x59: {  	_ =	shalt  }
0x5a: {  	_ =	shalt  }
0x5b: {  	_ =	shalt  }
0x5c: {  	_ =	shalt  }
0x5d: {  	_ =	shalt  }
0x5e: {  	_ =	shalt  }
0x5f: {  	_ =	shalt  }
0x60: {  	_ =	shalt  }
0x61: {  	_ =	shalt  }
0x62: {  	_ =	shalt  }
0x63: {  	_ =	shalt  }
0x64: {  	_ =	shalt  }
0x65: {  	_ =	shalt  }
0x66: {  	_ =	shalt  }
0x67: {  	_ =	shalt  }
0x68: {  	_ =	shalt  }
0x69: {  	_ =	shalt  }
0x6a: {  	_ =	shalt  }
0x6b: {  	_ =	shalt  }
0x6c: {  	_ =	shalt  }
0x6d: {  	_ =	shalt  }
0x6e: {  	_ =	shalt  }
0x6f: {  	_ =	shalt  }
0x70: {  	_ =	shalt  }
0x71: {  	_ =	shalt  }
0x72: {  	_ =	shalt  }
0x73: {  	_ =	shalt  }
0x74: {  	_ =	shalt  }
0x75: {  	_ =	shalt  }
0x76: {  	_ =	shalt  }
0x77: {  	_ =	shalt  }
0x78: {  	_ =	shalt  }
0x79: {  	_ =	shalt  }
0x7a: {  	_ =	shalt  }
0x7b: {  	_ =	shalt  }
0x7c: {  	_ =	shalt  }
0x7d: {  	_ =	shalt  }
0x7e: {  	_ =	shalt  }
0x7f: {  	_ =	shalt  }
0x80: {  	_ =	shalt  }
0x81: {  	_ =	shalt  }
0x82: {  	_ =	shalt  }
0x83: {  	_ =	shalt  }
0x84: {  	_ =	shalt  }
0x85: {  	_ =	shalt  }
0x86: {  	_ =	shalt  }
0x87: {  	_ =	shalt  }
.Lfunc_end0:
.L_simem_size_0:
called_computation.1_lowered:
.L_overlay_start_0:
0x88: {  	s2 =	sld [smem:$0x3FD9]  }
0x89: {  	s3 =	sld [smem:$0x3FFE];
	_ =	sdelay $0x1  }
0x8a: {  	s1 =	srdreg.scid  }
0x8b: {  	s0 =	sand.u32 $0x1, s1  }
0x8c: {  	s16 =	sshll.u32 s0, $0xA;
	s2 =	sadd.s32 s3, s2  }
0x8d: {  	s2 =	sadd.s32 s2, s16  }
0x8e: {  	[smem:$0x3FBE] =	sst s2  }
0x8f: {  	_ = 	snop  }
0x90: {  	(tm) =	ssettm $0x1  }
0x91: {  	s17 =	sld [smem:$0x3FFB];
	_ =	sdelay $0x3  }
0x92: {  	_ =	strace s17  }
0x93: {  	s2 =	sld [smem:$0x3FFC];
	_ =	sdelay $0x3  }
0x94: {  	_ =	strace s2  }
0x95: {  	s2 =	sld [smem:$0x3FFD];
	_ =	sdelay $0x3  }
0x96: {  	_ =	strace s2  }
0x97: {  	_ =	strace $0x8FFFFFFF  }
0x98: {  	s18 =	sld [smem:$0x3FDB];
	_ =	sdelay $0x1  }
0x99: {  	s19 =	simm.s32 $_scs_section_size  }
0x9a: {  	s4 =	simm.s32 $_size__tile_overlayer_lowered;
	s5 =	simm.s32 $_tile_overlayer_lowered  }
0x9b: {  	s22 =	simm.s32 $0x1BFF;
	s21 =	sshll.u32 s5, $0x1;
	s2 =	sadd.s32 s19, s18  }
0x9c: {  	s6 =	simm.s32 $0x0;
	s20 =	sshll.u32 s4, $0x1;
	s4 =	sadd.s32 s21, s2  }
0x9d: {  	[timem:s6], [sflag:s22] =	dma.local [hbm:s4], s20  }
0x9e: {  	_ =	swait.ge [sflag:s22], s20  }
0x9f: {  	s3 =	ssub.s32 $0x0, s20;
	[sflag:s22] =	ssyncset.done $0x0  }
0xa0: {  	[sflag:s22] =	ssyncadd.s32 s3;
	_ =	sdelay $0x1  }
0xa1: {  	s23 =	simm.s32 $0x1B8B  }
0xa2: {  	_ =	swait.ge [sflag:s23], $0x1  }
0xa3: {  	[sflag:s23] =	ssyncset.done $0x0  }
0xa4: {  	s25 =	simm.s32 $0x1B8E;
	s24 =	sld [smem:$0x3FFE];
	[sflag:s23] =	ssyncadd.s32 $0xFFFFFFFF  }
0xa5: {  	s26 =	simm.s32 $execute0_lowered;
	[smem:$0x3FD2] =	sst s25  }
0xa6: {  	s4 =	sshll.u32 s26, $0x1;
	_ =	strace $0x80000049;
	[dreg:$0x1] =	wrdreg $0xFFFFFFFF  }
0xa7: {  	s28 =	simm.s32 $_size_execute0_lowered;
	s2 =	sadd.s32 s2, s4;
	[dreg:$0x0] =	wrdreg $0x0  }
0xa8: {  	s4 =	sshll.u32 s28, $0x1;
	[dreg:$0x2] =	wrdreg s2  }
0xa9: {  	[dreg:$0x3] =	wrdreg s4  }
0xaa: {  	[dreg:$0x4] =	wrdreg $0xC0  }
0xab: {  	_ =	task [dreg:s6], $0x5FFFF  }
0xac: {  	[dreg:$0x1] =	wrdreg $0xFFFFFFFF  }
0xad: {  	[dreg:$0x0] =	wrdreg $0x60  }
0xae: {  	[dreg:$0x2] =	wrdreg s24  }
0xaf: {  	[dreg:$0x3] =	wrdreg $0xC0000  }
0xb0: {  	[dreg:$0x4] =	wrdreg $0x9  }
0xb1: {  	_ =	task.clear_ibuf [dreg:s6], $0x5FFFF;
	_ =	strace $0x90000049  }
0xb2: {  	s29 =	simm.s32 $0x9;
	_ =	strace $0x8000004B  }
0xb3: {  	_ =	swait.ge [sflag:s29], $0x1  }
0xb4: {  	[sflag:s29] =	ssyncadd.s32 $0xFFFFFFFF  }
0xb5: {  	_ =	strace $0x9000004B  }
0xb6: {  	_ =	sfence  }
0xb7: {  	s30 =	sld [smem:$0x0];
	_ =	sdelay $0x2  }
0xb8: {  	s31 =	sshll.u32 s1, $0xD;
	s1 =	sshrl.u32 s1, $0x2  }
0xb9: {  	s3 =	sand.u32 $0x4000, s31;
	s1 =	sadd.s32 s1, s30  }
0xba: {  	s0 =	sor.u32 s3, s0;
	s1 =	sshll.u32 s1, $0x11  }
0xbb: {  	s0 =	sor.u32 s1, s0  }
0xbc: {  	s0 =	sadd.s32 $0x8F2B, s0  }
0xbd: {  	[sflag:s0] =	ssyncadd.remote.s32 $0x1  }
0xbe: {  	_ =	sfence.sel $0xFFFF  }
0xbf: {  	[dreg:$0x0] =	wrdreg $0xFFFFFFFF;
	(pc) =	sbr.abs _section_cstart, $3  }
0xc0: {  	[dreg:$0x1] =	wrdreg $0xFFFFFFFF  }
0xc1: {  	_ =	task.clear_ibuf [dreg:s6], $0x2FFFF;
	_ =	strace $0x9FFFFFFF  }
0xc2: {  	(tm) =	ssettm $0x7FFFFFFF  }
0xc3: {  	_ =	shalt  }
tec
execute0_lowered:
.L_overlay_start_1:
0x0: {  	(tag) =	ssettag $0x1  }
0x1: {  	s1 =	rddreg [dreg:$0x0]  }
0x2: {  	s2 =	rddreg [dreg:$0x1];
	s3 =	simm.s32 $0x0  }
0x3: {  	s6 =	simm.s32 $0x100;
	[smem:$0x7FF] =	sst s3  }
0x4: {  	s7 =	simm.s32 $0x180;
	_ =	strace $0x8000004A;
	[dreg:$0x6] =	wrdreg s6  }
0x5: {  	s8 =	simm.s32 $0x200;
	[dreg:$0x7] =	wrdreg s7  }
0x6: {  	s11 =	simm.s32 $0x280;
	[dreg:$0x8] =	wrdreg s8  }
0x7: {  	s12 =	simm.s32 $0x1100;
	[dreg:$0xa] =	wrdreg s11  }
0x8: {  	s13 =	simm.s32 $0x300;
	[dreg:$0xb] =	wrdreg s12  }
0x9: {  	s0 =	srdreg.scid;
	s14 =	simm.s32 $0x1180;
	[dreg:$0xc] =	wrdreg s13  }
0xa: {  	s9 =	stileid.u32;
	s15 =	simm.s32 $0x380;
	[dreg:$0xd] =	wrdreg s14  }
0xb: {  	s16 =	simm.s32 $0x1200;
	s17 =	simm.s32 $0x400;
	[dreg:$0xe] =	wrdreg s15  }
0xc: {  	s18 =	simm.s32 $0x1280;
	s20 =	simm.s32 $0x480;
	[dreg:$0xf] =	wrdreg s16  }
0xd: {  	s22 =	simm.s32 $0x1300;
	s23 =	simm.s32 $0x500;
	[dreg:$0x10] =	wrdreg s17  }
0xe: {  	s25 =	simm.s32 $0x1380;
	s26 =	simm.s32 $0x580;
	[dreg:$0x11] =	wrdreg s18  }
0xf: {  	s28 =	simm.s32 $0xB80;
	s29 =	simm.s32 $0x1A00;
	[dreg:$0x12] =	wrdreg s20  }
0x10: {  	s30 =	simm.s32 $0xC00;
	s5 =	smul.u32 $0xA00, s9;
	[dreg:$0x13] =	wrdreg s22  }
0x11: {  	s31 =	simm.s32 $0x1A80;
	s10 =	smul.u32 $0x13C00, s9;
	[dreg:$0x14] =	wrdreg s23  }
0x12: {  	s0 =	sand.u32 $0x1, s0;
	s21 =	smul.u32 $0x4F000, s9;
	[dreg:$0x15] =	wrdreg s25  }
0x13: {  	s4 =	smul.u32 $0xA000, s0;
	s6 =	simm.s32 $0x1080;
	[dreg:$0x16] =	wrdreg s26  }
0x14: {  	s8 =	smul.u32 $0x13C000, s0;
	s11 =	simm.s32 $0x600;
	[dreg:$0x9] =	wrdreg s6  }
0x15: {  	s0 =	ssub.s32 $0x2, s0;
	s12 =	simm.s32 $0x1480;
	[dreg:$0x18] =	wrdreg s11  }
0x16: {  	s13 =	simm.s32 $0x680;
	s14 =	simm.s32 $0x1500;
	[dreg:$0x19] =	wrdreg s12  }
0x17: {  	s15 =	simm.s32 $0x700;
	s16 =	simm.s32 $0x1580;
	[dreg:$0x1a] =	wrdreg s13  }
0x18: {  	s17 =	simm.s32 $0x780;
	s18 =	simm.s32 $0x1600;
	[dreg:$0x1b] =	wrdreg s14  }
0x19: {  	s20 =	simm.s32 $0x1680;
	s22 =	simm.s32 $0x1700;
	[dreg:$0x1c] =	wrdreg s15  }
0x1a: {  	s23 =	simm.s32 $0x900;
	s25 =	simm.s32 $0x980;
	[dreg:$0x1d] =	wrdreg s16  }
0x1b: {  	s26 =	simm.s32 $0x1800;
	s7 =	sshrl.u32 s10, $0x3;
	[dreg:$0x1e] =	wrdreg s17  }
0x1c: {  	s19 =	sshrl.u32 s0, $0x1;
	s24 =	sshrl.u32 s21, $0x2;
	[dreg:$0x1f] =	wrdreg s18  }
0x1d: {  	s11 =	simm.s32 $0x1000;
	s12 =	simm.s32 $0x50;
	[smem:$0x7F5] =	sst s20  }
0x1e: {  	s13 =	simm.s32 $0x2000;
	s14 =	simm.s32 $0x4800;
	[smem:$0x7F7] =	sst s22  }
0x1f: {  	s15 =	simm.s32 $0x7000;
	s21 =	simm.s32 $0x880;
	[smem:$0x7F8] =	sst s23  }
0x20: {  	s16 =	simm.s32 $0x9800;
	s17 =	simm.s32 $0x1;
	[smem:$0x7FA] =	sst s25  }
0x21: {  	s18 =	simm.s32 $0x2;
	s20 =	simm.s32 $0x4;
	[smem:$0x7FB] =	sst s26  }
0x22: {  	s22 =	simm.s32 $0x1880;
	s23 =	simm.s32 $0xA80;
	s25 =	simm.s32 $0xB00  }
0x23: {  	s26 =	simm.s32 $0x1980;
	s4 =	sadd.s32 s4, s1;
	s7 =	sadd.s32 s7, s1  }
0x24: {  	s0 =	ssub.s32 s0, s19;
	s19 =	simm.s32 $0x800;
	[smem:$0x7F6] =	sst s21  }
0x25: {  	s6 =	sadd.s32 s24, s2;
	s24 =	simm.s32 $0x1780;
	[smem:$0x7F4] =	sst s19  }
0x26: {  	s21 =	simm.s32 $0xA00;
	s7 =	sadd.s32 $0x52000, s7;
	[smem:$0x7F9] =	sst s24  }
0x27: {  	s4 =	sadd.s32 s5, s4;
	s0 =	smax.u32 s0, $0x1;
	[smem:$0x7F1] =	sst s7  }
0x28: {  	s19 =	simm.s32 $0x3;
	s5 =	sadd.s32 $0x2E00, s4;
	[smem:$0x7F3] =	sst s0  }
0x29: {  	s24 =	simm.s32 $0x1900;
	s4 =	sadd.s32 $0x16E00, s4;
	[dreg:$0x3] =	wrdreg s5  }
0x2a: {  	s0 =	simm.s32 $0x1B80;
	[dreg:$0x4] =	wrdreg s4;
	s5 =	simm.s32 $0x80  }
0x2b: {  	s4 =	sadd.s32 $0x2AE00, s1;
	[dreg:$0x5] =	wrdreg s5;
	s5 =	sadd.s32 s10, s8  }
0x2c: {  	s8 =	simm.s32 $0x1400;
	s10 =	sshll.u32 s9, $0x6;
	s9 =	simm.s32 $0x0  }
0x2d: {  	s5 =	sshrl.u32 s5, $0x3;
	[dreg:$0x17] =	wrdreg s8;
	s7 =	sor.u32 $0x1C05, s10  }
0x2e: {  	s8 =	sshrl.u32 s6, $0x3;
	s1 =	sadd.s32 s5, s1;
	[smem:$0x7FC] =	sst s7  }
0x2f: {  	s10 =	simm.s32 $0x5;
	[smem:$0x7FD] =	sst s8;
	s1 =	sadd.s32 $0x79800, s1  }
0x30: {  	s5 =	simm.s32 $0x1C00;
	[smem:$0x7F2] =	sst s1;
	s1 =	simm.s32 $0x1B00  }
.LBB2_1:
0x31: {  	s6 =	sld [smem:$0x7F1];
	_ =	sdelay $0x1  }
0x32: {  	[smem:$0x7F0] =	sst s9  }
0x33: {  	[spmem:s8], [sflag:s7] =	dma.local [hbm:s6], $0x2780  }
0x34: {  	_ =	swait.ge [sflag:s10], $0x2780  }
0x35: {  	[sflag:s10] =	ssyncset.done $0x0  }
0x36: {  	[sflag:s10] =	ssyncadd.s32 $0xFFFFD880  }
0x37: {  	[bflag:$0x0] =	sbarrier.arrive $0xFFFF  }
0x38: {  	s9 =	rddreg [dreg:$0x4]  }
0x39: {  	s6 =	sadd.s32 $0x0, s9  }
0x3a: {  	[tilespmem:s3], [sflag:$0x5] =	stream.linear.gather [hbm4b:s6+s3], $0xC80, $0x38;
	[tilespmem:$0x1FC00] =	vst v63  }
0x3b: {  	_ =	swait.ge [sflag:s10], $0xC80  }
0x3c: {  	s7 =	rddreg [dreg:$0x3];
	[sflag:s10] =	ssyncset.done $0x0  }
0x3d: {  	[sflag:s10] =	ssyncadd.s32 $0xFFFFF380;
	s6 =	sadd.s32 $0x0, s7  }
0x3e: {  	[tilespmem:s11], [sflag:$0x5] =	stream.linear.gather [hbm4b:s6+s3], $0xC80, $0x38;
	[tilespmem:$0x1FC00] =	vst v63  }
0x3f: {  	_ =	swait.ge [sflag:s10], $0xC80  }
0x40: {  	[sflag:s10] =	ssyncset.done $0x0  }
0x41: {  	[sflag:s10] =	ssyncadd.s32 $0xFFFFF380  }
0x42: {  	[tilespmem:s13], [sflag:$0x1] =	stream.indirect.gather [hbm4b:s4+s12], $0x80, s3, s12, $0xb8;
	[tilespmem:$0x1FC00] =	vst v63  }
0x43: {  	s8 =	rddreg [dreg:$0x5]  }
0x44: {  	[tilespmem:s14], [sflag:$0x2] =	stream.indirect.gather [hbm4b:s4+s12], $0x80, s8, s12, $0xb8;
	[tilespmem:$0x1FC00] =	vst v63  }
0x45: {  	s9 =	rddreg [dreg:$0x6]  }
0x46: {  	[tilespmem:s15], [sflag:$0x3] =	stream.indirect.gather [hbm4b:s4+s12], $0x80, s9, s12, $0xb8;
	[tilespmem:$0x1FC00] =	vst v63  }
0x47: {  	s7 =	rddreg [dreg:$0x7]  }
0x48: {  	[tilespmem:s16], [sflag:$0x4] =	stream.indirect.gather [hbm4b:s4+s12], $0x80, s7, s12, $0xb8;
	[tilespmem:$0x1FC00] =	vst v63  }
0x49: {  	_ =	swait.ge [sflag:s17], $0x2800  }
0x4a: {  	[sflag:s17] =	ssyncset.done $0x0  }
0x4b: {  	[sflag:s17] =	ssyncadd.s32 $0xFFFFD800  }
0x4c: {  	[spmem:s2] =	stream.indirect.scatter.add.f32 [tilespmem:s13], [sflag:$0x5], $0x80, s11, s12, $0xb8;
	[tilespmem:$0x1FC00] =	vst v63  }
0x4d: {  	_ =	swait.ge [sflag:s10], $0x2800  }
0x4e: {  	[sflag:s10] =	ssyncset.done $0x0  }
0x4f: {  	s8 =	rddreg [dreg:$0x8];
	[sflag:s10] =	ssyncadd.s32 $0xFFFFD800  }
0x50: {  	[tilespmem:s13], [sflag:$0x1] =	stream.indirect.gather [hbm4b:s4+s12], $0x80, s8, s12, $0xb8;
	[tilespmem:$0x1FC00] =	vst v63  }
0x51: {  	_ =	swait.ge [sflag:s18], $0x2800  }
0x52: {  	[sflag:s18] =	ssyncset.done $0x0  }
0x53: {  	s9 =	rddreg [dreg:$0x9];
	[sflag:s18] =	ssyncadd.s32 $0xFFFFD800  }
0x54: {  	[spmem:s2] =	stream.indirect.scatter.add.f32 [tilespmem:s14], [sflag:$0x5], $0x80, s9, s12, $0xb8;
	[tilespmem:$0x1FC00] =	vst v63  }
0x55: {  	_ =	swait.ge [sflag:s10], $0x2800  }
0x56: {  	[sflag:s10] =	ssyncset.done $0x0  }
0x57: {  	s7 =	rddreg [dreg:$0xa];
	[sflag:s10] =	ssyncadd.s32 $0xFFFFD800  }
0x58: {  	[tilespmem:s14], [sflag:$0x2] =	stream.indirect.gather [hbm4b:s4+s12], $0x80, s7, s12, $0xb8;
	[tilespmem:$0x1FC00] =	vst v63  }
0x59: {  	_ =	swait.ge [sflag:s19], $0x2800  }
0x5a: {  	[sflag:s19] =	ssyncset.done $0x0  }
0x5b: {  	s8 =	rddreg [dreg:$0xb];
	[sflag:s19] =	ssyncadd.s32 $0xFFFFD800  }
0x5c: {  	[spmem:s2] =	stream.indirect.scatter.add.f32 [tilespmem:s15], [sflag:$0x5], $0x80, s8, s12, $0xb8;
	[tilespmem:$0x1FC00] =	vst v63  }
0x5d: {  	_ =	swait.ge [sflag:s10], $0x2800  }
0x5e: {  	[sflag:s10] =	ssyncset.done $0x0  }
0x5f: {  	s9 =	rddreg [dreg:$0xc];
	[sflag:s10] =	ssyncadd.s32 $0xFFFFD800  }
0x60: {  	[tilespmem:s15], [sflag:$0x3] =	stream.indirect.gather [hbm4b:s4+s12], $0x80, s9, s12, $0xb8;
	[tilespmem:$0x1FC00] =	vst v63  }
0x61: {  	_ =	swait.ge [sflag:s20], $0x2800  }
0x62: {  	[sflag:s20] =	ssyncset.done $0x0  }
0x63: {  	s7 =	rddreg [dreg:$0xd];
	[sflag:s20] =	ssyncadd.s32 $0xFFFFD800  }
0x64: {  	[spmem:s2] =	stream.indirect.scatter.add.f32 [tilespmem:s16], [sflag:$0x5], $0x80, s7, s12, $0xb8;
	[tilespmem:$0x1FC00] =	vst v63  }
0x65: {  	_ =	swait.ge [sflag:s10], $0x2800  }
0x66: {  	[sflag:s10] =	ssyncset.done $0x0  }
0x67: {  	s8 =	rddreg [dreg:$0xe];
	[sflag:s10] =	ssyncadd.s32 $0xFFFFD800  }
0x68: {  	[tilespmem:s16], [sflag:$0x4] =	stream.indirect.gather [hbm4b:s4+s12], $0x80, s8, s12, $0xb8;
	[tilespmem:$0x1FC00] =	vst v63  }
0x69: {  	_ =	swait.ge [sflag:s17], $0x2800  }
0x6a: {  	[sflag:s17] =	ssyncset.done $0x0  }
0x6b: {  	s9 =	rddreg [dreg:$0xf];
	[sflag:s17] =	ssyncadd.s32 $0xFFFFD800  }
0x6c: {  	[spmem:s2] =	stream.indirect.scatter.add.f32 [tilespmem:s13], [sflag:$0x5], $0x80, s9, s12, $0xb8;
	[tilespmem:$0x1FC00] =	vst v63  }
0x6d: {  	_ =	swait.ge [sflag:s10], $0x2800  }
0x6e: {  	[sflag:s10] =	ssyncset.done $0x0  }
0x6f: {  	s7 =	rddreg [dreg:$0x10];
	[sflag:s10] =	ssyncadd.s32 $0xFFFFD800  }
0x70: {  	[tilespmem:s13], [sflag:$0x1] =	stream.indirect.gather [hbm4b:s4+s12], $0x80, s7, s12, $0xb8;
	[tilespmem:$0x1FC00] =	vst v63  }
0x71: {  	_ =	swait.ge [sflag:s18], $0x2800  }
0x72: {  	[sflag:s18] =	ssyncset.done $0x0  }
0x73: {  	s8 =	rddreg [dreg:$0x11];
	[sflag:s18] =	ssyncadd.s32 $0xFFFFD800  }
0x74: {  	[spmem:s2] =	stream.indirect.scatter.add.f32 [tilespmem:s14], [sflag:$0x5], $0x80, s8, s12, $0xb8;
	[tilespmem:$0x1FC00] =	vst v63  }
0x75: {  	_ =	swait.ge [sflag:s10], $0x2800  }
0x76: {  	[sflag:s10] =	ssyncset.done $0x0  }
0x77: {  	s9 =	rddreg [dreg:$0x12];
	[sflag:s10] =	ssyncadd.s32 $0xFFFFD800  }
0x78: {  	[tilespmem:s14], [sflag:$0x2] =	stream.indirect.gather [hbm4b:s4+s12], $0x80, s9, s12, $0xb8;
	[tilespmem:$0x1FC00] =	vst v63  }
0x79: {  	_ =	swait.ge [sflag:s19], $0x2800  }
0x7a: {  	[sflag:s19] =	ssyncset.done $0x0  }
0x7b: {  	s7 =	rddreg [dreg:$0x13];
	[sflag:s19] =	ssyncadd.s32 $0xFFFFD800  }
0x7c: {  	[spmem:s2] =	stream.indirect.scatter.add.f32 [tilespmem:s15], [sflag:$0x5], $0x80, s7, s12, $0xb8;
	[tilespmem:$0x1FC00] =	vst v63  }
0x7d: {  	_ =	swait.ge [sflag:s10], $0x2800  }
0x7e: {  	[sflag:s10] =	ssyncset.done $0x0  }
0x7f: {  	s8 =	rddreg [dreg:$0x14];
	[sflag:s10] =	ssyncadd.s32 $0xFFFFD800  }
0x80: {  	[tilespmem:s15], [sflag:$0x3] =	stream.indirect.gather [hbm4b:s4+s12], $0x80, s8, s12, $0xb8;
	[tilespmem:$0x1FC00] =	vst v63  }
0x81: {  	_ =	swait.ge [sflag:s20], $0x2800  }
0x82: {  	[sflag:s20] =	ssyncset.done $0x0  }
0x83: {  	s9 =	rddreg [dreg:$0x15];
	[sflag:s20] =	ssyncadd.s32 $0xFFFFD800  }
0x84: {  	[spmem:s2] =	stream.indirect.scatter.add.f32 [tilespmem:s16], [sflag:$0x5], $0x80, s9, s12, $0xb8;
	[tilespmem:$0x1FC00] =	vst v63  }
0x85: {  	_ =	swait.ge [sflag:s10], $0x2800  }
0x86: {  	[sflag:s10] =	ssyncset.done $0x0  }
0x87: {  	s7 =	rddreg [dreg:$0x16];
	[sflag:s10] =	ssyncadd.s32 $0xFFFFD800  }
0x88: {  	[tilespmem:s16], [sflag:$0x4] =	stream.indirect.gather [hbm4b:s4+s12], $0x80, s7, s12, $0xb8;
	[tilespmem:$0x1FC00] =	vst v63  }
0x89: {  	_ =	swait.ge [sflag:s17], $0x2800  }
0x8a: {  	[sflag:s17] =	ssyncset.done $0x0  }
0x8b: {  	s8 =	rddreg [dreg:$0x17];
	[sflag:s17] =	ssyncadd.s32 $0xFFFFD800  }
0x8c: {  	[spmem:s2] =	stream.indirect.scatter.add.f32 [tilespmem:s13], [sflag:$0x5], $0x80, s8, s12, $0xb8;
	[tilespmem:$0x1FC00] =	vst v63  }
0x8d: {  	_ =	swait.ge [sflag:s10], $0x2800  }
0x8e: {  	[sflag:s10] =	ssyncset.done $0x0  }
0x8f: {  	s9 =	rddreg [dreg:$0x18];
	[sflag:s10] =	ssyncadd.s32 $0xFFFFD800  }
0x90: {  	[tilespmem:s13], [sflag:$0x1] =	stream.indirect.gather [hbm4b:s4+s12], $0x80, s9, s12, $0xb8;
	[tilespmem:$0x1FC00] =	vst v63  }
0x91: {  	_ =	swait.ge [sflag:s18], $0x2800  }
0x92: {  	[sflag:s18] =	ssyncset.done $0x0  }
0x93: {  	s7 =	rddreg [dreg:$0x19];
	[sflag:s18] =	ssyncadd.s32 $0xFFFFD800  }
0x94: {  	[spmem:s2] =	stream.indirect.scatter.add.f32 [tilespmem:s14], [sflag:$0x5], $0x80, s7, s12, $0xb8;
	[tilespmem:$0x1FC00] =	vst v63  }
0x95: {  	_ =	swait.ge [sflag:s10], $0x2800  }
0x96: {  	[sflag:s10] =	ssyncset.done $0x0  }
0x97: {  	s8 =	rddreg [dreg:$0x1a];
	[sflag:s10] =	ssyncadd.s32 $0xFFFFD800  }
0x98: {  	[tilespmem:s14], [sflag:$0x2] =	stream.indirect.gather [hbm4b:s4+s12], $0x80, s8, s12, $0xb8;
	[tilespmem:$0x1FC00] =	vst v63  }
0x99: {  	_ =	swait.ge [sflag:s19], $0x2800  }
0x9a: {  	[sflag:s19] =	ssyncset.done $0x0  }
0x9b: {  	s9 =	rddreg [dreg:$0x1b];
	[sflag:s19] =	ssyncadd.s32 $0xFFFFD800  }
0x9c: {  	[spmem:s2] =	stream.indirect.scatter.add.f32 [tilespmem:s15], [sflag:$0x5], $0x80, s9, s12, $0xb8;
	[tilespmem:$0x1FC00] =	vst v63  }
0x9d: {  	_ =	swait.ge [sflag:s10], $0x2800  }
0x9e: {  	[sflag:s10] =	ssyncset.done $0x0  }
0x9f: {  	s7 =	rddreg [dreg:$0x1c];
	[sflag:s10] =	ssyncadd.s32 $0xFFFFD800  }
0xa0: {  	[tilespmem:s15], [sflag:$0x3] =	stream.indirect.gather [hbm4b:s4+s12], $0x80, s7, s12, $0xb8;
	[tilespmem:$0x1FC00] =	vst v63  }
0xa1: {  	_ =	swait.ge [sflag:s20], $0x2800  }
0xa2: {  	[sflag:s20] =	ssyncset.done $0x0  }
0xa3: {  	s8 =	rddreg [dreg:$0x1d];
	[sflag:s20] =	ssyncadd.s32 $0xFFFFD800  }
0xa4: {  	[spmem:s2] =	stream.indirect.scatter.add.f32 [tilespmem:s16], [sflag:$0x5], $0x80, s8, s12, $0xb8;
	[tilespmem:$0x1FC00] =	vst v63  }
0xa5: {  	_ =	swait.ge [sflag:s10], $0x2800  }
0xa6: {  	[sflag:s10] =	ssyncset.done $0x0  }
0xa7: {  	s9 =	rddreg [dreg:$0x1e];
	[sflag:s10] =	ssyncadd.s32 $0xFFFFD800  }
0xa8: {  	[tilespmem:s16], [sflag:$0x4] =	stream.indirect.gather [hbm4b:s4+s12], $0x80, s9, s12, $0xb8;
	[tilespmem:$0x1FC00] =	vst v63  }
0xa9: {  	_ =	swait.ge [sflag:s17], $0x2800  }
0xaa: {  	[sflag:s17] =	ssyncset.done $0x0  }
0xab: {  	s7 =	rddreg [dreg:$0x1f];
	[sflag:s17] =	ssyncadd.s32 $0xFFFFD800  }
0xac: {  	[spmem:s2] =	stream.indirect.scatter.add.f32 [tilespmem:s13], [sflag:$0x5], $0x80, s7, s12, $0xb8;
	[tilespmem:$0x1FC00] =	vst v63  }
0xad: {  	_ =	swait.ge [sflag:s10], $0x2800  }
0xae: {  	s8 =	sld [smem:$0x7F4]  }
0xaf: {  	[sflag:s10] =	ssyncset.done $0x0  }
0xb0: {  	[sflag:s10] =	ssyncadd.s32 $0xFFFFD800  }
0xb1: {  	[tilespmem:s13], [sflag:$0x1] =	stream.indirect.gather [hbm4b:s4+s12], $0x80, s8, s12, $0xb8;
	[tilespmem:$0x1FC00] =	vst v63  }
0xb2: {  	_ =	swait.ge [sflag:s18], $0x2800  }
0xb3: {  	s9 =	sld [smem:$0x7F5]  }
0xb4: {  	[sflag:s18] =	ssyncset.done $0x0  }
0xb5: {  	[sflag:s18] =	ssyncadd.s32 $0xFFFFD800  }
0xb6: {  	[spmem:s2] =	stream.indirect.scatter.add.f32 [tilespmem:s14], [sflag:$0x5], $0x80, s9, s12, $0xb8;
	[tilespmem:$0x1FC00] =	vst v63  }
0xb7: {  	_ =	swait.ge [sflag:s10], $0x2800  }
0xb8: {  	s7 =	sld [smem:$0x7F6]  }
0xb9: {  	[sflag:s10] =	ssyncset.done $0x0  }
0xba: {  	[sflag:s10] =	ssyncadd.s32 $0xFFFFD800  }
0xbb: {  	[tilespmem:s14], [sflag:$0x2] =	stream.indirect.gather [hbm4b:s4+s12], $0x80, s7, s12, $0xb8;
	[tilespmem:$0x1FC00] =	vst v63  }
0xbc: {  	_ =	swait.ge [sflag:s19], $0x2800  }
0xbd: {  	s8 =	sld [smem:$0x7F7]  }
0xbe: {  	[sflag:s19] =	ssyncset.done $0x0  }
0xbf: {  	[sflag:s19] =	ssyncadd.s32 $0xFFFFD800  }
0xc0: {  	[spmem:s2] =	stream.indirect.scatter.add.f32 [tilespmem:s15], [sflag:$0x5], $0x80, s8, s12, $0xb8;
	[tilespmem:$0x1FC00] =	vst v63  }
0xc1: {  	_ =	swait.ge [sflag:s10], $0x2800  }
0xc2: {  	s9 =	sld [smem:$0x7F8]  }
0xc3: {  	[sflag:s10] =	ssyncset.done $0x0  }
0xc4: {  	[sflag:s10] =	ssyncadd.s32 $0xFFFFD800  }
0xc5: {  	[tilespmem:s15], [sflag:$0x3] =	stream.indirect.gather [hbm4b:s4+s12], $0x80, s9, s12, $0xb8;
	[tilespmem:$0x1FC00] =	vst v63  }
0xc6: {  	_ =	swait.ge [sflag:s20], $0x2800  }
0xc7: {  	s7 =	sld [smem:$0x7F9]  }
0xc8: {  	[sflag:s20] =	ssyncset.done $0x0  }
0xc9: {  	[sflag:s20] =	ssyncadd.s32 $0xFFFFD800  }
0xca: {  	[spmem:s2] =	stream.indirect.scatter.add.f32 [tilespmem:s16], [sflag:$0x5], $0x80, s7, s12, $0xb8;
	[tilespmem:$0x1FC00] =	vst v63  }
0xcb: {  	_ =	swait.ge [sflag:s10], $0x2800  }
0xcc: {  	s8 =	sld [smem:$0x7FA]  }
0xcd: {  	[sflag:s10] =	ssyncset.done $0x0  }
0xce: {  	[sflag:s10] =	ssyncadd.s32 $0xFFFFD800  }
0xcf: {  	[tilespmem:s16], [sflag:$0x4] =	stream.indirect.gather [hbm4b:s4+s12], $0x80, s8, s12, $0xb8;
	[tilespmem:$0x1FC00] =	vst v63  }
0xd0: {  	_ =	swait.ge [sflag:s17], $0x2800  }
0xd1: {  	s9 =	sld [smem:$0x7FB]  }
0xd2: {  	[sflag:s17] =	ssyncset.done $0x0  }
0xd3: {  	[sflag:s17] =	ssyncadd.s32 $0xFFFFD800  }
0xd4: {  	[spmem:s2] =	stream.indirect.scatter.add.f32 [tilespmem:s13], [sflag:$0x5], $0x80, s9, s12, $0xb8;
	[tilespmem:$0x1FC00] =	vst v63  }
0xd5: {  	_ =	swait.ge [sflag:s10], $0x2800  }
0xd6: {  	[sflag:s10] =	ssyncset.done $0x0  }
0xd7: {  	[sflag:s10] =	ssyncadd.s32 $0xFFFFD800  }
0xd8: {  	[tilespmem:s13], [sflag:$0x1] =	stream.indirect.gather [hbm4b:s4+s12], $0x80, s21, s12, $0xb8;
	[tilespmem:$0x1FC00] =	vst v63  }
0xd9: {  	_ =	swait.ge [sflag:s18], $0x2800  }
0xda: {  	[sflag:s18] =	ssyncset.done $0x0  }
0xdb: {  	[sflag:s18] =	ssyncadd.s32 $0xFFFFD800  }
0xdc: {  	[spmem:s2] =	stream.indirect.scatter.add.f32 [tilespmem:s14], [sflag:$0x5], $0x80, s22, s12, $0xb8;
	[tilespmem:$0x1FC00] =	vst v63  }
0xdd: {  	_ =	swait.ge [sflag:s10], $0x2800  }
0xde: {  	[sflag:s10] =	ssyncset.done $0x0  }
0xdf: {  	[sflag:s10] =	ssyncadd.s32 $0xFFFFD800  }
0xe0: {  	[tilespmem:s14], [sflag:$0x2] =	stream.indirect.gather [hbm4b:s4+s12], $0x80, s23, s12, $0xb8;
	[tilespmem:$0x1FC00] =	vst v63  }
0xe1: {  	_ =	swait.ge [sflag:s19], $0x2800  }
0xe2: {  	[sflag:s19] =	ssyncset.done $0x0  }
0xe3: {  	[sflag:s19] =	ssyncadd.s32 $0xFFFFD800  }
0xe4: {  	[spmem:s2] =	stream.indirect.scatter.add.f32 [tilespmem:s15], [sflag:$0x5], $0x80, s24, s12, $0xb8;
	[tilespmem:$0x1FC00] =	vst v63  }
0xe5: {  	_ =	swait.ge [sflag:s10], $0x2800  }
0xe6: {  	[sflag:s10] =	ssyncset.done $0x0  }
0xe7: {  	[sflag:s10] =	ssyncadd.s32 $0xFFFFD800  }
0xe8: {  	[tilespmem:s15], [sflag:$0x3] =	stream.indirect.gather [hbm4b:s4+s12], $0x80, s25, s12, $0xb8;
	[tilespmem:$0x1FC00] =	vst v63  }
0xe9: {  	_ =	swait.ge [sflag:s20], $0x2800  }
0xea: {  	[sflag:s20] =	ssyncset.done $0x0  }
0xeb: {  	[sflag:s20] =	ssyncadd.s32 $0xFFFFD800  }
0xec: {  	[spmem:s2] =	stream.indirect.scatter.add.f32 [tilespmem:s16], [sflag:$0x5], $0x80, s26, s12, $0xb8;
	[tilespmem:$0x1FC00] =	vst v63  }
0xed: {  	_ =	swait.ge [sflag:s10], $0x2800  }
0xee: {  	[sflag:s10] =	ssyncset.done $0x0  }
0xef: {  	[sflag:s10] =	ssyncadd.s32 $0xFFFFD800  }
0xf0: {  	[tilespmem:s16], [sflag:$0x4] =	stream.indirect.gather [hbm4b:s4+s12], $0x80, s28, s12, $0xb8;
	[tilespmem:$0x1FC00] =	vst v63  }
0xf1: {  	_ =	swait.ge [sflag:s17], $0x2800  }
0xf2: {  	[sflag:s17] =	ssyncset.done $0x0  }
0xf3: {  	[sflag:s17] =	ssyncadd.s32 $0xFFFFD800  }
0xf4: {  	[spmem:s2] =	stream.indirect.scatter.add.f32 [tilespmem:s13], [sflag:$0x5], $0x80, s29, s12, $0xb8;
	[tilespmem:$0x1FC00] =	vst v63  }
0xf5: {  	_ =	swait.ge [sflag:s10], $0x2800  }
0xf6: {  	[sflag:s10] =	ssyncset.done $0x0  }
0xf7: {  	[sflag:s10] =	ssyncadd.s32 $0xFFFFD800  }
0xf8: {  	[tilespmem:s13], [sflag:$0x1] =	stream.indirect.gather [hbm4b:s4+s12], $0x80, s30, s12, $0xb8;
	[tilespmem:$0x1FC00] =	vst v63  }
0xf9: {  	_ =	swait.ge [sflag:s18], $0x2800  }
0xfa: {  	[sflag:s18] =	ssyncset.done $0x0  }
0xfb: {  	[sflag:s18] =	ssyncadd.s32 $0xFFFFD800  }
0xfc: {  	[spmem:s2] =	stream.indirect.scatter.add.f32 [tilespmem:s14], [sflag:$0x5], $0x80, s31, s12, $0xb8;
	[tilespmem:$0x1FC00] =	vst v63  }
0xfd: {  	_ =	swait.ge [sflag:s10], $0x2800  }
0xfe: {  	[sflag:s10] =	ssyncset.done $0x0  }
0xff: {  	[sflag:s10] =	ssyncadd.s32 $0xFFFFD800  }
0x100: {  	_ =	swait.ge [sflag:s19], $0x2800  }
0x101: {  	[sflag:s19] =	ssyncset.done $0x0  }
0x102: {  	[sflag:s19] =	ssyncadd.s32 $0xFFFFD800  }
0x103: {  	[spmem:s2] =	stream.indirect.scatter.add.f32 [tilespmem:s15], [sflag:$0x5], $0x80, s1, s12, $0xb8;
	[tilespmem:$0x1FC00] =	vst v63  }
0x104: {  	_ =	swait.ge [sflag:s10], $0x2800  }
0x105: {  	[sflag:s10] =	ssyncset.done $0x0  }
0x106: {  	[sflag:s10] =	ssyncadd.s32 $0xFFFFD800  }
0x107: {  	_ =	swait.ge [sflag:s20], $0x2800  }
0x108: {  	[sflag:s20] =	ssyncset.done $0x0  }
0x109: {  	[sflag:s20] =	ssyncadd.s32 $0xFFFFD800  }
0x10a: {  	[spmem:s2] =	stream.indirect.scatter.add.f32 [tilespmem:s16], [sflag:$0x5], $0x80, s0, s12, $0xb8;
	[tilespmem:$0x1FC00] =	vst v63  }
0x10b: {  	_ =	swait.ge [sflag:s10], $0x2800  }
0x10c: {  	[sflag:s10] =	ssyncset.done $0x0  }
0x10d: {  	[sflag:s10] =	ssyncadd.s32 $0xFFFFD800  }
0x10e: {  	_ =	swait.ge [sflag:s17], $0x2800  }
0x10f: {  	[sflag:s17] =	ssyncset.done $0x0  }
0x110: {  	[sflag:s17] =	ssyncadd.s32 $0xFFFFD800  }
0x111: {  	[spmem:s2] =	stream.indirect.scatter.add.f32 [tilespmem:s13], [sflag:$0x5], $0x80, s5, s12, $0xb8;
	[tilespmem:$0x1FC00] =	vst v63  }
0x112: {  	s6 =	simm.s32 $0x400;
	_ =	swait.ge [sflag:s10], $0x2800  }
0x113: {  	s8 =	simm.s32 $0x200;
	s9 =	rddreg [dreg:$0x4];
	[sflag:s10] =	ssyncset.done $0x0  }
.LBB2_2:
0x114: {  	[sflag:s10] =	ssyncadd.s32 $0xFFFFD800;
	s9 =	sadd.s32 s8, s9  }
0x115: {  	[tilespmem:s3], [sflag:$0x5] =	stream.linear.gather [hbm4b:s9+s3], $0xC80, $0x38;
	[tilespmem:$0x1FC00] =	vst v63  }
0x116: {  	_ =	swait.ge [sflag:s10], $0xC80  }
0x117: {  	s9 =	rddreg [dreg:$0x3];
	[sflag:s10] =	ssyncset.done $0x0  }
0x118: {  	[sflag:s10] =	ssyncadd.s32 $0xFFFFF380;
	s9 =	sadd.s32 s8, s9  }
0x119: {  	[tilespmem:s11], [sflag:$0x5] =	stream.linear.gather [hbm4b:s9+s3], $0xC80, $0x38;
	[tilespmem:$0x1FC00] =	vst v63  }
0x11a: {  	_ =	swait.ge [sflag:s10], $0xC80  }
0x11b: {  	[sflag:s10] =	ssyncset.done $0x0  }
0x11c: {  	s7 =	smov.u32 s6;
	[sflag:s10] =	ssyncadd.s32 $0xFFFFF380  }
0x11d: {  	[tilespmem:s13], [sflag:$0x1] =	stream.indirect.gather [hbm4b:s4+s12], $0x80, s3, s12, $0xb8;
	[tilespmem:$0x1FC00] =	vst v63  }
0x11e: {  	s8 =	smov.u32 s7;
	s7 =	rddreg [dreg:$0x5]  }
0x11f: {  	[tilespmem:s14], [sflag:$0x2] =	stream.indirect.gather [hbm4b:s4+s12], $0x80, s7, s12, $0xb8;
	[tilespmem:$0x1FC00] =	vst v63  }
0x120: {  	s9 =	rddreg [dreg:$0x6]  }
0x121: {  	[tilespmem:s15], [sflag:$0x3] =	stream.indirect.gather [hbm4b:s4+s12], $0x80, s9, s12, $0xb8;
	[tilespmem:$0x1FC00] =	vst v63  }
0x122: {  	s7 =	rddreg [dreg:$0x7]  }
0x123: {  	[tilespmem:s16], [sflag:$0x4] =	stream.indirect.gather [hbm4b:s4+s12], $0x80, s7, s12, $0xb8;
	[tilespmem:$0x1FC00] =	vst v63  }
0x124: {  	_ =	swait.ge [sflag:s17], $0x2800  }
0x125: {  	[sflag:s17] =	ssyncset.done $0x0  }
0x126: {  	[sflag:s17] =	ssyncadd.s32 $0xFFFFD800  }
0x127: {  	[spmem:s2] =	stream.indirect.scatter.add.f32 [tilespmem:s13], [sflag:$0x5], $0x80, s11, s12, $0xb8;
	[tilespmem:$0x1FC00] =	vst v63  }
0x128: {  	_ =	swait.ge [sflag:s10], $0x2800  }
0x129: {  	[sflag:s10] =	ssyncset.done $0x0  }
0x12a: {  	s9 =	rddreg [dreg:$0x8];
	[sflag:s10] =	ssyncadd.s32 $0xFFFFD800  }
0x12b: {  	[tilespmem:s13], [sflag:$0x1] =	stream.indirect.gather [hbm4b:s4+s12], $0x80, s9, s12, $0xb8;
	[tilespmem:$0x1FC00] =	vst v63  }
0x12c: {  	_ =	swait.ge [sflag:s18], $0x2800  }
0x12d: {  	[sflag:s18] =	ssyncset.done $0x0  }
0x12e: {  	s9 =	rddreg [dreg:$0x9];
	[sflag:s18] =	ssyncadd.s32 $0xFFFFD800  }
0x12f: {  	[spmem:s2] =	stream.indirect.scatter.add.f32 [tilespmem:s14], [sflag:$0x5], $0x80, s9, s12, $0xb8;
	[tilespmem:$0x1FC00] =	vst v63  }
0x130: {  	_ =	swait.ge [sflag:s10], $0x2800  }
0x131: {  	[sflag:s10] =	ssyncset.done $0x0  }
0x132: {  	s9 =	rddreg [dreg:$0xa];
	[sflag:s10] =	ssyncadd.s32 $0xFFFFD800  }
0x133: {  	[tilespmem:s14], [sflag:$0x2] =	stream.indirect.gather [hbm4b:s4+s12], $0x80, s9, s12, $0xb8;
	[tilespmem:$0x1FC00] =	vst v63  }
0x134: {  	_ =	swait.ge [sflag:s19], $0x2800  }
0x135: {  	[sflag:s19] =	ssyncset.done $0x0  }
0x136: {  	s9 =	rddreg [dreg:$0xb];
	[sflag:s19] =	ssyncadd.s32 $0xFFFFD800  }
0x137: {  	[spmem:s2] =	stream.indirect.scatter.add.f32 [tilespmem:s15], [sflag:$0x5], $0x80, s9, s12, $0xb8;
	[tilespmem:$0x1FC00] =	vst v63  }
0x138: {  	_ =	swait.ge [sflag:s10], $0x2800  }
0x139: {  	[sflag:s10] =	ssyncset.done $0x0  }
0x13a: {  	s9 =	rddreg [dreg:$0xc];
	[sflag:s10] =	ssyncadd.s32 $0xFFFFD800  }
0x13b: {  	[tilespmem:s15], [sflag:$0x3] =	stream.indirect.gather [hbm4b:s4+s12], $0x80, s9, s12, $0xb8;
	[tilespmem:$0x1FC00] =	vst v63  }
0x13c: {  	_ =	swait.ge [sflag:s20], $0x2800  }
0x13d: {  	[sflag:s20] =	ssyncset.done $0x0  }
0x13e: {  	s9 =	rddreg [dreg:$0xd];
	[sflag:s20] =	ssyncadd.s32 $0xFFFFD800  }
0x13f: {  	[spmem:s2] =	stream.indirect.scatter.add.f32 [tilespmem:s16], [sflag:$0x5], $0x80, s9, s12, $0xb8;
	[tilespmem:$0x1FC00] =	vst v63  }
0x140: {  	_ =	swait.ge [sflag:s10], $0x2800  }
0x141: {  	[sflag:s10] =	ssyncset.done $0x0  }
0x142: {  	s9 =	rddreg [dreg:$0xe];
	[sflag:s10] =	ssyncadd.s32 $0xFFFFD800  }
0x143: {  	[tilespmem:s16], [sflag:$0x4] =	stream.indirect.gather [hbm4b:s4+s12], $0x80, s9, s12, $0xb8;
	[tilespmem:$0x1FC00] =	vst v63  }
0x144: {  	_ =	swait.ge [sflag:s17], $0x2800  }
0x145: {  	[sflag:s17] =	ssyncset.done $0x0  }
0x146: {  	s9 =	rddreg [dreg:$0xf];
	[sflag:s17] =	ssyncadd.s32 $0xFFFFD800  }
0x147: {  	[spmem:s2] =	stream.indirect.scatter.add.f32 [tilespmem:s13], [sflag:$0x5], $0x80, s9, s12, $0xb8;
	[tilespmem:$0x1FC00] =	vst v63  }
0x148: {  	_ =	swait.ge [sflag:s10], $0x2800  }
0x149: {  	[sflag:s10] =	ssyncset.done $0x0  }
0x14a: {  	s9 =	rddreg [dreg:$0x10];
	[sflag:s10] =	ssyncadd.s32 $0xFFFFD800  }
0x14b: {  	[tilespmem:s13], [sflag:$0x1] =	stream.indirect.gather [hbm4b:s4+s12], $0x80, s9, s12, $0xb8;
	[tilespmem:$0x1FC00] =	vst v63  }
0x14c: {  	_ =	swait.ge [sflag:s18], $0x2800  }
0x14d: {  	[sflag:s18] =	ssyncset.done $0x0  }
0x14e: {  	s9 =	rddreg [dreg:$0x11];
	[sflag:s18] =	ssyncadd.s32 $0xFFFFD800  }
0x14f: {  	[spmem:s2] =	stream.indirect.scatter.add.f32 [tilespmem:s14], [sflag:$0x5], $0x80, s9, s12, $0xb8;
	[tilespmem:$0x1FC00] =	vst v63  }
0x150: {  	_ =	swait.ge [sflag:s10], $0x2800  }
0x151: {  	[sflag:s10] =	ssyncset.done $0x0  }
0x152: {  	s9 =	rddreg [dreg:$0x12];
	[sflag:s10] =	ssyncadd.s32 $0xFFFFD800  }
0x153: {  	[tilespmem:s14], [sflag:$0x2] =	stream.indirect.gather [hbm4b:s4+s12], $0x80, s9, s12, $0xb8;
	[tilespmem:$0x1FC00] =	vst v63  }
0x154: {  	_ =	swait.ge [sflag:s19], $0x2800  }
0x155: {  	[sflag:s19] =	ssyncset.done $0x0  }
0x156: {  	s9 =	rddreg [dreg:$0x13];
	[sflag:s19] =	ssyncadd.s32 $0xFFFFD800  }
0x157: {  	[spmem:s2] =	stream.indirect.scatter.add.f32 [tilespmem:s15], [sflag:$0x5], $0x80, s9, s12, $0xb8;
	[tilespmem:$0x1FC00] =	vst v63  }
0x158: {  	_ =	swait.ge [sflag:s10], $0x2800  }
0x159: {  	[sflag:s10] =	ssyncset.done $0x0  }
0x15a: {  	s9 =	rddreg [dreg:$0x14];
	[sflag:s10] =	ssyncadd.s32 $0xFFFFD800  }
0x15b: {  	[tilespmem:s15], [sflag:$0x3] =	stream.indirect.gather [hbm4b:s4+s12], $0x80, s9, s12, $0xb8;
	[tilespmem:$0x1FC00] =	vst v63  }
0x15c: {  	_ =	swait.ge [sflag:s20], $0x2800  }
0x15d: {  	[sflag:s20] =	ssyncset.done $0x0  }
0x15e: {  	s9 =	rddreg [dreg:$0x15];
	[sflag:s20] =	ssyncadd.s32 $0xFFFFD800  }
0x15f: {  	[spmem:s2] =	stream.indirect.scatter.add.f32 [tilespmem:s16], [sflag:$0x5], $0x80, s9, s12, $0xb8;
	[tilespmem:$0x1FC00] =	vst v63  }
0x160: {  	_ =	swait.ge [sflag:s10], $0x2800  }
0x161: {  	[sflag:s10] =	ssyncset.done $0x0  }
0x162: {  	s9 =	rddreg [dreg:$0x16];
	[sflag:s10] =	ssyncadd.s32 $0xFFFFD800  }
0x163: {  	[tilespmem:s16], [sflag:$0x4] =	stream.indirect.gather [hbm4b:s4+s12], $0x80, s9, s12, $0xb8;
	[tilespmem:$0x1FC00] =	vst v63  }
0x164: {  	_ =	swait.ge [sflag:s17], $0x2800  }
0x165: {  	[sflag:s17] =	ssyncset.done $0x0  }
0x166: {  	s9 =	rddreg [dreg:$0x17];
	[sflag:s17] =	ssyncadd.s32 $0xFFFFD800  }
0x167: {  	[spmem:s2] =	stream.indirect.scatter.add.f32 [tilespmem:s13], [sflag:$0x5], $0x80, s9, s12, $0xb8;
	[tilespmem:$0x1FC00] =	vst v63  }
0x168: {  	_ =	swait.ge [sflag:s10], $0x2800  }
0x169: {  	[sflag:s10] =	ssyncset.done $0x0  }
0x16a: {  	s9 =	rddreg [dreg:$0x18];
	[sflag:s10] =	ssyncadd.s32 $0xFFFFD800  }
0x16b: {  	[tilespmem:s13], [sflag:$0x1] =	stream.indirect.gather [hbm4b:s4+s12], $0x80, s9, s12, $0xb8;
	[tilespmem:$0x1FC00] =	vst v63  }
0x16c: {  	_ =	swait.ge [sflag:s18], $0x2800  }
0x16d: {  	[sflag:s18] =	ssyncset.done $0x0  }
0x16e: {  	s9 =	rddreg [dreg:$0x19];
	[sflag:s18] =	ssyncadd.s32 $0xFFFFD800  }
0x16f: {  	[spmem:s2] =	stream.indirect.scatter.add.f32 [tilespmem:s14], [sflag:$0x5], $0x80, s9, s12, $0xb8;
	[tilespmem:$0x1FC00] =	vst v63  }
0x170: {  	_ =	swait.ge [sflag:s10], $0x2800  }
0x171: {  	[sflag:s10] =	ssyncset.done $0x0  }
0x172: {  	s9 =	rddreg [dreg:$0x1a];
	[sflag:s10] =	ssyncadd.s32 $0xFFFFD800  }
0x173: {  	[tilespmem:s14], [sflag:$0x2] =	stream.indirect.gather [hbm4b:s4+s12], $0x80, s9, s12, $0xb8;
	[tilespmem:$0x1FC00] =	vst v63  }
0x174: {  	_ =	swait.ge [sflag:s19], $0x2800  }
0x175: {  	[sflag:s19] =	ssyncset.done $0x0  }
0x176: {  	s9 =	rddreg [dreg:$0x1b];
	[sflag:s19] =	ssyncadd.s32 $0xFFFFD800  }
0x177: {  	[spmem:s2] =	stream.indirect.scatter.add.f32 [tilespmem:s15], [sflag:$0x5], $0x80, s9, s12, $0xb8;
	[tilespmem:$0x1FC00] =	vst v63  }
0x178: {  	_ =	swait.ge [sflag:s10], $0x2800  }
0x179: {  	[sflag:s10] =	ssyncset.done $0x0  }
0x17a: {  	s9 =	rddreg [dreg:$0x1c];
	[sflag:s10] =	ssyncadd.s32 $0xFFFFD800  }
0x17b: {  	[tilespmem:s15], [sflag:$0x3] =	stream.indirect.gather [hbm4b:s4+s12], $0x80, s9, s12, $0xb8;
	[tilespmem:$0x1FC00] =	vst v63  }
0x17c: {  	_ =	swait.ge [sflag:s20], $0x2800  }
0x17d: {  	[sflag:s20] =	ssyncset.done $0x0  }
0x17e: {  	s9 =	rddreg [dreg:$0x1d];
	[sflag:s20] =	ssyncadd.s32 $0xFFFFD800  }
0x17f: {  	[spmem:s2] =	stream.indirect.scatter.add.f32 [tilespmem:s16], [sflag:$0x5], $0x80, s9, s12, $0xb8;
	[tilespmem:$0x1FC00] =	vst v63  }
0x180: {  	_ =	swait.ge [sflag:s10], $0x2800  }
0x181: {  	[sflag:s10] =	ssyncset.done $0x0  }
0x182: {  	s9 =	rddreg [dreg:$0x1e];
	[sflag:s10] =	ssyncadd.s32 $0xFFFFD800  }
0x183: {  	[tilespmem:s16], [sflag:$0x4] =	stream.indirect.gather [hbm4b:s4+s12], $0x80, s9, s12, $0xb8;
	[tilespmem:$0x1FC00] =	vst v63  }
0x184: {  	_ =	swait.ge [sflag:s17], $0x2800  }
0x185: {  	[sflag:s17] =	ssyncset.done $0x0  }
0x186: {  	s9 =	rddreg [dreg:$0x1f];
	[sflag:s17] =	ssyncadd.s32 $0xFFFFD800  }
0x187: {  	[spmem:s2] =	stream.indirect.scatter.add.f32 [tilespmem:s13], [sflag:$0x5], $0x80, s9, s12, $0xb8;
	[tilespmem:$0x1FC00] =	vst v63  }
0x188: {  	_ =	swait.ge [sflag:s10], $0x2800  }
0x189: {  	s9 =	sld [smem:$0x7F4]  }
0x18a: {  	[sflag:s10] =	ssyncset.done $0x0  }
0x18b: {  	[sflag:s10] =	ssyncadd.s32 $0xFFFFD800  }
0x18c: {  	[tilespmem:s13], [sflag:$0x1] =	stream.indirect.gather [hbm4b:s4+s12], $0x80, s9, s12, $0xb8;
	[tilespmem:$0x1FC00] =	vst v63  }
0x18d: {  	_ =	swait.ge [sflag:s18], $0x2800  }
0x18e: {  	s9 =	sld [smem:$0x7F5]  }
0x18f: {  	[sflag:s18] =	ssyncset.done $0x0  }
0x190: {  	[sflag:s18] =	ssyncadd.s32 $0xFFFFD800  }
0x191: {  	[spmem:s2] =	stream.indirect.scatter.add.f32 [tilespmem:s14], [sflag:$0x5], $0x80, s9, s12, $0xb8;
	[tilespmem:$0x1FC00] =	vst v63  }
0x192: {  	_ =	swait.ge [sflag:s10], $0x2800  }
0x193: {  	s9 =	sld [smem:$0x7F6]  }
0x194: {  	[sflag:s10] =	ssyncset.done $0x0  }
0x195: {  	[sflag:s10] =	ssyncadd.s32 $0xFFFFD800  }
0x196: {  	[tilespmem:s14], [sflag:$0x2] =	stream.indirect.gather [hbm4b:s4+s12], $0x80, s9, s12, $0xb8;
	[tilespmem:$0x1FC00] =	vst v63  }
0x197: {  	_ =	swait.ge [sflag:s19], $0x2800  }
0x198: {  	s9 =	sld [smem:$0x7F7]  }
0x199: {  	[sflag:s19] =	ssyncset.done $0x0  }
0x19a: {  	[sflag:s19] =	ssyncadd.s32 $0xFFFFD800  }
0x19b: {  	[spmem:s2] =	stream.indirect.scatter.add.f32 [tilespmem:s15], [sflag:$0x5], $0x80, s9, s12, $0xb8;
	[tilespmem:$0x1FC00] =	vst v63  }
0x19c: {  	_ =	swait.ge [sflag:s10], $0x2800  }
0x19d: {  	s9 =	sld [smem:$0x7F8]  }
0x19e: {  	[sflag:s10] =	ssyncset.done $0x0  }
0x19f: {  	[sflag:s10] =	ssyncadd.s32 $0xFFFFD800  }
0x1a0: {  	[tilespmem:s15], [sflag:$0x3] =	stream.indirect.gather [hbm4b:s4+s12], $0x80, s9, s12, $0xb8;
	[tilespmem:$0x1FC00] =	vst v63  }
0x1a1: {  	_ =	swait.ge [sflag:s20], $0x2800  }
0x1a2: {  	s9 =	sld [smem:$0x7F9]  }
0x1a3: {  	[sflag:s20] =	ssyncset.done $0x0  }
0x1a4: {  	[sflag:s20] =	ssyncadd.s32 $0xFFFFD800  }
0x1a5: {  	[spmem:s2] =	stream.indirect.scatter.add.f32 [tilespmem:s16], [sflag:$0x5], $0x80, s9, s12, $0xb8;
	[tilespmem:$0x1FC00] =	vst v63  }
0x1a6: {  	_ =	swait.ge [sflag:s10], $0x2800  }
0x1a7: {  	s9 =	sld [smem:$0x7FA]  }
0x1a8: {  	[sflag:s10] =	ssyncset.done $0x0  }
0x1a9: {  	[sflag:s10] =	ssyncadd.s32 $0xFFFFD800  }
0x1aa: {  	[tilespmem:s16], [sflag:$0x4] =	stream.indirect.gather [hbm4b:s4+s12], $0x80, s9, s12, $0xb8;
	[tilespmem:$0x1FC00] =	vst v63  }
0x1ab: {  	_ =	swait.ge [sflag:s17], $0x2800  }
0x1ac: {  	s9 =	sld [smem:$0x7FB]  }
0x1ad: {  	[sflag:s17] =	ssyncset.done $0x0  }
0x1ae: {  	[sflag:s17] =	ssyncadd.s32 $0xFFFFD800  }
0x1af: {  	[spmem:s2] =	stream.indirect.scatter.add.f32 [tilespmem:s13], [sflag:$0x5], $0x80, s9, s12, $0xb8;
	[tilespmem:$0x1FC00] =	vst v63  }
0x1b0: {  	_ =	swait.ge [sflag:s10], $0x2800  }
0x1b1: {  	[sflag:s10] =	ssyncset.done $0x0  }
0x1b2: {  	[sflag:s10] =	ssyncadd.s32 $0xFFFFD800  }
0x1b3: {  	[tilespmem:s13], [sflag:$0x1] =	stream.indirect.gather [hbm4b:s4+s12], $0x80, s21, s12, $0xb8;
	[tilespmem:$0x1FC00] =	vst v63  }
0x1b4: {  	_ =	swait.ge [sflag:s18], $0x2800  }
0x1b5: {  	[sflag:s18] =	ssyncset.done $0x0  }
0x1b6: {  	[sflag:s18] =	ssyncadd.s32 $0xFFFFD800  }
0x1b7: {  	[spmem:s2] =	stream.indirect.scatter.add.f32 [tilespmem:s14], [sflag:$0x5], $0x80, s22, s12, $0xb8;
	[tilespmem:$0x1FC00] =	vst v63  }
0x1b8: {  	_ =	swait.ge [sflag:s10], $0x2800  }
0x1b9: {  	[sflag:s10] =	ssyncset.done $0x0  }
0x1ba: {  	[sflag:s10] =	ssyncadd.s32 $0xFFFFD800  }
0x1bb: {  	[tilespmem:s14], [sflag:$0x2] =	stream.indirect.gather [hbm4b:s4+s12], $0x80, s23, s12, $0xb8;
	[tilespmem:$0x1FC00] =	vst v63  }
0x1bc: {  	_ =	swait.ge [sflag:s19], $0x2800  }
0x1bd: {  	[sflag:s19] =	ssyncset.done $0x0  }
0x1be: {  	[sflag:s19] =	ssyncadd.s32 $0xFFFFD800  }
0x1bf: {  	[spmem:s2] =	stream.indirect.scatter.add.f32 [tilespmem:s15], [sflag:$0x5], $0x80, s24, s12, $0xb8;
	[tilespmem:$0x1FC00] =	vst v63  }
0x1c0: {  	_ =	swait.ge [sflag:s10], $0x2800  }
0x1c1: {  	[sflag:s10] =	ssyncset.done $0x0  }
0x1c2: {  	[sflag:s10] =	ssyncadd.s32 $0xFFFFD800  }
0x1c3: {  	[tilespmem:s15], [sflag:$0x3] =	stream.indirect.gather [hbm4b:s4+s12], $0x80, s25, s12, $0xb8;
	[tilespmem:$0x1FC00] =	vst v63  }
0x1c4: {  	_ =	swait.ge [sflag:s20], $0x2800  }
0x1c5: {  	[sflag:s20] =	ssyncset.done $0x0  }
0x1c6: {  	[sflag:s20] =	ssyncadd.s32 $0xFFFFD800  }
0x1c7: {  	[spmem:s2] =	stream.indirect.scatter.add.f32 [tilespmem:s16], [sflag:$0x5], $0x80, s26, s12, $0xb8;
	[tilespmem:$0x1FC00] =	vst v63  }
0x1c8: {  	_ =	swait.ge [sflag:s10], $0x2800  }
0x1c9: {  	[sflag:s10] =	ssyncset.done $0x0  }
0x1ca: {  	[sflag:s10] =	ssyncadd.s32 $0xFFFFD800  }
0x1cb: {  	[tilespmem:s16], [sflag:$0x4] =	stream.indirect.gather [hbm4b:s4+s12], $0x80, s28, s12, $0xb8;
	[tilespmem:$0x1FC00] =	vst v63  }
0x1cc: {  	_ =	swait.ge [sflag:s17], $0x2800  }
0x1cd: {  	[sflag:s17] =	ssyncset.done $0x0  }
0x1ce: {  	[sflag:s17] =	ssyncadd.s32 $0xFFFFD800  }
0x1cf: {  	[spmem:s2] =	stream.indirect.scatter.add.f32 [tilespmem:s13], [sflag:$0x5], $0x80, s29, s12, $0xb8;
	[tilespmem:$0x1FC00] =	vst v63  }
0x1d0: {  	_ =	swait.ge [sflag:s10], $0x2800  }
0x1d1: {  	[sflag:s10] =	ssyncset.done $0x0  }
0x1d2: {  	[sflag:s10] =	ssyncadd.s32 $0xFFFFD800  }
0x1d3: {  	[tilespmem:s13], [sflag:$0x1] =	stream.indirect.gather [hbm4b:s4+s12], $0x80, s30, s12, $0xb8;
	[tilespmem:$0x1FC00] =	vst v63  }
0x1d4: {  	_ =	swait.ge [sflag:s18], $0x2800  }
0x1d5: {  	[sflag:s18] =	ssyncset.done $0x0  }
0x1d6: {  	[sflag:s18] =	ssyncadd.s32 $0xFFFFD800  }
0x1d7: {  	[spmem:s2] =	stream.indirect.scatter.add.f32 [tilespmem:s14], [sflag:$0x5], $0x80, s31, s12, $0xb8;
	[tilespmem:$0x1FC00] =	vst v63  }
0x1d8: {  	_ =	swait.ge [sflag:s10], $0x2800  }
0x1d9: {  	[sflag:s10] =	ssyncset.done $0x0  }
0x1da: {  	[sflag:s10] =	ssyncadd.s32 $0xFFFFD800  }
0x1db: {  	_ =	swait.ge [sflag:s19], $0x2800  }
0x1dc: {  	[sflag:s19] =	ssyncset.done $0x0  }
0x1dd: {  	[sflag:s19] =	ssyncadd.s32 $0xFFFFD800  }
0x1de: {  	[spmem:s2] =	stream.indirect.scatter.add.f32 [tilespmem:s15], [sflag:$0x5], $0x80, s1, s12, $0xb8;
	[tilespmem:$0x1FC00] =	vst v63  }
0x1df: {  	_ =	swait.ge [sflag:s10], $0x2800  }
0x1e0: {  	[sflag:s10] =	ssyncset.done $0x0  }
0x1e1: {  	[sflag:s10] =	ssyncadd.s32 $0xFFFFD800  }
0x1e2: {  	_ =	swait.ge [sflag:s20], $0x2800  }
0x1e3: {  	[sflag:s20] =	ssyncset.done $0x0  }
0x1e4: {  	[sflag:s20] =	ssyncadd.s32 $0xFFFFD800  }
0x1e5: {  	[spmem:s2] =	stream.indirect.scatter.add.f32 [tilespmem:s16], [sflag:$0x5], $0x80, s0, s12, $0xb8;
	[tilespmem:$0x1FC00] =	vst v63  }
0x1e6: {  	_ =	swait.ge [sflag:s10], $0x2800  }
0x1e7: {  	[sflag:s10] =	ssyncset.done $0x0  }
0x1e8: {  	[sflag:s10] =	ssyncadd.s32 $0xFFFFD800  }
0x1e9: {  	p0 =	sne.s32 s6, $0x800;
	_ =	swait.ge [sflag:s17], $0x2800  }
.Ltmp0:
0x1ea: {  	[sflag:s17] =	ssyncset.done $0x0;
	(pc) =	sbr.rel @p0 .LBB2_2-.Ltmp0, $4  }
0x1eb: {  	[sflag:s17] =	ssyncadd.s32 $0xFFFFD800  }
0x1ec: {  	[spmem:s2] =	stream.indirect.scatter.add.f32 [tilespmem:s13], [sflag:$0x5], $0x80, s5, s12, $0xb8;
	[tilespmem:$0x1FC00] =	vst v63  }
0x1ed: {  	_ =	swait.ge [sflag:s10], $0x2800  }
0x1ee: {  	s6 =	sadd.s32 $0x200, s6;
	s9 =	rddreg [dreg:$0x4];
	[sflag:s10] =	ssyncset.done $0x0  }
0x1ef: {  	[sflag:s10] =	ssyncadd.s32 $0xFFFFD800;
	s6 =	sadd.s32 s8, s9  }
0x1f0: {  	[tilespmem:s3], [sflag:$0x5] =	stream.linear.gather [hbm4b:s6+s3], $0xC80, $0x38;
	[tilespmem:$0x1FC00] =	vst v63  }
0x1f1: {  	_ =	swait.ge [sflag:s10], $0xC80  }
0x1f2: {  	s7 =	rddreg [dreg:$0x3];
	[sflag:s10] =	ssyncset.done $0x0  }
0x1f3: {  	[sflag:s10] =	ssyncadd.s32 $0xFFFFF380;
	s6 =	sadd.s32 s8, s7  }
0x1f4: {  	[tilespmem:s11], [sflag:$0x5] =	stream.linear.gather [hbm4b:s6+s3], $0xC80, $0x38;
	[tilespmem:$0x1FC00] =	vst v63  }
0x1f5: {  	_ =	swait.ge [sflag:s10], $0xC80  }
0x1f6: {  	[sflag:s10] =	ssyncset.done $0x0  }
0x1f7: {  	[sflag:s10] =	ssyncadd.s32 $0xFFFFF380  }
0x1f8: {  	[tilespmem:s13], [sflag:$0x1] =	stream.indirect.gather [hbm4b:s4+s12], $0x80, s3, s12, $0xb8;
	[tilespmem:$0x1FC00] =	vst v63  }
0x1f9: {  	s8 =	rddreg [dreg:$0x5]  }
0x1fa: {  	[tilespmem:s14], [sflag:$0x2] =	stream.indirect.gather [hbm4b:s4+s12], $0x80, s8, s12, $0xb8;
	[tilespmem:$0x1FC00] =	vst v63  }
0x1fb: {  	s7 =	rddreg [dreg:$0x6]  }
0x1fc: {  	[tilespmem:s15], [sflag:$0x3] =	stream.indirect.gather [hbm4b:s4+s12], $0x80, s7, s12, $0xb8;
	[tilespmem:$0x1FC00] =	vst v63  }
0x1fd: {  	s9 =	rddreg [dreg:$0x7]  }
0x1fe: {  	[tilespmem:s16], [sflag:$0x4] =	stream.indirect.gather [hbm4b:s4+s12], $0x80, s9, s12, $0xb8;
	[tilespmem:$0x1FC00] =	vst v63  }
0x1ff: {  	_ =	swait.ge [sflag:s17], $0x2800  }
0x200: {  	[sflag:s17] =	ssyncset.done $0x0  }
0x201: {  	[sflag:s17] =	ssyncadd.s32 $0xFFFFD800  }
0x202: {  	[spmem:s2] =	stream.indirect.scatter.add.f32 [tilespmem:s13], [sflag:$0x5], $0x80, s11, s12, $0xb8;
	[tilespmem:$0x1FC00] =	vst v63  }
0x203: {  	_ =	swait.ge [sflag:s10], $0x2800  }
0x204: {  	[sflag:s10] =	ssyncset.done $0x0  }
0x205: {  	s7 =	rddreg [dreg:$0x8];
	[sflag:s10] =	ssyncadd.s32 $0xFFFFD800  }
0x206: {  	[tilespmem:s13], [sflag:$0x1] =	stream.indirect.gather [hbm4b:s4+s12], $0x80, s7, s12, $0xb8;
	[tilespmem:$0x1FC00] =	vst v63  }
0x207: {  	_ =	swait.ge [sflag:s18], $0x2800  }
0x208: {  	[sflag:s18] =	ssyncset.done $0x0  }
0x209: {  	s8 =	rddreg [dreg:$0x9];
	[sflag:s18] =	ssyncadd.s32 $0xFFFFD800  }
0x20a: {  	[spmem:s2] =	stream.indirect.scatter.add.f32 [tilespmem:s14], [sflag:$0x5], $0x80, s8, s12, $0xb8;
	[tilespmem:$0x1FC00] =	vst v63  }
0x20b: {  	_ =	swait.ge [sflag:s10], $0x2800  }
0x20c: {  	[sflag:s10] =	ssyncset.done $0x0  }
0x20d: {  	s9 =	rddreg [dreg:$0xa];
	[sflag:s10] =	ssyncadd.s32 $0xFFFFD800  }
0x20e: {  	[tilespmem:s14], [sflag:$0x2] =	stream.indirect.gather [hbm4b:s4+s12], $0x80, s9, s12, $0xb8;
	[tilespmem:$0x1FC00] =	vst v63  }
0x20f: {  	_ =	swait.ge [sflag:s19], $0x2800  }
0x210: {  	[sflag:s19] =	ssyncset.done $0x0  }
0x211: {  	s7 =	rddreg [dreg:$0xb];
	[sflag:s19] =	ssyncadd.s32 $0xFFFFD800  }
0x212: {  	[spmem:s2] =	stream.indirect.scatter.add.f32 [tilespmem:s15], [sflag:$0x5], $0x80, s7, s12, $0xb8;
	[tilespmem:$0x1FC00] =	vst v63  }
0x213: {  	_ =	swait.ge [sflag:s10], $0x2800  }
0x214: {  	[sflag:s10] =	ssyncset.done $0x0  }
0x215: {  	s8 =	rddreg [dreg:$0xc];
	[sflag:s10] =	ssyncadd.s32 $0xFFFFD800  }
0x216: {  	[tilespmem:s15], [sflag:$0x3] =	stream.indirect.gather [hbm4b:s4+s12], $0x80, s8, s12, $0xb8;
	[tilespmem:$0x1FC00] =	vst v63  }
0x217: {  	_ =	swait.ge [sflag:s20], $0x2800  }
0x218: {  	[sflag:s20] =	ssyncset.done $0x0  }
0x219: {  	s9 =	rddreg [dreg:$0xd];
	[sflag:s20] =	ssyncadd.s32 $0xFFFFD800  }
0x21a: {  	[spmem:s2] =	stream.indirect.scatter.add.f32 [tilespmem:s16], [sflag:$0x5], $0x80, s9, s12, $0xb8;
	[tilespmem:$0x1FC00] =	vst v63  }
0x21b: {  	_ =	swait.ge [sflag:s10], $0x2800  }
0x21c: {  	[sflag:s10] =	ssyncset.done $0x0  }
0x21d: {  	s7 =	rddreg [dreg:$0xe];
	[sflag:s10] =	ssyncadd.s32 $0xFFFFD800  }
0x21e: {  	[tilespmem:s16], [sflag:$0x4] =	stream.indirect.gather [hbm4b:s4+s12], $0x80, s7, s12, $0xb8;
	[tilespmem:$0x1FC00] =	vst v63  }
0x21f: {  	_ =	swait.ge [sflag:s17], $0x2800  }
0x220: {  	[sflag:s17] =	ssyncset.done $0x0  }
0x221: {  	s8 =	rddreg [dreg:$0xf];
	[sflag:s17] =	ssyncadd.s32 $0xFFFFD800  }
0x222: {  	[spmem:s2] =	stream.indirect.scatter.add.f32 [tilespmem:s13], [sflag:$0x5], $0x80, s8, s12, $0xb8;
	[tilespmem:$0x1FC00] =	vst v63  }
0x223: {  	_ =	swait.ge [sflag:s10], $0x2800  }
0x224: {  	[sflag:s10] =	ssyncset.done $0x0  }
0x225: {  	s9 =	rddreg [dreg:$0x10];
	[sflag:s10] =	ssyncadd.s32 $0xFFFFD800  }
0x226: {  	[tilespmem:s13], [sflag:$0x1] =	stream.indirect.gather [hbm4b:s4+s12], $0x80, s9, s12, $0xb8;
	[tilespmem:$0x1FC00] =	vst v63  }
0x227: {  	_ =	swait.ge [sflag:s18], $0x2800  }
0x228: {  	[sflag:s18] =	ssyncset.done $0x0  }
0x229: {  	s7 =	rddreg [dreg:$0x11];
	[sflag:s18] =	ssyncadd.s32 $0xFFFFD800  }
0x22a: {  	[spmem:s2] =	stream.indirect.scatter.add.f32 [tilespmem:s14], [sflag:$0x5], $0x80, s7, s12, $0xb8;
	[tilespmem:$0x1FC00] =	vst v63  }
0x22b: {  	_ =	swait.ge [sflag:s10], $0x2800  }
0x22c: {  	[sflag:s10] =	ssyncset.done $0x0  }
0x22d: {  	s8 =	rddreg [dreg:$0x12];
	[sflag:s10] =	ssyncadd.s32 $0xFFFFD800  }
0x22e: {  	[tilespmem:s14], [sflag:$0x2] =	stream.indirect.gather [hbm4b:s4+s12], $0x80, s8, s12, $0xb8;
	[tilespmem:$0x1FC00] =	vst v63  }
0x22f: {  	_ =	swait.ge [sflag:s19], $0x2800  }
0x230: {  	[sflag:s19] =	ssyncset.done $0x0  }
0x231: {  	s9 =	rddreg [dreg:$0x13];
	[sflag:s19] =	ssyncadd.s32 $0xFFFFD800  }
0x232: {  	[spmem:s2] =	stream.indirect.scatter.add.f32 [tilespmem:s15], [sflag:$0x5], $0x80, s9, s12, $0xb8;
	[tilespmem:$0x1FC00] =	vst v63  }
0x233: {  	_ =	swait.ge [sflag:s10], $0x2800  }
0x234: {  	[sflag:s10] =	ssyncset.done $0x0  }
0x235: {  	s7 =	rddreg [dreg:$0x14];
	[sflag:s10] =	ssyncadd.s32 $0xFFFFD800  }
0x236: {  	[tilespmem:s15], [sflag:$0x3] =	stream.indirect.gather [hbm4b:s4+s12], $0x80, s7, s12, $0xb8;
	[tilespmem:$0x1FC00] =	vst v63  }
0x237: {  	_ =	swait.ge [sflag:s20], $0x2800  }
0x238: {  	[sflag:s20] =	ssyncset.done $0x0  }
0x239: {  	s8 =	rddreg [dreg:$0x15];
	[sflag:s20] =	ssyncadd.s32 $0xFFFFD800  }
0x23a: {  	[spmem:s2] =	stream.indirect.scatter.add.f32 [tilespmem:s16], [sflag:$0x5], $0x80, s8, s12, $0xb8;
	[tilespmem:$0x1FC00] =	vst v63  }
0x23b: {  	_ =	swait.ge [sflag:s10], $0x2800  }
0x23c: {  	[sflag:s10] =	ssyncset.done $0x0  }
0x23d: {  	s9 =	rddreg [dreg:$0x16];
	[sflag:s10] =	ssyncadd.s32 $0xFFFFD800  }
0x23e: {  	[tilespmem:s16], [sflag:$0x4] =	stream.indirect.gather [hbm4b:s4+s12], $0x80, s9, s12, $0xb8;
	[tilespmem:$0x1FC00] =	vst v63  }
0x23f: {  	_ =	swait.ge [sflag:s17], $0x2800  }
0x240: {  	[sflag:s17] =	ssyncset.done $0x0  }
0x241: {  	s7 =	rddreg [dreg:$0x17];
	[sflag:s17] =	ssyncadd.s32 $0xFFFFD800  }
0x242: {  	[spmem:s2] =	stream.indirect.scatter.add.f32 [tilespmem:s13], [sflag:$0x5], $0x80, s7, s12, $0xb8;
	[tilespmem:$0x1FC00] =	vst v63  }
0x243: {  	_ =	swait.ge [sflag:s10], $0x2800  }
0x244: {  	[sflag:s10] =	ssyncset.done $0x0  }
0x245: {  	s8 =	rddreg [dreg:$0x18];
	[sflag:s10] =	ssyncadd.s32 $0xFFFFD800  }
0x246: {  	[tilespmem:s13], [sflag:$0x1] =	stream.indirect.gather [hbm4b:s4+s12], $0x80, s8, s12, $0xb8;
	[tilespmem:$0x1FC00] =	vst v63  }
0x247: {  	_ =	swait.ge [sflag:s18], $0x2800  }
0x248: {  	[sflag:s18] =	ssyncset.done $0x0  }
0x249: {  	s9 =	rddreg [dreg:$0x19];
	[sflag:s18] =	ssyncadd.s32 $0xFFFFD800  }
0x24a: {  	[spmem:s2] =	stream.indirect.scatter.add.f32 [tilespmem:s14], [sflag:$0x5], $0x80, s9, s12, $0xb8;
	[tilespmem:$0x1FC00] =	vst v63  }
0x24b: {  	_ =	swait.ge [sflag:s10], $0x2800  }
0x24c: {  	[sflag:s10] =	ssyncset.done $0x0  }
0x24d: {  	s7 =	rddreg [dreg:$0x1a];
	[sflag:s10] =	ssyncadd.s32 $0xFFFFD800  }
0x24e: {  	[tilespmem:s14], [sflag:$0x2] =	stream.indirect.gather [hbm4b:s4+s12], $0x80, s7, s12, $0xb8;
	[tilespmem:$0x1FC00] =	vst v63  }
0x24f: {  	_ =	swait.ge [sflag:s19], $0x2800  }
0x250: {  	[sflag:s19] =	ssyncset.done $0x0  }
0x251: {  	s8 =	rddreg [dreg:$0x1b];
	[sflag:s19] =	ssyncadd.s32 $0xFFFFD800  }
0x252: {  	[spmem:s2] =	stream.indirect.scatter.add.f32 [tilespmem:s15], [sflag:$0x5], $0x80, s8, s12, $0xb8;
	[tilespmem:$0x1FC00] =	vst v63  }
0x253: {  	_ =	swait.ge [sflag:s10], $0x2800  }
0x254: {  	[sflag:s10] =	ssyncset.done $0x0  }
0x255: {  	s9 =	rddreg [dreg:$0x1c];
	[sflag:s10] =	ssyncadd.s32 $0xFFFFD800  }
0x256: {  	[tilespmem:s15], [sflag:$0x3] =	stream.indirect.gather [hbm4b:s4+s12], $0x80, s9, s12, $0xb8;
	[tilespmem:$0x1FC00] =	vst v63  }
0x257: {  	_ =	swait.ge [sflag:s20], $0x2800  }
0x258: {  	[sflag:s20] =	ssyncset.done $0x0  }
0x259: {  	s7 =	rddreg [dreg:$0x1d];
	[sflag:s20] =	ssyncadd.s32 $0xFFFFD800  }
0x25a: {  	[spmem:s2] =	stream.indirect.scatter.add.f32 [tilespmem:s16], [sflag:$0x5], $0x80, s7, s12, $0xb8;
	[tilespmem:$0x1FC00] =	vst v63  }
0x25b: {  	_ =	swait.ge [sflag:s10], $0x2800  }
0x25c: {  	[sflag:s10] =	ssyncset.done $0x0  }
0x25d: {  	s8 =	rddreg [dreg:$0x1e];
	[sflag:s10] =	ssyncadd.s32 $0xFFFFD800  }
0x25e: {  	[tilespmem:s16], [sflag:$0x4] =	stream.indirect.gather [hbm4b:s4+s12], $0x80, s8, s12, $0xb8;
	[tilespmem:$0x1FC00] =	vst v63  }
0x25f: {  	_ =	swait.ge [sflag:s17], $0x2800  }
0x260: {  	[sflag:s17] =	ssyncset.done $0x0  }
0x261: {  	s9 =	rddreg [dreg:$0x1f];
	[sflag:s17] =	ssyncadd.s32 $0xFFFFD800  }
0x262: {  	[spmem:s2] =	stream.indirect.scatter.add.f32 [tilespmem:s13], [sflag:$0x5], $0x80, s9, s12, $0xb8;
	[tilespmem:$0x1FC00] =	vst v63  }
0x263: {  	_ =	swait.ge [sflag:s10], $0x2800  }
0x264: {  	s7 =	sld [smem:$0x7F4]  }
0x265: {  	[sflag:s10] =	ssyncset.done $0x0  }
0x266: {  	[sflag:s10] =	ssyncadd.s32 $0xFFFFD800  }
0x267: {  	[tilespmem:s13], [sflag:$0x1] =	stream.indirect.gather [hbm4b:s4+s12], $0x80, s7, s12, $0xb8;
	[tilespmem:$0x1FC00] =	vst v63  }
0x268: {  	_ =	swait.ge [sflag:s18], $0x2800  }
0x269: {  	s8 =	sld [smem:$0x7F5]  }
0x26a: {  	[sflag:s18] =	ssyncset.done $0x0  }
0x26b: {  	[sflag:s18] =	ssyncadd.s32 $0xFFFFD800  }
0x26c: {  	[spmem:s2] =	stream.indirect.scatter.add.f32 [tilespmem:s14], [sflag:$0x5], $0x80, s8, s12, $0xb8;
	[tilespmem:$0x1FC00] =	vst v63  }
0x26d: {  	_ =	swait.ge [sflag:s10], $0x2800  }
0x26e: {  	s9 =	sld [smem:$0x7F6]  }
0x26f: {  	[sflag:s10] =	ssyncset.done $0x0  }
0x270: {  	[sflag:s10] =	ssyncadd.s32 $0xFFFFD800  }
0x271: {  	[tilespmem:s14], [sflag:$0x2] =	stream.indirect.gather [hbm4b:s4+s12], $0x80, s9, s12, $0xb8;
	[tilespmem:$0x1FC00] =	vst v63  }
0x272: {  	_ =	swait.ge [sflag:s19], $0x2800  }
0x273: {  	s7 =	sld [smem:$0x7F7]  }
0x274: {  	[sflag:s19] =	ssyncset.done $0x0  }
0x275: {  	[sflag:s19] =	ssyncadd.s32 $0xFFFFD800  }
0x276: {  	[spmem:s2] =	stream.indirect.scatter.add.f32 [tilespmem:s15], [sflag:$0x5], $0x80, s7, s12, $0xb8;
	[tilespmem:$0x1FC00] =	vst v63  }
0x277: {  	_ =	swait.ge [sflag:s10], $0x2800  }
0x278: {  	s8 =	sld [smem:$0x7F8]  }
0x279: {  	[sflag:s10] =	ssyncset.done $0x0  }
0x27a: {  	[sflag:s10] =	ssyncadd.s32 $0xFFFFD800  }
0x27b: {  	[tilespmem:s15], [sflag:$0x3] =	stream.indirect.gather [hbm4b:s4+s12], $0x80, s8, s12, $0xb8;
	[tilespmem:$0x1FC00] =	vst v63  }
0x27c: {  	_ =	swait.ge [sflag:s20], $0x2800  }
0x27d: {  	s9 =	sld [smem:$0x7F9]  }
0x27e: {  	[sflag:s20] =	ssyncset.done $0x0  }
0x27f: {  	[sflag:s20] =	ssyncadd.s32 $0xFFFFD800  }
0x280: {  	[spmem:s2] =	stream.indirect.scatter.add.f32 [tilespmem:s16], [sflag:$0x5], $0x80, s9, s12, $0xb8;
	[tilespmem:$0x1FC00] =	vst v63  }
0x281: {  	_ =	swait.ge [sflag:s10], $0x2800  }
0x282: {  	s7 =	sld [smem:$0x7FA]  }
0x283: {  	[sflag:s10] =	ssyncset.done $0x0  }
0x284: {  	[sflag:s10] =	ssyncadd.s32 $0xFFFFD800  }
0x285: {  	[tilespmem:s16], [sflag:$0x4] =	stream.indirect.gather [hbm4b:s4+s12], $0x80, s7, s12, $0xb8;
	[tilespmem:$0x1FC00] =	vst v63  }
0x286: {  	_ =	swait.ge [sflag:s17], $0x2800  }
0x287: {  	s8 =	sld [smem:$0x7FB]  }
0x288: {  	[sflag:s17] =	ssyncset.done $0x0  }
0x289: {  	[sflag:s17] =	ssyncadd.s32 $0xFFFFD800  }
0x28a: {  	[spmem:s2] =	stream.indirect.scatter.add.f32 [tilespmem:s13], [sflag:$0x5], $0x80, s8, s12, $0xb8;
	[tilespmem:$0x1FC00] =	vst v63  }
0x28b: {  	_ =	swait.ge [sflag:s10], $0x2800  }
0x28c: {  	[sflag:s10] =	ssyncset.done $0x0  }
0x28d: {  	[sflag:s10] =	ssyncadd.s32 $0xFFFFD800  }
0x28e: {  	[tilespmem:s13], [sflag:$0x1] =	stream.indirect.gather [hbm4b:s4+s12], $0x80, s21, s12, $0xb8;
	[tilespmem:$0x1FC00] =	vst v63  }
0x28f: {  	_ =	swait.ge [sflag:s18], $0x2800  }
0x290: {  	[sflag:s18] =	ssyncset.done $0x0  }
0x291: {  	[sflag:s18] =	ssyncadd.s32 $0xFFFFD800  }
0x292: {  	[spmem:s2] =	stream.indirect.scatter.add.f32 [tilespmem:s14], [sflag:$0x5], $0x80, s22, s12, $0xb8;
	[tilespmem:$0x1FC00] =	vst v63  }
0x293: {  	_ =	swait.ge [sflag:s10], $0x2800  }
0x294: {  	[sflag:s10] =	ssyncset.done $0x0  }
0x295: {  	[sflag:s10] =	ssyncadd.s32 $0xFFFFD800  }
0x296: {  	[tilespmem:s14], [sflag:$0x2] =	stream.indirect.gather [hbm4b:s4+s12], $0x80, s23, s12, $0xb8;
	[tilespmem:$0x1FC00] =	vst v63  }
0x297: {  	_ =	swait.ge [sflag:s19], $0x2800  }
0x298: {  	[sflag:s19] =	ssyncset.done $0x0  }
0x299: {  	[sflag:s19] =	ssyncadd.s32 $0xFFFFD800  }
0x29a: {  	[spmem:s2] =	stream.indirect.scatter.add.f32 [tilespmem:s15], [sflag:$0x5], $0x80, s24, s12, $0xb8;
	[tilespmem:$0x1FC00] =	vst v63  }
0x29b: {  	_ =	swait.ge [sflag:s10], $0x2800  }
0x29c: {  	[sflag:s10] =	ssyncset.done $0x0  }
0x29d: {  	[sflag:s10] =	ssyncadd.s32 $0xFFFFD800  }
0x29e: {  	[tilespmem:s15], [sflag:$0x3] =	stream.indirect.gather [hbm4b:s4+s12], $0x80, s25, s12, $0xb8;
	[tilespmem:$0x1FC00] =	vst v63  }
0x29f: {  	_ =	swait.ge [sflag:s20], $0x2800  }
0x2a0: {  	[sflag:s20] =	ssyncset.done $0x0  }
0x2a1: {  	[sflag:s20] =	ssyncadd.s32 $0xFFFFD800  }
0x2a2: {  	[spmem:s2] =	stream.indirect.scatter.add.f32 [tilespmem:s16], [sflag:$0x5], $0x80, s26, s12, $0xb8;
	[tilespmem:$0x1FC00] =	vst v63  }
0x2a3: {  	_ =	swait.ge [sflag:s10], $0x2800  }
0x2a4: {  	[sflag:s10] =	ssyncset.done $0x0  }
0x2a5: {  	[sflag:s10] =	ssyncadd.s32 $0xFFFFD800  }
0x2a6: {  	[tilespmem:s16], [sflag:$0x4] =	stream.indirect.gather [hbm4b:s4+s12], $0x80, s28, s12, $0xb8;
	[tilespmem:$0x1FC00] =	vst v63  }
0x2a7: {  	_ =	swait.ge [sflag:s17], $0x2800  }
0x2a8: {  	[sflag:s17] =	ssyncset.done $0x0  }
0x2a9: {  	[sflag:s17] =	ssyncadd.s32 $0xFFFFD800  }
0x2aa: {  	[spmem:s2] =	stream.indirect.scatter.add.f32 [tilespmem:s13], [sflag:$0x5], $0x80, s29, s12, $0xb8;
	[tilespmem:$0x1FC00] =	vst v63  }
0x2ab: {  	_ =	swait.ge [sflag:s10], $0x2800  }
0x2ac: {  	[sflag:s10] =	ssyncset.done $0x0  }
0x2ad: {  	[sflag:s10] =	ssyncadd.s32 $0xFFFFD800  }
0x2ae: {  	[tilespmem:s13], [sflag:$0x1] =	stream.indirect.gather [hbm4b:s4+s12], $0x80, s30, s12, $0xb8;
	[tilespmem:$0x1FC00] =	vst v63  }
0x2af: {  	_ =	swait.ge [sflag:s18], $0x2800  }
0x2b0: {  	[sflag:s18] =	ssyncset.done $0x0  }
0x2b1: {  	[sflag:s18] =	ssyncadd.s32 $0xFFFFD800  }
0x2b2: {  	[spmem:s2] =	stream.indirect.scatter.add.f32 [tilespmem:s14], [sflag:$0x5], $0x80, s31, s12, $0xb8;
	[tilespmem:$0x1FC00] =	vst v63  }
0x2b3: {  	_ =	swait.ge [sflag:s10], $0x2800  }
0x2b4: {  	[sflag:s10] =	ssyncset.done $0x0  }
0x2b5: {  	[sflag:s10] =	ssyncadd.s32 $0xFFFFD800  }
0x2b6: {  	_ =	swait.ge [sflag:s19], $0x2800  }
0x2b7: {  	[sflag:s19] =	ssyncset.done $0x0  }
0x2b8: {  	[sflag:s19] =	ssyncadd.s32 $0xFFFFD800  }
0x2b9: {  	[spmem:s2] =	stream.indirect.scatter.add.f32 [tilespmem:s15], [sflag:$0x5], $0x80, s1, s12, $0xb8;
	[tilespmem:$0x1FC00] =	vst v63  }
0x2ba: {  	_ =	swait.ge [sflag:s10], $0x2800  }
0x2bb: {  	[sflag:s10] =	ssyncset.done $0x0  }
0x2bc: {  	[sflag:s10] =	ssyncadd.s32 $0xFFFFD800  }
0x2bd: {  	_ =	swait.ge [sflag:s20], $0x2800  }
0x2be: {  	[sflag:s20] =	ssyncset.done $0x0  }
0x2bf: {  	[sflag:s20] =	ssyncadd.s32 $0xFFFFD800  }
0x2c0: {  	[spmem:s2] =	stream.indirect.scatter.add.f32 [tilespmem:s16], [sflag:$0x5], $0x80, s0, s12, $0xb8;
	[tilespmem:$0x1FC00] =	vst v63  }
0x2c1: {  	_ =	swait.ge [sflag:s10], $0x2800  }
0x2c2: {  	[sflag:s10] =	ssyncset.done $0x0  }
0x2c3: {  	[sflag:s10] =	ssyncadd.s32 $0xFFFFD800  }
0x2c4: {  	_ =	swait.ge [sflag:s17], $0x2800  }
0x2c5: {  	[sflag:s17] =	ssyncset.done $0x0  }
0x2c6: {  	[sflag:s17] =	ssyncadd.s32 $0xFFFFD800  }
0x2c7: {  	[spmem:s2] =	stream.indirect.scatter.add.f32 [tilespmem:s13], [sflag:$0x5], $0x80, s5, s12, $0xb8;
	[tilespmem:$0x1FC00] =	vst v63  }
0x2c8: {  	_ =	swait.ge [sflag:s10], $0x2800  }
0x2c9: {  	[sflag:s10] =	ssyncset.done $0x0  }
0x2ca: {  	[sflag:s10] =	ssyncadd.s32 $0xFFFFD800  }
0x2cb: {  	[bflag:$0x0] =	sbarrier.arrive $0xFFFF  }
0x2cc: {  	s7 =	sld [smem:$0x7FC]  }
0x2cd: {  	s9 =	sld [smem:$0x7F2]  }
0x2ce: {  	s8 =	sld [smem:$0x7FD];
	_ =	sdelay $0x2  }
0x2cf: {  	[hbm:s9], [sflag:s7] =	dma.local [spmem:s8], $0x2780  }
0x2d0: {  	_ =	swait.ge [sflag:s10], $0x2780  }
0x2d1: {  	s6 =	sld [smem:$0x7F0];
	_ =	sdelay $0x2  }
0x2d2: {  	s9 =	sadd.s32 $0x1, s6;
	s6 =	sld [smem:$0x7F3];
	_ =	sdelay $0x2  }
0x2d3: {  	p0 =	sne.s32 s9, s6  }
.Ltmp1:
0x2d4: {  	_ = 	snop;
	(pc) =	sbr.rel @p0 .LBB2_1-.Ltmp1, $3  }
0x2d5: {  	_ =	sdelay $0x1  }
0x2d6: {  	[sflag:s10] =	ssyncset.done $0x0  }
0x2d7: {  	[sflag:s10] =	ssyncadd.s32 $0xFFFFD880  }
0x2d8: {  	_ =	sfence.sel $0x180000  }
0x2d9: {  	[bflag:$0x0] =	sbarrier.arrive $0xFFFF  }
0x2da: {  	_ =	strace $0x9000004A  }
0x2db: {  	s0 =	stileid.u32;
	[bflag:$0x2] =	sbarrier.arrive $0xFFFF  }
0x2dc: {  	p0 =	sne.s32 s0, $0x0;
	s0 =	rddreg [dreg:$0x2]  }
0x2dd: {  	s0 =	sadd.s32 @!p0 $0x100000, s0  }
0x2de: {  	[sflag:s0] =	ssyncadd.tile.s32 @!p0 $0x1;
	_ =	shalt  }
.Lfunc_end2:
_tile_overlayer_lowered:
.L_overlay_start_2:
0x2df: {  	(tag) =	ssettag $0x2  }
0x2e0: {  	s0 =	rddreg [dreg:$0x0];
	s2 =	stileid.u32  }
0x2e1: {  	s1 =	rddreg [dreg:$0x1];
	p0 =	sne.s32 s2, $0x0  }
0x2e2: {  	s3 =	rddreg [dreg:$0x2];
	[bflag:$0x3] =	sbarrier.arrive $0xFFFF;
	s2 =	simm.s32 @!p0 $0x1C05  }
0x2e3: {  	[timem:s3], [sflag:s2] =	dma.local @!p0 [hbm:s0], s1  }
0x2e4: {  	s0 =	simm.s32 @!p0 $0x5  }
0x2e5: {  	_ =	swait.ge @!p0 [sflag:s0], s1  }
0x2e6: {  	s1 =	ssub.s32 @!p0 $0x0, s1;
	[sflag:s0] =	ssyncset.done @!p0 $0x0  }
0x2e7: {  	[sflag:s0] =	ssyncadd.s32 @!p0 s1  }
0x2e8: {  	[bflag:$0x3] =	sbarrier.arrive $0xFFFF  }
0x2e9: {  	_ =	shalt  }

// kernel: kernel.16.cloned.1.call-start
scs
__scs_entry_jumppad:
0x0: {  	(pc) =	sbr.rel $0x88, $3  }
0x1: {  	(tag) =	ssettag $0x0;
	lr =	simm.s32 $0x1  }
0x2: {  	[smem:$0x3F97] =	sst lr;
	_ =	strace $0xD0000000  }
0x3: {  	_ = 	snop  }
0x4: {  	_ = 	snop  }
0x5: {  	_ = 	snop  }
0x6: {  	_ = 	snop  }
0x7: {  	_ = 	snop  }
__scs_overlays_trampoline_lowered:
0x8: {  	[smem:$0x3FA6] =	sst s0  }
0x9: {  	[smem:$0x3FA7] =	sst s1  }
0xa: {  	[smem:$0x3FA8] =	sst s2  }
0xb: {  	[smem:$0x3FA9] =	sst s3  }
0xc: {  	[smem:$0x3FAA] =	sst s4  }
0xd: {  	[smem:$0x3FAB] =	sst s5  }
0xe: {  	[smem:$0x3FAC] =	sst s6  }
0xf: {  	[smem:$0x3FAD] =	sst s7  }
0x10: {  	[smem:$0x3FAE] =	sst s8  }
0x11: {  	[smem:$0x3FAF] =	sst s9;
	s0 =	simm.s32 @!p0 $0x0  }
0x12: {  	s1 =	sld [smem:$0x3F95];
	s0 =	simm.s32 @p0 $0x1  }
0x13: {  	[smem:$0x3FB0] =	sst s0;
	s0 =	simm.s32 @!p1 $0x0  }
0x14: {  	s2 =	sld [smem:$0x3F94];
	s0 =	simm.s32 @p1 $0x1  }
0x15: {  	[smem:$0x3FB1] =	sst s0;
	s0 =	simm.s32 @!p2 $0x0  }
0x16: {  	s3 =	sld [smem:$0x3FDB];
	s0 =	simm.s32 @p2 $0x1  }
0x17: {  	s4 =	simm.s32 $0x1BF5;
	[smem:$0x3FB3] =	sst s0  }
0x18: {  	s0 =	sld [smem:$0x3F96];
	_ =	swait.ge [sflag:s4], $0x0  }
0x19: {  	s7 =	sld [smem:$0x3F97]  }
0x1a: {  	s8 =	sadd.s32 $0xFFFFE003, lr  }
0x1b: {  	s9 =	sadd.s32 $0xFFFFFEF7, lr;
	s5 =	simm.s32 $0xFFFFFFFF;
	p2 =	slt.u32 s8, $0xFFFFF086  }
0x1c: {  	p1 =	slt.u32 s9, $0xF7A;
	s5 =	simm.s32 @!p2 $0x0  }
0x1d: {  	s5 =	simm.s32 @p1 $0x1;
	p0 =	seq.s32 s7, s2  }
0x1e: {  	s7 =	smul.u32 @!p0 $0xF7A, s2;
	p2 =	seq.s32 @!p0 s5, $0x0  }
0x1f: {  	s9 =	smul.u32 $0xF7A, s1;
	s8 =	simm.s32 @!p0 $0x1BF5;
	p2 =	por !p2, p0  }
0x20: {  	[sflag:s8] =	ssyncset.s32 @!p0 $0xFFFFF086;
	s6 =	sadd.s32 @!p0 s3, s7;
	s7 =	simm.s32 @!p0 $0x108  }
0x21: {  	s3 =	sadd.s32 s3, s9;
	s6 =	sadd.s32 @!p0 $0x88, s6;
	s7 =	simm.s32 @p2 $0x1082  }
0x22: {  	[simem:s7], [sflag:s8] =	dma.local @!p0 [hbm:s6], $0xF7A  }
0x23: {  	s9 =	sor.u32 $0xD0000000, s2;
	s6 =	simm.s32 $0x108;
	_ =	swait.ge @!p0 [sflag:s8], $0x0  }
0x24: {  	s3 =	sadd.s32 $0x88, s3;
	s6 =	simm.s32 @!p1 $0x1082;
	[sflag:s4] =	ssyncset.s32 $0xFFFFF086  }
0x25: {  	[simem:s6], [sflag:s4] =	dma.local [hbm:s3], $0xF7A  }
0x26: {  	[smem:$0x3F97] =	sst s1;
	(tag) =	ssettag s2;
	_ =	strace s9  }
0x27: {  	s1 =	sld [smem:$0x3FA7]  }
0x28: {  	s2 =	sld [smem:$0x3FA8]  }
0x29: {  	s4 =	sld [smem:$0x3FAA]  }
0x2a: {  	p0 =	seq.s32 s5, $0x0;
	s5 =	sld [smem:$0x3FAB]  }
0x2b: {  	s6 =	sld [smem:$0x3FAC]  }
0x2c: {  	s7 =	sld [smem:$0x3FAD]  }
0x2d: {  	s3 =	simm.s32 $0x108;
	s8 =	sld [smem:$0x3FAE]  }
0x2e: {  	s3 =	simm.s32 @!p0 $0x1082;
	s9 =	sld [smem:$0x3FAF]  }
0x2f: {  	lr =	sadd.s32 s0, s3;
	s0 =	sld [smem:$0x3FA6]  }
0x30: {  	s3 =	sld [smem:$0x3FA9]  }
0x31: {  	[smem:$0x3FB2] =	sst s10  }
0x32: {  	s10 =	sld [smem:$0x3FB0];
	_ =	sdelay $0x3  }
0x33: {  	p0 =	seq.s32 s10, $0x1;
	s10 =	sld [smem:$0x3FB2];
	_ =	sdelay $0x3  }
0x34: {  	[smem:$0x3FB2] =	sst s10  }
0x35: {  	s10 =	sld [smem:$0x3FB1];
	_ =	sdelay $0x3  }
0x36: {  	p1 =	seq.s32 s10, $0x1;
	s10 =	sld [smem:$0x3FB2];
	_ =	sdelay $0x3  }
0x37: {  	[smem:$0x3FB2] =	sst s10  }
0x38: {  	s10 =	sld [smem:$0x3FB3]  }
0x39: {  	_ = 	snop;
	(pc) =	sbr.ind lr, $3  }
0x3a: {  	_ = 	snop  }
0x3b: {  	_ = 	snop  }
0x3c: {  	p2 =	seq.s32 s10, $0x1;
	s10 =	sld [smem:$0x3FB2]  }
0x3d: {  	_ =	shalt  }
0x3e: {  	_ =	shalt  }
0x3f: {  	_ =	shalt  }
0x40: {  	_ =	shalt  }
0x41: {  	_ =	shalt  }
0x42: {  	_ =	shalt  }
0x43: {  	_ =	shalt  }
0x44: {  	_ =	shalt  }
0x45: {  	_ =	shalt  }
0x46: {  	_ =	shalt  }
0x47: {  	_ =	shalt  }
0x48: {  	_ =	shalt  }
0x49: {  	_ =	shalt  }
0x4a: {  	_ =	shalt  }
0x4b: {  	_ =	shalt  }
0x4c: {  	_ =	shalt  }
0x4d: {  	_ =	shalt  }
0x4e: {  	_ =	shalt  }
0x4f: {  	_ =	shalt  }
0x50: {  	_ =	shalt  }
0x51: {  	_ =	shalt  }
0x52: {  	_ =	shalt  }
0x53: {  	_ =	shalt  }
0x54: {  	_ =	shalt  }
0x55: {  	_ =	shalt  }
0x56: {  	_ =	shalt  }
0x57: {  	_ =	shalt  }
0x58: {  	_ =	shalt  }
0x59: {  	_ =	shalt  }
0x5a: {  	_ =	shalt  }
0x5b: {  	_ =	shalt  }
0x5c: {  	_ =	shalt  }
0x5d: {  	_ =	shalt  }
0x5e: {  	_ =	shalt  }
0x5f: {  	_ =	shalt  }
0x60: {  	_ =	shalt  }
0x61: {  	_ =	shalt  }
0x62: {  	_ =	shalt  }
0x63: {  	_ =	shalt  }
0x64: {  	_ =	shalt  }
0x65: {  	_ =	shalt  }
0x66: {  	_ =	shalt  }
0x67: {  	_ =	shalt  }
0x68: {  	_ =	shalt  }
0x69: {  	_ =	shalt  }
0x6a: {  	_ =	shalt  }
0x6b: {  	_ =	shalt  }
0x6c: {  	_ =	shalt  }
0x6d: {  	_ =	shalt  }
0x6e: {  	_ =	shalt  }
0x6f: {  	_ =	shalt  }
0x70: {  	_ =	shalt  }
0x71: {  	_ =	shalt  }
0x72: {  	_ =	shalt  }
0x73: {  	_ =	shalt  }
0x74: {  	_ =	shalt  }
0x75: {  	_ =	shalt  }
0x76: {  	_ =	shalt  }
0x77: {  	_ =	shalt  }
0x78: {  	_ =	shalt  }
0x79: {  	_ =	shalt  }
0x7a: {  	_ =	shalt  }
0x7b: {  	_ =	shalt  }
0x7c: {  	_ =	shalt  }
0x7d: {  	_ =	shalt  }
0x7e: {  	_ =	shalt  }
0x7f: {  	_ =	shalt  }
0x80: {  	_ =	shalt  }
0x81: {  	_ =	shalt  }
0x82: {  	_ =	shalt  }
0x83: {  	_ =	shalt  }
0x84: {  	_ =	shalt  }
0x85: {  	_ =	shalt  }
0x86: {  	_ =	shalt  }
0x87: {  	_ =	shalt  }
.Lfunc_end0:
.L_simem_size_0:
called_computation.2_lowered:
.L_overlay_start_0:
0x88: {  	s2 =	sld [smem:$0x3FD9]  }
0x89: {  	s3 =	sld [smem:$0x3FFE];
	_ =	sdelay $0x1  }
0x8a: {  	s1 =	srdreg.scid  }
0x8b: {  	s0 =	sand.u32 $0x1, s1  }
0x8c: {  	s16 =	sshll.u32 s0, $0xA;
	s2 =	sadd.s32 s3, s2  }
0x8d: {  	s2 =	sadd.s32 s2, s16  }
0x8e: {  	[smem:$0x3FBE] =	sst s2  }
0x8f: {  	_ = 	snop  }
0x90: {  	(tm) =	ssettm $0x1  }
0x91: {  	s17 =	sld [smem:$0x3FFB];
	_ =	sdelay $0x3  }
0x92: {  	_ =	strace s17  }
0x93: {  	s2 =	sld [smem:$0x3FFC];
	_ =	sdelay $0x3  }
0x94: {  	_ =	strace s2  }
0x95: {  	s2 =	sld [smem:$0x3FFD];
	_ =	sdelay $0x3  }
0x96: {  	_ =	strace s2  }
0x97: {  	_ =	strace $0x8FFFFFFF  }
0x98: {  	s18 =	sld [smem:$0x3FDB];
	_ =	sdelay $0x1  }
0x99: {  	s19 =	simm.s32 $_scs_section_size  }
0x9a: {  	s4 =	simm.s32 $_size__tile_overlayer_lowered;
	s5 =	simm.s32 $_tile_overlayer_lowered  }
0x9b: {  	s22 =	simm.s32 $0x1BFF;
	s21 =	sshll.u32 s5, $0x1;
	s2 =	sadd.s32 s19, s18  }
0x9c: {  	s6 =	simm.s32 $0x0;
	s20 =	sshll.u32 s4, $0x1;
	s4 =	sadd.s32 s21, s2  }
0x9d: {  	[timem:s6], [sflag:s22] =	dma.local [hbm:s4], s20  }
0x9e: {  	_ =	swait.ge [sflag:s22], s20  }
0x9f: {  	s3 =	ssub.s32 $0x0, s20;
	[sflag:s22] =	ssyncset.done $0x0  }
0xa0: {  	[sflag:s22] =	ssyncadd.s32 s3;
	_ =	sdelay $0x1  }
0xa1: {  	s23 =	simm.s32 $0x1B8B  }
0xa2: {  	_ =	swait.ge [sflag:s23], $0x1  }
0xa3: {  	[sflag:s23] =	ssyncset.done $0x0  }
0xa4: {  	s25 =	simm.s32 $0x1B8E;
	s24 =	sld [smem:$0x3FFE];
	[sflag:s23] =	ssyncadd.s32 $0xFFFFFFFF  }
0xa5: {  	s26 =	simm.s32 $execute0_lowered;
	[smem:$0x3FD2] =	sst s25  }
0xa6: {  	s4 =	sshll.u32 s26, $0x1;
	_ =	strace $0x8000004C;
	[dreg:$0x1] =	wrdreg $0xFFFFFFFF  }
0xa7: {  	s28 =	simm.s32 $_size_execute0_lowered;
	s2 =	sadd.s32 s2, s4;
	[dreg:$0x0] =	wrdreg $0x0  }
0xa8: {  	s4 =	sshll.u32 s28, $0x1;
	[dreg:$0x2] =	wrdreg s2  }
0xa9: {  	[dreg:$0x3] =	wrdreg s4  }
0xaa: {  	[dreg:$0x4] =	wrdreg $0xC0  }
0xab: {  	_ =	task [dreg:s6], $0x5FFFF  }
0xac: {  	[dreg:$0x1] =	wrdreg $0xFFFFFFFF  }
0xad: {  	[dreg:$0x0] =	wrdreg $0x60  }
0xae: {  	[dreg:$0x2] =	wrdreg s24  }
0xaf: {  	[dreg:$0x3] =	wrdreg $0xC0000  }
0xb0: {  	[dreg:$0x4] =	wrdreg $0x9  }
0xb1: {  	_ =	task.clear_ibuf [dreg:s6], $0x5FFFF;
	_ =	strace $0x9000004C  }
0xb2: {  	s29 =	simm.s32 $0x9;
	_ =	strace $0x8000004E  }
0xb3: {  	_ =	swait.ge [sflag:s29], $0x1  }
0xb4: {  	[sflag:s29] =	ssyncadd.s32 $0xFFFFFFFF  }
0xb5: {  	_ =	strace $0x9000004E  }
0xb6: {  	_ =	sfence  }
0xb7: {  	s30 =	sld [smem:$0x0];
	_ =	sdelay $0x2  }
0xb8: {  	s31 =	sshll.u32 s1, $0xD;
	s1 =	sshrl.u32 s1, $0x2  }
0xb9: {  	s3 =	sand.u32 $0x4000, s31;
	s1 =	sadd.s32 s1, s30  }
0xba: {  	s0 =	sor.u32 s3, s0;
	s1 =	sshll.u32 s1, $0x11  }
0xbb: {  	s0 =	sor.u32 s1, s0  }
0xbc: {  	s0 =	sadd.s32 $0x8F2B, s0  }
0xbd: {  	[sflag:s0] =	ssyncadd.remote.s32 $0x1  }
0xbe: {  	_ =	sfence.sel $0xFFFF  }
0xbf: {  	[dreg:$0x0] =	wrdreg $0xFFFFFFFF;
	(pc) =	sbr.abs _section_cstart, $3  }
0xc0: {  	[dreg:$0x1] =	wrdreg $0xFFFFFFFF  }
0xc1: {  	_ =	task.clear_ibuf [dreg:s6], $0x2FFFF;
	_ =	strace $0x9FFFFFFF  }
0xc2: {  	(tm) =	ssettm $0x7FFFFFFF  }
0xc3: {  	_ =	shalt  }
tec
execute0_lowered:
.L_overlay_start_1:
0x0: {  	(tag) =	ssettag $0x1  }
0x1: {  	s1 =	rddreg [dreg:$0x0]  }
0x2: {  	s2 =	rddreg [dreg:$0x1];
	s3 =	simm.s32 $0x0  }
0x3: {  	s6 =	simm.s32 $0x100;
	[smem:$0x7FF] =	sst s3  }
0x4: {  	s7 =	simm.s32 $0x180;
	_ =	strace $0x8000004D;
	[dreg:$0x6] =	wrdreg s6  }
0x5: {  	s8 =	simm.s32 $0x200;
	[dreg:$0x7] =	wrdreg s7  }
0x6: {  	s11 =	simm.s32 $0x280;
	[dreg:$0x8] =	wrdreg s8  }
0x7: {  	s12 =	simm.s32 $0x1100;
	[dreg:$0xa] =	wrdreg s11  }
0x8: {  	s13 =	simm.s32 $0x300;
	[dreg:$0xb] =	wrdreg s12  }
0x9: {  	s0 =	srdreg.scid;
	s14 =	simm.s32 $0x1180;
	[dreg:$0xc] =	wrdreg s13  }
0xa: {  	s9 =	stileid.u32;
	s15 =	simm.s32 $0x380;
	[dreg:$0xd] =	wrdreg s14  }
0xb: {  	s16 =	simm.s32 $0x1200;
	s17 =	simm.s32 $0x400;
	[dreg:$0xe] =	wrdreg s15  }
0xc: {  	s18 =	simm.s32 $0x1280;
	s20 =	simm.s32 $0x480;
	[dreg:$0xf] =	wrdreg s16  }
0xd: {  	s22 =	simm.s32 $0x1300;
	s23 =	simm.s32 $0x500;
	[dreg:$0x10] =	wrdreg s17  }
0xe: {  	s25 =	simm.s32 $0x1380;
	s26 =	simm.s32 $0x580;
	[dreg:$0x11] =	wrdreg s18  }
0xf: {  	s28 =	simm.s32 $0xB80;
	s29 =	simm.s32 $0x1A00;
	[dreg:$0x12] =	wrdreg s20  }
0x10: {  	s30 =	simm.s32 $0xC00;
	s5 =	smul.u32 $0xA00, s9;
	[dreg:$0x13] =	wrdreg s22  }
0x11: {  	s31 =	simm.s32 $0x1A80;
	s10 =	smul.u32 $0x13C00, s9;
	[dreg:$0x14] =	wrdreg s23  }
0x12: {  	s0 =	sand.u32 $0x1, s0;
	s21 =	smul.u32 $0x4F000, s9;
	[dreg:$0x15] =	wrdreg s25  }
0x13: {  	s4 =	smul.u32 $0xA000, s0;
	s6 =	simm.s32 $0x1080;
	[dreg:$0x16] =	wrdreg s26  }
0x14: {  	s8 =	smul.u32 $0x13C000, s0;
	s11 =	simm.s32 $0x600;
	[dreg:$0x9] =	wrdreg s6  }
0x15: {  	s0 =	ssub.s32 $0x2, s0;
	s12 =	simm.s32 $0x1480;
	[dreg:$0x18] =	wrdreg s11  }
0x16: {  	s13 =	simm.s32 $0x680;
	s14 =	simm.s32 $0x1500;
	[dreg:$0x19] =	wrdreg s12  }
0x17: {  	s15 =	simm.s32 $0x700;
	s16 =	simm.s32 $0x1580;
	[dreg:$0x1a] =	wrdreg s13  }
0x18: {  	s17 =	simm.s32 $0x780;
	s18 =	simm.s32 $0x1600;
	[dreg:$0x1b] =	wrdreg s14  }
0x19: {  	s20 =	simm.s32 $0x1680;
	s22 =	simm.s32 $0x1700;
	[dreg:$0x1c] =	wrdreg s15  }
0x1a: {  	s23 =	simm.s32 $0x900;
	s25 =	simm.s32 $0x980;
	[dreg:$0x1d] =	wrdreg s16  }
0x1b: {  	s26 =	simm.s32 $0x1800;
	s7 =	sshrl.u32 s10, $0x3;
	[dreg:$0x1e] =	wrdreg s17  }
0x1c: {  	s19 =	sshrl.u32 s0, $0x1;
	s24 =	sshrl.u32 s21, $0x2;
	[dreg:$0x1f] =	wrdreg s18  }
0x1d: {  	s11 =	simm.s32 $0x1000;
	s12 =	simm.s32 $0x50;
	[smem:$0x7F5] =	sst s20  }
0x1e: {  	s13 =	simm.s32 $0x2000;
	s14 =	simm.s32 $0x4800;
	[smem:$0x7F7] =	sst s22  }
0x1f: {  	s15 =	simm.s32 $0x7000;
	s21 =	simm.s32 $0x880;
	[smem:$0x7F8] =	sst s23  }
0x20: {  	s16 =	simm.s32 $0x9800;
	s17 =	simm.s32 $0x1;
	[smem:$0x7FA] =	sst s25  }
0x21: {  	s18 =	simm.s32 $0x2;
	s20 =	simm.s32 $0x4;
	[smem:$0x7FB] =	sst s26  }
0x22: {  	s22 =	simm.s32 $0x1880;
	s23 =	simm.s32 $0xA80;
	s25 =	simm.s32 $0xB00  }
0x23: {  	s26 =	simm.s32 $0x1980;
	s4 =	sadd.s32 s4, s1;
	s7 =	sadd.s32 s7, s1  }
0x24: {  	s0 =	ssub.s32 s0, s19;
	s19 =	simm.s32 $0x800;
	[smem:$0x7F6] =	sst s21  }
0x25: {  	s6 =	sadd.s32 s24, s2;
	s24 =	simm.s32 $0x1780;
	[smem:$0x7F4] =	sst s19  }
0x26: {  	s21 =	simm.s32 $0xA00;
	s7 =	sadd.s32 $0x52000, s7;
	[smem:$0x7F9] =	sst s24  }
0x27: {  	s4 =	sadd.s32 s5, s4;
	s0 =	smax.u32 s0, $0x1;
	[smem:$0x7F1] =	sst s7  }
0x28: {  	s19 =	simm.s32 $0x3;
	s5 =	sadd.s32 $0x2E00, s4;
	[smem:$0x7F3] =	sst s0  }
0x29: {  	s24 =	simm.s32 $0x1900;
	s4 =	sadd.s32 $0x16E00, s4;
	[dreg:$0x3] =	wrdreg s5  }
0x2a: {  	s0 =	simm.s32 $0x1B80;
	[dreg:$0x4] =	wrdreg s4;
	s5 =	simm.s32 $0x80  }
0x2b: {  	s4 =	sadd.s32 $0x2AE00, s1;
	[dreg:$0x5] =	wrdreg s5;
	s5 =	sadd.s32 s10, s8  }
0x2c: {  	s8 =	simm.s32 $0x1400;
	s10 =	sshll.u32 s9, $0x6;
	s9 =	simm.s32 $0x0  }
0x2d: {  	s5 =	sshrl.u32 s5, $0x3;
	[dreg:$0x17] =	wrdreg s8;
	s7 =	sor.u32 $0x1C05, s10  }
0x2e: {  	s8 =	sshrl.u32 s6, $0x3;
	s1 =	sadd.s32 s5, s1;
	[smem:$0x7FC] =	sst s7  }
0x2f: {  	s10 =	simm.s32 $0x5;
	[smem:$0x7FD] =	sst s8;
	s1 =	sadd.s32 $0x79800, s1  }
0x30: {  	s5 =	simm.s32 $0x1C00;
	[smem:$0x7F2] =	sst s1;
	s1 =	simm.s32 $0x1B00  }
.LBB2_1:
0x31: {  	s6 =	sld [smem:$0x7F1];
	_ =	sdelay $0x1  }
0x32: {  	[smem:$0x7F0] =	sst s9  }
0x33: {  	[spmem:s8], [sflag:s7] =	dma.local [hbm:s6], $0x2780  }
0x34: {  	_ =	swait.ge [sflag:s10], $0x2780  }
0x35: {  	[sflag:s10] =	ssyncset.done $0x0  }
0x36: {  	[sflag:s10] =	ssyncadd.s32 $0xFFFFD880  }
0x37: {  	[bflag:$0x0] =	sbarrier.arrive $0xFFFF  }
0x38: {  	s9 =	rddreg [dreg:$0x4]  }
0x39: {  	s6 =	sadd.s32 $0x0, s9  }
0x3a: {  	[tilespmem:s3], [sflag:$0x5] =	stream.linear.gather [hbm4b:s6+s3], $0xC80, $0x38;
	[tilespmem:$0x1FC00] =	vst v63  }
0x3b: {  	_ =	swait.ge [sflag:s10], $0xC80  }
0x3c: {  	s7 =	rddreg [dreg:$0x3];
	[sflag:s10] =	ssyncset.done $0x0  }
0x3d: {  	[sflag:s10] =	ssyncadd.s32 $0xFFFFF380;
	s6 =	sadd.s32 $0x0, s7  }
0x3e: {  	[tilespmem:s11], [sflag:$0x5] =	stream.linear.gather [hbm4b:s6+s3], $0xC80, $0x38;
	[tilespmem:$0x1FC00] =	vst v63  }
0x3f: {  	_ =	swait.ge [sflag:s10], $0xC80  }
0x40: {  	[sflag:s10] =	ssyncset.done $0x0  }
0x41: {  	[sflag:s10] =	ssyncadd.s32 $0xFFFFF380  }
0x42: {  	[tilespmem:s13], [sflag:$0x1] =	stream.indirect.gather [hbm4b:s4+s12], $0x80, s3, s12, $0xb8;
	[tilespmem:$0x1FC00] =	vst v63  }
0x43: {  	s8 =	rddreg [dreg:$0x5]  }
0x44: {  	[tilespmem:s14], [sflag:$0x2] =	stream.indirect.gather [hbm4b:s4+s12], $0x80, s8, s12, $0xb8;
	[tilespmem:$0x1FC00] =	vst v63  }
0x45: {  	s9 =	rddreg [dreg:$0x6]  }
0x46: {  	[tilespmem:s15], [sflag:$0x3] =	stream.indirect.gather [hbm4b:s4+s12], $0x80, s9, s12, $0xb8;
	[tilespmem:$0x1FC00] =	vst v63  }
0x47: {  	s7 =	rddreg [dreg:$0x7]  }
0x48: {  	[tilespmem:s16], [sflag:$0x4] =	stream.indirect.gather [hbm4b:s4+s12], $0x80, s7, s12, $0xb8;
	[tilespmem:$0x1FC00] =	vst v63  }
0x49: {  	_ =	swait.ge [sflag:s17], $0x2800  }
0x4a: {  	[sflag:s17] =	ssyncset.done $0x0  }
0x4b: {  	[sflag:s17] =	ssyncadd.s32 $0xFFFFD800  }
0x4c: {  	[spmem:s2] =	stream.indirect.scatter.add.f32 [tilespmem:s13], [sflag:$0x5], $0x80, s11, s12, $0xb8;
	[tilespmem:$0x1FC00] =	vst v63  }
0x4d: {  	_ =	swait.ge [sflag:s10], $0x2800  }
0x4e: {  	[sflag:s10] =	ssyncset.done $0x0  }
0x4f: {  	s8 =	rddreg [dreg:$0x8];
	[sflag:s10] =	ssyncadd.s32 $0xFFFFD800  }
0x50: {  	[tilespmem:s13], [sflag:$0x1] =	stream.indirect.gather [hbm4b:s4+s12], $0x80, s8, s12, $0xb8;
	[tilespmem:$0x1FC00] =	vst v63  }
0x51: {  	_ =	swait.ge [sflag:s18], $0x2800  }
0x52: {  	[sflag:s18] =	ssyncset.done $0x0  }
0x53: {  	s9 =	rddreg [dreg:$0x9];
	[sflag:s18] =	ssyncadd.s32 $0xFFFFD800  }
0x54: {  	[spmem:s2] =	stream.indirect.scatter.add.f32 [tilespmem:s14], [sflag:$0x5], $0x80, s9, s12, $0xb8;
	[tilespmem:$0x1FC00] =	vst v63  }
0x55: {  	_ =	swait.ge [sflag:s10], $0x2800  }
0x56: {  	[sflag:s10] =	ssyncset.done $0x0  }
0x57: {  	s7 =	rddreg [dreg:$0xa];
	[sflag:s10] =	ssyncadd.s32 $0xFFFFD800  }
0x58: {  	[tilespmem:s14], [sflag:$0x2] =	stream.indirect.gather [hbm4b:s4+s12], $0x80, s7, s12, $0xb8;
	[tilespmem:$0x1FC00] =	vst v63  }
0x59: {  	_ =	swait.ge [sflag:s19], $0x2800  }
0x5a: {  	[sflag:s19] =	ssyncset.done $0x0  }
0x5b: {  	s8 =	rddreg [dreg:$0xb];
	[sflag:s19] =	ssyncadd.s32 $0xFFFFD800  }
0x5c: {  	[spmem:s2] =	stream.indirect.scatter.add.f32 [tilespmem:s15], [sflag:$0x5], $0x80, s8, s12, $0xb8;
	[tilespmem:$0x1FC00] =	vst v63  }
0x5d: {  	_ =	swait.ge [sflag:s10], $0x2800  }
0x5e: {  	[sflag:s10] =	ssyncset.done $0x0  }
0x5f: {  	s9 =	rddreg [dreg:$0xc];
	[sflag:s10] =	ssyncadd.s32 $0xFFFFD800  }
0x60: {  	[tilespmem:s15], [sflag:$0x3] =	stream.indirect.gather [hbm4b:s4+s12], $0x80, s9, s12, $0xb8;
	[tilespmem:$0x1FC00] =	vst v63  }
0x61: {  	_ =	swait.ge [sflag:s20], $0x2800  }
0x62: {  	[sflag:s20] =	ssyncset.done $0x0  }
0x63: {  	s7 =	rddreg [dreg:$0xd];
	[sflag:s20] =	ssyncadd.s32 $0xFFFFD800  }
0x64: {  	[spmem:s2] =	stream.indirect.scatter.add.f32 [tilespmem:s16], [sflag:$0x5], $0x80, s7, s12, $0xb8;
	[tilespmem:$0x1FC00] =	vst v63  }
0x65: {  	_ =	swait.ge [sflag:s10], $0x2800  }
0x66: {  	[sflag:s10] =	ssyncset.done $0x0  }
0x67: {  	s8 =	rddreg [dreg:$0xe];
	[sflag:s10] =	ssyncadd.s32 $0xFFFFD800  }
0x68: {  	[tilespmem:s16], [sflag:$0x4] =	stream.indirect.gather [hbm4b:s4+s12], $0x80, s8, s12, $0xb8;
	[tilespmem:$0x1FC00] =	vst v63  }
0x69: {  	_ =	swait.ge [sflag:s17], $0x2800  }
0x6a: {  	[sflag:s17] =	ssyncset.done $0x0  }
0x6b: {  	s9 =	rddreg [dreg:$0xf];
	[sflag:s17] =	ssyncadd.s32 $0xFFFFD800  }
0x6c: {  	[spmem:s2] =	stream.indirect.scatter.add.f32 [tilespmem:s13], [sflag:$0x5], $0x80, s9, s12, $0xb8;
	[tilespmem:$0x1FC00] =	vst v63  }
0x6d: {  	_ =	swait.ge [sflag:s10], $0x2800  }
0x6e: {  	[sflag:s10] =	ssyncset.done $0x0  }
0x6f: {  	s7 =	rddreg [dreg:$0x10];
	[sflag:s10] =	ssyncadd.s32 $0xFFFFD800  }
0x70: {  	[tilespmem:s13], [sflag:$0x1] =	stream.indirect.gather [hbm4b:s4+s12], $0x80, s7, s12, $0xb8;
	[tilespmem:$0x1FC00] =	vst v63  }
0x71: {  	_ =	swait.ge [sflag:s18], $0x2800  }
0x72: {  	[sflag:s18] =	ssyncset.done $0x0  }
0x73: {  	s8 =	rddreg [dreg:$0x11];
	[sflag:s18] =	ssyncadd.s32 $0xFFFFD800  }
0x74: {  	[spmem:s2] =	stream.indirect.scatter.add.f32 [tilespmem:s14], [sflag:$0x5], $0x80, s8, s12, $0xb8;
	[tilespmem:$0x1FC00] =	vst v63  }
0x75: {  	_ =	swait.ge [sflag:s10], $0x2800  }
0x76: {  	[sflag:s10] =	ssyncset.done $0x0  }
0x77: {  	s9 =	rddreg [dreg:$0x12];
	[sflag:s10] =	ssyncadd.s32 $0xFFFFD800  }
0x78: {  	[tilespmem:s14], [sflag:$0x2] =	stream.indirect.gather [hbm4b:s4+s12], $0x80, s9, s12, $0xb8;
	[tilespmem:$0x1FC00] =	vst v63  }
0x79: {  	_ =	swait.ge [sflag:s19], $0x2800  }
0x7a: {  	[sflag:s19] =	ssyncset.done $0x0  }
0x7b: {  	s7 =	rddreg [dreg:$0x13];
	[sflag:s19] =	ssyncadd.s32 $0xFFFFD800  }
0x7c: {  	[spmem:s2] =	stream.indirect.scatter.add.f32 [tilespmem:s15], [sflag:$0x5], $0x80, s7, s12, $0xb8;
	[tilespmem:$0x1FC00] =	vst v63  }
0x7d: {  	_ =	swait.ge [sflag:s10], $0x2800  }
0x7e: {  	[sflag:s10] =	ssyncset.done $0x0  }
0x7f: {  	s8 =	rddreg [dreg:$0x14];
	[sflag:s10] =	ssyncadd.s32 $0xFFFFD800  }
0x80: {  	[tilespmem:s15], [sflag:$0x3] =	stream.indirect.gather [hbm4b:s4+s12], $0x80, s8, s12, $0xb8;
	[tilespmem:$0x1FC00] =	vst v63  }
0x81: {  	_ =	swait.ge [sflag:s20], $0x2800  }
0x82: {  	[sflag:s20] =	ssyncset.done $0x0  }
0x83: {  	s9 =	rddreg [dreg:$0x15];
	[sflag:s20] =	ssyncadd.s32 $0xFFFFD800  }
0x84: {  	[spmem:s2] =	stream.indirect.scatter.add.f32 [tilespmem:s16], [sflag:$0x5], $0x80, s9, s12, $0xb8;
	[tilespmem:$0x1FC00] =	vst v63  }
0x85: {  	_ =	swait.ge [sflag:s10], $0x2800  }
0x86: {  	[sflag:s10] =	ssyncset.done $0x0  }
0x87: {  	s7 =	rddreg [dreg:$0x16];
	[sflag:s10] =	ssyncadd.s32 $0xFFFFD800  }
0x88: {  	[tilespmem:s16], [sflag:$0x4] =	stream.indirect.gather [hbm4b:s4+s12], $0x80, s7, s12, $0xb8;
	[tilespmem:$0x1FC00] =	vst v63  }
0x89: {  	_ =	swait.ge [sflag:s17], $0x2800  }
0x8a: {  	[sflag:s17] =	ssyncset.done $0x0  }
0x8b: {  	s8 =	rddreg [dreg:$0x17];
	[sflag:s17] =	ssyncadd.s32 $0xFFFFD800  }
0x8c: {  	[spmem:s2] =	stream.indirect.scatter.add.f32 [tilespmem:s13], [sflag:$0x5], $0x80, s8, s12, $0xb8;
	[tilespmem:$0x1FC00] =	vst v63  }
0x8d: {  	_ =	swait.ge [sflag:s10], $0x2800  }
0x8e: {  	[sflag:s10] =	ssyncset.done $0x0  }
0x8f: {  	s9 =	rddreg [dreg:$0x18];
	[sflag:s10] =	ssyncadd.s32 $0xFFFFD800  }
0x90: {  	[tilespmem:s13], [sflag:$0x1] =	stream.indirect.gather [hbm4b:s4+s12], $0x80, s9, s12, $0xb8;
	[tilespmem:$0x1FC00] =	vst v63  }
0x91: {  	_ =	swait.ge [sflag:s18], $0x2800  }
0x92: {  	[sflag:s18] =	ssyncset.done $0x0  }
0x93: {  	s7 =	rddreg [dreg:$0x19];
	[sflag:s18] =	ssyncadd.s32 $0xFFFFD800  }
0x94: {  	[spmem:s2] =	stream.indirect.scatter.add.f32 [tilespmem:s14], [sflag:$0x5], $0x80, s7, s12, $0xb8;
	[tilespmem:$0x1FC00] =	vst v63  }
0x95: {  	_ =	swait.ge [sflag:s10], $0x2800  }
0x96: {  	[sflag:s10] =	ssyncset.done $0x0  }
0x97: {  	s8 =	rddreg [dreg:$0x1a];
	[sflag:s10] =	ssyncadd.s32 $0xFFFFD800  }
0x98: {  	[tilespmem:s14], [sflag:$0x2] =	stream.indirect.gather [hbm4b:s4+s12], $0x80, s8, s12, $0xb8;
	[tilespmem:$0x1FC00] =	vst v63  }
0x99: {  	_ =	swait.ge [sflag:s19], $0x2800  }
0x9a: {  	[sflag:s19] =	ssyncset.done $0x0  }
0x9b: {  	s9 =	rddreg [dreg:$0x1b];
	[sflag:s19] =	ssyncadd.s32 $0xFFFFD800  }
0x9c: {  	[spmem:s2] =	stream.indirect.scatter.add.f32 [tilespmem:s15], [sflag:$0x5], $0x80, s9, s12, $0xb8;
	[tilespmem:$0x1FC00] =	vst v63  }
0x9d: {  	_ =	swait.ge [sflag:s10], $0x2800  }
0x9e: {  	[sflag:s10] =	ssyncset.done $0x0  }
0x9f: {  	s7 =	rddreg [dreg:$0x1c];
	[sflag:s10] =	ssyncadd.s32 $0xFFFFD800  }
0xa0: {  	[tilespmem:s15], [sflag:$0x3] =	stream.indirect.gather [hbm4b:s4+s12], $0x80, s7, s12, $0xb8;
	[tilespmem:$0x1FC00] =	vst v63  }
0xa1: {  	_ =	swait.ge [sflag:s20], $0x2800  }
0xa2: {  	[sflag:s20] =	ssyncset.done $0x0  }
0xa3: {  	s8 =	rddreg [dreg:$0x1d];
	[sflag:s20] =	ssyncadd.s32 $0xFFFFD800  }
0xa4: {  	[spmem:s2] =	stream.indirect.scatter.add.f32 [tilespmem:s16], [sflag:$0x5], $0x80, s8, s12, $0xb8;
	[tilespmem:$0x1FC00] =	vst v63  }
0xa5: {  	_ =	swait.ge [sflag:s10], $0x2800  }
0xa6: {  	[sflag:s10] =	ssyncset.done $0x0  }
0xa7: {  	s9 =	rddreg [dreg:$0x1e];
	[sflag:s10] =	ssyncadd.s32 $0xFFFFD800  }
0xa8: {  	[tilespmem:s16], [sflag:$0x4] =	stream.indirect.gather [hbm4b:s4+s12], $0x80, s9, s12, $0xb8;
	[tilespmem:$0x1FC00] =	vst v63  }
0xa9: {  	_ =	swait.ge [sflag:s17], $0x2800  }
0xaa: {  	[sflag:s17] =	ssyncset.done $0x0  }
0xab: {  	s7 =	rddreg [dreg:$0x1f];
	[sflag:s17] =	ssyncadd.s32 $0xFFFFD800  }
0xac: {  	[spmem:s2] =	stream.indirect.scatter.add.f32 [tilespmem:s13], [sflag:$0x5], $0x80, s7, s12, $0xb8;
	[tilespmem:$0x1FC00] =	vst v63  }
0xad: {  	_ =	swait.ge [sflag:s10], $0x2800  }
0xae: {  	s8 =	sld [smem:$0x7F4]  }
0xaf: {  	[sflag:s10] =	ssyncset.done $0x0  }
0xb0: {  	[sflag:s10] =	ssyncadd.s32 $0xFFFFD800  }
0xb1: {  	[tilespmem:s13], [sflag:$0x1] =	stream.indirect.gather [hbm4b:s4+s12], $0x80, s8, s12, $0xb8;
	[tilespmem:$0x1FC00] =	vst v63  }
0xb2: {  	_ =	swait.ge [sflag:s18], $0x2800  }
0xb3: {  	s9 =	sld [smem:$0x7F5]  }
0xb4: {  	[sflag:s18] =	ssyncset.done $0x0  }
0xb5: {  	[sflag:s18] =	ssyncadd.s32 $0xFFFFD800  }
0xb6: {  	[spmem:s2] =	stream.indirect.scatter.add.f32 [tilespmem:s14], [sflag:$0x5], $0x80, s9, s12, $0xb8;
	[tilespmem:$0x1FC00] =	vst v63  }
0xb7: {  	_ =	swait.ge [sflag:s10], $0x2800  }
0xb8: {  	s7 =	sld [smem:$0x7F6]  }
0xb9: {  	[sflag:s10] =	ssyncset.done $0x0  }
0xba: {  	[sflag:s10] =	ssyncadd.s32 $0xFFFFD800  }
0xbb: {  	[tilespmem:s14], [sflag:$0x2] =	stream.indirect.gather [hbm4b:s4+s12], $0x80, s7, s12, $0xb8;
	[tilespmem:$0x1FC00] =	vst v63  }
0xbc: {  	_ =	swait.ge [sflag:s19], $0x2800  }
0xbd: {  	s8 =	sld [smem:$0x7F7]  }
0xbe: {  	[sflag:s19] =	ssyncset.done $0x0  }
0xbf: {  	[sflag:s19] =	ssyncadd.s32 $0xFFFFD800  }
0xc0: {  	[spmem:s2] =	stream.indirect.scatter.add.f32 [tilespmem:s15], [sflag:$0x5], $0x80, s8, s12, $0xb8;
	[tilespmem:$0x1FC00] =	vst v63  }
0xc1: {  	_ =	swait.ge [sflag:s10], $0x2800  }
0xc2: {  	s9 =	sld [smem:$0x7F8]  }
0xc3: {  	[sflag:s10] =	ssyncset.done $0x0  }
0xc4: {  	[sflag:s10] =	ssyncadd.s32 $0xFFFFD800  }
0xc5: {  	[tilespmem:s15], [sflag:$0x3] =	stream.indirect.gather [hbm4b:s4+s12], $0x80, s9, s12, $0xb8;
	[tilespmem:$0x1FC00] =	vst v63  }
0xc6: {  	_ =	swait.ge [sflag:s20], $0x2800  }
0xc7: {  	s7 =	sld [smem:$0x7F9]  }
0xc8: {  	[sflag:s20] =	ssyncset.done $0x0  }
0xc9: {  	[sflag:s20] =	ssyncadd.s32 $0xFFFFD800  }
0xca: {  	[spmem:s2] =	stream.indirect.scatter.add.f32 [tilespmem:s16], [sflag:$0x5], $0x80, s7, s12, $0xb8;
	[tilespmem:$0x1FC00] =	vst v63  }
0xcb: {  	_ =	swait.ge [sflag:s10], $0x2800  }
0xcc: {  	s8 =	sld [smem:$0x7FA]  }
0xcd: {  	[sflag:s10] =	ssyncset.done $0x0  }
0xce: {  	[sflag:s10] =	ssyncadd.s32 $0xFFFFD800  }
0xcf: {  	[tilespmem:s16], [sflag:$0x4] =	stream.indirect.gather [hbm4b:s4+s12], $0x80, s8, s12, $0xb8;
	[tilespmem:$0x1FC00] =	vst v63  }
0xd0: {  	_ =	swait.ge [sflag:s17], $0x2800  }
0xd1: {  	s9 =	sld [smem:$0x7FB]  }
0xd2: {  	[sflag:s17] =	ssyncset.done $0x0  }
0xd3: {  	[sflag:s17] =	ssyncadd.s32 $0xFFFFD800  }
0xd4: {  	[spmem:s2] =	stream.indirect.scatter.add.f32 [tilespmem:s13], [sflag:$0x5], $0x80, s9, s12, $0xb8;
	[tilespmem:$0x1FC00] =	vst v63  }
0xd5: {  	_ =	swait.ge [sflag:s10], $0x2800  }
0xd6: {  	[sflag:s10] =	ssyncset.done $0x0  }
0xd7: {  	[sflag:s10] =	ssyncadd.s32 $0xFFFFD800  }
0xd8: {  	[tilespmem:s13], [sflag:$0x1] =	stream.indirect.gather [hbm4b:s4+s12], $0x80, s21, s12, $0xb8;
	[tilespmem:$0x1FC00] =	vst v63  }
0xd9: {  	_ =	swait.ge [sflag:s18], $0x2800  }
0xda: {  	[sflag:s18] =	ssyncset.done $0x0  }
0xdb: {  	[sflag:s18] =	ssyncadd.s32 $0xFFFFD800  }
0xdc: {  	[spmem:s2] =	stream.indirect.scatter.add.f32 [tilespmem:s14], [sflag:$0x5], $0x80, s22, s12, $0xb8;
	[tilespmem:$0x1FC00] =	vst v63  }
0xdd: {  	_ =	swait.ge [sflag:s10], $0x2800  }
0xde: {  	[sflag:s10] =	ssyncset.done $0x0  }
0xdf: {  	[sflag:s10] =	ssyncadd.s32 $0xFFFFD800  }
0xe0: {  	[tilespmem:s14], [sflag:$0x2] =	stream.indirect.gather [hbm4b:s4+s12], $0x80, s23, s12, $0xb8;
	[tilespmem:$0x1FC00] =	vst v63  }
0xe1: {  	_ =	swait.ge [sflag:s19], $0x2800  }
0xe2: {  	[sflag:s19] =	ssyncset.done $0x0  }
0xe3: {  	[sflag:s19] =	ssyncadd.s32 $0xFFFFD800  }
0xe4: {  	[spmem:s2] =	stream.indirect.scatter.add.f32 [tilespmem:s15], [sflag:$0x5], $0x80, s24, s12, $0xb8;
	[tilespmem:$0x1FC00] =	vst v63  }
0xe5: {  	_ =	swait.ge [sflag:s10], $0x2800  }
0xe6: {  	[sflag:s10] =	ssyncset.done $0x0  }
0xe7: {  	[sflag:s10] =	ssyncadd.s32 $0xFFFFD800  }
0xe8: {  	[tilespmem:s15], [sflag:$0x3] =	stream.indirect.gather [hbm4b:s4+s12], $0x80, s25, s12, $0xb8;
	[tilespmem:$0x1FC00] =	vst v63  }
0xe9: {  	_ =	swait.ge [sflag:s20], $0x2800  }
0xea: {  	[sflag:s20] =	ssyncset.done $0x0  }
0xeb: {  	[sflag:s20] =	ssyncadd.s32 $0xFFFFD800  }
0xec: {  	[spmem:s2] =	stream.indirect.scatter.add.f32 [tilespmem:s16], [sflag:$0x5], $0x80, s26, s12, $0xb8;
	[tilespmem:$0x1FC00] =	vst v63  }
0xed: {  	_ =	swait.ge [sflag:s10], $0x2800  }
0xee: {  	[sflag:s10] =	ssyncset.done $0x0  }
0xef: {  	[sflag:s10] =	ssyncadd.s32 $0xFFFFD800  }
0xf0: {  	[tilespmem:s16], [sflag:$0x4] =	stream.indirect.gather [hbm4b:s4+s12], $0x80, s28, s12, $0xb8;
	[tilespmem:$0x1FC00] =	vst v63  }
0xf1: {  	_ =	swait.ge [sflag:s17], $0x2800  }
0xf2: {  	[sflag:s17] =	ssyncset.done $0x0  }
0xf3: {  	[sflag:s17] =	ssyncadd.s32 $0xFFFFD800  }
0xf4: {  	[spmem:s2] =	stream.indirect.scatter.add.f32 [tilespmem:s13], [sflag:$0x5], $0x80, s29, s12, $0xb8;
	[tilespmem:$0x1FC00] =	vst v63  }
0xf5: {  	_ =	swait.ge [sflag:s10], $0x2800  }
0xf6: {  	[sflag:s10] =	ssyncset.done $0x0  }
0xf7: {  	[sflag:s10] =	ssyncadd.s32 $0xFFFFD800  }
0xf8: {  	[tilespmem:s13], [sflag:$0x1] =	stream.indirect.gather [hbm4b:s4+s12], $0x80, s30, s12, $0xb8;
	[tilespmem:$0x1FC00] =	vst v63  }
0xf9: {  	_ =	swait.ge [sflag:s18], $0x2800  }
0xfa: {  	[sflag:s18] =	ssyncset.done $0x0  }
0xfb: {  	[sflag:s18] =	ssyncadd.s32 $0xFFFFD800  }
0xfc: {  	[spmem:s2] =	stream.indirect.scatter.add.f32 [tilespmem:s14], [sflag:$0x5], $0x80, s31, s12, $0xb8;
	[tilespmem:$0x1FC00] =	vst v63  }
0xfd: {  	_ =	swait.ge [sflag:s10], $0x2800  }
0xfe: {  	[sflag:s10] =	ssyncset.done $0x0  }
0xff: {  	[sflag:s10] =	ssyncadd.s32 $0xFFFFD800  }
0x100: {  	_ =	swait.ge [sflag:s19], $0x2800  }
0x101: {  	[sflag:s19] =	ssyncset.done $0x0  }
0x102: {  	[sflag:s19] =	ssyncadd.s32 $0xFFFFD800  }
0x103: {  	[spmem:s2] =	stream.indirect.scatter.add.f32 [tilespmem:s15], [sflag:$0x5], $0x80, s1, s12, $0xb8;
	[tilespmem:$0x1FC00] =	vst v63  }
0x104: {  	_ =	swait.ge [sflag:s10], $0x2800  }
0x105: {  	[sflag:s10] =	ssyncset.done $0x0  }
0x106: {  	[sflag:s10] =	ssyncadd.s32 $0xFFFFD800  }
0x107: {  	_ =	swait.ge [sflag:s20], $0x2800  }
0x108: {  	[sflag:s20] =	ssyncset.done $0x0  }
0x109: {  	[sflag:s20] =	ssyncadd.s32 $0xFFFFD800  }
0x10a: {  	[spmem:s2] =	stream.indirect.scatter.add.f32 [tilespmem:s16], [sflag:$0x5], $0x80, s0, s12, $0xb8;
	[tilespmem:$0x1FC00] =	vst v63  }
0x10b: {  	_ =	swait.ge [sflag:s10], $0x2800  }
0x10c: {  	[sflag:s10] =	ssyncset.done $0x0  }
0x10d: {  	[sflag:s10] =	ssyncadd.s32 $0xFFFFD800  }
0x10e: {  	_ =	swait.ge [sflag:s17], $0x2800  }
0x10f: {  	[sflag:s17] =	ssyncset.done $0x0  }
0x110: {  	[sflag:s17] =	ssyncadd.s32 $0xFFFFD800  }
0x111: {  	[spmem:s2] =	stream.indirect.scatter.add.f32 [tilespmem:s13], [sflag:$0x5], $0x80, s5, s12, $0xb8;
	[tilespmem:$0x1FC00] =	vst v63  }
0x112: {  	s6 =	simm.s32 $0x400;
	_ =	swait.ge [sflag:s10], $0x2800  }
0x113: {  	s8 =	simm.s32 $0x200;
	s9 =	rddreg [dreg:$0x4];
	[sflag:s10] =	ssyncset.done $0x0  }
.LBB2_2:
0x114: {  	[sflag:s10] =	ssyncadd.s32 $0xFFFFD800;
	s9 =	sadd.s32 s8, s9  }
0x115: {  	[tilespmem:s3], [sflag:$0x5] =	stream.linear.gather [hbm4b:s9+s3], $0xC80, $0x38;
	[tilespmem:$0x1FC00] =	vst v63  }
0x116: {  	_ =	swait.ge [sflag:s10], $0xC80  }
0x117: {  	s9 =	rddreg [dreg:$0x3];
	[sflag:s10] =	ssyncset.done $0x0  }
0x118: {  	[sflag:s10] =	ssyncadd.s32 $0xFFFFF380;
	s9 =	sadd.s32 s8, s9  }
0x119: {  	[tilespmem:s11], [sflag:$0x5] =	stream.linear.gather [hbm4b:s9+s3], $0xC80, $0x38;
	[tilespmem:$0x1FC00] =	vst v63  }
0x11a: {  	_ =	swait.ge [sflag:s10], $0xC80  }
0x11b: {  	[sflag:s10] =	ssyncset.done $0x0  }
0x11c: {  	s7 =	smov.u32 s6;
	[sflag:s10] =	ssyncadd.s32 $0xFFFFF380  }
0x11d: {  	[tilespmem:s13], [sflag:$0x1] =	stream.indirect.gather [hbm4b:s4+s12], $0x80, s3, s12, $0xb8;
	[tilespmem:$0x1FC00] =	vst v63  }
0x11e: {  	s8 =	smov.u32 s7;
	s7 =	rddreg [dreg:$0x5]  }
0x11f: {  	[tilespmem:s14], [sflag:$0x2] =	stream.indirect.gather [hbm4b:s4+s12], $0x80, s7, s12, $0xb8;
	[tilespmem:$0x1FC00] =	vst v63  }
0x120: {  	s9 =	rddreg [dreg:$0x6]  }
0x121: {  	[tilespmem:s15], [sflag:$0x3] =	stream.indirect.gather [hbm4b:s4+s12], $0x80, s9, s12, $0xb8;
	[tilespmem:$0x1FC00] =	vst v63  }
0x122: {  	s7 =	rddreg [dreg:$0x7]  }
0x123: {  	[tilespmem:s16], [sflag:$0x4] =	stream.indirect.gather [hbm4b:s4+s12], $0x80, s7, s12, $0xb8;
	[tilespmem:$0x1FC00] =	vst v63  }
0x124: {  	_ =	swait.ge [sflag:s17], $0x2800  }
0x125: {  	[sflag:s17] =	ssyncset.done $0x0  }
0x126: {  	[sflag:s17] =	ssyncadd.s32 $0xFFFFD800  }
0x127: {  	[spmem:s2] =	stream.indirect.scatter.add.f32 [tilespmem:s13], [sflag:$0x5], $0x80, s11, s12, $0xb8;
	[tilespmem:$0x1FC00] =	vst v63  }
0x128: {  	_ =	swait.ge [sflag:s10], $0x2800  }
0x129: {  	[sflag:s10] =	ssyncset.done $0x0  }
0x12a: {  	s9 =	rddreg [dreg:$0x8];
	[sflag:s10] =	ssyncadd.s32 $0xFFFFD800  }
0x12b: {  	[tilespmem:s13], [sflag:$0x1] =	stream.indirect.gather [hbm4b:s4+s12], $0x80, s9, s12, $0xb8;
	[tilespmem:$0x1FC00] =	vst v63  }
0x12c: {  	_ =	swait.ge [sflag:s18], $0x2800  }
0x12d: {  	[sflag:s18] =	ssyncset.done $0x0  }
0x12e: {  	s9 =	rddreg [dreg:$0x9];
	[sflag:s18] =	ssyncadd.s32 $0xFFFFD800  }
0x12f: {  	[spmem:s2] =	stream.indirect.scatter.add.f32 [tilespmem:s14], [sflag:$0x5], $0x80, s9, s12, $0xb8;
	[tilespmem:$0x1FC00] =	vst v63  }
0x130: {  	_ =	swait.ge [sflag:s10], $0x2800  }
0x131: {  	[sflag:s10] =	ssyncset.done $0x0  }
0x132: {  	s9 =	rddreg [dreg:$0xa];
	[sflag:s10] =	ssyncadd.s32 $0xFFFFD800  }
0x133: {  	[tilespmem:s14], [sflag:$0x2] =	stream.indirect.gather [hbm4b:s4+s12], $0x80, s9, s12, $0xb8;
	[tilespmem:$0x1FC00] =	vst v63  }
0x134: {  	_ =	swait.ge [sflag:s19], $0x2800  }
0x135: {  	[sflag:s19] =	ssyncset.done $0x0  }
0x136: {  	s9 =	rddreg [dreg:$0xb];
	[sflag:s19] =	ssyncadd.s32 $0xFFFFD800  }
0x137: {  	[spmem:s2] =	stream.indirect.scatter.add.f32 [tilespmem:s15], [sflag:$0x5], $0x80, s9, s12, $0xb8;
	[tilespmem:$0x1FC00] =	vst v63  }
0x138: {  	_ =	swait.ge [sflag:s10], $0x2800  }
0x139: {  	[sflag:s10] =	ssyncset.done $0x0  }
0x13a: {  	s9 =	rddreg [dreg:$0xc];
	[sflag:s10] =	ssyncadd.s32 $0xFFFFD800  }
0x13b: {  	[tilespmem:s15], [sflag:$0x3] =	stream.indirect.gather [hbm4b:s4+s12], $0x80, s9, s12, $0xb8;
	[tilespmem:$0x1FC00] =	vst v63  }
0x13c: {  	_ =	swait.ge [sflag:s20], $0x2800  }
0x13d: {  	[sflag:s20] =	ssyncset.done $0x0  }
0x13e: {  	s9 =	rddreg [dreg:$0xd];
	[sflag:s20] =	ssyncadd.s32 $0xFFFFD800  }
0x13f: {  	[spmem:s2] =	stream.indirect.scatter.add.f32 [tilespmem:s16], [sflag:$0x5], $0x80, s9, s12, $0xb8;
	[tilespmem:$0x1FC00] =	vst v63  }
0x140: {  	_ =	swait.ge [sflag:s10], $0x2800  }
0x141: {  	[sflag:s10] =	ssyncset.done $0x0  }
0x142: {  	s9 =	rddreg [dreg:$0xe];
	[sflag:s10] =	ssyncadd.s32 $0xFFFFD800  }
0x143: {  	[tilespmem:s16], [sflag:$0x4] =	stream.indirect.gather [hbm4b:s4+s12], $0x80, s9, s12, $0xb8;
	[tilespmem:$0x1FC00] =	vst v63  }
0x144: {  	_ =	swait.ge [sflag:s17], $0x2800  }
0x145: {  	[sflag:s17] =	ssyncset.done $0x0  }
0x146: {  	s9 =	rddreg [dreg:$0xf];
	[sflag:s17] =	ssyncadd.s32 $0xFFFFD800  }
0x147: {  	[spmem:s2] =	stream.indirect.scatter.add.f32 [tilespmem:s13], [sflag:$0x5], $0x80, s9, s12, $0xb8;
	[tilespmem:$0x1FC00] =	vst v63  }
0x148: {  	_ =	swait.ge [sflag:s10], $0x2800  }
0x149: {  	[sflag:s10] =	ssyncset.done $0x0  }
0x14a: {  	s9 =	rddreg [dreg:$0x10];
	[sflag:s10] =	ssyncadd.s32 $0xFFFFD800  }
0x14b: {  	[tilespmem:s13], [sflag:$0x1] =	stream.indirect.gather [hbm4b:s4+s12], $0x80, s9, s12, $0xb8;
	[tilespmem:$0x1FC00] =	vst v63  }
0x14c: {  	_ =	swait.ge [sflag:s18], $0x2800  }
0x14d: {  	[sflag:s18] =	ssyncset.done $0x0  }
0x14e: {  	s9 =	rddreg [dreg:$0x11];
	[sflag:s18] =	ssyncadd.s32 $0xFFFFD800  }
0x14f: {  	[spmem:s2] =	stream.indirect.scatter.add.f32 [tilespmem:s14], [sflag:$0x5], $0x80, s9, s12, $0xb8;
	[tilespmem:$0x1FC00] =	vst v63  }
0x150: {  	_ =	swait.ge [sflag:s10], $0x2800  }
0x151: {  	[sflag:s10] =	ssyncset.done $0x0  }
0x152: {  	s9 =	rddreg [dreg:$0x12];
	[sflag:s10] =	ssyncadd.s32 $0xFFFFD800  }
0x153: {  	[tilespmem:s14], [sflag:$0x2] =	stream.indirect.gather [hbm4b:s4+s12], $0x80, s9, s12, $0xb8;
	[tilespmem:$0x1FC00] =	vst v63  }
0x154: {  	_ =	swait.ge [sflag:s19], $0x2800  }
0x155: {  	[sflag:s19] =	ssyncset.done $0x0  }
0x156: {  	s9 =	rddreg [dreg:$0x13];
	[sflag:s19] =	ssyncadd.s32 $0xFFFFD800  }
0x157: {  	[spmem:s2] =	stream.indirect.scatter.add.f32 [tilespmem:s15], [sflag:$0x5], $0x80, s9, s12, $0xb8;
	[tilespmem:$0x1FC00] =	vst v63  }
0x158: {  	_ =	swait.ge [sflag:s10], $0x2800  }
0x159: {  	[sflag:s10] =	ssyncset.done $0x0  }
0x15a: {  	s9 =	rddreg [dreg:$0x14];
	[sflag:s10] =	ssyncadd.s32 $0xFFFFD800  }
0x15b: {  	[tilespmem:s15], [sflag:$0x3] =	stream.indirect.gather [hbm4b:s4+s12], $0x80, s9, s12, $0xb8;
	[tilespmem:$0x1FC00] =	vst v63  }
0x15c: {  	_ =	swait.ge [sflag:s20], $0x2800  }
0x15d: {  	[sflag:s20] =	ssyncset.done $0x0  }
0x15e: {  	s9 =	rddreg [dreg:$0x15];
	[sflag:s20] =	ssyncadd.s32 $0xFFFFD800  }
0x15f: {  	[spmem:s2] =	stream.indirect.scatter.add.f32 [tilespmem:s16], [sflag:$0x5], $0x80, s9, s12, $0xb8;
	[tilespmem:$0x1FC00] =	vst v63  }
0x160: {  	_ =	swait.ge [sflag:s10], $0x2800  }
0x161: {  	[sflag:s10] =	ssyncset.done $0x0  }
0x162: {  	s9 =	rddreg [dreg:$0x16];
	[sflag:s10] =	ssyncadd.s32 $0xFFFFD800  }
0x163: {  	[tilespmem:s16], [sflag:$0x4] =	stream.indirect.gather [hbm4b:s4+s12], $0x80, s9, s12, $0xb8;
	[tilespmem:$0x1FC00] =	vst v63  }
0x164: {  	_ =	swait.ge [sflag:s17], $0x2800  }
0x165: {  	[sflag:s17] =	ssyncset.done $0x0  }
0x166: {  	s9 =	rddreg [dreg:$0x17];
	[sflag:s17] =	ssyncadd.s32 $0xFFFFD800  }
0x167: {  	[spmem:s2] =	stream.indirect.scatter.add.f32 [tilespmem:s13], [sflag:$0x5], $0x80, s9, s12, $0xb8;
	[tilespmem:$0x1FC00] =	vst v63  }
0x168: {  	_ =	swait.ge [sflag:s10], $0x2800  }
0x169: {  	[sflag:s10] =	ssyncset.done $0x0  }
0x16a: {  	s9 =	rddreg [dreg:$0x18];
	[sflag:s10] =	ssyncadd.s32 $0xFFFFD800  }
0x16b: {  	[tilespmem:s13], [sflag:$0x1] =	stream.indirect.gather [hbm4b:s4+s12], $0x80, s9, s12, $0xb8;
	[tilespmem:$0x1FC00] =	vst v63  }
0x16c: {  	_ =	swait.ge [sflag:s18], $0x2800  }
0x16d: {  	[sflag:s18] =	ssyncset.done $0x0  }
0x16e: {  	s9 =	rddreg [dreg:$0x19];
	[sflag:s18] =	ssyncadd.s32 $0xFFFFD800  }
0x16f: {  	[spmem:s2] =	stream.indirect.scatter.add.f32 [tilespmem:s14], [sflag:$0x5], $0x80, s9, s12, $0xb8;
	[tilespmem:$0x1FC00] =	vst v63  }
0x170: {  	_ =	swait.ge [sflag:s10], $0x2800  }
0x171: {  	[sflag:s10] =	ssyncset.done $0x0  }
0x172: {  	s9 =	rddreg [dreg:$0x1a];
	[sflag:s10] =	ssyncadd.s32 $0xFFFFD800  }
0x173: {  	[tilespmem:s14], [sflag:$0x2] =	stream.indirect.gather [hbm4b:s4+s12], $0x80, s9, s12, $0xb8;
	[tilespmem:$0x1FC00] =	vst v63  }
0x174: {  	_ =	swait.ge [sflag:s19], $0x2800  }
0x175: {  	[sflag:s19] =	ssyncset.done $0x0  }
0x176: {  	s9 =	rddreg [dreg:$0x1b];
	[sflag:s19] =	ssyncadd.s32 $0xFFFFD800  }
0x177: {  	[spmem:s2] =	stream.indirect.scatter.add.f32 [tilespmem:s15], [sflag:$0x5], $0x80, s9, s12, $0xb8;
	[tilespmem:$0x1FC00] =	vst v63  }
0x178: {  	_ =	swait.ge [sflag:s10], $0x2800  }
0x179: {  	[sflag:s10] =	ssyncset.done $0x0  }
0x17a: {  	s9 =	rddreg [dreg:$0x1c];
	[sflag:s10] =	ssyncadd.s32 $0xFFFFD800  }
0x17b: {  	[tilespmem:s15], [sflag:$0x3] =	stream.indirect.gather [hbm4b:s4+s12], $0x80, s9, s12, $0xb8;
	[tilespmem:$0x1FC00] =	vst v63  }
0x17c: {  	_ =	swait.ge [sflag:s20], $0x2800  }
0x17d: {  	[sflag:s20] =	ssyncset.done $0x0  }
0x17e: {  	s9 =	rddreg [dreg:$0x1d];
	[sflag:s20] =	ssyncadd.s32 $0xFFFFD800  }
0x17f: {  	[spmem:s2] =	stream.indirect.scatter.add.f32 [tilespmem:s16], [sflag:$0x5], $0x80, s9, s12, $0xb8;
	[tilespmem:$0x1FC00] =	vst v63  }
0x180: {  	_ =	swait.ge [sflag:s10], $0x2800  }
0x181: {  	[sflag:s10] =	ssyncset.done $0x0  }
0x182: {  	s9 =	rddreg [dreg:$0x1e];
	[sflag:s10] =	ssyncadd.s32 $0xFFFFD800  }
0x183: {  	[tilespmem:s16], [sflag:$0x4] =	stream.indirect.gather [hbm4b:s4+s12], $0x80, s9, s12, $0xb8;
	[tilespmem:$0x1FC00] =	vst v63  }
0x184: {  	_ =	swait.ge [sflag:s17], $0x2800  }
0x185: {  	[sflag:s17] =	ssyncset.done $0x0  }
0x186: {  	s9 =	rddreg [dreg:$0x1f];
	[sflag:s17] =	ssyncadd.s32 $0xFFFFD800  }
0x187: {  	[spmem:s2] =	stream.indirect.scatter.add.f32 [tilespmem:s13], [sflag:$0x5], $0x80, s9, s12, $0xb8;
	[tilespmem:$0x1FC00] =	vst v63  }
0x188: {  	_ =	swait.ge [sflag:s10], $0x2800  }
0x189: {  	s9 =	sld [smem:$0x7F4]  }
0x18a: {  	[sflag:s10] =	ssyncset.done $0x0  }
0x18b: {  	[sflag:s10] =	ssyncadd.s32 $0xFFFFD800  }
0x18c: {  	[tilespmem:s13], [sflag:$0x1] =	stream.indirect.gather [hbm4b:s4+s12], $0x80, s9, s12, $0xb8;
	[tilespmem:$0x1FC00] =	vst v63  }
0x18d: {  	_ =	swait.ge [sflag:s18], $0x2800  }
0x18e: {  	s9 =	sld [smem:$0x7F5]  }
0x18f: {  	[sflag:s18] =	ssyncset.done $0x0  }
0x190: {  	[sflag:s18] =	ssyncadd.s32 $0xFFFFD800  }
0x191: {  	[spmem:s2] =	stream.indirect.scatter.add.f32 [tilespmem:s14], [sflag:$0x5], $0x80, s9, s12, $0xb8;
	[tilespmem:$0x1FC00] =	vst v63  }
0x192: {  	_ =	swait.ge [sflag:s10], $0x2800  }
0x193: {  	s9 =	sld [smem:$0x7F6]  }
0x194: {  	[sflag:s10] =	ssyncset.done $0x0  }
0x195: {  	[sflag:s10] =	ssyncadd.s32 $0xFFFFD800  }
0x196: {  	[tilespmem:s14], [sflag:$0x2] =	stream.indirect.gather [hbm4b:s4+s12], $0x80, s9, s12, $0xb8;
	[tilespmem:$0x1FC00] =	vst v63  }
0x197: {  	_ =	swait.ge [sflag:s19], $0x2800  }
0x198: {  	s9 =	sld [smem:$0x7F7]  }
0x199: {  	[sflag:s19] =	ssyncset.done $0x0  }
0x19a: {  	[sflag:s19] =	ssyncadd.s32 $0xFFFFD800  }
0x19b: {  	[spmem:s2] =	stream.indirect.scatter.add.f32 [tilespmem:s15], [sflag:$0x5], $0x80, s9, s12, $0xb8;
	[tilespmem:$0x1FC00] =	vst v63  }
0x19c: {  	_ =	swait.ge [sflag:s10], $0x2800  }
0x19d: {  	s9 =	sld [smem:$0x7F8]  }
0x19e: {  	[sflag:s10] =	ssyncset.done $0x0  }
0x19f: {  	[sflag:s10] =	ssyncadd.s32 $0xFFFFD800  }
0x1a0: {  	[tilespmem:s15], [sflag:$0x3] =	stream.indirect.gather [hbm4b:s4+s12], $0x80, s9, s12, $0xb8;
	[tilespmem:$0x1FC00] =	vst v63  }
0x1a1: {  	_ =	swait.ge [sflag:s20], $0x2800  }
0x1a2: {  	s9 =	sld [smem:$0x7F9]  }
0x1a3: {  	[sflag:s20] =	ssyncset.done $0x0  }
0x1a4: {  	[sflag:s20] =	ssyncadd.s32 $0xFFFFD800  }
0x1a5: {  	[spmem:s2] =	stream.indirect.scatter.add.f32 [tilespmem:s16], [sflag:$0x5], $0x80, s9, s12, $0xb8;
	[tilespmem:$0x1FC00] =	vst v63  }
0x1a6: {  	_ =	swait.ge [sflag:s10], $0x2800  }
0x1a7: {  	s9 =	sld [smem:$0x7FA]  }
0x1a8: {  	[sflag:s10] =	ssyncset.done $0x0  }
0x1a9: {  	[sflag:s10] =	ssyncadd.s32 $0xFFFFD800  }
0x1aa: {  	[tilespmem:s16], [sflag:$0x4] =	stream.indirect.gather [hbm4b:s4+s12], $0x80, s9, s12, $0xb8;
	[tilespmem:$0x1FC00] =	vst v63  }
0x1ab: {  	_ =	swait.ge [sflag:s17], $0x2800  }
0x1ac: {  	s9 =	sld [smem:$0x7FB]  }
0x1ad: {  	[sflag:s17] =	ssyncset.done $0x0  }
0x1ae: {  	[sflag:s17] =	ssyncadd.s32 $0xFFFFD800  }
0x1af: {  	[spmem:s2] =	stream.indirect.scatter.add.f32 [tilespmem:s13], [sflag:$0x5], $0x80, s9, s12, $0xb8;
	[tilespmem:$0x1FC00] =	vst v63  }
0x1b0: {  	_ =	swait.ge [sflag:s10], $0x2800  }
0x1b1: {  	[sflag:s10] =	ssyncset.done $0x0  }
0x1b2: {  	[sflag:s10] =	ssyncadd.s32 $0xFFFFD800  }
0x1b3: {  	[tilespmem:s13], [sflag:$0x1] =	stream.indirect.gather [hbm4b:s4+s12], $0x80, s21, s12, $0xb8;
	[tilespmem:$0x1FC00] =	vst v63  }
0x1b4: {  	_ =	swait.ge [sflag:s18], $0x2800  }
0x1b5: {  	[sflag:s18] =	ssyncset.done $0x0  }
0x1b6: {  	[sflag:s18] =	ssyncadd.s32 $0xFFFFD800  }
0x1b7: {  	[spmem:s2] =	stream.indirect.scatter.add.f32 [tilespmem:s14], [sflag:$0x5], $0x80, s22, s12, $0xb8;
	[tilespmem:$0x1FC00] =	vst v63  }
0x1b8: {  	_ =	swait.ge [sflag:s10], $0x2800  }
0x1b9: {  	[sflag:s10] =	ssyncset.done $0x0  }
0x1ba: {  	[sflag:s10] =	ssyncadd.s32 $0xFFFFD800  }
0x1bb: {  	[tilespmem:s14], [sflag:$0x2] =	stream.indirect.gather [hbm4b:s4+s12], $0x80, s23, s12, $0xb8;
	[tilespmem:$0x1FC00] =	vst v63  }
0x1bc: {  	_ =	swait.ge [sflag:s19], $0x2800  }
0x1bd: {  	[sflag:s19] =	ssyncset.done $0x0  }
0x1be: {  	[sflag:s19] =	ssyncadd.s32 $0xFFFFD800  }
0x1bf: {  	[spmem:s2] =	stream.indirect.scatter.add.f32 [tilespmem:s15], [sflag:$0x5], $0x80, s24, s12, $0xb8;
	[tilespmem:$0x1FC00] =	vst v63  }
0x1c0: {  	_ =	swait.ge [sflag:s10], $0x2800  }
0x1c1: {  	[sflag:s10] =	ssyncset.done $0x0  }
0x1c2: {  	[sflag:s10] =	ssyncadd.s32 $0xFFFFD800  }
0x1c3: {  	[tilespmem:s15], [sflag:$0x3] =	stream.indirect.gather [hbm4b:s4+s12], $0x80, s25, s12, $0xb8;
	[tilespmem:$0x1FC00] =	vst v63  }
0x1c4: {  	_ =	swait.ge [sflag:s20], $0x2800  }
0x1c5: {  	[sflag:s20] =	ssyncset.done $0x0  }
0x1c6: {  	[sflag:s20] =	ssyncadd.s32 $0xFFFFD800  }
0x1c7: {  	[spmem:s2] =	stream.indirect.scatter.add.f32 [tilespmem:s16], [sflag:$0x5], $0x80, s26, s12, $0xb8;
	[tilespmem:$0x1FC00] =	vst v63  }
0x1c8: {  	_ =	swait.ge [sflag:s10], $0x2800  }
0x1c9: {  	[sflag:s10] =	ssyncset.done $0x0  }
0x1ca: {  	[sflag:s10] =	ssyncadd.s32 $0xFFFFD800  }
0x1cb: {  	[tilespmem:s16], [sflag:$0x4] =	stream.indirect.gather [hbm4b:s4+s12], $0x80, s28, s12, $0xb8;
	[tilespmem:$0x1FC00] =	vst v63  }
0x1cc: {  	_ =	swait.ge [sflag:s17], $0x2800  }
0x1cd: {  	[sflag:s17] =	ssyncset.done $0x0  }
0x1ce: {  	[sflag:s17] =	ssyncadd.s32 $0xFFFFD800  }
0x1cf: {  	[spmem:s2] =	stream.indirect.scatter.add.f32 [tilespmem:s13], [sflag:$0x5], $0x80, s29, s12, $0xb8;
	[tilespmem:$0x1FC00] =	vst v63  }
0x1d0: {  	_ =	swait.ge [sflag:s10], $0x2800  }
0x1d1: {  	[sflag:s10] =	ssyncset.done $0x0  }
0x1d2: {  	[sflag:s10] =	ssyncadd.s32 $0xFFFFD800  }
0x1d3: {  	[tilespmem:s13], [sflag:$0x1] =	stream.indirect.gather [hbm4b:s4+s12], $0x80, s30, s12, $0xb8;
	[tilespmem:$0x1FC00] =	vst v63  }
0x1d4: {  	_ =	swait.ge [sflag:s18], $0x2800  }
0x1d5: {  	[sflag:s18] =	ssyncset.done $0x0  }
0x1d6: {  	[sflag:s18] =	ssyncadd.s32 $0xFFFFD800  }
0x1d7: {  	[spmem:s2] =	stream.indirect.scatter.add.f32 [tilespmem:s14], [sflag:$0x5], $0x80, s31, s12, $0xb8;
	[tilespmem:$0x1FC00] =	vst v63  }
0x1d8: {  	_ =	swait.ge [sflag:s10], $0x2800  }
0x1d9: {  	[sflag:s10] =	ssyncset.done $0x0  }
0x1da: {  	[sflag:s10] =	ssyncadd.s32 $0xFFFFD800  }
0x1db: {  	_ =	swait.ge [sflag:s19], $0x2800  }
0x1dc: {  	[sflag:s19] =	ssyncset.done $0x0  }
0x1dd: {  	[sflag:s19] =	ssyncadd.s32 $0xFFFFD800  }
0x1de: {  	[spmem:s2] =	stream.indirect.scatter.add.f32 [tilespmem:s15], [sflag:$0x5], $0x80, s1, s12, $0xb8;
	[tilespmem:$0x1FC00] =	vst v63  }
0x1df: {  	_ =	swait.ge [sflag:s10], $0x2800  }
0x1e0: {  	[sflag:s10] =	ssyncset.done $0x0  }
0x1e1: {  	[sflag:s10] =	ssyncadd.s32 $0xFFFFD800  }
0x1e2: {  	_ =	swait.ge [sflag:s20], $0x2800  }
0x1e3: {  	[sflag:s20] =	ssyncset.done $0x0  }
0x1e4: {  	[sflag:s20] =	ssyncadd.s32 $0xFFFFD800  }
0x1e5: {  	[spmem:s2] =	stream.indirect.scatter.add.f32 [tilespmem:s16], [sflag:$0x5], $0x80, s0, s12, $0xb8;
	[tilespmem:$0x1FC00] =	vst v63  }
0x1e6: {  	_ =	swait.ge [sflag:s10], $0x2800  }
0x1e7: {  	[sflag:s10] =	ssyncset.done $0x0  }
0x1e8: {  	[sflag:s10] =	ssyncadd.s32 $0xFFFFD800  }
0x1e9: {  	p0 =	sne.s32 s6, $0x800;
	_ =	swait.ge [sflag:s17], $0x2800  }
.Ltmp0:
0x1ea: {  	[sflag:s17] =	ssyncset.done $0x0;
	(pc) =	sbr.rel @p0 .LBB2_2-.Ltmp0, $4  }
0x1eb: {  	[sflag:s17] =	ssyncadd.s32 $0xFFFFD800  }
0x1ec: {  	[spmem:s2] =	stream.indirect.scatter.add.f32 [tilespmem:s13], [sflag:$0x5], $0x80, s5, s12, $0xb8;
	[tilespmem:$0x1FC00] =	vst v63  }
0x1ed: {  	_ =	swait.ge [sflag:s10], $0x2800  }
0x1ee: {  	s6 =	sadd.s32 $0x200, s6;
	s9 =	rddreg [dreg:$0x4];
	[sflag:s10] =	ssyncset.done $0x0  }
0x1ef: {  	[sflag:s10] =	ssyncadd.s32 $0xFFFFD800;
	s6 =	sadd.s32 s8, s9  }
0x1f0: {  	[tilespmem:s3], [sflag:$0x5] =	stream.linear.gather [hbm4b:s6+s3], $0xC80, $0x38;
	[tilespmem:$0x1FC00] =	vst v63  }
0x1f1: {  	_ =	swait.ge [sflag:s10], $0xC80  }
0x1f2: {  	s7 =	rddreg [dreg:$0x3];
	[sflag:s10] =	ssyncset.done $0x0  }
0x1f3: {  	[sflag:s10] =	ssyncadd.s32 $0xFFFFF380;
	s6 =	sadd.s32 s8, s7  }
0x1f4: {  	[tilespmem:s11], [sflag:$0x5] =	stream.linear.gather [hbm4b:s6+s3], $0xC80, $0x38;
	[tilespmem:$0x1FC00] =	vst v63  }
0x1f5: {  	_ =	swait.ge [sflag:s10], $0xC80  }
0x1f6: {  	[sflag:s10] =	ssyncset.done $0x0  }
0x1f7: {  	[sflag:s10] =	ssyncadd.s32 $0xFFFFF380  }
0x1f8: {  	[tilespmem:s13], [sflag:$0x1] =	stream.indirect.gather [hbm4b:s4+s12], $0x80, s3, s12, $0xb8;
	[tilespmem:$0x1FC00] =	vst v63  }
0x1f9: {  	s8 =	rddreg [dreg:$0x5]  }
0x1fa: {  	[tilespmem:s14], [sflag:$0x2] =	stream.indirect.gather [hbm4b:s4+s12], $0x80, s8, s12, $0xb8;
	[tilespmem:$0x1FC00] =	vst v63  }
0x1fb: {  	s7 =	rddreg [dreg:$0x6]  }
0x1fc: {  	[tilespmem:s15], [sflag:$0x3] =	stream.indirect.gather [hbm4b:s4+s12], $0x80, s7, s12, $0xb8;
	[tilespmem:$0x1FC00] =	vst v63  }
0x1fd: {  	s9 =	rddreg [dreg:$0x7]  }
0x1fe: {  	[tilespmem:s16], [sflag:$0x4] =	stream.indirect.gather [hbm4b:s4+s12], $0x80, s9, s12, $0xb8;
	[tilespmem:$0x1FC00] =	vst v63  }
0x1ff: {  	_ =	swait.ge [sflag:s17], $0x2800  }
0x200: {  	[sflag:s17] =	ssyncset.done $0x0  }
0x201: {  	[sflag:s17] =	ssyncadd.s32 $0xFFFFD800  }
0x202: {  	[spmem:s2] =	stream.indirect.scatter.add.f32 [tilespmem:s13], [sflag:$0x5], $0x80, s11, s12, $0xb8;
	[tilespmem:$0x1FC00] =	vst v63  }
0x203: {  	_ =	swait.ge [sflag:s10], $0x2800  }
0x204: {  	[sflag:s10] =	ssyncset.done $0x0  }
0x205: {  	s7 =	rddreg [dreg:$0x8];
	[sflag:s10] =	ssyncadd.s32 $0xFFFFD800  }
0x206: {  	[tilespmem:s13], [sflag:$0x1] =	stream.indirect.gather [hbm4b:s4+s12], $0x80, s7, s12, $0xb8;
	[tilespmem:$0x1FC00] =	vst v63  }
0x207: {  	_ =	swait.ge [sflag:s18], $0x2800  }
0x208: {  	[sflag:s18] =	ssyncset.done $0x0  }
0x209: {  	s8 =	rddreg [dreg:$0x9];
	[sflag:s18] =	ssyncadd.s32 $0xFFFFD800  }
0x20a: {  	[spmem:s2] =	stream.indirect.scatter.add.f32 [tilespmem:s14], [sflag:$0x5], $0x80, s8, s12, $0xb8;
	[tilespmem:$0x1FC00] =	vst v63  }
0x20b: {  	_ =	swait.ge [sflag:s10], $0x2800  }
0x20c: {  	[sflag:s10] =	ssyncset.done $0x0  }
0x20d: {  	s9 =	rddreg [dreg:$0xa];
	[sflag:s10] =	ssyncadd.s32 $0xFFFFD800  }
0x20e: {  	[tilespmem:s14], [sflag:$0x2] =	stream.indirect.gather [hbm4b:s4+s12], $0x80, s9, s12, $0xb8;
	[tilespmem:$0x1FC00] =	vst v63  }
0x20f: {  	_ =	swait.ge [sflag:s19], $0x2800  }
0x210: {  	[sflag:s19] =	ssyncset.done $0x0  }
0x211: {  	s7 =	rddreg [dreg:$0xb];
	[sflag:s19] =	ssyncadd.s32 $0xFFFFD800  }
0x212: {  	[spmem:s2] =	stream.indirect.scatter.add.f32 [tilespmem:s15], [sflag:$0x5], $0x80, s7, s12, $0xb8;
	[tilespmem:$0x1FC00] =	vst v63  }
0x213: {  	_ =	swait.ge [sflag:s10], $0x2800  }
0x214: {  	[sflag:s10] =	ssyncset.done $0x0  }
0x215: {  	s8 =	rddreg [dreg:$0xc];
	[sflag:s10] =	ssyncadd.s32 $0xFFFFD800  }
0x216: {  	[tilespmem:s15], [sflag:$0x3] =	stream.indirect.gather [hbm4b:s4+s12], $0x80, s8, s12, $0xb8;
	[tilespmem:$0x1FC00] =	vst v63  }
0x217: {  	_ =	swait.ge [sflag:s20], $0x2800  }
0x218: {  	[sflag:s20] =	ssyncset.done $0x0  }
0x219: {  	s9 =	rddreg [dreg:$0xd];
	[sflag:s20] =	ssyncadd.s32 $0xFFFFD800  }
0x21a: {  	[spmem:s2] =	stream.indirect.scatter.add.f32 [tilespmem:s16], [sflag:$0x5], $0x80, s9, s12, $0xb8;
	[tilespmem:$0x1FC00] =	vst v63  }
0x21b: {  	_ =	swait.ge [sflag:s10], $0x2800  }
0x21c: {  	[sflag:s10] =	ssyncset.done $0x0  }
0x21d: {  	s7 =	rddreg [dreg:$0xe];
	[sflag:s10] =	ssyncadd.s32 $0xFFFFD800  }
0x21e: {  	[tilespmem:s16], [sflag:$0x4] =	stream.indirect.gather [hbm4b:s4+s12], $0x80, s7, s12, $0xb8;
	[tilespmem:$0x1FC00] =	vst v63  }
0x21f: {  	_ =	swait.ge [sflag:s17], $0x2800  }
0x220: {  	[sflag:s17] =	ssyncset.done $0x0  }
0x221: {  	s8 =	rddreg [dreg:$0xf];
	[sflag:s17] =	ssyncadd.s32 $0xFFFFD800  }
0x222: {  	[spmem:s2] =	stream.indirect.scatter.add.f32 [tilespmem:s13], [sflag:$0x5], $0x80, s8, s12, $0xb8;
	[tilespmem:$0x1FC00] =	vst v63  }
0x223: {  	_ =	swait.ge [sflag:s10], $0x2800  }
0x224: {  	[sflag:s10] =	ssyncset.done $0x0  }
0x225: {  	s9 =	rddreg [dreg:$0x10];
	[sflag:s10] =	ssyncadd.s32 $0xFFFFD800  }
0x226: {  	[tilespmem:s13], [sflag:$0x1] =	stream.indirect.gather [hbm4b:s4+s12], $0x80, s9, s12, $0xb8;
	[tilespmem:$0x1FC00] =	vst v63  }
0x227: {  	_ =	swait.ge [sflag:s18], $0x2800  }
0x228: {  	[sflag:s18] =	ssyncset.done $0x0  }
0x229: {  	s7 =	rddreg [dreg:$0x11];
	[sflag:s18] =	ssyncadd.s32 $0xFFFFD800  }
0x22a: {  	[spmem:s2] =	stream.indirect.scatter.add.f32 [tilespmem:s14], [sflag:$0x5], $0x80, s7, s12, $0xb8;
	[tilespmem:$0x1FC00] =	vst v63  }
0x22b: {  	_ =	swait.ge [sflag:s10], $0x2800  }
0x22c: {  	[sflag:s10] =	ssyncset.done $0x0  }
0x22d: {  	s8 =	rddreg [dreg:$0x12];
	[sflag:s10] =	ssyncadd.s32 $0xFFFFD800  }
0x22e: {  	[tilespmem:s14], [sflag:$0x2] =	stream.indirect.gather [hbm4b:s4+s12], $0x80, s8, s12, $0xb8;
	[tilespmem:$0x1FC00] =	vst v63  }
0x22f: {  	_ =	swait.ge [sflag:s19], $0x2800  }
0x230: {  	[sflag:s19] =	ssyncset.done $0x0  }
0x231: {  	s9 =	rddreg [dreg:$0x13];
	[sflag:s19] =	ssyncadd.s32 $0xFFFFD800  }
0x232: {  	[spmem:s2] =	stream.indirect.scatter.add.f32 [tilespmem:s15], [sflag:$0x5], $0x80, s9, s12, $0xb8;
	[tilespmem:$0x1FC00] =	vst v63  }
0x233: {  	_ =	swait.ge [sflag:s10], $0x2800  }
0x234: {  	[sflag:s10] =	ssyncset.done $0x0  }
0x235: {  	s7 =	rddreg [dreg:$0x14];
	[sflag:s10] =	ssyncadd.s32 $0xFFFFD800  }
0x236: {  	[tilespmem:s15], [sflag:$0x3] =	stream.indirect.gather [hbm4b:s4+s12], $0x80, s7, s12, $0xb8;
	[tilespmem:$0x1FC00] =	vst v63  }
0x237: {  	_ =	swait.ge [sflag:s20], $0x2800  }
0x238: {  	[sflag:s20] =	ssyncset.done $0x0  }
0x239: {  	s8 =	rddreg [dreg:$0x15];
	[sflag:s20] =	ssyncadd.s32 $0xFFFFD800  }
0x23a: {  	[spmem:s2] =	stream.indirect.scatter.add.f32 [tilespmem:s16], [sflag:$0x5], $0x80, s8, s12, $0xb8;
	[tilespmem:$0x1FC00] =	vst v63  }
0x23b: {  	_ =	swait.ge [sflag:s10], $0x2800  }
0x23c: {  	[sflag:s10] =	ssyncset.done $0x0  }
0x23d: {  	s9 =	rddreg [dreg:$0x16];
	[sflag:s10] =	ssyncadd.s32 $0xFFFFD800  }
0x23e: {  	[tilespmem:s16], [sflag:$0x4] =	stream.indirect.gather [hbm4b:s4+s12], $0x80, s9, s12, $0xb8;
	[tilespmem:$0x1FC00] =	vst v63  }
0x23f: {  	_ =	swait.ge [sflag:s17], $0x2800  }
0x240: {  	[sflag:s17] =	ssyncset.done $0x0  }
0x241: {  	s7 =	rddreg [dreg:$0x17];
	[sflag:s17] =	ssyncadd.s32 $0xFFFFD800  }
0x242: {  	[spmem:s2] =	stream.indirect.scatter.add.f32 [tilespmem:s13], [sflag:$0x5], $0x80, s7, s12, $0xb8;
	[tilespmem:$0x1FC00] =	vst v63  }
0x243: {  	_ =	swait.ge [sflag:s10], $0x2800  }
0x244: {  	[sflag:s10] =	ssyncset.done $0x0  }
0x245: {  	s8 =	rddreg [dreg:$0x18];
	[sflag:s10] =	ssyncadd.s32 $0xFFFFD800  }
0x246: {  	[tilespmem:s13], [sflag:$0x1] =	stream.indirect.gather [hbm4b:s4+s12], $0x80, s8, s12, $0xb8;
	[tilespmem:$0x1FC00] =	vst v63  }
0x247: {  	_ =	swait.ge [sflag:s18], $0x2800  }
0x248: {  	[sflag:s18] =	ssyncset.done $0x0  }
0x249: {  	s9 =	rddreg [dreg:$0x19];
	[sflag:s18] =	ssyncadd.s32 $0xFFFFD800  }
0x24a: {  	[spmem:s2] =	stream.indirect.scatter.add.f32 [tilespmem:s14], [sflag:$0x5], $0x80, s9, s12, $0xb8;
	[tilespmem:$0x1FC00] =	vst v63  }
0x24b: {  	_ =	swait.ge [sflag:s10], $0x2800  }
0x24c: {  	[sflag:s10] =	ssyncset.done $0x0  }
0x24d: {  	s7 =	rddreg [dreg:$0x1a];
	[sflag:s10] =	ssyncadd.s32 $0xFFFFD800  }
0x24e: {  	[tilespmem:s14], [sflag:$0x2] =	stream.indirect.gather [hbm4b:s4+s12], $0x80, s7, s12, $0xb8;
	[tilespmem:$0x1FC00] =	vst v63  }
0x24f: {  	_ =	swait.ge [sflag:s19], $0x2800  }
0x250: {  	[sflag:s19] =	ssyncset.done $0x0  }
0x251: {  	s8 =	rddreg [dreg:$0x1b];
	[sflag:s19] =	ssyncadd.s32 $0xFFFFD800  }
0x252: {  	[spmem:s2] =	stream.indirect.scatter.add.f32 [tilespmem:s15], [sflag:$0x5], $0x80, s8, s12, $0xb8;
	[tilespmem:$0x1FC00] =	vst v63  }
0x253: {  	_ =	swait.ge [sflag:s10], $0x2800  }
0x254: {  	[sflag:s10] =	ssyncset.done $0x0  }
0x255: {  	s9 =	rddreg [dreg:$0x1c];
	[sflag:s10] =	ssyncadd.s32 $0xFFFFD800  }
0x256: {  	[tilespmem:s15], [sflag:$0x3] =	stream.indirect.gather [hbm4b:s4+s12], $0x80, s9, s12, $0xb8;
	[tilespmem:$0x1FC00] =	vst v63  }
0x257: {  	_ =	swait.ge [sflag:s20], $0x2800  }
0x258: {  	[sflag:s20] =	ssyncset.done $0x0  }
0x259: {  	s7 =	rddreg [dreg:$0x1d];
	[sflag:s20] =	ssyncadd.s32 $0xFFFFD800  }
0x25a: {  	[spmem:s2] =	stream.indirect.scatter.add.f32 [tilespmem:s16], [sflag:$0x5], $0x80, s7, s12, $0xb8;
	[tilespmem:$0x1FC00] =	vst v63  }
0x25b: {  	_ =	swait.ge [sflag:s10], $0x2800  }
0x25c: {  	[sflag:s10] =	ssyncset.done $0x0  }
0x25d: {  	s8 =	rddreg [dreg:$0x1e];
	[sflag:s10] =	ssyncadd.s32 $0xFFFFD800  }
0x25e: {  	[tilespmem:s16], [sflag:$0x4] =	stream.indirect.gather [hbm4b:s4+s12], $0x80, s8, s12, $0xb8;
	[tilespmem:$0x1FC00] =	vst v63  }
0x25f: {  	_ =	swait.ge [sflag:s17], $0x2800  }
0x260: {  	[sflag:s17] =	ssyncset.done $0x0  }
0x261: {  	s9 =	rddreg [dreg:$0x1f];
	[sflag:s17] =	ssyncadd.s32 $0xFFFFD800  }
0x262: {  	[spmem:s2] =	stream.indirect.scatter.add.f32 [tilespmem:s13], [sflag:$0x5], $0x80, s9, s12, $0xb8;
	[tilespmem:$0x1FC00] =	vst v63  }
0x263: {  	_ =	swait.ge [sflag:s10], $0x2800  }
0x264: {  	s7 =	sld [smem:$0x7F4]  }
0x265: {  	[sflag:s10] =	ssyncset.done $0x0  }
0x266: {  	[sflag:s10] =	ssyncadd.s32 $0xFFFFD800  }
0x267: {  	[tilespmem:s13], [sflag:$0x1] =	stream.indirect.gather [hbm4b:s4+s12], $0x80, s7, s12, $0xb8;
	[tilespmem:$0x1FC00] =	vst v63  }
0x268: {  	_ =	swait.ge [sflag:s18], $0x2800  }
0x269: {  	s8 =	sld [smem:$0x7F5]  }
0x26a: {  	[sflag:s18] =	ssyncset.done $0x0  }
0x26b: {  	[sflag:s18] =	ssyncadd.s32 $0xFFFFD800  }
0x26c: {  	[spmem:s2] =	stream.indirect.scatter.add.f32 [tilespmem:s14], [sflag:$0x5], $0x80, s8, s12, $0xb8;
	[tilespmem:$0x1FC00] =	vst v63  }
0x26d: {  	_ =	swait.ge [sflag:s10], $0x2800  }
0x26e: {  	s9 =	sld [smem:$0x7F6]  }
0x26f: {  	[sflag:s10] =	ssyncset.done $0x0  }
0x270: {  	[sflag:s10] =	ssyncadd.s32 $0xFFFFD800  }
0x271: {  	[tilespmem:s14], [sflag:$0x2] =	stream.indirect.gather [hbm4b:s4+s12], $0x80, s9, s12, $0xb8;
	[tilespmem:$0x1FC00] =	vst v63  }
0x272: {  	_ =	swait.ge [sflag:s19], $0x2800  }
0x273: {  	s7 =	sld [smem:$0x7F7]  }
0x274: {  	[sflag:s19] =	ssyncset.done $0x0  }
0x275: {  	[sflag:s19] =	ssyncadd.s32 $0xFFFFD800  }
0x276: {  	[spmem:s2] =	stream.indirect.scatter.add.f32 [tilespmem:s15], [sflag:$0x5], $0x80, s7, s12, $0xb8;
	[tilespmem:$0x1FC00] =	vst v63  }
0x277: {  	_ =	swait.ge [sflag:s10], $0x2800  }
0x278: {  	s8 =	sld [smem:$0x7F8]  }
0x279: {  	[sflag:s10] =	ssyncset.done $0x0  }
0x27a: {  	[sflag:s10] =	ssyncadd.s32 $0xFFFFD800  }
0x27b: {  	[tilespmem:s15], [sflag:$0x3] =	stream.indirect.gather [hbm4b:s4+s12], $0x80, s8, s12, $0xb8;
	[tilespmem:$0x1FC00] =	vst v63  }
0x27c: {  	_ =	swait.ge [sflag:s20], $0x2800  }
0x27d: {  	s9 =	sld [smem:$0x7F9]  }
0x27e: {  	[sflag:s20] =	ssyncset.done $0x0  }
0x27f: {  	[sflag:s20] =	ssyncadd.s32 $0xFFFFD800  }
0x280: {  	[spmem:s2] =	stream.indirect.scatter.add.f32 [tilespmem:s16], [sflag:$0x5], $0x80, s9, s12, $0xb8;
	[tilespmem:$0x1FC00] =	vst v63  }
0x281: {  	_ =	swait.ge [sflag:s10], $0x2800  }
0x282: {  	s7 =	sld [smem:$0x7FA]  }
0x283: {  	[sflag:s10] =	ssyncset.done $0x0  }
0x284: {  	[sflag:s10] =	ssyncadd.s32 $0xFFFFD800  }
0x285: {  	[tilespmem:s16], [sflag:$0x4] =	stream.indirect.gather [hbm4b:s4+s12], $0x80, s7, s12, $0xb8;
	[tilespmem:$0x1FC00] =	vst v63  }
0x286: {  	_ =	swait.ge [sflag:s17], $0x2800  }
0x287: {  	s8 =	sld [smem:$0x7FB]  }
0x288: {  	[sflag:s17] =	ssyncset.done $0x0  }
0x289: {  	[sflag:s17] =	ssyncadd.s32 $0xFFFFD800  }
0x28a: {  	[spmem:s2] =	stream.indirect.scatter.add.f32 [tilespmem:s13], [sflag:$0x5], $0x80, s8, s12, $0xb8;
	[tilespmem:$0x1FC00] =	vst v63  }
0x28b: {  	_ =	swait.ge [sflag:s10], $0x2800  }
0x28c: {  	[sflag:s10] =	ssyncset.done $0x0  }
0x28d: {  	[sflag:s10] =	ssyncadd.s32 $0xFFFFD800  }
0x28e: {  	[tilespmem:s13], [sflag:$0x1] =	stream.indirect.gather [hbm4b:s4+s12], $0x80, s21, s12, $0xb8;
	[tilespmem:$0x1FC00] =	vst v63  }
0x28f: {  	_ =	swait.ge [sflag:s18], $0x2800  }
0x290: {  	[sflag:s18] =	ssyncset.done $0x0  }
0x291: {  	[sflag:s18] =	ssyncadd.s32 $0xFFFFD800  }
0x292: {  	[spmem:s2] =	stream.indirect.scatter.add.f32 [tilespmem:s14], [sflag:$0x5], $0x80, s22, s12, $0xb8;
	[tilespmem:$0x1FC00] =	vst v63  }
0x293: {  	_ =	swait.ge [sflag:s10], $0x2800  }
0x294: {  	[sflag:s10] =	ssyncset.done $0x0  }
0x295: {  	[sflag:s10] =	ssyncadd.s32 $0xFFFFD800  }
0x296: {  	[tilespmem:s14], [sflag:$0x2] =	stream.indirect.gather [hbm4b:s4+s12], $0x80, s23, s12, $0xb8;
	[tilespmem:$0x1FC00] =	vst v63  }
0x297: {  	_ =	swait.ge [sflag:s19], $0x2800  }
0x298: {  	[sflag:s19] =	ssyncset.done $0x0  }
0x299: {  	[sflag:s19] =	ssyncadd.s32 $0xFFFFD800  }
0x29a: {  	[spmem:s2] =	stream.indirect.scatter.add.f32 [tilespmem:s15], [sflag:$0x5], $0x80, s24, s12, $0xb8;
	[tilespmem:$0x1FC00] =	vst v63  }
0x29b: {  	_ =	swait.ge [sflag:s10], $0x2800  }
0x29c: {  	[sflag:s10] =	ssyncset.done $0x0  }
0x29d: {  	[sflag:s10] =	ssyncadd.s32 $0xFFFFD800  }
0x29e: {  	[tilespmem:s15], [sflag:$0x3] =	stream.indirect.gather [hbm4b:s4+s12], $0x80, s25, s12, $0xb8;
	[tilespmem:$0x1FC00] =	vst v63  }
0x29f: {  	_ =	swait.ge [sflag:s20], $0x2800  }
0x2a0: {  	[sflag:s20] =	ssyncset.done $0x0  }
0x2a1: {  	[sflag:s20] =	ssyncadd.s32 $0xFFFFD800  }
0x2a2: {  	[spmem:s2] =	stream.indirect.scatter.add.f32 [tilespmem:s16], [sflag:$0x5], $0x80, s26, s12, $0xb8;
	[tilespmem:$0x1FC00] =	vst v63  }
0x2a3: {  	_ =	swait.ge [sflag:s10], $0x2800  }
0x2a4: {  	[sflag:s10] =	ssyncset.done $0x0  }
0x2a5: {  	[sflag:s10] =	ssyncadd.s32 $0xFFFFD800  }
0x2a6: {  	[tilespmem:s16], [sflag:$0x4] =	stream.indirect.gather [hbm4b:s4+s12], $0x80, s28, s12, $0xb8;
	[tilespmem:$0x1FC00] =	vst v63  }
0x2a7: {  	_ =	swait.ge [sflag:s17], $0x2800  }
0x2a8: {  	[sflag:s17] =	ssyncset.done $0x0  }
0x2a9: {  	[sflag:s17] =	ssyncadd.s32 $0xFFFFD800  }
0x2aa: {  	[spmem:s2] =	stream.indirect.scatter.add.f32 [tilespmem:s13], [sflag:$0x5], $0x80, s29, s12, $0xb8;
	[tilespmem:$0x1FC00] =	vst v63  }
0x2ab: {  	_ =	swait.ge [sflag:s10], $0x2800  }
0x2ac: {  	[sflag:s10] =	ssyncset.done $0x0  }
0x2ad: {  	[sflag:s10] =	ssyncadd.s32 $0xFFFFD800  }
0x2ae: {  	[tilespmem:s13], [sflag:$0x1] =	stream.indirect.gather [hbm4b:s4+s12], $0x80, s30, s12, $0xb8;
	[tilespmem:$0x1FC00] =	vst v63  }
0x2af: {  	_ =	swait.ge [sflag:s18], $0x2800  }
0x2b0: {  	[sflag:s18] =	ssyncset.done $0x0  }
0x2b1: {  	[sflag:s18] =	ssyncadd.s32 $0xFFFFD800  }
0x2b2: {  	[spmem:s2] =	stream.indirect.scatter.add.f32 [tilespmem:s14], [sflag:$0x5], $0x80, s31, s12, $0xb8;
	[tilespmem:$0x1FC00] =	vst v63  }
0x2b3: {  	_ =	swait.ge [sflag:s10], $0x2800  }
0x2b4: {  	[sflag:s10] =	ssyncset.done $0x0  }
0x2b5: {  	[sflag:s10] =	ssyncadd.s32 $0xFFFFD800  }
0x2b6: {  	_ =	swait.ge [sflag:s19], $0x2800  }
0x2b7: {  	[sflag:s19] =	ssyncset.done $0x0  }
0x2b8: {  	[sflag:s19] =	ssyncadd.s32 $0xFFFFD800  }
0x2b9: {  	[spmem:s2] =	stream.indirect.scatter.add.f32 [tilespmem:s15], [sflag:$0x5], $0x80, s1, s12, $0xb8;
	[tilespmem:$0x1FC00] =	vst v63  }
0x2ba: {  	_ =	swait.ge [sflag:s10], $0x2800  }
0x2bb: {  	[sflag:s10] =	ssyncset.done $0x0  }
0x2bc: {  	[sflag:s10] =	ssyncadd.s32 $0xFFFFD800  }
0x2bd: {  	_ =	swait.ge [sflag:s20], $0x2800  }
0x2be: {  	[sflag:s20] =	ssyncset.done $0x0  }
0x2bf: {  	[sflag:s20] =	ssyncadd.s32 $0xFFFFD800  }
0x2c0: {  	[spmem:s2] =	stream.indirect.scatter.add.f32 [tilespmem:s16], [sflag:$0x5], $0x80, s0, s12, $0xb8;
	[tilespmem:$0x1FC00] =	vst v63  }
0x2c1: {  	_ =	swait.ge [sflag:s10], $0x2800  }
0x2c2: {  	[sflag:s10] =	ssyncset.done $0x0  }
0x2c3: {  	[sflag:s10] =	ssyncadd.s32 $0xFFFFD800  }
0x2c4: {  	_ =	swait.ge [sflag:s17], $0x2800  }
0x2c5: {  	[sflag:s17] =	ssyncset.done $0x0  }
0x2c6: {  	[sflag:s17] =	ssyncadd.s32 $0xFFFFD800  }
0x2c7: {  	[spmem:s2] =	stream.indirect.scatter.add.f32 [tilespmem:s13], [sflag:$0x5], $0x80, s5, s12, $0xb8;
	[tilespmem:$0x1FC00] =	vst v63  }
0x2c8: {  	_ =	swait.ge [sflag:s10], $0x2800  }
0x2c9: {  	[sflag:s10] =	ssyncset.done $0x0  }
0x2ca: {  	[sflag:s10] =	ssyncadd.s32 $0xFFFFD800  }
0x2cb: {  	[bflag:$0x0] =	sbarrier.arrive $0xFFFF  }
0x2cc: {  	s7 =	sld [smem:$0x7FC]  }
0x2cd: {  	s9 =	sld [smem:$0x7F2]  }
0x2ce: {  	s8 =	sld [smem:$0x7FD];
	_ =	sdelay $0x2  }
0x2cf: {  	[hbm:s9], [sflag:s7] =	dma.local [spmem:s8], $0x2780  }
0x2d0: {  	_ =	swait.ge [sflag:s10], $0x2780  }
0x2d1: {  	s6 =	sld [smem:$0x7F0];
	_ =	sdelay $0x2  }
0x2d2: {  	s9 =	sadd.s32 $0x1, s6;
	s6 =	sld [smem:$0x7F3];
	_ =	sdelay $0x2  }
0x2d3: {  	p0 =	sne.s32 s9, s6  }
.Ltmp1:
0x2d4: {  	_ = 	snop;
	(pc) =	sbr.rel @p0 .LBB2_1-.Ltmp1, $3  }
0x2d5: {  	_ =	sdelay $0x1  }
0x2d6: {  	[sflag:s10] =	ssyncset.done $0x0  }
0x2d7: {  	[sflag:s10] =	ssyncadd.s32 $0xFFFFD880  }
0x2d8: {  	_ =	sfence.sel $0x180000  }
0x2d9: {  	[bflag:$0x0] =	sbarrier.arrive $0xFFFF  }
0x2da: {  	_ =	strace $0x9000004D  }
0x2db: {  	s0 =	stileid.u32;
	[bflag:$0x2] =	sbarrier.arrive $0xFFFF  }
0x2dc: {  	p0 =	sne.s32 s0, $0x0;
	s0 =	rddreg [dreg:$0x2]  }
0x2dd: {  	s0 =	sadd.s32 @!p0 $0x100000, s0  }
0x2de: {  	[sflag:s0] =	ssyncadd.tile.s32 @!p0 $0x1;
	_ =	shalt  }
.Lfunc_end2:
_tile_overlayer_lowered:
.L_overlay_start_2:
0x2df: {  	(tag) =	ssettag $0x2  }
0x2e0: {  	s0 =	rddreg [dreg:$0x0];
	s2 =	stileid.u32  }
0x2e1: {  	s1 =	rddreg [dreg:$0x1];
	p0 =	sne.s32 s2, $0x0  }
0x2e2: {  	s3 =	rddreg [dreg:$0x2];
	[bflag:$0x3] =	sbarrier.arrive $0xFFFF;
	s2 =	simm.s32 @!p0 $0x1C05  }
0x2e3: {  	[timem:s3], [sflag:s2] =	dma.local @!p0 [hbm:s0], s1  }
0x2e4: {  	s0 =	simm.s32 @!p0 $0x5  }
0x2e5: {  	_ =	swait.ge @!p0 [sflag:s0], s1  }
0x2e6: {  	s1 =	ssub.s32 @!p0 $0x0, s1;
	[sflag:s0] =	ssyncset.done @!p0 $0x0  }
0x2e7: {  	[sflag:s0] =	ssyncadd.s32 @!p0 s1  }
0x2e8: {  	[bflag:$0x3] =	sbarrier.arrive $0xFFFF  }
0x2e9: {  	_ =	shalt  }

// kernel: kernel.19.cloned.1.call-start
scs
__scs_entry_jumppad:
0x0: {  	(pc) =	sbr.rel $0x88, $3  }
0x1: {  	(tag) =	ssettag $0x0;
	lr =	simm.s32 $0x1  }
0x2: {  	[smem:$0x3F97] =	sst lr;
	_ =	strace $0xD0000000  }
0x3: {  	_ = 	snop  }
0x4: {  	_ = 	snop  }
0x5: {  	_ = 	snop  }
0x6: {  	_ = 	snop  }
0x7: {  	_ = 	snop  }
__scs_overlays_trampoline_lowered:
0x8: {  	[smem:$0x3FA6] =	sst s0  }
0x9: {  	[smem:$0x3FA7] =	sst s1  }
0xa: {  	[smem:$0x3FA8] =	sst s2  }
0xb: {  	[smem:$0x3FA9] =	sst s3  }
0xc: {  	[smem:$0x3FAA] =	sst s4  }
0xd: {  	[smem:$0x3FAB] =	sst s5  }
0xe: {  	[smem:$0x3FAC] =	sst s6  }
0xf: {  	[smem:$0x3FAD] =	sst s7  }
0x10: {  	[smem:$0x3FAE] =	sst s8  }
0x11: {  	[smem:$0x3FAF] =	sst s9;
	s0 =	simm.s32 @!p0 $0x0  }
0x12: {  	s1 =	sld [smem:$0x3F95];
	s0 =	simm.s32 @p0 $0x1  }
0x13: {  	[smem:$0x3FB0] =	sst s0;
	s0 =	simm.s32 @!p1 $0x0  }
0x14: {  	s2 =	sld [smem:$0x3F94];
	s0 =	simm.s32 @p1 $0x1  }
0x15: {  	[smem:$0x3FB1] =	sst s0;
	s0 =	simm.s32 @!p2 $0x0  }
0x16: {  	s3 =	sld [smem:$0x3FDB];
	s0 =	simm.s32 @p2 $0x1  }
0x17: {  	s4 =	simm.s32 $0x1BF5;
	[smem:$0x3FB3] =	sst s0  }
0x18: {  	s0 =	sld [smem:$0x3F96];
	_ =	swait.ge [sflag:s4], $0x0  }
0x19: {  	s7 =	sld [smem:$0x3F97]  }
0x1a: {  	s8 =	sadd.s32 $0xFFFFE003, lr  }
0x1b: {  	s9 =	sadd.s32 $0xFFFFFEF7, lr;
	s5 =	simm.s32 $0xFFFFFFFF;
	p2 =	slt.u32 s8, $0xFFFFF086  }
0x1c: {  	p1 =	slt.u32 s9, $0xF7A;
	s5 =	simm.s32 @!p2 $0x0  }
0x1d: {  	s5 =	simm.s32 @p1 $0x1;
	p0 =	seq.s32 s7, s2  }
0x1e: {  	s7 =	smul.u32 @!p0 $0xF7A, s2;
	p2 =	seq.s32 @!p0 s5, $0x0  }
0x1f: {  	s9 =	smul.u32 $0xF7A, s1;
	s8 =	simm.s32 @!p0 $0x1BF5;
	p2 =	por !p2, p0  }
0x20: {  	[sflag:s8] =	ssyncset.s32 @!p0 $0xFFFFF086;
	s6 =	sadd.s32 @!p0 s3, s7;
	s7 =	simm.s32 @!p0 $0x108  }
0x21: {  	s3 =	sadd.s32 s3, s9;
	s6 =	sadd.s32 @!p0 $0x88, s6;
	s7 =	simm.s32 @p2 $0x1082  }
0x22: {  	[simem:s7], [sflag:s8] =	dma.local @!p0 [hbm:s6], $0xF7A  }
0x23: {  	s9 =	sor.u32 $0xD0000000, s2;
	s6 =	simm.s32 $0x108;
	_ =	swait.ge @!p0 [sflag:s8], $0x0  }
0x24: {  	s3 =	sadd.s32 $0x88, s3;
	s6 =	simm.s32 @!p1 $0x1082;
	[sflag:s4] =	ssyncset.s32 $0xFFFFF086  }
0x25: {  	[simem:s6], [sflag:s4] =	dma.local [hbm:s3], $0xF7A  }
0x26: {  	[smem:$0x3F97] =	sst s1;
	(tag) =	ssettag s2;
	_ =	strace s9  }
0x27: {  	s1 =	sld [smem:$0x3FA7]  }
0x28: {  	s2 =	sld [smem:$0x3FA8]  }
0x29: {  	s4 =	sld [smem:$0x3FAA]  }
0x2a: {  	p0 =	seq.s32 s5, $0x0;
	s5 =	sld [smem:$0x3FAB]  }
0x2b: {  	s6 =	sld [smem:$0x3FAC]  }
0x2c: {  	s7 =	sld [smem:$0x3FAD]  }
0x2d: {  	s3 =	simm.s32 $0x108;
	s8 =	sld [smem:$0x3FAE]  }
0x2e: {  	s3 =	simm.s32 @!p0 $0x1082;
	s9 =	sld [smem:$0x3FAF]  }
0x2f: {  	lr =	sadd.s32 s0, s3;
	s0 =	sld [smem:$0x3FA6]  }
0x30: {  	s3 =	sld [smem:$0x3FA9]  }
0x31: {  	[smem:$0x3FB2] =	sst s10  }
0x32: {  	s10 =	sld [smem:$0x3FB0];
	_ =	sdelay $0x3  }
0x33: {  	p0 =	seq.s32 s10, $0x1;
	s10 =	sld [smem:$0x3FB2];
	_ =	sdelay $0x3  }
0x34: {  	[smem:$0x3FB2] =	sst s10  }
0x35: {  	s10 =	sld [smem:$0x3FB1];
	_ =	sdelay $0x3  }
0x36: {  	p1 =	seq.s32 s10, $0x1;
	s10 =	sld [smem:$0x3FB2];
	_ =	sdelay $0x3  }
0x37: {  	[smem:$0x3FB2] =	sst s10  }
0x38: {  	s10 =	sld [smem:$0x3FB3]  }
0x39: {  	_ = 	snop;
	(pc) =	sbr.ind lr, $3  }
0x3a: {  	_ = 	snop  }
0x3b: {  	_ = 	snop  }
0x3c: {  	p2 =	seq.s32 s10, $0x1;
	s10 =	sld [smem:$0x3FB2]  }
0x3d: {  	_ =	shalt  }
0x3e: {  	_ =	shalt  }
0x3f: {  	_ =	shalt  }
0x40: {  	_ =	shalt  }
0x41: {  	_ =	shalt  }
0x42: {  	_ =	shalt  }
0x43: {  	_ =	shalt  }
0x44: {  	_ =	shalt  }
0x45: {  	_ =	shalt  }
0x46: {  	_ =	shalt  }
0x47: {  	_ =	shalt  }
0x48: {  	_ =	shalt  }
0x49: {  	_ =	shalt  }
0x4a: {  	_ =	shalt  }
0x4b: {  	_ =	shalt  }
0x4c: {  	_ =	shalt  }
0x4d: {  	_ =	shalt  }
0x4e: {  	_ =	shalt  }
0x4f: {  	_ =	shalt  }
0x50: {  	_ =	shalt  }
0x51: {  	_ =	shalt  }
0x52: {  	_ =	shalt  }
0x53: {  	_ =	shalt  }
0x54: {  	_ =	shalt  }
0x55: {  	_ =	shalt  }
0x56: {  	_ =	shalt  }
0x57: {  	_ =	shalt  }
0x58: {  	_ =	shalt  }
0x59: {  	_ =	shalt  }
0x5a: {  	_ =	shalt  }
0x5b: {  	_ =	shalt  }
0x5c: {  	_ =	shalt  }
0x5d: {  	_ =	shalt  }
0x5e: {  	_ =	shalt  }
0x5f: {  	_ =	shalt  }
0x60: {  	_ =	shalt  }
0x61: {  	_ =	shalt  }
0x62: {  	_ =	shalt  }
0x63: {  	_ =	shalt  }
0x64: {  	_ =	shalt  }
0x65: {  	_ =	shalt  }
0x66: {  	_ =	shalt  }
0x67: {  	_ =	shalt  }
0x68: {  	_ =	shalt  }
0x69: {  	_ =	shalt  }
0x6a: {  	_ =	shalt  }
0x6b: {  	_ =	shalt  }
0x6c: {  	_ =	shalt  }
0x6d: {  	_ =	shalt  }
0x6e: {  	_ =	shalt  }
0x6f: {  	_ =	shalt  }
0x70: {  	_ =	shalt  }
0x71: {  	_ =	shalt  }
0x72: {  	_ =	shalt  }
0x73: {  	_ =	shalt  }
0x74: {  	_ =	shalt  }
0x75: {  	_ =	shalt  }
0x76: {  	_ =	shalt  }
0x77: {  	_ =	shalt  }
0x78: {  	_ =	shalt  }
0x79: {  	_ =	shalt  }
0x7a: {  	_ =	shalt  }
0x7b: {  	_ =	shalt  }
0x7c: {  	_ =	shalt  }
0x7d: {  	_ =	shalt  }
0x7e: {  	_ =	shalt  }
0x7f: {  	_ =	shalt  }
0x80: {  	_ =	shalt  }
0x81: {  	_ =	shalt  }
0x82: {  	_ =	shalt  }
0x83: {  	_ =	shalt  }
0x84: {  	_ =	shalt  }
0x85: {  	_ =	shalt  }
0x86: {  	_ =	shalt  }
0x87: {  	_ =	shalt  }
.Lfunc_end0:
.L_simem_size_0:
called_computation.3_lowered:
.L_overlay_start_0:
0x88: {  	s2 =	sld [smem:$0x3FD9]  }
0x89: {  	s3 =	sld [smem:$0x3FFE];
	_ =	sdelay $0x1  }
0x8a: {  	s1 =	srdreg.scid  }
0x8b: {  	s0 =	sand.u32 $0x1, s1  }
0x8c: {  	s16 =	sshll.u32 s0, $0xA;
	s2 =	sadd.s32 s3, s2  }
0x8d: {  	s2 =	sadd.s32 s2, s16  }
0x8e: {  	[smem:$0x3FBE] =	sst s2  }
0x8f: {  	_ = 	snop  }
0x90: {  	(tm) =	ssettm $0x1  }
0x91: {  	s17 =	sld [smem:$0x3FFB];
	_ =	sdelay $0x3  }
0x92: {  	_ =	strace s17  }
0x93: {  	s2 =	sld [smem:$0x3FFC];
	_ =	sdelay $0x3  }
0x94: {  	_ =	strace s2  }
0x95: {  	s2 =	sld [smem:$0x3FFD];
	_ =	sdelay $0x3  }
0x96: {  	_ =	strace s2  }
0x97: {  	_ =	strace $0x8FFFFFFF  }
0x98: {  	s18 =	sld [smem:$0x3FDB];
	_ =	sdelay $0x1  }
0x99: {  	s19 =	simm.s32 $_scs_section_size  }
0x9a: {  	s4 =	simm.s32 $_size__tile_overlayer_lowered;
	s5 =	simm.s32 $_tile_overlayer_lowered  }
0x9b: {  	s22 =	simm.s32 $0x1BFF;
	s21 =	sshll.u32 s5, $0x1;
	s2 =	sadd.s32 s19, s18  }
0x9c: {  	s6 =	simm.s32 $0x0;
	s20 =	sshll.u32 s4, $0x1;
	s4 =	sadd.s32 s21, s2  }
0x9d: {  	[timem:s6], [sflag:s22] =	dma.local [hbm:s4], s20  }
0x9e: {  	_ =	swait.ge [sflag:s22], s20  }
0x9f: {  	s3 =	ssub.s32 $0x0, s20;
	[sflag:s22] =	ssyncset.done $0x0  }
0xa0: {  	[sflag:s22] =	ssyncadd.s32 s3;
	_ =	sdelay $0x1  }
0xa1: {  	s23 =	simm.s32 $0x1B8B  }
0xa2: {  	_ =	swait.ge [sflag:s23], $0x1  }
0xa3: {  	[sflag:s23] =	ssyncset.done $0x0  }
0xa4: {  	s25 =	simm.s32 $0x1B8E;
	s24 =	sld [smem:$0x3FFE];
	[sflag:s23] =	ssyncadd.s32 $0xFFFFFFFF  }
0xa5: {  	s26 =	simm.s32 $execute0_lowered;
	[smem:$0x3FD2] =	sst s25  }
0xa6: {  	s4 =	sshll.u32 s26, $0x1;
	_ =	strace $0x8000004F;
	[dreg:$0x1] =	wrdreg $0xFFFFFFFF  }
0xa7: {  	s28 =	simm.s32 $_size_execute0_lowered;
	s2 =	sadd.s32 s2, s4;
	[dreg:$0x0] =	wrdreg $0x0  }
0xa8: {  	s4 =	sshll.u32 s28, $0x1;
	[dreg:$0x2] =	wrdreg s2  }
0xa9: {  	[dreg:$0x3] =	wrdreg s4  }
0xaa: {  	[dreg:$0x4] =	wrdreg $0xC0  }
0xab: {  	_ =	task [dreg:s6], $0x5FFFF  }
0xac: {  	[dreg:$0x1] =	wrdreg $0xFFFFFFFF  }
0xad: {  	[dreg:$0x0] =	wrdreg $0x60  }
0xae: {  	[dreg:$0x2] =	wrdreg s24  }
0xaf: {  	[dreg:$0x3] =	wrdreg $0xC0000  }
0xb0: {  	[dreg:$0x4] =	wrdreg $0x9  }
0xb1: {  	_ =	task.clear_ibuf [dreg:s6], $0x5FFFF;
	_ =	strace $0x9000004F  }
0xb2: {  	s29 =	simm.s32 $0x9;
	_ =	strace $0x80000051  }
0xb3: {  	_ =	swait.ge [sflag:s29], $0x1  }
0xb4: {  	[sflag:s29] =	ssyncadd.s32 $0xFFFFFFFF  }
0xb5: {  	_ =	strace $0x90000051  }
0xb6: {  	_ =	sfence  }
0xb7: {  	s30 =	sld [smem:$0x0];
	_ =	sdelay $0x2  }
0xb8: {  	s31 =	sshll.u32 s1, $0xD;
	s1 =	sshrl.u32 s1, $0x2  }
0xb9: {  	s3 =	sand.u32 $0x4000, s31;
	s1 =	sadd.s32 s1, s30  }
0xba: {  	s0 =	sor.u32 s3, s0;
	s1 =	sshll.u32 s1, $0x11  }
0xbb: {  	s0 =	sor.u32 s1, s0  }
0xbc: {  	s0 =	sadd.s32 $0x8F2B, s0  }
0xbd: {  	[sflag:s0] =	ssyncadd.remote.s32 $0x1  }
0xbe: {  	_ =	sfence.sel $0xFFFF  }
0xbf: {  	[dreg:$0x0] =	wrdreg $0xFFFFFFFF;
	(pc) =	sbr.abs _section_cstart, $3  }
0xc0: {  	[dreg:$0x1] =	wrdreg $0xFFFFFFFF  }
0xc1: {  	_ =	task.clear_ibuf [dreg:s6], $0x2FFFF;
	_ =	strace $0x9FFFFFFF  }
0xc2: {  	(tm) =	ssettm $0x7FFFFFFF  }
0xc3: {  	_ =	shalt  }
tec
execute0_lowered:
.L_overlay_start_1:
0x0: {  	(tag) =	ssettag $0x1  }
0x1: {  	s1 =	rddreg [dreg:$0x0]  }
0x2: {  	s2 =	rddreg [dreg:$0x1];
	s3 =	simm.s32 $0x0  }
0x3: {  	s6 =	simm.s32 $0x100;
	[smem:$0x7FF] =	sst s3  }
0x4: {  	s7 =	simm.s32 $0x180;
	_ =	strace $0x80000050;
	[dreg:$0x6] =	wrdreg s6  }
0x5: {  	s8 =	simm.s32 $0x200;
	[dreg:$0x7] =	wrdreg s7  }
0x6: {  	s11 =	simm.s32 $0x280;
	[dreg:$0x8] =	wrdreg s8  }
0x7: {  	s12 =	simm.s32 $0x1100;
	[dreg:$0xa] =	wrdreg s11  }
0x8: {  	s13 =	simm.s32 $0x300;
	[dreg:$0xb] =	wrdreg s12  }
0x9: {  	s0 =	srdreg.scid;
	s14 =	simm.s32 $0x1180;
	[dreg:$0xc] =	wrdreg s13  }
0xa: {  	s9 =	stileid.u32;
	s15 =	simm.s32 $0x380;
	[dreg:$0xd] =	wrdreg s14  }
0xb: {  	s16 =	simm.s32 $0x1200;
	s17 =	simm.s32 $0x400;
	[dreg:$0xe] =	wrdreg s15  }
0xc: {  	s18 =	simm.s32 $0x1280;
	s20 =	simm.s32 $0x480;
	[dreg:$0xf] =	wrdreg s16  }
0xd: {  	s22 =	simm.s32 $0x1300;
	s23 =	simm.s32 $0x500;
	[dreg:$0x10] =	wrdreg s17  }
0xe: {  	s25 =	simm.s32 $0x1380;
	s26 =	simm.s32 $0x580;
	[dreg:$0x11] =	wrdreg s18  }
0xf: {  	s28 =	simm.s32 $0xB80;
	s29 =	simm.s32 $0x1A00;
	[dreg:$0x12] =	wrdreg s20  }
0x10: {  	s30 =	simm.s32 $0xC00;
	s5 =	smul.u32 $0xA00, s9;
	[dreg:$0x13] =	wrdreg s22  }
0x11: {  	s31 =	simm.s32 $0x1A80;
	s10 =	smul.u32 $0x13C00, s9;
	[dreg:$0x14] =	wrdreg s23  }
0x12: {  	s0 =	sand.u32 $0x1, s0;
	s21 =	smul.u32 $0x4F000, s9;
	[dreg:$0x15] =	wrdreg s25  }
0x13: {  	s4 =	smul.u32 $0xA000, s0;
	s6 =	simm.s32 $0x1080;
	[dreg:$0x16] =	wrdreg s26  }
0x14: {  	s8 =	smul.u32 $0x13C000, s0;
	s11 =	simm.s32 $0x600;
	[dreg:$0x9] =	wrdreg s6  }
0x15: {  	s0 =	ssub.s32 $0x2, s0;
	s12 =	simm.s32 $0x1480;
	[dreg:$0x18] =	wrdreg s11  }
0x16: {  	s13 =	simm.s32 $0x680;
	s14 =	simm.s32 $0x1500;
	[dreg:$0x19] =	wrdreg s12  }
0x17: {  	s15 =	simm.s32 $0x700;
	s16 =	simm.s32 $0x1580;
	[dreg:$0x1a] =	wrdreg s13  }
0x18: {  	s17 =	simm.s32 $0x780;
	s18 =	simm.s32 $0x1600;
	[dreg:$0x1b] =	wrdreg s14  }
0x19: {  	s20 =	simm.s32 $0x1680;
	s22 =	simm.s32 $0x1700;
	[dreg:$0x1c] =	wrdreg s15  }
0x1a: {  	s23 =	simm.s32 $0x900;
	s25 =	simm.s32 $0x980;
	[dreg:$0x1d] =	wrdreg s16  }
0x1b: {  	s26 =	simm.s32 $0x1800;
	s7 =	sshrl.u32 s10, $0x3;
	[dreg:$0x1e] =	wrdreg s17  }
0x1c: {  	s19 =	sshrl.u32 s0, $0x1;
	s24 =	sshrl.u32 s21, $0x2;
	[dreg:$0x1f] =	wrdreg s18  }
0x1d: {  	s11 =	simm.s32 $0x1000;
	s12 =	simm.s32 $0x50;
	[smem:$0x7F5] =	sst s20  }
0x1e: {  	s13 =	simm.s32 $0x2000;
	s14 =	simm.s32 $0x4800;
	[smem:$0x7F7] =	sst s22  }
0x1f: {  	s15 =	simm.s32 $0x7000;
	s21 =	simm.s32 $0x880;
	[smem:$0x7F8] =	sst s23  }
0x20: {  	s16 =	simm.s32 $0x9800;
	s17 =	simm.s32 $0x1;
	[smem:$0x7FA] =	sst s25  }
0x21: {  	s18 =	simm.s32 $0x2;
	s20 =	simm.s32 $0x4;
	[smem:$0x7FB] =	sst s26  }
0x22: {  	s22 =	simm.s32 $0x1880;
	s23 =	simm.s32 $0xA80;
	s25 =	simm.s32 $0xB00  }
0x23: {  	s26 =	simm.s32 $0x1980;
	s4 =	sadd.s32 s4, s1;
	s7 =	sadd.s32 s7, s1  }
0x24: {  	s0 =	ssub.s32 s0, s19;
	s19 =	simm.s32 $0x800;
	[smem:$0x7F6] =	sst s21  }
0x25: {  	s6 =	sadd.s32 s24, s2;
	s24 =	simm.s32 $0x1780;
	[smem:$0x7F4] =	sst s19  }
0x26: {  	s21 =	simm.s32 $0xA00;
	s7 =	sadd.s32 $0x52000, s7;
	[smem:$0x7F9] =	sst s24  }
0x27: {  	s4 =	sadd.s32 s5, s4;
	s0 =	smax.u32 s0, $0x1;
	[smem:$0x7F1] =	sst s7  }
0x28: {  	s19 =	simm.s32 $0x3;
	s5 =	sadd.s32 $0x2E00, s4;
	[smem:$0x7F3] =	sst s0  }
0x29: {  	s24 =	simm.s32 $0x1900;
	s4 =	sadd.s32 $0x16E00, s4;
	[dreg:$0x3] =	wrdreg s5  }
0x2a: {  	s0 =	simm.s32 $0x1B80;
	[dreg:$0x4] =	wrdreg s4;
	s5 =	simm.s32 $0x80  }
0x2b: {  	s4 =	sadd.s32 $0x2AE00, s1;
	[dreg:$0x5] =	wrdreg s5;
	s5 =	sadd.s32 s10, s8  }
0x2c: {  	s8 =	simm.s32 $0x1400;
	s10 =	sshll.u32 s9, $0x6;
	s9 =	simm.s32 $0x0  }
0x2d: {  	s5 =	sshrl.u32 s5, $0x3;
	[dreg:$0x17] =	wrdreg s8;
	s7 =	sor.u32 $0x1C05, s10  }
0x2e: {  	s8 =	sshrl.u32 s6, $0x3;
	s1 =	sadd.s32 s5, s1;
	[smem:$0x7FC] =	sst s7  }
0x2f: {  	s10 =	simm.s32 $0x5;
	[smem:$0x7FD] =	sst s8;
	s1 =	sadd.s32 $0x79800, s1  }
0x30: {  	s5 =	simm.s32 $0x1C00;
	[smem:$0x7F2] =	sst s1;
	s1 =	simm.s32 $0x1B00  }
.LBB2_1:
0x31: {  	s6 =	sld [smem:$0x7F1];
	_ =	sdelay $0x1  }
0x32: {  	[smem:$0x7F0] =	sst s9  }
0x33: {  	[spmem:s8], [sflag:s7] =	dma.local [hbm:s6], $0x2780  }
0x34: {  	_ =	swait.ge [sflag:s10], $0x2780  }
0x35: {  	[sflag:s10] =	ssyncset.done $0x0  }
0x36: {  	[sflag:s10] =	ssyncadd.s32 $0xFFFFD880  }
0x37: {  	[bflag:$0x0] =	sbarrier.arrive $0xFFFF  }
0x38: {  	s9 =	rddreg [dreg:$0x4]  }
0x39: {  	s6 =	sadd.s32 $0x0, s9  }
0x3a: {  	[tilespmem:s3], [sflag:$0x5] =	stream.linear.gather [hbm4b:s6+s3], $0xC80, $0x38;
	[tilespmem:$0x1FC00] =	vst v63  }
0x3b: {  	_ =	swait.ge [sflag:s10], $0xC80  }
0x3c: {  	s7 =	rddreg [dreg:$0x3];
	[sflag:s10] =	ssyncset.done $0x0  }
0x3d: {  	[sflag:s10] =	ssyncadd.s32 $0xFFFFF380;
	s6 =	sadd.s32 $0x0, s7  }
0x3e: {  	[tilespmem:s11], [sflag:$0x5] =	stream.linear.gather [hbm4b:s6+s3], $0xC80, $0x38;
	[tilespmem:$0x1FC00] =	vst v63  }
0x3f: {  	_ =	swait.ge [sflag:s10], $0xC80  }
0x40: {  	[sflag:s10] =	ssyncset.done $0x0  }
0x41: {  	[sflag:s10] =	ssyncadd.s32 $0xFFFFF380  }
0x42: {  	[tilespmem:s13], [sflag:$0x1] =	stream.indirect.gather [hbm4b:s4+s12], $0x80, s3, s12, $0xb8;
	[tilespmem:$0x1FC00] =	vst v63  }
0x43: {  	s8 =	rddreg [dreg:$0x5]  }
0x44: {  	[tilespmem:s14], [sflag:$0x2] =	stream.indirect.gather [hbm4b:s4+s12], $0x80, s8, s12, $0xb8;
	[tilespmem:$0x1FC00] =	vst v63  }
0x45: {  	s9 =	rddreg [dreg:$0x6]  }
0x46: {  	[tilespmem:s15], [sflag:$0x3] =	stream.indirect.gather [hbm4b:s4+s12], $0x80, s9, s12, $0xb8;
	[tilespmem:$0x1FC00] =	vst v63  }
0x47: {  	s7 =	rddreg [dreg:$0x7]  }
0x48: {  	[tilespmem:s16], [sflag:$0x4] =	stream.indirect.gather [hbm4b:s4+s12], $0x80, s7, s12, $0xb8;
	[tilespmem:$0x1FC00] =	vst v63  }
0x49: {  	_ =	swait.ge [sflag:s17], $0x2800  }
0x4a: {  	[sflag:s17] =	ssyncset.done $0x0  }
0x4b: {  	[sflag:s17] =	ssyncadd.s32 $0xFFFFD800  }
0x4c: {  	[spmem:s2] =	stream.indirect.scatter.add.f32 [tilespmem:s13], [sflag:$0x5], $0x80, s11, s12, $0xb8;
	[tilespmem:$0x1FC00] =	vst v63  }
0x4d: {  	_ =	swait.ge [sflag:s10], $0x2800  }
0x4e: {  	[sflag:s10] =	ssyncset.done $0x0  }
0x4f: {  	s8 =	rddreg [dreg:$0x8];
	[sflag:s10] =	ssyncadd.s32 $0xFFFFD800  }
0x50: {  	[tilespmem:s13], [sflag:$0x1] =	stream.indirect.gather [hbm4b:s4+s12], $0x80, s8, s12, $0xb8;
	[tilespmem:$0x1FC00] =	vst v63  }
0x51: {  	_ =	swait.ge [sflag:s18], $0x2800  }
0x52: {  	[sflag:s18] =	ssyncset.done $0x0  }
0x53: {  	s9 =	rddreg [dreg:$0x9];
	[sflag:s18] =	ssyncadd.s32 $0xFFFFD800  }
0x54: {  	[spmem:s2] =	stream.indirect.scatter.add.f32 [tilespmem:s14], [sflag:$0x5], $0x80, s9, s12, $0xb8;
	[tilespmem:$0x1FC00] =	vst v63  }
0x55: {  	_ =	swait.ge [sflag:s10], $0x2800  }
0x56: {  	[sflag:s10] =	ssyncset.done $0x0  }
0x57: {  	s7 =	rddreg [dreg:$0xa];
	[sflag:s10] =	ssyncadd.s32 $0xFFFFD800  }
0x58: {  	[tilespmem:s14], [sflag:$0x2] =	stream.indirect.gather [hbm4b:s4+s12], $0x80, s7, s12, $0xb8;
	[tilespmem:$0x1FC00] =	vst v63  }
0x59: {  	_ =	swait.ge [sflag:s19], $0x2800  }
0x5a: {  	[sflag:s19] =	ssyncset.done $0x0  }
0x5b: {  	s8 =	rddreg [dreg:$0xb];
	[sflag:s19] =	ssyncadd.s32 $0xFFFFD800  }
0x5c: {  	[spmem:s2] =	stream.indirect.scatter.add.f32 [tilespmem:s15], [sflag:$0x5], $0x80, s8, s12, $0xb8;
	[tilespmem:$0x1FC00] =	vst v63  }
0x5d: {  	_ =	swait.ge [sflag:s10], $0x2800  }
0x5e: {  	[sflag:s10] =	ssyncset.done $0x0  }
0x5f: {  	s9 =	rddreg [dreg:$0xc];
	[sflag:s10] =	ssyncadd.s32 $0xFFFFD800  }
0x60: {  	[tilespmem:s15], [sflag:$0x3] =	stream.indirect.gather [hbm4b:s4+s12], $0x80, s9, s12, $0xb8;
	[tilespmem:$0x1FC00] =	vst v63  }
0x61: {  	_ =	swait.ge [sflag:s20], $0x2800  }
0x62: {  	[sflag:s20] =	ssyncset.done $0x0  }
0x63: {  	s7 =	rddreg [dreg:$0xd];
	[sflag:s20] =	ssyncadd.s32 $0xFFFFD800  }
0x64: {  	[spmem:s2] =	stream.indirect.scatter.add.f32 [tilespmem:s16], [sflag:$0x5], $0x80, s7, s12, $0xb8;
	[tilespmem:$0x1FC00] =	vst v63  }
0x65: {  	_ =	swait.ge [sflag:s10], $0x2800  }
0x66: {  	[sflag:s10] =	ssyncset.done $0x0  }
0x67: {  	s8 =	rddreg [dreg:$0xe];
	[sflag:s10] =	ssyncadd.s32 $0xFFFFD800  }
0x68: {  	[tilespmem:s16], [sflag:$0x4] =	stream.indirect.gather [hbm4b:s4+s12], $0x80, s8, s12, $0xb8;
	[tilespmem:$0x1FC00] =	vst v63  }
0x69: {  	_ =	swait.ge [sflag:s17], $0x2800  }
0x6a: {  	[sflag:s17] =	ssyncset.done $0x0  }
0x6b: {  	s9 =	rddreg [dreg:$0xf];
	[sflag:s17] =	ssyncadd.s32 $0xFFFFD800  }
0x6c: {  	[spmem:s2] =	stream.indirect.scatter.add.f32 [tilespmem:s13], [sflag:$0x5], $0x80, s9, s12, $0xb8;
	[tilespmem:$0x1FC00] =	vst v63  }
0x6d: {  	_ =	swait.ge [sflag:s10], $0x2800  }
0x6e: {  	[sflag:s10] =	ssyncset.done $0x0  }
0x6f: {  	s7 =	rddreg [dreg:$0x10];
	[sflag:s10] =	ssyncadd.s32 $0xFFFFD800  }
0x70: {  	[tilespmem:s13], [sflag:$0x1] =	stream.indirect.gather [hbm4b:s4+s12], $0x80, s7, s12, $0xb8;
	[tilespmem:$0x1FC00] =	vst v63  }
0x71: {  	_ =	swait.ge [sflag:s18], $0x2800  }
0x72: {  	[sflag:s18] =	ssyncset.done $0x0  }
0x73: {  	s8 =	rddreg [dreg:$0x11];
	[sflag:s18] =	ssyncadd.s32 $0xFFFFD800  }
0x74: {  	[spmem:s2] =	stream.indirect.scatter.add.f32 [tilespmem:s14], [sflag:$0x5], $0x80, s8, s12, $0xb8;
	[tilespmem:$0x1FC00] =	vst v63  }
0x75: {  	_ =	swait.ge [sflag:s10], $0x2800  }
0x76: {  	[sflag:s10] =	ssyncset.done $0x0  }
0x77: {  	s9 =	rddreg [dreg:$0x12];
	[sflag:s10] =	ssyncadd.s32 $0xFFFFD800  }
0x78: {  	[tilespmem:s14], [sflag:$0x2] =	stream.indirect.gather [hbm4b:s4+s12], $0x80, s9, s12, $0xb8;
	[tilespmem:$0x1FC00] =	vst v63  }
0x79: {  	_ =	swait.ge [sflag:s19], $0x2800  }
0x7a: {  	[sflag:s19] =	ssyncset.done $0x0  }
0x7b: {  	s7 =	rddreg [dreg:$0x13];
	[sflag:s19] =	ssyncadd.s32 $0xFFFFD800  }
0x7c: {  	[spmem:s2] =	stream.indirect.scatter.add.f32 [tilespmem:s15], [sflag:$0x5], $0x80, s7, s12, $0xb8;
	[tilespmem:$0x1FC00] =	vst v63  }
0x7d: {  	_ =	swait.ge [sflag:s10], $0x2800  }
0x7e: {  	[sflag:s10] =	ssyncset.done $0x0  }
0x7f: {  	s8 =	rddreg [dreg:$0x14];
	[sflag:s10] =	ssyncadd.s32 $0xFFFFD800  }
0x80: {  	[tilespmem:s15], [sflag:$0x3] =	stream.indirect.gather [hbm4b:s4+s12], $0x80, s8, s12, $0xb8;
	[tilespmem:$0x1FC00] =	vst v63  }
0x81: {  	_ =	swait.ge [sflag:s20], $0x2800  }
0x82: {  	[sflag:s20] =	ssyncset.done $0x0  }
0x83: {  	s9 =	rddreg [dreg:$0x15];
	[sflag:s20] =	ssyncadd.s32 $0xFFFFD800  }
0x84: {  	[spmem:s2] =	stream.indirect.scatter.add.f32 [tilespmem:s16], [sflag:$0x5], $0x80, s9, s12, $0xb8;
	[tilespmem:$0x1FC00] =	vst v63  }
0x85: {  	_ =	swait.ge [sflag:s10], $0x2800  }
0x86: {  	[sflag:s10] =	ssyncset.done $0x0  }
0x87: {  	s7 =	rddreg [dreg:$0x16];
	[sflag:s10] =	ssyncadd.s32 $0xFFFFD800  }
0x88: {  	[tilespmem:s16], [sflag:$0x4] =	stream.indirect.gather [hbm4b:s4+s12], $0x80, s7, s12, $0xb8;
	[tilespmem:$0x1FC00] =	vst v63  }
0x89: {  	_ =	swait.ge [sflag:s17], $0x2800  }
0x8a: {  	[sflag:s17] =	ssyncset.done $0x0  }
0x8b: {  	s8 =	rddreg [dreg:$0x17];
	[sflag:s17] =	ssyncadd.s32 $0xFFFFD800  }
0x8c: {  	[spmem:s2] =	stream.indirect.scatter.add.f32 [tilespmem:s13], [sflag:$0x5], $0x80, s8, s12, $0xb8;
	[tilespmem:$0x1FC00] =	vst v63  }
0x8d: {  	_ =	swait.ge [sflag:s10], $0x2800  }
0x8e: {  	[sflag:s10] =	ssyncset.done $0x0  }
0x8f: {  	s9 =	rddreg [dreg:$0x18];
	[sflag:s10] =	ssyncadd.s32 $0xFFFFD800  }
0x90: {  	[tilespmem:s13], [sflag:$0x1] =	stream.indirect.gather [hbm4b:s4+s12], $0x80, s9, s12, $0xb8;
	[tilespmem:$0x1FC00] =	vst v63  }
0x91: {  	_ =	swait.ge [sflag:s18], $0x2800  }
0x92: {  	[sflag:s18] =	ssyncset.done $0x0  }
0x93: {  	s7 =	rddreg [dreg:$0x19];
	[sflag:s18] =	ssyncadd.s32 $0xFFFFD800  }
0x94: {  	[spmem:s2] =	stream.indirect.scatter.add.f32 [tilespmem:s14], [sflag:$0x5], $0x80, s7, s12, $0xb8;
	[tilespmem:$0x1FC00] =	vst v63  }
0x95: {  	_ =	swait.ge [sflag:s10], $0x2800  }
0x96: {  	[sflag:s10] =	ssyncset.done $0x0  }
0x97: {  	s8 =	rddreg [dreg:$0x1a];
	[sflag:s10] =	ssyncadd.s32 $0xFFFFD800  }
0x98: {  	[tilespmem:s14], [sflag:$0x2] =	stream.indirect.gather [hbm4b:s4+s12], $0x80, s8, s12, $0xb8;
	[tilespmem:$0x1FC00] =	vst v63  }
0x99: {  	_ =	swait.ge [sflag:s19], $0x2800  }
0x9a: {  	[sflag:s19] =	ssyncset.done $0x0  }
0x9b: {  	s9 =	rddreg [dreg:$0x1b];
	[sflag:s19] =	ssyncadd.s32 $0xFFFFD800  }
0x9c: {  	[spmem:s2] =	stream.indirect.scatter.add.f32 [tilespmem:s15], [sflag:$0x5], $0x80, s9, s12, $0xb8;
	[tilespmem:$0x1FC00] =	vst v63  }
0x9d: {  	_ =	swait.ge [sflag:s10], $0x2800  }
0x9e: {  	[sflag:s10] =	ssyncset.done $0x0  }
0x9f: {  	s7 =	rddreg [dreg:$0x1c];
	[sflag:s10] =	ssyncadd.s32 $0xFFFFD800  }
0xa0: {  	[tilespmem:s15], [sflag:$0x3] =	stream.indirect.gather [hbm4b:s4+s12], $0x80, s7, s12, $0xb8;
	[tilespmem:$0x1FC00] =	vst v63  }
0xa1: {  	_ =	swait.ge [sflag:s20], $0x2800  }
0xa2: {  	[sflag:s20] =	ssyncset.done $0x0  }
0xa3: {  	s8 =	rddreg [dreg:$0x1d];
	[sflag:s20] =	ssyncadd.s32 $0xFFFFD800  }
0xa4: {  	[spmem:s2] =	stream.indirect.scatter.add.f32 [tilespmem:s16], [sflag:$0x5], $0x80, s8, s12, $0xb8;
	[tilespmem:$0x1FC00] =	vst v63  }
0xa5: {  	_ =	swait.ge [sflag:s10], $0x2800  }
0xa6: {  	[sflag:s10] =	ssyncset.done $0x0  }
0xa7: {  	s9 =	rddreg [dreg:$0x1e];
	[sflag:s10] =	ssyncadd.s32 $0xFFFFD800  }
0xa8: {  	[tilespmem:s16], [sflag:$0x4] =	stream.indirect.gather [hbm4b:s4+s12], $0x80, s9, s12, $0xb8;
	[tilespmem:$0x1FC00] =	vst v63  }
0xa9: {  	_ =	swait.ge [sflag:s17], $0x2800  }
0xaa: {  	[sflag:s17] =	ssyncset.done $0x0  }
0xab: {  	s7 =	rddreg [dreg:$0x1f];
	[sflag:s17] =	ssyncadd.s32 $0xFFFFD800  }
0xac: {  	[spmem:s2] =	stream.indirect.scatter.add.f32 [tilespmem:s13], [sflag:$0x5], $0x80, s7, s12, $0xb8;
	[tilespmem:$0x1FC00] =	vst v63  }
0xad: {  	_ =	swait.ge [sflag:s10], $0x2800  }
0xae: {  	s8 =	sld [smem:$0x7F4]  }
0xaf: {  	[sflag:s10] =	ssyncset.done $0x0  }
0xb0: {  	[sflag:s10] =	ssyncadd.s32 $0xFFFFD800  }
0xb1: {  	[tilespmem:s13], [sflag:$0x1] =	stream.indirect.gather [hbm4b:s4+s12], $0x80, s8, s12, $0xb8;
	[tilespmem:$0x1FC00] =	vst v63  }
0xb2: {  	_ =	swait.ge [sflag:s18], $0x2800  }
0xb3: {  	s9 =	sld [smem:$0x7F5]  }
0xb4: {  	[sflag:s18] =	ssyncset.done $0x0  }
0xb5: {  	[sflag:s18] =	ssyncadd.s32 $0xFFFFD800  }
0xb6: {  	[spmem:s2] =	stream.indirect.scatter.add.f32 [tilespmem:s14], [sflag:$0x5], $0x80, s9, s12, $0xb8;
	[tilespmem:$0x1FC00] =	vst v63  }
0xb7: {  	_ =	swait.ge [sflag:s10], $0x2800  }
0xb8: {  	s7 =	sld [smem:$0x7F6]  }
0xb9: {  	[sflag:s10] =	ssyncset.done $0x0  }
0xba: {  	[sflag:s10] =	ssyncadd.s32 $0xFFFFD800  }
0xbb: {  	[tilespmem:s14], [sflag:$0x2] =	stream.indirect.gather [hbm4b:s4+s12], $0x80, s7, s12, $0xb8;
	[tilespmem:$0x1FC00] =	vst v63  }
0xbc: {  	_ =	swait.ge [sflag:s19], $0x2800  }
0xbd: {  	s8 =	sld [smem:$0x7F7]  }
0xbe: {  	[sflag:s19] =	ssyncset.done $0x0  }
0xbf: {  	[sflag:s19] =	ssyncadd.s32 $0xFFFFD800  }
0xc0: {  	[spmem:s2] =	stream.indirect.scatter.add.f32 [tilespmem:s15], [sflag:$0x5], $0x80, s8, s12, $0xb8;
	[tilespmem:$0x1FC00] =	vst v63  }
0xc1: {  	_ =	swait.ge [sflag:s10], $0x2800  }
0xc2: {  	s9 =	sld [smem:$0x7F8]  }
0xc3: {  	[sflag:s10] =	ssyncset.done $0x0  }
0xc4: {  	[sflag:s10] =	ssyncadd.s32 $0xFFFFD800  }
0xc5: {  	[tilespmem:s15], [sflag:$0x3] =	stream.indirect.gather [hbm4b:s4+s12], $0x80, s9, s12, $0xb8;
	[tilespmem:$0x1FC00] =	vst v63  }
0xc6: {  	_ =	swait.ge [sflag:s20], $0x2800  }
0xc7: {  	s7 =	sld [smem:$0x7F9]  }
0xc8: {  	[sflag:s20] =	ssyncset.done $0x0  }
0xc9: {  	[sflag:s20] =	ssyncadd.s32 $0xFFFFD800  }
0xca: {  	[spmem:s2] =	stream.indirect.scatter.add.f32 [tilespmem:s16], [sflag:$0x5], $0x80, s7, s12, $0xb8;
	[tilespmem:$0x1FC00] =	vst v63  }
0xcb: {  	_ =	swait.ge [sflag:s10], $0x2800  }
0xcc: {  	s8 =	sld [smem:$0x7FA]  }
0xcd: {  	[sflag:s10] =	ssyncset.done $0x0  }
0xce: {  	[sflag:s10] =	ssyncadd.s32 $0xFFFFD800  }
0xcf: {  	[tilespmem:s16], [sflag:$0x4] =	stream.indirect.gather [hbm4b:s4+s12], $0x80, s8, s12, $0xb8;
	[tilespmem:$0x1FC00] =	vst v63  }
0xd0: {  	_ =	swait.ge [sflag:s17], $0x2800  }
0xd1: {  	s9 =	sld [smem:$0x7FB]  }
0xd2: {  	[sflag:s17] =	ssyncset.done $0x0  }
0xd3: {  	[sflag:s17] =	ssyncadd.s32 $0xFFFFD800  }
0xd4: {  	[spmem:s2] =	stream.indirect.scatter.add.f32 [tilespmem:s13], [sflag:$0x5], $0x80, s9, s12, $0xb8;
	[tilespmem:$0x1FC00] =	vst v63  }
0xd5: {  	_ =	swait.ge [sflag:s10], $0x2800  }
0xd6: {  	[sflag:s10] =	ssyncset.done $0x0  }
0xd7: {  	[sflag:s10] =	ssyncadd.s32 $0xFFFFD800  }
0xd8: {  	[tilespmem:s13], [sflag:$0x1] =	stream.indirect.gather [hbm4b:s4+s12], $0x80, s21, s12, $0xb8;
	[tilespmem:$0x1FC00] =	vst v63  }
0xd9: {  	_ =	swait.ge [sflag:s18], $0x2800  }
0xda: {  	[sflag:s18] =	ssyncset.done $0x0  }
0xdb: {  	[sflag:s18] =	ssyncadd.s32 $0xFFFFD800  }
0xdc: {  	[spmem:s2] =	stream.indirect.scatter.add.f32 [tilespmem:s14], [sflag:$0x5], $0x80, s22, s12, $0xb8;
	[tilespmem:$0x1FC00] =	vst v63  }
0xdd: {  	_ =	swait.ge [sflag:s10], $0x2800  }
0xde: {  	[sflag:s10] =	ssyncset.done $0x0  }
0xdf: {  	[sflag:s10] =	ssyncadd.s32 $0xFFFFD800  }
0xe0: {  	[tilespmem:s14], [sflag:$0x2] =	stream.indirect.gather [hbm4b:s4+s12], $0x80, s23, s12, $0xb8;
	[tilespmem:$0x1FC00] =	vst v63  }
0xe1: {  	_ =	swait.ge [sflag:s19], $0x2800  }
0xe2: {  	[sflag:s19] =	ssyncset.done $0x0  }
0xe3: {  	[sflag:s19] =	ssyncadd.s32 $0xFFFFD800  }
0xe4: {  	[spmem:s2] =	stream.indirect.scatter.add.f32 [tilespmem:s15], [sflag:$0x5], $0x80, s24, s12, $0xb8;
	[tilespmem:$0x1FC00] =	vst v63  }
0xe5: {  	_ =	swait.ge [sflag:s10], $0x2800  }
0xe6: {  	[sflag:s10] =	ssyncset.done $0x0  }
0xe7: {  	[sflag:s10] =	ssyncadd.s32 $0xFFFFD800  }
0xe8: {  	[tilespmem:s15], [sflag:$0x3] =	stream.indirect.gather [hbm4b:s4+s12], $0x80, s25, s12, $0xb8;
	[tilespmem:$0x1FC00] =	vst v63  }
0xe9: {  	_ =	swait.ge [sflag:s20], $0x2800  }
0xea: {  	[sflag:s20] =	ssyncset.done $0x0  }
0xeb: {  	[sflag:s20] =	ssyncadd.s32 $0xFFFFD800  }
0xec: {  	[spmem:s2] =	stream.indirect.scatter.add.f32 [tilespmem:s16], [sflag:$0x5], $0x80, s26, s12, $0xb8;
	[tilespmem:$0x1FC00] =	vst v63  }
0xed: {  	_ =	swait.ge [sflag:s10], $0x2800  }
0xee: {  	[sflag:s10] =	ssyncset.done $0x0  }
0xef: {  	[sflag:s10] =	ssyncadd.s32 $0xFFFFD800  }
0xf0: {  	[tilespmem:s16], [sflag:$0x4] =	stream.indirect.gather [hbm4b:s4+s12], $0x80, s28, s12, $0xb8;
	[tilespmem:$0x1FC00] =	vst v63  }
0xf1: {  	_ =	swait.ge [sflag:s17], $0x2800  }
0xf2: {  	[sflag:s17] =	ssyncset.done $0x0  }
0xf3: {  	[sflag:s17] =	ssyncadd.s32 $0xFFFFD800  }
0xf4: {  	[spmem:s2] =	stream.indirect.scatter.add.f32 [tilespmem:s13], [sflag:$0x5], $0x80, s29, s12, $0xb8;
	[tilespmem:$0x1FC00] =	vst v63  }
0xf5: {  	_ =	swait.ge [sflag:s10], $0x2800  }
0xf6: {  	[sflag:s10] =	ssyncset.done $0x0  }
0xf7: {  	[sflag:s10] =	ssyncadd.s32 $0xFFFFD800  }
0xf8: {  	[tilespmem:s13], [sflag:$0x1] =	stream.indirect.gather [hbm4b:s4+s12], $0x80, s30, s12, $0xb8;
	[tilespmem:$0x1FC00] =	vst v63  }
0xf9: {  	_ =	swait.ge [sflag:s18], $0x2800  }
0xfa: {  	[sflag:s18] =	ssyncset.done $0x0  }
0xfb: {  	[sflag:s18] =	ssyncadd.s32 $0xFFFFD800  }
0xfc: {  	[spmem:s2] =	stream.indirect.scatter.add.f32 [tilespmem:s14], [sflag:$0x5], $0x80, s31, s12, $0xb8;
	[tilespmem:$0x1FC00] =	vst v63  }
0xfd: {  	_ =	swait.ge [sflag:s10], $0x2800  }
0xfe: {  	[sflag:s10] =	ssyncset.done $0x0  }
0xff: {  	[sflag:s10] =	ssyncadd.s32 $0xFFFFD800  }
0x100: {  	_ =	swait.ge [sflag:s19], $0x2800  }
0x101: {  	[sflag:s19] =	ssyncset.done $0x0  }
0x102: {  	[sflag:s19] =	ssyncadd.s32 $0xFFFFD800  }
0x103: {  	[spmem:s2] =	stream.indirect.scatter.add.f32 [tilespmem:s15], [sflag:$0x5], $0x80, s1, s12, $0xb8;
	[tilespmem:$0x1FC00] =	vst v63  }
0x104: {  	_ =	swait.ge [sflag:s10], $0x2800  }
0x105: {  	[sflag:s10] =	ssyncset.done $0x0  }
0x106: {  	[sflag:s10] =	ssyncadd.s32 $0xFFFFD800  }
0x107: {  	_ =	swait.ge [sflag:s20], $0x2800  }
0x108: {  	[sflag:s20] =	ssyncset.done $0x0  }
0x109: {  	[sflag:s20] =	ssyncadd.s32 $0xFFFFD800  }
0x10a: {  	[spmem:s2] =	stream.indirect.scatter.add.f32 [tilespmem:s16], [sflag:$0x5], $0x80, s0, s12, $0xb8;
	[tilespmem:$0x1FC00] =	vst v63  }
0x10b: {  	_ =	swait.ge [sflag:s10], $0x2800  }
0x10c: {  	[sflag:s10] =	ssyncset.done $0x0  }
0x10d: {  	[sflag:s10] =	ssyncadd.s32 $0xFFFFD800  }
0x10e: {  	_ =	swait.ge [sflag:s17], $0x2800  }
0x10f: {  	[sflag:s17] =	ssyncset.done $0x0  }
0x110: {  	[sflag:s17] =	ssyncadd.s32 $0xFFFFD800  }
0x111: {  	[spmem:s2] =	stream.indirect.scatter.add.f32 [tilespmem:s13], [sflag:$0x5], $0x80, s5, s12, $0xb8;
	[tilespmem:$0x1FC00] =	vst v63  }
0x112: {  	s6 =	simm.s32 $0x400;
	_ =	swait.ge [sflag:s10], $0x2800  }
0x113: {  	s8 =	simm.s32 $0x200;
	s9 =	rddreg [dreg:$0x4];
	[sflag:s10] =	ssyncset.done $0x0  }
.LBB2_2:
0x114: {  	[sflag:s10] =	ssyncadd.s32 $0xFFFFD800;
	s9 =	sadd.s32 s8, s9  }
0x115: {  	[tilespmem:s3], [sflag:$0x5] =	stream.linear.gather [hbm4b:s9+s3], $0xC80, $0x38;
	[tilespmem:$0x1FC00] =	vst v63  }
0x116: {  	_ =	swait.ge [sflag:s10], $0xC80  }
0x117: {  	s9 =	rddreg [dreg:$0x3];
	[sflag:s10] =	ssyncset.done $0x0  }
0x118: {  	[sflag:s10] =	ssyncadd.s32 $0xFFFFF380;
	s9 =	sadd.s32 s8, s9  }
0x119: {  	[tilespmem:s11], [sflag:$0x5] =	stream.linear.gather [hbm4b:s9+s3], $0xC80, $0x38;
	[tilespmem:$0x1FC00] =	vst v63  }
0x11a: {  	_ =	swait.ge [sflag:s10], $0xC80  }
0x11b: {  	[sflag:s10] =	ssyncset.done $0x0  }
0x11c: {  	s7 =	smov.u32 s6;
	[sflag:s10] =	ssyncadd.s32 $0xFFFFF380  }
0x11d: {  	[tilespmem:s13], [sflag:$0x1] =	stream.indirect.gather [hbm4b:s4+s12], $0x80, s3, s12, $0xb8;
	[tilespmem:$0x1FC00] =	vst v63  }
0x11e: {  	s8 =	smov.u32 s7;
	s7 =	rddreg [dreg:$0x5]  }
0x11f: {  	[tilespmem:s14], [sflag:$0x2] =	stream.indirect.gather [hbm4b:s4+s12], $0x80, s7, s12, $0xb8;
	[tilespmem:$0x1FC00] =	vst v63  }
0x120: {  	s9 =	rddreg [dreg:$0x6]  }
0x121: {  	[tilespmem:s15], [sflag:$0x3] =	stream.indirect.gather [hbm4b:s4+s12], $0x80, s9, s12, $0xb8;
	[tilespmem:$0x1FC00] =	vst v63  }
0x122: {  	s7 =	rddreg [dreg:$0x7]  }
0x123: {  	[tilespmem:s16], [sflag:$0x4] =	stream.indirect.gather [hbm4b:s4+s12], $0x80, s7, s12, $0xb8;
	[tilespmem:$0x1FC00] =	vst v63  }
0x124: {  	_ =	swait.ge [sflag:s17], $0x2800  }
0x125: {  	[sflag:s17] =	ssyncset.done $0x0  }
0x126: {  	[sflag:s17] =	ssyncadd.s32 $0xFFFFD800  }
0x127: {  	[spmem:s2] =	stream.indirect.scatter.add.f32 [tilespmem:s13], [sflag:$0x5], $0x80, s11, s12, $0xb8;
	[tilespmem:$0x1FC00] =	vst v63  }
0x128: {  	_ =	swait.ge [sflag:s10], $0x2800  }
0x129: {  	[sflag:s10] =	ssyncset.done $0x0  }
0x12a: {  	s9 =	rddreg [dreg:$0x8];
	[sflag:s10] =	ssyncadd.s32 $0xFFFFD800  }
0x12b: {  	[tilespmem:s13], [sflag:$0x1] =	stream.indirect.gather [hbm4b:s4+s12], $0x80, s9, s12, $0xb8;
	[tilespmem:$0x1FC00] =	vst v63  }
0x12c: {  	_ =	swait.ge [sflag:s18], $0x2800  }
0x12d: {  	[sflag:s18] =	ssyncset.done $0x0  }
0x12e: {  	s9 =	rddreg [dreg:$0x9];
	[sflag:s18] =	ssyncadd.s32 $0xFFFFD800  }
0x12f: {  	[spmem:s2] =	stream.indirect.scatter.add.f32 [tilespmem:s14], [sflag:$0x5], $0x80, s9, s12, $0xb8;
	[tilespmem:$0x1FC00] =	vst v63  }
0x130: {  	_ =	swait.ge [sflag:s10], $0x2800  }
0x131: {  	[sflag:s10] =	ssyncset.done $0x0  }
0x132: {  	s9 =	rddreg [dreg:$0xa];
	[sflag:s10] =	ssyncadd.s32 $0xFFFFD800  }
0x133: {  	[tilespmem:s14], [sflag:$0x2] =	stream.indirect.gather [hbm4b:s4+s12], $0x80, s9, s12, $0xb8;
	[tilespmem:$0x1FC00] =	vst v63  }
0x134: {  	_ =	swait.ge [sflag:s19], $0x2800  }
0x135: {  	[sflag:s19] =	ssyncset.done $0x0  }
0x136: {  	s9 =	rddreg [dreg:$0xb];
	[sflag:s19] =	ssyncadd.s32 $0xFFFFD800  }
0x137: {  	[spmem:s2] =	stream.indirect.scatter.add.f32 [tilespmem:s15], [sflag:$0x5], $0x80, s9, s12, $0xb8;
	[tilespmem:$0x1FC00] =	vst v63  }
0x138: {  	_ =	swait.ge [sflag:s10], $0x2800  }
0x139: {  	[sflag:s10] =	ssyncset.done $0x0  }
0x13a: {  	s9 =	rddreg [dreg:$0xc];
	[sflag:s10] =	ssyncadd.s32 $0xFFFFD800  }
0x13b: {  	[tilespmem:s15], [sflag:$0x3] =	stream.indirect.gather [hbm4b:s4+s12], $0x80, s9, s12, $0xb8;
	[tilespmem:$0x1FC00] =	vst v63  }
0x13c: {  	_ =	swait.ge [sflag:s20], $0x2800  }
0x13d: {  	[sflag:s20] =	ssyncset.done $0x0  }
0x13e: {  	s9 =	rddreg [dreg:$0xd];
	[sflag:s20] =	ssyncadd.s32 $0xFFFFD800  }
0x13f: {  	[spmem:s2] =	stream.indirect.scatter.add.f32 [tilespmem:s16], [sflag:$0x5], $0x80, s9, s12, $0xb8;
	[tilespmem:$0x1FC00] =	vst v63  }
0x140: {  	_ =	swait.ge [sflag:s10], $0x2800  }
0x141: {  	[sflag:s10] =	ssyncset.done $0x0  }
0x142: {  	s9 =	rddreg [dreg:$0xe];
	[sflag:s10] =	ssyncadd.s32 $0xFFFFD800  }
0x143: {  	[tilespmem:s16], [sflag:$0x4] =	stream.indirect.gather [hbm4b:s4+s12], $0x80, s9, s12, $0xb8;
	[tilespmem:$0x1FC00] =	vst v63  }
0x144: {  	_ =	swait.ge [sflag:s17], $0x2800  }
0x145: {  	[sflag:s17] =	ssyncset.done $0x0  }
0x146: {  	s9 =	rddreg [dreg:$0xf];
	[sflag:s17] =	ssyncadd.s32 $0xFFFFD800  }
0x147: {  	[spmem:s2] =	stream.indirect.scatter.add.f32 [tilespmem:s13], [sflag:$0x5], $0x80, s9, s12, $0xb8;
	[tilespmem:$0x1FC00] =	vst v63  }
0x148: {  	_ =	swait.ge [sflag:s10], $0x2800  }
0x149: {  	[sflag:s10] =	ssyncset.done $0x0  }
0x14a: {  	s9 =	rddreg [dreg:$0x10];
	[sflag:s10] =	ssyncadd.s32 $0xFFFFD800  }
0x14b: {  	[tilespmem:s13], [sflag:$0x1] =	stream.indirect.gather [hbm4b:s4+s12], $0x80, s9, s12, $0xb8;
	[tilespmem:$0x1FC00] =	vst v63  }
0x14c: {  	_ =	swait.ge [sflag:s18], $0x2800  }
0x14d: {  	[sflag:s18] =	ssyncset.done $0x0  }
0x14e: {  	s9 =	rddreg [dreg:$0x11];
	[sflag:s18] =	ssyncadd.s32 $0xFFFFD800  }
0x14f: {  	[spmem:s2] =	stream.indirect.scatter.add.f32 [tilespmem:s14], [sflag:$0x5], $0x80, s9, s12, $0xb8;
	[tilespmem:$0x1FC00] =	vst v63  }
0x150: {  	_ =	swait.ge [sflag:s10], $0x2800  }
0x151: {  	[sflag:s10] =	ssyncset.done $0x0  }
0x152: {  	s9 =	rddreg [dreg:$0x12];
	[sflag:s10] =	ssyncadd.s32 $0xFFFFD800  }
0x153: {  	[tilespmem:s14], [sflag:$0x2] =	stream.indirect.gather [hbm4b:s4+s12], $0x80, s9, s12, $0xb8;
	[tilespmem:$0x1FC00] =	vst v63  }
0x154: {  	_ =	swait.ge [sflag:s19], $0x2800  }
0x155: {  	[sflag:s19] =	ssyncset.done $0x0  }
0x156: {  	s9 =	rddreg [dreg:$0x13];
	[sflag:s19] =	ssyncadd.s32 $0xFFFFD800  }
0x157: {  	[spmem:s2] =	stream.indirect.scatter.add.f32 [tilespmem:s15], [sflag:$0x5], $0x80, s9, s12, $0xb8;
	[tilespmem:$0x1FC00] =	vst v63  }
0x158: {  	_ =	swait.ge [sflag:s10], $0x2800  }
0x159: {  	[sflag:s10] =	ssyncset.done $0x0  }
0x15a: {  	s9 =	rddreg [dreg:$0x14];
	[sflag:s10] =	ssyncadd.s32 $0xFFFFD800  }
0x15b: {  	[tilespmem:s15], [sflag:$0x3] =	stream.indirect.gather [hbm4b:s4+s12], $0x80, s9, s12, $0xb8;
	[tilespmem:$0x1FC00] =	vst v63  }
0x15c: {  	_ =	swait.ge [sflag:s20], $0x2800  }
0x15d: {  	[sflag:s20] =	ssyncset.done $0x0  }
0x15e: {  	s9 =	rddreg [dreg:$0x15];
	[sflag:s20] =	ssyncadd.s32 $0xFFFFD800  }
0x15f: {  	[spmem:s2] =	stream.indirect.scatter.add.f32 [tilespmem:s16], [sflag:$0x5], $0x80, s9, s12, $0xb8;
	[tilespmem:$0x1FC00] =	vst v63  }
0x160: {  	_ =	swait.ge [sflag:s10], $0x2800  }
0x161: {  	[sflag:s10] =	ssyncset.done $0x0  }
0x162: {  	s9 =	rddreg [dreg:$0x16];
	[sflag:s10] =	ssyncadd.s32 $0xFFFFD800  }
0x163: {  	[tilespmem:s16], [sflag:$0x4] =	stream.indirect.gather [hbm4b:s4+s12], $0x80, s9, s12, $0xb8;
	[tilespmem:$0x1FC00] =	vst v63  }
0x164: {  	_ =	swait.ge [sflag:s17], $0x2800  }
0x165: {  	[sflag:s17] =	ssyncset.done $0x0  }
0x166: {  	s9 =	rddreg [dreg:$0x17];
	[sflag:s17] =	ssyncadd.s32 $0xFFFFD800  }
0x167: {  	[spmem:s2] =	stream.indirect.scatter.add.f32 [tilespmem:s13], [sflag:$0x5], $0x80, s9, s12, $0xb8;
	[tilespmem:$0x1FC00] =	vst v63  }
0x168: {  	_ =	swait.ge [sflag:s10], $0x2800  }
0x169: {  	[sflag:s10] =	ssyncset.done $0x0  }
0x16a: {  	s9 =	rddreg [dreg:$0x18];
	[sflag:s10] =	ssyncadd.s32 $0xFFFFD800  }
0x16b: {  	[tilespmem:s13], [sflag:$0x1] =	stream.indirect.gather [hbm4b:s4+s12], $0x80, s9, s12, $0xb8;
	[tilespmem:$0x1FC00] =	vst v63  }
0x16c: {  	_ =	swait.ge [sflag:s18], $0x2800  }
0x16d: {  	[sflag:s18] =	ssyncset.done $0x0  }
0x16e: {  	s9 =	rddreg [dreg:$0x19];
	[sflag:s18] =	ssyncadd.s32 $0xFFFFD800  }
0x16f: {  	[spmem:s2] =	stream.indirect.scatter.add.f32 [tilespmem:s14], [sflag:$0x5], $0x80, s9, s12, $0xb8;
	[tilespmem:$0x1FC00] =	vst v63  }
0x170: {  	_ =	swait.ge [sflag:s10], $0x2800  }
0x171: {  	[sflag:s10] =	ssyncset.done $0x0  }
0x172: {  	s9 =	rddreg [dreg:$0x1a];
	[sflag:s10] =	ssyncadd.s32 $0xFFFFD800  }
0x173: {  	[tilespmem:s14], [sflag:$0x2] =	stream.indirect.gather [hbm4b:s4+s12], $0x80, s9, s12, $0xb8;
	[tilespmem:$0x1FC00] =	vst v63  }
0x174: {  	_ =	swait.ge [sflag:s19], $0x2800  }
0x175: {  	[sflag:s19] =	ssyncset.done $0x0  }
0x176: {  	s9 =	rddreg [dreg:$0x1b];
	[sflag:s19] =	ssyncadd.s32 $0xFFFFD800  }
0x177: {  	[spmem:s2] =	stream.indirect.scatter.add.f32 [tilespmem:s15], [sflag:$0x5], $0x80, s9, s12, $0xb8;
	[tilespmem:$0x1FC00] =	vst v63  }
0x178: {  	_ =	swait.ge [sflag:s10], $0x2800  }
0x179: {  	[sflag:s10] =	ssyncset.done $0x0  }
0x17a: {  	s9 =	rddreg [dreg:$0x1c];
	[sflag:s10] =	ssyncadd.s32 $0xFFFFD800  }
0x17b: {  	[tilespmem:s15], [sflag:$0x3] =	stream.indirect.gather [hbm4b:s4+s12], $0x80, s9, s12, $0xb8;
	[tilespmem:$0x1FC00] =	vst v63  }
0x17c: {  	_ =	swait.ge [sflag:s20], $0x2800  }
0x17d: {  	[sflag:s20] =	ssyncset.done $0x0  }
0x17e: {  	s9 =	rddreg [dreg:$0x1d];
	[sflag:s20] =	ssyncadd.s32 $0xFFFFD800  }
0x17f: {  	[spmem:s2] =	stream.indirect.scatter.add.f32 [tilespmem:s16], [sflag:$0x5], $0x80, s9, s12, $0xb8;
	[tilespmem:$0x1FC00] =	vst v63  }
0x180: {  	_ =	swait.ge [sflag:s10], $0x2800  }
0x181: {  	[sflag:s10] =	ssyncset.done $0x0  }
0x182: {  	s9 =	rddreg [dreg:$0x1e];
	[sflag:s10] =	ssyncadd.s32 $0xFFFFD800  }
0x183: {  	[tilespmem:s16], [sflag:$0x4] =	stream.indirect.gather [hbm4b:s4+s12], $0x80, s9, s12, $0xb8;
	[tilespmem:$0x1FC00] =	vst v63  }
0x184: {  	_ =	swait.ge [sflag:s17], $0x2800  }
0x185: {  	[sflag:s17] =	ssyncset.done $0x0  }
0x186: {  	s9 =	rddreg [dreg:$0x1f];
	[sflag:s17] =	ssyncadd.s32 $0xFFFFD800  }
0x187: {  	[spmem:s2] =	stream.indirect.scatter.add.f32 [tilespmem:s13], [sflag:$0x5], $0x80, s9, s12, $0xb8;
	[tilespmem:$0x1FC00] =	vst v63  }
0x188: {  	_ =	swait.ge [sflag:s10], $0x2800  }
0x189: {  	s9 =	sld [smem:$0x7F4]  }
0x18a: {  	[sflag:s10] =	ssyncset.done $0x0  }
0x18b: {  	[sflag:s10] =	ssyncadd.s32 $0xFFFFD800  }
0x18c: {  	[tilespmem:s13], [sflag:$0x1] =	stream.indirect.gather [hbm4b:s4+s12], $0x80, s9, s12, $0xb8;
	[tilespmem:$0x1FC00] =	vst v63  }
0x18d: {  	_ =	swait.ge [sflag:s18], $0x2800  }
0x18e: {  	s9 =	sld [smem:$0x7F5]  }
0x18f: {  	[sflag:s18] =	ssyncset.done $0x0  }
0x190: {  	[sflag:s18] =	ssyncadd.s32 $0xFFFFD800  }
0x191: {  	[spmem:s2] =	stream.indirect.scatter.add.f32 [tilespmem:s14], [sflag:$0x5], $0x80, s9, s12, $0xb8;
	[tilespmem:$0x1FC00] =	vst v63  }
0x192: {  	_ =	swait.ge [sflag:s10], $0x2800  }
0x193: {  	s9 =	sld [smem:$0x7F6]  }
0x194: {  	[sflag:s10] =	ssyncset.done $0x0  }
0x195: {  	[sflag:s10] =	ssyncadd.s32 $0xFFFFD800  }
0x196: {  	[tilespmem:s14], [sflag:$0x2] =	stream.indirect.gather [hbm4b:s4+s12], $0x80, s9, s12, $0xb8;
	[tilespmem:$0x1FC00] =	vst v63  }
0x197: {  	_ =	swait.ge [sflag:s19], $0x2800  }
0x198: {  	s9 =	sld [smem:$0x7F7]  }
0x199: {  	[sflag:s19] =	ssyncset.done $0x0  }
0x19a: {  	[sflag:s19] =	ssyncadd.s32 $0xFFFFD800  }
0x19b: {  	[spmem:s2] =	stream.indirect.scatter.add.f32 [tilespmem:s15], [sflag:$0x5], $0x80, s9, s12, $0xb8;
	[tilespmem:$0x1FC00] =	vst v63  }
0x19c: {  	_ =	swait.ge [sflag:s10], $0x2800  }
0x19d: {  	s9 =	sld [smem:$0x7F8]  }
0x19e: {  	[sflag:s10] =	ssyncset.done $0x0  }
0x19f: {  	[sflag:s10] =	ssyncadd.s32 $0xFFFFD800  }
0x1a0: {  	[tilespmem:s15], [sflag:$0x3] =	stream.indirect.gather [hbm4b:s4+s12], $0x80, s9, s12, $0xb8;
	[tilespmem:$0x1FC00] =	vst v63  }
0x1a1: {  	_ =	swait.ge [sflag:s20], $0x2800  }
0x1a2: {  	s9 =	sld [smem:$0x7F9]  }
0x1a3: {  	[sflag:s20] =	ssyncset.done $0x0  }
0x1a4: {  	[sflag:s20] =	ssyncadd.s32 $0xFFFFD800  }
0x1a5: {  	[spmem:s2] =	stream.indirect.scatter.add.f32 [tilespmem:s16], [sflag:$0x5], $0x80, s9, s12, $0xb8;
	[tilespmem:$0x1FC00] =	vst v63  }
0x1a6: {  	_ =	swait.ge [sflag:s10], $0x2800  }
0x1a7: {  	s9 =	sld [smem:$0x7FA]  }
0x1a8: {  	[sflag:s10] =	ssyncset.done $0x0  }
0x1a9: {  	[sflag:s10] =	ssyncadd.s32 $0xFFFFD800  }
0x1aa: {  	[tilespmem:s16], [sflag:$0x4] =	stream.indirect.gather [hbm4b:s4+s12], $0x80, s9, s12, $0xb8;
	[tilespmem:$0x1FC00] =	vst v63  }
0x1ab: {  	_ =	swait.ge [sflag:s17], $0x2800  }
0x1ac: {  	s9 =	sld [smem:$0x7FB]  }
0x1ad: {  	[sflag:s17] =	ssyncset.done $0x0  }
0x1ae: {  	[sflag:s17] =	ssyncadd.s32 $0xFFFFD800  }
0x1af: {  	[spmem:s2] =	stream.indirect.scatter.add.f32 [tilespmem:s13], [sflag:$0x5], $0x80, s9, s12, $0xb8;
	[tilespmem:$0x1FC00] =	vst v63  }
0x1b0: {  	_ =	swait.ge [sflag:s10], $0x2800  }
0x1b1: {  	[sflag:s10] =	ssyncset.done $0x0  }
0x1b2: {  	[sflag:s10] =	ssyncadd.s32 $0xFFFFD800  }
0x1b3: {  	[tilespmem:s13], [sflag:$0x1] =	stream.indirect.gather [hbm4b:s4+s12], $0x80, s21, s12, $0xb8;
	[tilespmem:$0x1FC00] =	vst v63  }
0x1b4: {  	_ =	swait.ge [sflag:s18], $0x2800  }
0x1b5: {  	[sflag:s18] =	ssyncset.done $0x0  }
0x1b6: {  	[sflag:s18] =	ssyncadd.s32 $0xFFFFD800  }
0x1b7: {  	[spmem:s2] =	stream.indirect.scatter.add.f32 [tilespmem:s14], [sflag:$0x5], $0x80, s22, s12, $0xb8;
	[tilespmem:$0x1FC00] =	vst v63  }
0x1b8: {  	_ =	swait.ge [sflag:s10], $0x2800  }
0x1b9: {  	[sflag:s10] =	ssyncset.done $0x0  }
0x1ba: {  	[sflag:s10] =	ssyncadd.s32 $0xFFFFD800  }
0x1bb: {  	[tilespmem:s14], [sflag:$0x2] =	stream.indirect.gather [hbm4b:s4+s12], $0x80, s23, s12, $0xb8;
	[tilespmem:$0x1FC00] =	vst v63  }
0x1bc: {  	_ =	swait.ge [sflag:s19], $0x2800  }
0x1bd: {  	[sflag:s19] =	ssyncset.done $0x0  }
0x1be: {  	[sflag:s19] =	ssyncadd.s32 $0xFFFFD800  }
0x1bf: {  	[spmem:s2] =	stream.indirect.scatter.add.f32 [tilespmem:s15], [sflag:$0x5], $0x80, s24, s12, $0xb8;
	[tilespmem:$0x1FC00] =	vst v63  }
0x1c0: {  	_ =	swait.ge [sflag:s10], $0x2800  }
0x1c1: {  	[sflag:s10] =	ssyncset.done $0x0  }
0x1c2: {  	[sflag:s10] =	ssyncadd.s32 $0xFFFFD800  }
0x1c3: {  	[tilespmem:s15], [sflag:$0x3] =	stream.indirect.gather [hbm4b:s4+s12], $0x80, s25, s12, $0xb8;
	[tilespmem:$0x1FC00] =	vst v63  }
0x1c4: {  	_ =	swait.ge [sflag:s20], $0x2800  }
0x1c5: {  	[sflag:s20] =	ssyncset.done $0x0  }
0x1c6: {  	[sflag:s20] =	ssyncadd.s32 $0xFFFFD800  }
0x1c7: {  	[spmem:s2] =	stream.indirect.scatter.add.f32 [tilespmem:s16], [sflag:$0x5], $0x80, s26, s12, $0xb8;
	[tilespmem:$0x1FC00] =	vst v63  }
0x1c8: {  	_ =	swait.ge [sflag:s10], $0x2800  }
0x1c9: {  	[sflag:s10] =	ssyncset.done $0x0  }
0x1ca: {  	[sflag:s10] =	ssyncadd.s32 $0xFFFFD800  }
0x1cb: {  	[tilespmem:s16], [sflag:$0x4] =	stream.indirect.gather [hbm4b:s4+s12], $0x80, s28, s12, $0xb8;
	[tilespmem:$0x1FC00] =	vst v63  }
0x1cc: {  	_ =	swait.ge [sflag:s17], $0x2800  }
0x1cd: {  	[sflag:s17] =	ssyncset.done $0x0  }
0x1ce: {  	[sflag:s17] =	ssyncadd.s32 $0xFFFFD800  }
0x1cf: {  	[spmem:s2] =	stream.indirect.scatter.add.f32 [tilespmem:s13], [sflag:$0x5], $0x80, s29, s12, $0xb8;
	[tilespmem:$0x1FC00] =	vst v63  }
0x1d0: {  	_ =	swait.ge [sflag:s10], $0x2800  }
0x1d1: {  	[sflag:s10] =	ssyncset.done $0x0  }
0x1d2: {  	[sflag:s10] =	ssyncadd.s32 $0xFFFFD800  }
0x1d3: {  	[tilespmem:s13], [sflag:$0x1] =	stream.indirect.gather [hbm4b:s4+s12], $0x80, s30, s12, $0xb8;
	[tilespmem:$0x1FC00] =	vst v63  }
0x1d4: {  	_ =	swait.ge [sflag:s18], $0x2800  }
0x1d5: {  	[sflag:s18] =	ssyncset.done $0x0  }
0x1d6: {  	[sflag:s18] =	ssyncadd.s32 $0xFFFFD800  }
0x1d7: {  	[spmem:s2] =	stream.indirect.scatter.add.f32 [tilespmem:s14], [sflag:$0x5], $0x80, s31, s12, $0xb8;
	[tilespmem:$0x1FC00] =	vst v63  }
0x1d8: {  	_ =	swait.ge [sflag:s10], $0x2800  }
0x1d9: {  	[sflag:s10] =	ssyncset.done $0x0  }
0x1da: {  	[sflag:s10] =	ssyncadd.s32 $0xFFFFD800  }
0x1db: {  	_ =	swait.ge [sflag:s19], $0x2800  }
0x1dc: {  	[sflag:s19] =	ssyncset.done $0x0  }
0x1dd: {  	[sflag:s19] =	ssyncadd.s32 $0xFFFFD800  }
0x1de: {  	[spmem:s2] =	stream.indirect.scatter.add.f32 [tilespmem:s15], [sflag:$0x5], $0x80, s1, s12, $0xb8;
	[tilespmem:$0x1FC00] =	vst v63  }
0x1df: {  	_ =	swait.ge [sflag:s10], $0x2800  }
0x1e0: {  	[sflag:s10] =	ssyncset.done $0x0  }
0x1e1: {  	[sflag:s10] =	ssyncadd.s32 $0xFFFFD800  }
0x1e2: {  	_ =	swait.ge [sflag:s20], $0x2800  }
0x1e3: {  	[sflag:s20] =	ssyncset.done $0x0  }
0x1e4: {  	[sflag:s20] =	ssyncadd.s32 $0xFFFFD800  }
0x1e5: {  	[spmem:s2] =	stream.indirect.scatter.add.f32 [tilespmem:s16], [sflag:$0x5], $0x80, s0, s12, $0xb8;
	[tilespmem:$0x1FC00] =	vst v63  }
0x1e6: {  	_ =	swait.ge [sflag:s10], $0x2800  }
0x1e7: {  	[sflag:s10] =	ssyncset.done $0x0  }
0x1e8: {  	[sflag:s10] =	ssyncadd.s32 $0xFFFFD800  }
0x1e9: {  	p0 =	sne.s32 s6, $0x800;
	_ =	swait.ge [sflag:s17], $0x2800  }
.Ltmp0:
0x1ea: {  	[sflag:s17] =	ssyncset.done $0x0;
	(pc) =	sbr.rel @p0 .LBB2_2-.Ltmp0, $4  }
0x1eb: {  	[sflag:s17] =	ssyncadd.s32 $0xFFFFD800  }
0x1ec: {  	[spmem:s2] =	stream.indirect.scatter.add.f32 [tilespmem:s13], [sflag:$0x5], $0x80, s5, s12, $0xb8;
	[tilespmem:$0x1FC00] =	vst v63  }
0x1ed: {  	_ =	swait.ge [sflag:s10], $0x2800  }
0x1ee: {  	s6 =	sadd.s32 $0x200, s6;
	s9 =	rddreg [dreg:$0x4];
	[sflag:s10] =	ssyncset.done $0x0  }
0x1ef: {  	[sflag:s10] =	ssyncadd.s32 $0xFFFFD800;
	s6 =	sadd.s32 s8, s9  }
0x1f0: {  	[tilespmem:s3], [sflag:$0x5] =	stream.linear.gather [hbm4b:s6+s3], $0xC80, $0x38;
	[tilespmem:$0x1FC00] =	vst v63  }
0x1f1: {  	_ =	swait.ge [sflag:s10], $0xC80  }
0x1f2: {  	s7 =	rddreg [dreg:$0x3];
	[sflag:s10] =	ssyncset.done $0x0  }
0x1f3: {  	[sflag:s10] =	ssyncadd.s32 $0xFFFFF380;
	s6 =	sadd.s32 s8, s7  }
0x1f4: {  	[tilespmem:s11], [sflag:$0x5] =	stream.linear.gather [hbm4b:s6+s3], $0xC80, $0x38;
	[tilespmem:$0x1FC00] =	vst v63  }
0x1f5: {  	_ =	swait.ge [sflag:s10], $0xC80  }
0x1f6: {  	[sflag:s10] =	ssyncset.done $0x0  }
0x1f7: {  	[sflag:s10] =	ssyncadd.s32 $0xFFFFF380  }
0x1f8: {  	[tilespmem:s13], [sflag:$0x1] =	stream.indirect.gather [hbm4b:s4+s12], $0x80, s3, s12, $0xb8;
	[tilespmem:$0x1FC00] =	vst v63  }
0x1f9: {  	s8 =	rddreg [dreg:$0x5]  }
0x1fa: {  	[tilespmem:s14], [sflag:$0x2] =	stream.indirect.gather [hbm4b:s4+s12], $0x80, s8, s12, $0xb8;
	[tilespmem:$0x1FC00] =	vst v63  }
0x1fb: {  	s7 =	rddreg [dreg:$0x6]  }
0x1fc: {  	[tilespmem:s15], [sflag:$0x3] =	stream.indirect.gather [hbm4b:s4+s12], $0x80, s7, s12, $0xb8;
	[tilespmem:$0x1FC00] =	vst v63  }
0x1fd: {  	s9 =	rddreg [dreg:$0x7]  }
0x1fe: {  	[tilespmem:s16], [sflag:$0x4] =	stream.indirect.gather [hbm4b:s4+s12], $0x80, s9, s12, $0xb8;
	[tilespmem:$0x1FC00] =	vst v63  }
0x1ff: {  	_ =	swait.ge [sflag:s17], $0x2800  }
0x200: {  	[sflag:s17] =	ssyncset.done $0x0  }
0x201: {  	[sflag:s17] =	ssyncadd.s32 $0xFFFFD800  }
0x202: {  	[spmem:s2] =	stream.indirect.scatter.add.f32 [tilespmem:s13], [sflag:$0x5], $0x80, s11, s12, $0xb8;
	[tilespmem:$0x1FC00] =	vst v63  }
0x203: {  	_ =	swait.ge [sflag:s10], $0x2800  }
0x204: {  	[sflag:s10] =	ssyncset.done $0x0  }
0x205: {  	s7 =	rddreg [dreg:$0x8];
	[sflag:s10] =	ssyncadd.s32 $0xFFFFD800  }
0x206: {  	[tilespmem:s13], [sflag:$0x1] =	stream.indirect.gather [hbm4b:s4+s12], $0x80, s7, s12, $0xb8;
	[tilespmem:$0x1FC00] =	vst v63  }
0x207: {  	_ =	swait.ge [sflag:s18], $0x2800  }
0x208: {  	[sflag:s18] =	ssyncset.done $0x0  }
0x209: {  	s8 =	rddreg [dreg:$0x9];
	[sflag:s18] =	ssyncadd.s32 $0xFFFFD800  }
0x20a: {  	[spmem:s2] =	stream.indirect.scatter.add.f32 [tilespmem:s14], [sflag:$0x5], $0x80, s8, s12, $0xb8;
	[tilespmem:$0x1FC00] =	vst v63  }
0x20b: {  	_ =	swait.ge [sflag:s10], $0x2800  }
0x20c: {  	[sflag:s10] =	ssyncset.done $0x0  }
0x20d: {  	s9 =	rddreg [dreg:$0xa];
	[sflag:s10] =	ssyncadd.s32 $0xFFFFD800  }
0x20e: {  	[tilespmem:s14], [sflag:$0x2] =	stream.indirect.gather [hbm4b:s4+s12], $0x80, s9, s12, $0xb8;
	[tilespmem:$0x1FC00] =	vst v63  }
0x20f: {  	_ =	swait.ge [sflag:s19], $0x2800  }
0x210: {  	[sflag:s19] =	ssyncset.done $0x0  }
0x211: {  	s7 =	rddreg [dreg:$0xb];
	[sflag:s19] =	ssyncadd.s32 $0xFFFFD800  }
0x212: {  	[spmem:s2] =	stream.indirect.scatter.add.f32 [tilespmem:s15], [sflag:$0x5], $0x80, s7, s12, $0xb8;
	[tilespmem:$0x1FC00] =	vst v63  }
0x213: {  	_ =	swait.ge [sflag:s10], $0x2800  }
0x214: {  	[sflag:s10] =	ssyncset.done $0x0  }
0x215: {  	s8 =	rddreg [dreg:$0xc];
	[sflag:s10] =	ssyncadd.s32 $0xFFFFD800  }
0x216: {  	[tilespmem:s15], [sflag:$0x3] =	stream.indirect.gather [hbm4b:s4+s12], $0x80, s8, s12, $0xb8;
	[tilespmem:$0x1FC00] =	vst v63  }
0x217: {  	_ =	swait.ge [sflag:s20], $0x2800  }
0x218: {  	[sflag:s20] =	ssyncset.done $0x0  }
0x219: {  	s9 =	rddreg [dreg:$0xd];
	[sflag:s20] =	ssyncadd.s32 $0xFFFFD800  }
0x21a: {  	[spmem:s2] =	stream.indirect.scatter.add.f32 [tilespmem:s16], [sflag:$0x5], $0x80, s9, s12, $0xb8;
	[tilespmem:$0x1FC00] =	vst v63  }
0x21b: {  	_ =	swait.ge [sflag:s10], $0x2800  }
0x21c: {  	[sflag:s10] =	ssyncset.done $0x0  }
0x21d: {  	s7 =	rddreg [dreg:$0xe];
	[sflag:s10] =	ssyncadd.s32 $0xFFFFD800  }
0x21e: {  	[tilespmem:s16], [sflag:$0x4] =	stream.indirect.gather [hbm4b:s4+s12], $0x80, s7, s12, $0xb8;
	[tilespmem:$0x1FC00] =	vst v63  }
0x21f: {  	_ =	swait.ge [sflag:s17], $0x2800  }
0x220: {  	[sflag:s17] =	ssyncset.done $0x0  }
0x221: {  	s8 =	rddreg [dreg:$0xf];
	[sflag:s17] =	ssyncadd.s32 $0xFFFFD800  }
0x222: {  	[spmem:s2] =	stream.indirect.scatter.add.f32 [tilespmem:s13], [sflag:$0x5], $0x80, s8, s12, $0xb8;
	[tilespmem:$0x1FC00] =	vst v63  }
0x223: {  	_ =	swait.ge [sflag:s10], $0x2800  }
0x224: {  	[sflag:s10] =	ssyncset.done $0x0  }
0x225: {  	s9 =	rddreg [dreg:$0x10];
	[sflag:s10] =	ssyncadd.s32 $0xFFFFD800  }
0x226: {  	[tilespmem:s13], [sflag:$0x1] =	stream.indirect.gather [hbm4b:s4+s12], $0x80, s9, s12, $0xb8;
	[tilespmem:$0x1FC00] =	vst v63  }
0x227: {  	_ =	swait.ge [sflag:s18], $0x2800  }
0x228: {  	[sflag:s18] =	ssyncset.done $0x0  }
0x229: {  	s7 =	rddreg [dreg:$0x11];
	[sflag:s18] =	ssyncadd.s32 $0xFFFFD800  }
0x22a: {  	[spmem:s2] =	stream.indirect.scatter.add.f32 [tilespmem:s14], [sflag:$0x5], $0x80, s7, s12, $0xb8;
	[tilespmem:$0x1FC00] =	vst v63  }
0x22b: {  	_ =	swait.ge [sflag:s10], $0x2800  }
0x22c: {  	[sflag:s10] =	ssyncset.done $0x0  }
0x22d: {  	s8 =	rddreg [dreg:$0x12];
	[sflag:s10] =	ssyncadd.s32 $0xFFFFD800  }
0x22e: {  	[tilespmem:s14], [sflag:$0x2] =	stream.indirect.gather [hbm4b:s4+s12], $0x80, s8, s12, $0xb8;
	[tilespmem:$0x1FC00] =	vst v63  }
0x22f: {  	_ =	swait.ge [sflag:s19], $0x2800  }
0x230: {  	[sflag:s19] =	ssyncset.done $0x0  }
0x231: {  	s9 =	rddreg [dreg:$0x13];
	[sflag:s19] =	ssyncadd.s32 $0xFFFFD800  }
0x232: {  	[spmem:s2] =	stream.indirect.scatter.add.f32 [tilespmem:s15], [sflag:$0x5], $0x80, s9, s12, $0xb8;
	[tilespmem:$0x1FC00] =	vst v63  }
0x233: {  	_ =	swait.ge [sflag:s10], $0x2800  }
0x234: {  	[sflag:s10] =	ssyncset.done $0x0  }
0x235: {  	s7 =	rddreg [dreg:$0x14];
	[sflag:s10] =	ssyncadd.s32 $0xFFFFD800  }
0x236: {  	[tilespmem:s15], [sflag:$0x3] =	stream.indirect.gather [hbm4b:s4+s12], $0x80, s7, s12, $0xb8;
	[tilespmem:$0x1FC00] =	vst v63  }
0x237: {  	_ =	swait.ge [sflag:s20], $0x2800  }
0x238: {  	[sflag:s20] =	ssyncset.done $0x0  }
0x239: {  	s8 =	rddreg [dreg:$0x15];
	[sflag:s20] =	ssyncadd.s32 $0xFFFFD800  }
0x23a: {  	[spmem:s2] =	stream.indirect.scatter.add.f32 [tilespmem:s16], [sflag:$0x5], $0x80, s8, s12, $0xb8;
	[tilespmem:$0x1FC00] =	vst v63  }
0x23b: {  	_ =	swait.ge [sflag:s10], $0x2800  }
0x23c: {  	[sflag:s10] =	ssyncset.done $0x0  }
0x23d: {  	s9 =	rddreg [dreg:$0x16];
	[sflag:s10] =	ssyncadd.s32 $0xFFFFD800  }
0x23e: {  	[tilespmem:s16], [sflag:$0x4] =	stream.indirect.gather [hbm4b:s4+s12], $0x80, s9, s12, $0xb8;
	[tilespmem:$0x1FC00] =	vst v63  }
0x23f: {  	_ =	swait.ge [sflag:s17], $0x2800  }
0x240: {  	[sflag:s17] =	ssyncset.done $0x0  }
0x241: {  	s7 =	rddreg [dreg:$0x17];
	[sflag:s17] =	ssyncadd.s32 $0xFFFFD800  }
0x242: {  	[spmem:s2] =	stream.indirect.scatter.add.f32 [tilespmem:s13], [sflag:$0x5], $0x80, s7, s12, $0xb8;
	[tilespmem:$0x1FC00] =	vst v63  }
0x243: {  	_ =	swait.ge [sflag:s10], $0x2800  }
0x244: {  	[sflag:s10] =	ssyncset.done $0x0  }
0x245: {  	s8 =	rddreg [dreg:$0x18];
	[sflag:s10] =	ssyncadd.s32 $0xFFFFD800  }
0x246: {  	[tilespmem:s13], [sflag:$0x1] =	stream.indirect.gather [hbm4b:s4+s12], $0x80, s8, s12, $0xb8;
	[tilespmem:$0x1FC00] =	vst v63  }
0x247: {  	_ =	swait.ge [sflag:s18], $0x2800  }
0x248: {  	[sflag:s18] =	ssyncset.done $0x0  }
0x249: {  	s9 =	rddreg [dreg:$0x19];
	[sflag:s18] =	ssyncadd.s32 $0xFFFFD800  }
0x24a: {  	[spmem:s2] =	stream.indirect.scatter.add.f32 [tilespmem:s14], [sflag:$0x5], $0x80, s9, s12, $0xb8;
	[tilespmem:$0x1FC00] =	vst v63  }
0x24b: {  	_ =	swait.ge [sflag:s10], $0x2800  }
0x24c: {  	[sflag:s10] =	ssyncset.done $0x0  }
0x24d: {  	s7 =	rddreg [dreg:$0x1a];
	[sflag:s10] =	ssyncadd.s32 $0xFFFFD800  }
0x24e: {  	[tilespmem:s14], [sflag:$0x2] =	stream.indirect.gather [hbm4b:s4+s12], $0x80, s7, s12, $0xb8;
	[tilespmem:$0x1FC00] =	vst v63  }
0x24f: {  	_ =	swait.ge [sflag:s19], $0x2800  }
0x250: {  	[sflag:s19] =	ssyncset.done $0x0  }
0x251: {  	s8 =	rddreg [dreg:$0x1b];
	[sflag:s19] =	ssyncadd.s32 $0xFFFFD800  }
0x252: {  	[spmem:s2] =	stream.indirect.scatter.add.f32 [tilespmem:s15], [sflag:$0x5], $0x80, s8, s12, $0xb8;
	[tilespmem:$0x1FC00] =	vst v63  }
0x253: {  	_ =	swait.ge [sflag:s10], $0x2800  }
0x254: {  	[sflag:s10] =	ssyncset.done $0x0  }
0x255: {  	s9 =	rddreg [dreg:$0x1c];
	[sflag:s10] =	ssyncadd.s32 $0xFFFFD800  }
0x256: {  	[tilespmem:s15], [sflag:$0x3] =	stream.indirect.gather [hbm4b:s4+s12], $0x80, s9, s12, $0xb8;
	[tilespmem:$0x1FC00] =	vst v63  }
0x257: {  	_ =	swait.ge [sflag:s20], $0x2800  }
0x258: {  	[sflag:s20] =	ssyncset.done $0x0  }
0x259: {  	s7 =	rddreg [dreg:$0x1d];
	[sflag:s20] =	ssyncadd.s32 $0xFFFFD800  }
0x25a: {  	[spmem:s2] =	stream.indirect.scatter.add.f32 [tilespmem:s16], [sflag:$0x5], $0x80, s7, s12, $0xb8;
	[tilespmem:$0x1FC00] =	vst v63  }
0x25b: {  	_ =	swait.ge [sflag:s10], $0x2800  }
0x25c: {  	[sflag:s10] =	ssyncset.done $0x0  }
0x25d: {  	s8 =	rddreg [dreg:$0x1e];
	[sflag:s10] =	ssyncadd.s32 $0xFFFFD800  }
0x25e: {  	[tilespmem:s16], [sflag:$0x4] =	stream.indirect.gather [hbm4b:s4+s12], $0x80, s8, s12, $0xb8;
	[tilespmem:$0x1FC00] =	vst v63  }
0x25f: {  	_ =	swait.ge [sflag:s17], $0x2800  }
0x260: {  	[sflag:s17] =	ssyncset.done $0x0  }
0x261: {  	s9 =	rddreg [dreg:$0x1f];
	[sflag:s17] =	ssyncadd.s32 $0xFFFFD800  }
0x262: {  	[spmem:s2] =	stream.indirect.scatter.add.f32 [tilespmem:s13], [sflag:$0x5], $0x80, s9, s12, $0xb8;
	[tilespmem:$0x1FC00] =	vst v63  }
0x263: {  	_ =	swait.ge [sflag:s10], $0x2800  }
0x264: {  	s7 =	sld [smem:$0x7F4]  }
0x265: {  	[sflag:s10] =	ssyncset.done $0x0  }
0x266: {  	[sflag:s10] =	ssyncadd.s32 $0xFFFFD800  }
0x267: {  	[tilespmem:s13], [sflag:$0x1] =	stream.indirect.gather [hbm4b:s4+s12], $0x80, s7, s12, $0xb8;
	[tilespmem:$0x1FC00] =	vst v63  }
0x268: {  	_ =	swait.ge [sflag:s18], $0x2800  }
0x269: {  	s8 =	sld [smem:$0x7F5]  }
0x26a: {  	[sflag:s18] =	ssyncset.done $0x0  }
0x26b: {  	[sflag:s18] =	ssyncadd.s32 $0xFFFFD800  }
0x26c: {  	[spmem:s2] =	stream.indirect.scatter.add.f32 [tilespmem:s14], [sflag:$0x5], $0x80, s8, s12, $0xb8;
	[tilespmem:$0x1FC00] =	vst v63  }
0x26d: {  	_ =	swait.ge [sflag:s10], $0x2800  }
0x26e: {  	s9 =	sld [smem:$0x7F6]  }
0x26f: {  	[sflag:s10] =	ssyncset.done $0x0  }
0x270: {  	[sflag:s10] =	ssyncadd.s32 $0xFFFFD800  }
0x271: {  	[tilespmem:s14], [sflag:$0x2] =	stream.indirect.gather [hbm4b:s4+s12], $0x80, s9, s12, $0xb8;
	[tilespmem:$0x1FC00] =	vst v63  }
0x272: {  	_ =	swait.ge [sflag:s19], $0x2800  }
0x273: {  	s7 =	sld [smem:$0x7F7]  }
0x274: {  	[sflag:s19] =	ssyncset.done $0x0  }
0x275: {  	[sflag:s19] =	ssyncadd.s32 $0xFFFFD800  }
0x276: {  	[spmem:s2] =	stream.indirect.scatter.add.f32 [tilespmem:s15], [sflag:$0x5], $0x80, s7, s12, $0xb8;
	[tilespmem:$0x1FC00] =	vst v63  }
0x277: {  	_ =	swait.ge [sflag:s10], $0x2800  }
0x278: {  	s8 =	sld [smem:$0x7F8]  }
0x279: {  	[sflag:s10] =	ssyncset.done $0x0  }
0x27a: {  	[sflag:s10] =	ssyncadd.s32 $0xFFFFD800  }
0x27b: {  	[tilespmem:s15], [sflag:$0x3] =	stream.indirect.gather [hbm4b:s4+s12], $0x80, s8, s12, $0xb8;
	[tilespmem:$0x1FC00] =	vst v63  }
0x27c: {  	_ =	swait.ge [sflag:s20], $0x2800  }
0x27d: {  	s9 =	sld [smem:$0x7F9]  }
0x27e: {  	[sflag:s20] =	ssyncset.done $0x0  }
0x27f: {  	[sflag:s20] =	ssyncadd.s32 $0xFFFFD800  }
0x280: {  	[spmem:s2] =	stream.indirect.scatter.add.f32 [tilespmem:s16], [sflag:$0x5], $0x80, s9, s12, $0xb8;
	[tilespmem:$0x1FC00] =	vst v63  }
0x281: {  	_ =	swait.ge [sflag:s10], $0x2800  }
0x282: {  	s7 =	sld [smem:$0x7FA]  }
0x283: {  	[sflag:s10] =	ssyncset.done $0x0  }
0x284: {  	[sflag:s10] =	ssyncadd.s32 $0xFFFFD800  }
0x285: {  	[tilespmem:s16], [sflag:$0x4] =	stream.indirect.gather [hbm4b:s4+s12], $0x80, s7, s12, $0xb8;
	[tilespmem:$0x1FC00] =	vst v63  }
0x286: {  	_ =	swait.ge [sflag:s17], $0x2800  }
0x287: {  	s8 =	sld [smem:$0x7FB]  }
0x288: {  	[sflag:s17] =	ssyncset.done $0x0  }
0x289: {  	[sflag:s17] =	ssyncadd.s32 $0xFFFFD800  }
0x28a: {  	[spmem:s2] =	stream.indirect.scatter.add.f32 [tilespmem:s13], [sflag:$0x5], $0x80, s8, s12, $0xb8;
	[tilespmem:$0x1FC00] =	vst v63  }
0x28b: {  	_ =	swait.ge [sflag:s10], $0x2800  }
0x28c: {  	[sflag:s10] =	ssyncset.done $0x0  }
0x28d: {  	[sflag:s10] =	ssyncadd.s32 $0xFFFFD800  }
0x28e: {  	[tilespmem:s13], [sflag:$0x1] =	stream.indirect.gather [hbm4b:s4+s12], $0x80, s21, s12, $0xb8;
	[tilespmem:$0x1FC00] =	vst v63  }
0x28f: {  	_ =	swait.ge [sflag:s18], $0x2800  }
0x290: {  	[sflag:s18] =	ssyncset.done $0x0  }
0x291: {  	[sflag:s18] =	ssyncadd.s32 $0xFFFFD800  }
0x292: {  	[spmem:s2] =	stream.indirect.scatter.add.f32 [tilespmem:s14], [sflag:$0x5], $0x80, s22, s12, $0xb8;
	[tilespmem:$0x1FC00] =	vst v63  }
0x293: {  	_ =	swait.ge [sflag:s10], $0x2800  }
0x294: {  	[sflag:s10] =	ssyncset.done $0x0  }
0x295: {  	[sflag:s10] =	ssyncadd.s32 $0xFFFFD800  }
0x296: {  	[tilespmem:s14], [sflag:$0x2] =	stream.indirect.gather [hbm4b:s4+s12], $0x80, s23, s12, $0xb8;
	[tilespmem:$0x1FC00] =	vst v63  }
0x297: {  	_ =	swait.ge [sflag:s19], $0x2800  }
0x298: {  	[sflag:s19] =	ssyncset.done $0x0  }
0x299: {  	[sflag:s19] =	ssyncadd.s32 $0xFFFFD800  }
0x29a: {  	[spmem:s2] =	stream.indirect.scatter.add.f32 [tilespmem:s15], [sflag:$0x5], $0x80, s24, s12, $0xb8;
	[tilespmem:$0x1FC00] =	vst v63  }
0x29b: {  	_ =	swait.ge [sflag:s10], $0x2800  }
0x29c: {  	[sflag:s10] =	ssyncset.done $0x0  }
0x29d: {  	[sflag:s10] =	ssyncadd.s32 $0xFFFFD800  }
0x29e: {  	[tilespmem:s15], [sflag:$0x3] =	stream.indirect.gather [hbm4b:s4+s12], $0x80, s25, s12, $0xb8;
	[tilespmem:$0x1FC00] =	vst v63  }
0x29f: {  	_ =	swait.ge [sflag:s20], $0x2800  }
0x2a0: {  	[sflag:s20] =	ssyncset.done $0x0  }
0x2a1: {  	[sflag:s20] =	ssyncadd.s32 $0xFFFFD800  }
0x2a2: {  	[spmem:s2] =	stream.indirect.scatter.add.f32 [tilespmem:s16], [sflag:$0x5], $0x80, s26, s12, $0xb8;
	[tilespmem:$0x1FC00] =	vst v63  }
0x2a3: {  	_ =	swait.ge [sflag:s10], $0x2800  }
0x2a4: {  	[sflag:s10] =	ssyncset.done $0x0  }
0x2a5: {  	[sflag:s10] =	ssyncadd.s32 $0xFFFFD800  }
0x2a6: {  	[tilespmem:s16], [sflag:$0x4] =	stream.indirect.gather [hbm4b:s4+s12], $0x80, s28, s12, $0xb8;
	[tilespmem:$0x1FC00] =	vst v63  }
0x2a7: {  	_ =	swait.ge [sflag:s17], $0x2800  }
0x2a8: {  	[sflag:s17] =	ssyncset.done $0x0  }
0x2a9: {  	[sflag:s17] =	ssyncadd.s32 $0xFFFFD800  }
0x2aa: {  	[spmem:s2] =	stream.indirect.scatter.add.f32 [tilespmem:s13], [sflag:$0x5], $0x80, s29, s12, $0xb8;
	[tilespmem:$0x1FC00] =	vst v63  }
0x2ab: {  	_ =	swait.ge [sflag:s10], $0x2800  }
0x2ac: {  	[sflag:s10] =	ssyncset.done $0x0  }
0x2ad: {  	[sflag:s10] =	ssyncadd.s32 $0xFFFFD800  }
0x2ae: {  	[tilespmem:s13], [sflag:$0x1] =	stream.indirect.gather [hbm4b:s4+s12], $0x80, s30, s12, $0xb8;
	[tilespmem:$0x1FC00] =	vst v63  }
0x2af: {  	_ =	swait.ge [sflag:s18], $0x2800  }
0x2b0: {  	[sflag:s18] =	ssyncset.done $0x0  }
0x2b1: {  	[sflag:s18] =	ssyncadd.s32 $0xFFFFD800  }
0x2b2: {  	[spmem:s2] =	stream.indirect.scatter.add.f32 [tilespmem:s14], [sflag:$0x5], $0x80, s31, s12, $0xb8;
	[tilespmem:$0x1FC00] =	vst v63  }
0x2b3: {  	_ =	swait.ge [sflag:s10], $0x2800  }
0x2b4: {  	[sflag:s10] =	ssyncset.done $0x0  }
0x2b5: {  	[sflag:s10] =	ssyncadd.s32 $0xFFFFD800  }
0x2b6: {  	_ =	swait.ge [sflag:s19], $0x2800  }
0x2b7: {  	[sflag:s19] =	ssyncset.done $0x0  }
0x2b8: {  	[sflag:s19] =	ssyncadd.s32 $0xFFFFD800  }
0x2b9: {  	[spmem:s2] =	stream.indirect.scatter.add.f32 [tilespmem:s15], [sflag:$0x5], $0x80, s1, s12, $0xb8;
	[tilespmem:$0x1FC00] =	vst v63  }
0x2ba: {  	_ =	swait.ge [sflag:s10], $0x2800  }
0x2bb: {  	[sflag:s10] =	ssyncset.done $0x0  }
0x2bc: {  	[sflag:s10] =	ssyncadd.s32 $0xFFFFD800  }
0x2bd: {  	_ =	swait.ge [sflag:s20], $0x2800  }
0x2be: {  	[sflag:s20] =	ssyncset.done $0x0  }
0x2bf: {  	[sflag:s20] =	ssyncadd.s32 $0xFFFFD800  }
0x2c0: {  	[spmem:s2] =	stream.indirect.scatter.add.f32 [tilespmem:s16], [sflag:$0x5], $0x80, s0, s12, $0xb8;
	[tilespmem:$0x1FC00] =	vst v63  }
0x2c1: {  	_ =	swait.ge [sflag:s10], $0x2800  }
0x2c2: {  	[sflag:s10] =	ssyncset.done $0x0  }
0x2c3: {  	[sflag:s10] =	ssyncadd.s32 $0xFFFFD800  }
0x2c4: {  	_ =	swait.ge [sflag:s17], $0x2800  }
0x2c5: {  	[sflag:s17] =	ssyncset.done $0x0  }
0x2c6: {  	[sflag:s17] =	ssyncadd.s32 $0xFFFFD800  }
0x2c7: {  	[spmem:s2] =	stream.indirect.scatter.add.f32 [tilespmem:s13], [sflag:$0x5], $0x80, s5, s12, $0xb8;
	[tilespmem:$0x1FC00] =	vst v63  }
0x2c8: {  	_ =	swait.ge [sflag:s10], $0x2800  }
0x2c9: {  	[sflag:s10] =	ssyncset.done $0x0  }
0x2ca: {  	[sflag:s10] =	ssyncadd.s32 $0xFFFFD800  }
0x2cb: {  	[bflag:$0x0] =	sbarrier.arrive $0xFFFF  }
0x2cc: {  	s7 =	sld [smem:$0x7FC]  }
0x2cd: {  	s9 =	sld [smem:$0x7F2]  }
0x2ce: {  	s8 =	sld [smem:$0x7FD];
	_ =	sdelay $0x2  }
0x2cf: {  	[hbm:s9], [sflag:s7] =	dma.local [spmem:s8], $0x2780  }
0x2d0: {  	_ =	swait.ge [sflag:s10], $0x2780  }
0x2d1: {  	s6 =	sld [smem:$0x7F0];
	_ =	sdelay $0x2  }
0x2d2: {  	s9 =	sadd.s32 $0x1, s6;
	s6 =	sld [smem:$0x7F3];
	_ =	sdelay $0x2  }
0x2d3: {  	p0 =	sne.s32 s9, s6  }
.Ltmp1:
0x2d4: {  	_ = 	snop;
	(pc) =	sbr.rel @p0 .LBB2_1-.Ltmp1, $3  }
0x2d5: {  	_ =	sdelay $0x1  }
0x2d6: {  	[sflag:s10] =	ssyncset.done $0x0  }
0x2d7: {  	[sflag:s10] =	ssyncadd.s32 $0xFFFFD880  }
0x2d8: {  	_ =	sfence.sel $0x180000  }
0x2d9: {  	[bflag:$0x0] =	sbarrier.arrive $0xFFFF  }
0x2da: {  	_ =	strace $0x90000050  }
0x2db: {  	s0 =	stileid.u32;
	[bflag:$0x2] =	sbarrier.arrive $0xFFFF  }
0x2dc: {  	p0 =	sne.s32 s0, $0x0;
	s0 =	rddreg [dreg:$0x2]  }
0x2dd: {  	s0 =	sadd.s32 @!p0 $0x100000, s0  }
0x2de: {  	[sflag:s0] =	ssyncadd.tile.s32 @!p0 $0x1;
	_ =	shalt  }
.Lfunc_end2:
_tile_overlayer_lowered:
.L_overlay_start_2:
0x2df: {  	(tag) =	ssettag $0x2  }
0x2e0: {  	s0 =	rddreg [dreg:$0x0];
	s2 =	stileid.u32  }
0x2e1: {  	s1 =	rddreg [dreg:$0x1];
	p0 =	sne.s32 s2, $0x0  }
0x2e2: {  	s3 =	rddreg [dreg:$0x2];
	[bflag:$0x3] =	sbarrier.arrive $0xFFFF;
	s2 =	simm.s32 @!p0 $0x1C05  }
0x2e3: {  	[timem:s3], [sflag:s2] =	dma.local @!p0 [hbm:s0], s1  }
0x2e4: {  	s0 =	simm.s32 @!p0 $0x5  }
0x2e5: {  	_ =	swait.ge @!p0 [sflag:s0], s1  }
0x2e6: {  	s1 =	ssub.s32 @!p0 $0x0, s1;
	[sflag:s0] =	ssyncset.done @!p0 $0x0  }
0x2e7: {  	[sflag:s0] =	ssyncadd.s32 @!p0 s1  }
0x2e8: {  	[bflag:$0x3] =	sbarrier.arrive $0xFFFF  }
0x2e9: {  	_ =	shalt  }

</sc_bundles>
